<compile_context>
chip_gen: v7x
topology: tpu7x:2x2x1
jax: 0.10.2.dev20260603
libtpu: 0.0.44.dev20260713+nightly
codegen_flags: <defaults>
</compile_context>

<pallas_src>
import jax
import jax.numpy as jnp
from jax import lax
from jax.experimental import pallas as pl
from jax.experimental.pallas import tpu as pltpu
from jax.experimental.pallas import tpu_sc as plsc

N_NODES = 10000
N_EDGES = 320000
D = 128
DH = D // 2

NC = 2
NS = 16
NPAD = 10112
ROWS_PER_TILE = NPAD // NS
K = 128
E_PAD = 327680
EDGES_PER_TILE = E_PAD // NS
CHUNKS_PER_TILE = EDGES_PER_TILE // K
CW = 16
RING = 4

_CHUNK_SIZES = (128, 128, 128, 128, 120)

BLK = NPAD // 4


def _make_sc_agg(with_cnt: bool):
    out_type = [jax.ShapeDtypeStruct((NC, NPAD, DH), jnp.float32)]
    scratch = [
        pltpu.VMEM((CHUNKS_PER_TILE, K), jnp.int32),
        pltpu.VMEM((CHUNKS_PER_TILE, K), jnp.int32),
    ]
    scratch += [pltpu.VMEM((K, DH), jnp.float32) for _ in range(RING)]
    scratch += [pltpu.VMEM_SHARED((NPAD, DH), jnp.float32)]
    scratch += [pltpu.SemaphoreType.DMA] * (RING + 1)
    if with_cnt:
        out_type.append(jax.ShapeDtypeStruct((NC, NPAD, CW), jnp.float32))
        scratch += [
            pltpu.VMEM((K, CW), jnp.float32),
            pltpu.VMEM_SHARED((NPAD, CW), jnp.float32),
        ]

    def body(*refs):
        if with_cnt:
            (x2_hbm, src_hbm, dst_hbm, zrow_hbm, zcnt_hbm, ocnt_hbm,
             agg_out, cnt_out, src_v, dst_v, *rest) = refs
            rows = rest[:RING]
            agg_sh = rest[RING]
            gsems = rest[RING + 1:2 * RING + 1]
            ssem = rest[2 * RING + 1]
            ones_v, cnt_sh = rest[2 * RING + 2:]
        else:
            (x2_hbm, src_hbm, dst_hbm, zrow_hbm,
             agg_out, src_v, dst_v, *rest) = refs
            rows = rest[:RING]
            agg_sh = rest[RING]
            gsems = rest[RING + 1:2 * RING + 1]
            ssem = rest[2 * RING + 1]
        cid = lax.axis_index("c")
        sid = lax.axis_index("s")
        row0 = sid * ROWS_PER_TILE
        table = x2_hbm.at[cid]
        pltpu.sync_copy(src_hbm.at[pl.ds(sid * CHUNKS_PER_TILE,
                                         CHUNKS_PER_TILE)], src_v)
        pltpu.sync_copy(dst_hbm.at[pl.ds(sid * CHUNKS_PER_TILE,
                                         CHUNKS_PER_TILE)], dst_v)
        pltpu.sync_copy(zrow_hbm, rows[0])
        off = 0
        for sz in _CHUNK_SIZES:
            pltpu.sync_copy(rows[0].at[pl.ds(0, sz)],
                            agg_sh.at[pl.ds(row0 + off, sz)])
            off += sz
        if with_cnt:
            pltpu.sync_copy(zcnt_hbm, ones_v)
            o = 0
            for sz in _CHUNK_SIZES:
                pltpu.sync_copy(ones_v.at[pl.ds(0, sz)],
                                cnt_sh.at[pl.ds(row0 + o, sz)])
                o += sz
            pltpu.sync_copy(ocnt_hbm, ones_v)
        plsc.subcore_barrier()

        half = CHUNKS_PER_TILE // 2

        def step(j, b, do_gather, do_swait):
            pltpu.make_async_copy(table.at[src_v.at[j]],
                                  rows[b], gsems[b]).wait()
            if do_swait:
                pltpu.make_async_copy(rows[b], agg_sh.at[dst_v.at[0]],
                                      ssem).wait()
            if with_cnt:
                @pl.when(jnp.logical_xor(j >= half, cid == 0))
                def _():
                    pltpu.sync_copy(ones_v, cnt_sh.at[dst_v.at[j]],
                                    add=True)
            pltpu.async_copy(rows[b], agg_sh.at[dst_v.at[j]], ssem,
                             add=True)
            if do_gather:
                b2 = (b + RING - 1) % RING
                pltpu.async_copy(table.at[src_v.at[j + RING - 1]],
                                 rows[b2], gsems[b2])

        for b in range(RING - 1):
            pltpu.async_copy(table.at[src_v.at[b]], rows[b], gsems[b])
        step(0, 0, do_gather=True, do_swait=False)

        n_mid = CHUNKS_PER_TILE - RING
        assert n_mid % RING == 0

        def ring_iter(jr, carry):
            for br in range(RING):
                step(1 + jr * RING + br, (1 + br) % RING,
                     do_gather=True, do_swait=True)
            return carry

        lax.fori_loop(0, n_mid // RING, ring_iter, 0)
        for j in range(CHUNKS_PER_TILE - RING + 1, CHUNKS_PER_TILE):
            step(j, j % RING, do_gather=False, do_swait=True)
        pltpu.make_async_copy(rows[0], agg_sh.at[dst_v.at[0]],
                              ssem).wait()
        plsc.subcore_barrier()
        off = 0
        for sz in _CHUNK_SIZES:
            pltpu.sync_copy(agg_sh.at[pl.ds(row0 + off, sz)],
                            rows[0].at[pl.ds(0, sz)])
            pltpu.sync_copy(rows[0].at[pl.ds(0, sz)],
                            agg_out.at[cid, pl.ds(row0 + off, sz)])
            off += sz
        if with_cnt:
            o = 0
            for sz in _CHUNK_SIZES:
                pltpu.sync_copy(cnt_sh.at[pl.ds(row0 + o, sz)],
                                ones_v.at[pl.ds(0, sz)])
                pltpu.sync_copy(ones_v.at[pl.ds(0, sz)],
                                cnt_out.at[cid, pl.ds(row0 + o, sz)])
                o += sz

    mesh = plsc.VectorSubcoreMesh(core_axis_name="c", subcore_axis_name="s")
    return pl.kernel(body, out_type=tuple(out_type), mesh=mesh,
                     scratch_types=scratch,
                     compiler_params=pltpu.CompilerParams(
                         use_tc_tiling_on_sc=False))


def _tc_layer(aggp, cntp, x2, wl_t, wr_t, b, relu, split_out):

    def body(aggp_ref, cntp_ref, x_ref, wl_ref, wr_ref, b_ref, o_ref):
        cnt = cntp_ref[0, :, 0:1] + cntp_ref[1, :, 0:1]
        inv = 1.0 / jnp.maximum(cnt, 1.0)
        acc = (
            jnp.dot(aggp_ref[0] * inv, wl_ref[0:DH],
                    preferred_element_type=jnp.float32)
            + jnp.dot(aggp_ref[1] * inv, wl_ref[DH:D],
                      preferred_element_type=jnp.float32)
            + jnp.dot(x_ref[0], wr_ref[0:DH],
                      preferred_element_type=jnp.float32)
            + jnp.dot(x_ref[1], wr_ref[DH:D],
                      preferred_element_type=jnp.float32)
            + b_ref[...]
        )
        if relu:
            acc = jnp.maximum(acc, 0.0)
        if split_out:
            o_ref[0] = acc[:, 0:DH]
            o_ref[1] = acc[:, DH:D]
        else:
            o_ref[...] = acc

    blk = BLK
    if split_out:
        out_shape = jax.ShapeDtypeStruct((NC, NPAD, DH), jnp.float32)
        out_spec = pl.BlockSpec((NC, blk, DH), lambda i: (0, i, 0))
    else:
        out_shape = jax.ShapeDtypeStruct((NPAD, D), jnp.float32)
        out_spec = pl.BlockSpec((blk, D), lambda i: (i, 0))

    return pl.pallas_call(
        body,
        grid=(NPAD // blk,),
        in_specs=[
            pl.BlockSpec((NC, blk, DH), lambda i: (0, i, 0)),
            pl.BlockSpec((NC, blk, CW), lambda i: (0, i, 0)),
            pl.BlockSpec((NC, blk, DH), lambda i: (0, i, 0)),
            pl.BlockSpec((D, D), lambda i: (0, 0)),
            pl.BlockSpec((D, D), lambda i: (0, 0)),
            pl.BlockSpec((1, D), lambda i: (0, 0)),
        ],
        out_specs=out_spec,
        out_shape=out_shape,
    )(aggp, cntp, x2, wl_t, wr_t, b)


def kernel(x, edge_index, W1_l, b1_l, W1_r, W2_l, b2_l, W2_r):
    src = edge_index[0].astype(jnp.int32)
    dst = edge_index[1].astype(jnp.int32)
    pad_e = E_PAD - N_EDGES
    src_pad = jnp.concatenate(
        [src, jnp.full((pad_e,), N_NODES, jnp.int32)]).reshape(E_PAD // K, K)
    dst_pad = jnp.concatenate(
        [dst, jnp.full((pad_e,), N_NODES, jnp.int32)]).reshape(E_PAD // K, K)
    x_pad = jnp.concatenate(
        [x, jnp.zeros((NPAD - N_NODES, D), jnp.float32)], axis=0)
    x2 = x_pad.reshape(NPAD, NC, DH).transpose(1, 0, 2)

    zrow = jnp.zeros((K, DH), jnp.float32)
    zcnt = jnp.zeros((K, CW), jnp.float32)
    ocnt = jnp.ones((K, CW), jnp.float32)

    sc_agg_cnt = _make_sc_agg(with_cnt=True)
    sc_agg = _make_sc_agg(with_cnt=False)

    aggp1, cntp = sc_agg_cnt(x2, src_pad, dst_pad, zrow, zcnt, ocnt)
    h2 = _tc_layer(aggp1, cntp, x2, W1_l.T, W1_r.T, b1_l.reshape(1, D),
                   relu=True, split_out=True)
    (aggp2,) = sc_agg(h2, src_pad, dst_pad, zrow)
    out_pad = _tc_layer(aggp2, cntp, h2, W2_l.T, W2_r.T, b2_l.reshape(1, D),
                        relu=False, split_out=False)
    return out_pad[:N_NODES]

# --- scband reference (transcript-rebuilt; emitter-appended) ---
"""Pipeline reference for scband-graph-sagemodel-80195629350956 (READ-ONLY COPY).

The authoritative reference and input builder live on the scoring server;
editing this copy changes nothing except your own understanding.
"""

import jax, jax.numpy as jnp
import numpy as np

N_NODES = 10000
N_EDGES = 320000
D_IN = 128
D_HID = 128
D_OUT = 128


def setup_inputs(seed: int = 0) -> dict:
    key = jax.random.key(seed)
    ks = jax.random.split(key, 8)
    x = jax.random.normal(ks[0], (N_NODES, D_IN), dtype=jnp.float32)
    edge_index = jax.random.randint(ks[1], (2, N_EDGES), 0, N_NODES, dtype=jnp.int64)
    s1 = 1.0 / np.sqrt(D_IN)
    s2 = 1.0 / np.sqrt(D_HID)
    W1_l = jax.random.uniform(ks[2], (D_HID, D_IN), minval=-s1, maxval=s1, dtype=jnp.float32)
    b1_l = jax.random.uniform(ks[3], (D_HID,), minval=-s1, maxval=s1, dtype=jnp.float32)
    W1_r = jax.random.uniform(ks[4], (D_HID, D_IN), minval=-s1, maxval=s1, dtype=jnp.float32)
    W2_l = jax.random.uniform(ks[5], (D_OUT, D_HID), minval=-s2, maxval=s2, dtype=jnp.float32)
    b2_l = jax.random.uniform(ks[6], (D_OUT,), minval=-s2, maxval=s2, dtype=jnp.float32)
    W2_r = jax.random.uniform(ks[7], (D_OUT, D_HID), minval=-s2, maxval=s2, dtype=jnp.float32)
    return {"x": x, "edge_index": edge_index, "W1_l": W1_l, "b1_l": b1_l,
            "W1_r": W1_r, "W2_l": W2_l, "b2_l": b2_l, "W2_r": W2_r}


def _sage_conv(x, edge_index, W_l, b_l, W_r):
    # PyG SAGEConv with mean aggregation:
    # out = lin_l(mean_{j in N(i)} x_j) + lin_r(x_i)
    src = edge_index[0]
    dst = edge_index[1]
    msg = jnp.take(x, src, axis=0)                       # gather
    agg = jax.ops.segment_sum(msg, dst, num_segments=N_NODES)  # scatter-add
    cnt = jax.ops.segment_sum(jnp.ones((msg.shape[0],), dtype=x.dtype), dst,
                              num_segments=N_NODES)
    mean = agg / jnp.clip(cnt, 1.0, None)[:, None]
    return mean @ W_l.T + b_l + x @ W_r.T


def reference(x, edge_index, W1_l, b1_l, W1_r, W2_l, b2_l, W2_r):
    h = _sage_conv(x, edge_index, W1_l, b1_l, W1_r)
    h = jax.nn.relu(h)
    out = _sage_conv(h, edge_index, W2_l, b2_l, W2_r)
    return out

if __name__ == "__main__":
    import jax
    _d = setup_inputs()
    print(jax.jit(kernel)(*tuple(_d.values())))

</pallas_src>

<mosaic_0001>
#map = affine_map<(d0, d1) -> (0, 0, 0)>
#map1 = affine_map<(d0, d1) -> (0, 0)>
module attributes {stable_mosaic.version = 14 : i64} {
  func.func @body(%arg0: i32, %arg1: i32, %arg2: memref<2x10112x64xf32, #tpu.memory_space<hbm>>, %arg3: memref<2560x128xi32, #tpu.memory_space<hbm>>, %arg4: memref<2560x128xi32, #tpu.memory_space<hbm>>, %arg5: memref<128x64xf32, #tpu.memory_space<hbm>>, %arg6: memref<128x16xf32, #tpu.memory_space<hbm>>, %arg7: memref<128x16xf32, #tpu.memory_space<hbm>>, %arg8: memref<2x10112x64xf32, #tpu.memory_space<hbm>>, %arg9: memref<2x10112x16xf32, #tpu.memory_space<hbm>>, %arg10: memref<160x128xi32, #tpu.memory_space<vmem>>, %arg11: memref<160x128xi32, #tpu.memory_space<vmem>>, %arg12: memref<128x64xf32, #tpu.memory_space<vmem>>, %arg13: memref<128x64xf32, #tpu.memory_space<vmem>>, %arg14: memref<128x64xf32, #tpu.memory_space<vmem>>, %arg15: memref<128x64xf32, #tpu.memory_space<vmem>>, %arg16: memref<10112x64xf32, #tpu.memory_space<vmem_shared>>, %arg17: memref<!tpu.dma_semaphore, #tpu.memory_space<semaphore_mem>>, %arg18: memref<!tpu.dma_semaphore, #tpu.memory_space<semaphore_mem>>, %arg19: memref<!tpu.dma_semaphore, #tpu.memory_space<semaphore_mem>>, %arg20: memref<!tpu.dma_semaphore, #tpu.memory_space<semaphore_mem>>, %arg21: memref<!tpu.dma_semaphore, #tpu.memory_space<semaphore_mem>>, %arg22: memref<128x16xf32, #tpu.memory_space<vmem>>, %arg23: memref<10112x16xf32, #tpu.memory_space<vmem_shared>>) attributes {dimension_semantics = [#tpu.dimension_semantics<core_parallel>, #tpu.dimension_semantics<subcore_parallel>], iteration_bounds = array<i64: 2, 16>, scalar_prefetch = 0 : i64, scratch_operands = 14 : i64, tpu.core_type = #tpu.core_type<sc_vector_subcore>, window_params = [{transform_indices = #map}, {transform_indices = #map1}, {transform_indices = #map1}, {transform_indices = #map1}, {transform_indices = #map1}, {transform_indices = #map1}, {transform_indices = #map}, {transform_indices = #map}]} {
    %mul3A = arith.constant 632 : i32
    %mul3A_0 = arith.muli %arg1, %mul3A : i32
    %mul3A_1 = arith.constant 160 : i32
    %mul3A_2 = arith.muli %arg1, %mul3A_1 : i32
    "tpu.region"() ({
      %run_scoped3A = tpu.sem_alloc : memref<!tpu.dma_semaphore, #tpu.memory_space<semaphore_mem>>
      %dma_start3A_236 = arith.constant 0 : i32
      %dma_start3A_237 = tpu.memref_slice %arg3[%mul3A_2, %dma_start3A_236] : memref<2560x128xi32, #tpu.memory_space<hbm>> -> memref<160x128xi32, #tpu.memory_space<hbm>>
      %dma_start3A_238 = arith.constant 0 : i32
      %dma_start3A_239 = tpu.memref_slice %arg3[%mul3A_2, %dma_start3A_238] : memref<2560x128xi32, #tpu.memory_space<hbm>> -> memref<160x128xi32, #tpu.memory_space<hbm>>
      tpu.enqueue_dma source(%dma_start3A_239 : memref<160x128xi32, #tpu.memory_space<hbm>>) target(%arg10 : memref<160x128xi32, #tpu.memory_space<vmem>>) target_semaphore(%run_scoped3A : memref<!tpu.dma_semaphore, #tpu.memory_space<semaphore_mem>>)
      %dma_wait3A_240 = arith.constant 0 : i32
      %dma_wait3A_241 = tpu.memref_slice %arg3[%mul3A_2, %dma_wait3A_240] : memref<2560x128xi32, #tpu.memory_space<hbm>> -> memref<160x128xi32, #tpu.memory_space<hbm>>
      %dma_wait3A_242 = arith.constant 0 : i32
      %dma_wait3A_243 = tpu.memref_slice %arg3[%mul3A_2, %dma_wait3A_242] : memref<2560x128xi32, #tpu.memory_space<hbm>> -> memref<160x128xi32, #tpu.memory_space<hbm>>
      tpu.wait_dma2 semaphore(%run_scoped3A : memref<!tpu.dma_semaphore, #tpu.memory_space<semaphore_mem>>) src(%dma_wait3A_243 : memref<160x128xi32, #tpu.memory_space<hbm>>) dst(%arg10 : memref<160x128xi32, #tpu.memory_space<vmem>>)
      tpu.yield
    }) : () -> ()
    %mul3A_3 = arith.constant 160 : i32
    %mul3A_4 = arith.muli %arg1, %mul3A_3 : i32
    "tpu.region"() ({
      %run_scoped3A = tpu.sem_alloc : memref<!tpu.dma_semaphore, #tpu.memory_space<semaphore_mem>>
      %dma_start3A_236 = arith.constant 0 : i32
      %dma_start3A_237 = tpu.memref_slice %arg4[%mul3A_4, %dma_start3A_236] : memref<2560x128xi32, #tpu.memory_space<hbm>> -> memref<160x128xi32, #tpu.memory_space<hbm>>
      %dma_start3A_238 = arith.constant 0 : i32
      %dma_start3A_239 = tpu.memref_slice %arg4[%mul3A_4, %dma_start3A_238] : memref<2560x128xi32, #tpu.memory_space<hbm>> -> memref<160x128xi32, #tpu.memory_space<hbm>>
      tpu.enqueue_dma source(%dma_start3A_239 : memref<160x128xi32, #tpu.memory_space<hbm>>) target(%arg11 : memref<160x128xi32, #tpu.memory_space<vmem>>) target_semaphore(%run_scoped3A : memref<!tpu.dma_semaphore, #tpu.memory_space<semaphore_mem>>)
      %dma_wait3A_240 = arith.constant 0 : i32
      %dma_wait3A_241 = tpu.memref_slice %arg4[%mul3A_4, %dma_wait3A_240] : memref<2560x128xi32, #tpu.memory_space<hbm>> -> memref<160x128xi32, #tpu.memory_space<hbm>>
      %dma_wait3A_242 = arith.constant 0 : i32
      %dma_wait3A_243 = tpu.memref_slice %arg4[%mul3A_4, %dma_wait3A_242] : memref<2560x128xi32, #tpu.memory_space<hbm>> -> memref<160x128xi32, #tpu.memory_space<hbm>>
      tpu.wait_dma2 semaphore(%run_scoped3A : memref<!tpu.dma_semaphore, #tpu.memory_space<semaphore_mem>>) src(%dma_wait3A_243 : memref<160x128xi32, #tpu.memory_space<hbm>>) dst(%arg11 : memref<160x128xi32, #tpu.memory_space<vmem>>)
      tpu.yield
    }) : () -> ()
    "tpu.region"() ({
      %run_scoped3A = tpu.sem_alloc : memref<!tpu.dma_semaphore, #tpu.memory_space<semaphore_mem>>
      tpu.enqueue_dma source(%arg5 : memref<128x64xf32, #tpu.memory_space<hbm>>) target(%arg12 : memref<128x64xf32, #tpu.memory_space<vmem>>) target_semaphore(%run_scoped3A : memref<!tpu.dma_semaphore, #tpu.memory_space<semaphore_mem>>)
      tpu.wait_dma2 semaphore(%run_scoped3A : memref<!tpu.dma_semaphore, #tpu.memory_space<semaphore_mem>>) src(%arg5 : memref<128x64xf32, #tpu.memory_space<hbm>>) dst(%arg12 : memref<128x64xf32, #tpu.memory_space<vmem>>)
      tpu.yield
    }) : () -> ()
    %add3A = arith.constant 0 : i32
    %add3A_5 = arith.addi %mul3A_0, %add3A : i32
    "tpu.region"() ({
      %run_scoped3A = tpu.sem_alloc : memref<!tpu.dma_semaphore, #tpu.memory_space<semaphore_mem>>
      %dma_start3A_236 = arith.constant 0 : i32
      %dma_start3A_237 = arith.constant 0 : i32
      %dma_start3A_238 = tpu.memref_slice %arg12[%dma_start3A_236, %dma_start3A_237] : memref<128x64xf32, #tpu.memory_space<vmem>> -> memref<128x64xf32, #tpu.memory_space<vmem>>
      %dma_start3A_239 = arith.constant 0 : i32
      %dma_start3A_240 = tpu.memref_slice %arg16[%add3A_5, %dma_start3A_239] : memref<10112x64xf32, #tpu.memory_space<vmem_shared>> -> memref<128x64xf32, #tpu.memory_space<vmem_shared>>
      %dma_start3A_241 = arith.constant 0 : i32
      %dma_start3A_242 = tpu.memref_slice %arg16[%add3A_5, %dma_start3A_241] : memref<10112x64xf32, #tpu.memory_space<vmem_shared>> -> memref<128x64xf32, #tpu.memory_space<vmem_shared>>
      %dma_start3A_243 = arith.constant 0 : i32
      %dma_start3A_244 = arith.constant 0 : i32
      %dma_start3A_245 = tpu.memref_slice %arg12[%dma_start3A_243, %dma_start3A_244] : memref<128x64xf32, #tpu.memory_space<vmem>> -> memref<128x64xf32, #tpu.memory_space<vmem>>
      tpu.enqueue_dma source(%dma_start3A_245 : memref<128x64xf32, #tpu.memory_space<vmem>>) target(%dma_start3A_242 : memref<128x64xf32, #tpu.memory_space<vmem_shared>>) target_semaphore(%run_scoped3A : memref<!tpu.dma_semaphore, #tpu.memory_space<semaphore_mem>>)
      %dma_wait3A_246 = arith.constant 0 : i32
      %dma_wait3A_247 = arith.constant 0 : i32
      %dma_wait3A_248 = tpu.memref_slice %arg12[%dma_wait3A_246, %dma_wait3A_247] : memref<128x64xf32, #tpu.memory_space<vmem>> -> memref<128x64xf32, #tpu.memory_space<vmem>>
      %dma_wait3A_249 = arith.constant 0 : i32
      %dma_wait3A_250 = tpu.memref_slice %arg16[%add3A_5, %dma_wait3A_249] : memref<10112x64xf32, #tpu.memory_space<vmem_shared>> -> memref<128x64xf32, #tpu.memory_space<vmem_shared>>
      %dma_wait3A_251 = arith.constant 0 : i32
      %dma_wait3A_252 = tpu.memref_slice %arg16[%add3A_5, %dma_wait3A_251] : memref<10112x64xf32, #tpu.memory_space<vmem_shared>> -> memref<128x64xf32, #tpu.memory_space<vmem_shared>>
      %dma_wait3A_253 = arith.constant 0 : i32
      %dma_wait3A_254 = arith.constant 0 : i32
      %dma_wait3A_255 = tpu.memref_slice %arg12[%dma_wait3A_253, %dma_wait3A_254] : memref<128x64xf32, #tpu.memory_space<vmem>> -> memref<128x64xf32, #tpu.memory_space<vmem>>
      tpu.wait_dma2 semaphore(%run_scoped3A : memref<!tpu.dma_semaphore, #tpu.memory_space<semaphore_mem>>) src(%dma_wait3A_255 : memref<128x64xf32, #tpu.memory_space<vmem>>) dst(%dma_wait3A_252 : memref<128x64xf32, #tpu.memory_space<vmem_shared>>)
      tpu.yield
    }) : () -> ()
    %add3A_6 = arith.constant 128 : i32
    %add3A_7 = arith.addi %mul3A_0, %add3A_6 : i32
    "tpu.region"() ({
      %run_scoped3A = tpu.sem_alloc : memref<!tpu.dma_semaphore, #tpu.memory_space<semaphore_mem>>
      %dma_start3A_236 = arith.constant 0 : i32
      %dma_start3A_237 = arith.constant 0 : i32
      %dma_start3A_238 = tpu.memref_slice %arg12[%dma_start3A_236, %dma_start3A_237] : memref<128x64xf32, #tpu.memory_space<vmem>> -> memref<128x64xf32, #tpu.memory_space<vmem>>
      %dma_start3A_239 = arith.constant 0 : i32
      %dma_start3A_240 = tpu.memref_slice %arg16[%add3A_7, %dma_start3A_239] : memref<10112x64xf32, #tpu.memory_space<vmem_shared>> -> memref<128x64xf32, #tpu.memory_space<vmem_shared>>
      %dma_start3A_241 = arith.constant 0 : i32
      %dma_start3A_242 = tpu.memref_slice %arg16[%add3A_7, %dma_start3A_241] : memref<10112x64xf32, #tpu.memory_space<vmem_shared>> -> memref<128x64xf32, #tpu.memory_space<vmem_shared>>
      %dma_start3A_243 = arith.constant 0 : i32
      %dma_start3A_244 = arith.constant 0 : i32
      %dma_start3A_245 = tpu.memref_slice %arg12[%dma_start3A_243, %dma_start3A_244] : memref<128x64xf32, #tpu.memory_space<vmem>> -> memref<128x64xf32, #tpu.memory_space<vmem>>
      tpu.enqueue_dma source(%dma_start3A_245 : memref<128x64xf32, #tpu.memory_space<vmem>>) target(%dma_start3A_242 : memref<128x64xf32, #tpu.memory_space<vmem_shared>>) target_semaphore(%run_scoped3A : memref<!tpu.dma_semaphore, #tpu.memory_space<semaphore_mem>>)
      %dma_wait3A_246 = arith.constant 0 : i32
      %dma_wait3A_247 = arith.constant 0 : i32
      %dma_wait3A_248 = tpu.memref_slice %arg12[%dma_wait3A_246, %dma_wait3A_247] : memref<128x64xf32, #tpu.memory_space<vmem>> -> memref<128x64xf32, #tpu.memory_space<vmem>>
      %dma_wait3A_249 = arith.constant 0 : i32
      %dma_wait3A_250 = tpu.memref_slice %arg16[%add3A_7, %dma_wait3A_249] : memref<10112x64xf32, #tpu.memory_space<vmem_shared>> -> memref<128x64xf32, #tpu.memory_space<vmem_shared>>
      %dma_wait3A_251 = arith.constant 0 : i32
      %dma_wait3A_252 = tpu.memref_slice %arg16[%add3A_7, %dma_wait3A_251] : memref<10112x64xf32, #tpu.memory_space<vmem_shared>> -> memref<128x64xf32, #tpu.memory_space<vmem_shared>>
      %dma_wait3A_253 = arith.constant 0 : i32
      %dma_wait3A_254 = arith.constant 0 : i32
      %dma_wait3A_255 = tpu.memref_slice %arg12[%dma_wait3A_253, %dma_wait3A_254] : memref<128x64xf32, #tpu.memory_space<vmem>> -> memref<128x64xf32, #tpu.memory_space<vmem>>
      tpu.wait_dma2 semaphore(%run_scoped3A : memref<!tpu.dma_semaphore, #tpu.memory_space<semaphore_mem>>) src(%dma_wait3A_255 : memref<128x64xf32, #tpu.memory_space<vmem>>) dst(%dma_wait3A_252 : memref<128x64xf32, #tpu.memory_space<vmem_shared>>)
      tpu.yield
    }) : () -> ()
    %add3A_8 = arith.constant 256 : i32
    %add3A_9 = arith.addi %mul3A_0, %add3A_8 : i32
    "tpu.region"() ({
      %run_scoped3A = tpu.sem_alloc : memref<!tpu.dma_semaphore, #tpu.memory_space<semaphore_mem>>
      %dma_start3A_236 = arith.constant 0 : i32
      %dma_start3A_237 = arith.constant 0 : i32
      %dma_start3A_238 = tpu.memref_slice %arg12[%dma_start3A_236, %dma_start3A_237] : memref<128x64xf32, #tpu.memory_space<vmem>> -> memref<128x64xf32, #tpu.memory_space<vmem>>
      %dma_start3A_239 = arith.constant 0 : i32
      %dma_start3A_240 = tpu.memref_slice %arg16[%add3A_9, %dma_start3A_239] : memref<10112x64xf32, #tpu.memory_space<vmem_shared>> -> memref<128x64xf32, #tpu.memory_space<vmem_shared>>
      %dma_start3A_241 = arith.constant 0 : i32
      %dma_start3A_242 = tpu.memref_slice %arg16[%add3A_9, %dma_start3A_241] : memref<10112x64xf32, #tpu.memory_space<vmem_shared>> -> memref<128x64xf32, #tpu.memory_space<vmem_shared>>
      %dma_start3A_243 = arith.constant 0 : i32
      %dma_start3A_244 = arith.constant 0 : i32
      %dma_start3A_245 = tpu.memref_slice %arg12[%dma_start3A_243, %dma_start3A_244] : memref<128x64xf32, #tpu.memory_space<vmem>> -> memref<128x64xf32, #tpu.memory_space<vmem>>
      tpu.enqueue_dma source(%dma_start3A_245 : memref<128x64xf32, #tpu.memory_space<vmem>>) target(%dma_start3A_242 : memref<128x64xf32, #tpu.memory_space<vmem_shared>>) target_semaphore(%run_scoped3A : memref<!tpu.dma_semaphore, #tpu.memory_space<semaphore_mem>>)
      %dma_wait3A_246 = arith.constant 0 : i32
      %dma_wait3A_247 = arith.constant 0 : i32
      %dma_wait3A_248 = tpu.memref_slice %arg12[%dma_wait3A_246, %dma_wait3A_247] : memref<128x64xf32, #tpu.memory_space<vmem>> -> memref<128x64xf32, #tpu.memory_space<vmem>>
      %dma_wait3A_249 = arith.constant 0 : i32
      %dma_wait3A_250 = tpu.memref_slice %arg16[%add3A_9, %dma_wait3A_249] : memref<10112x64xf32, #tpu.memory_space<vmem_shared>> -> memref<128x64xf32, #tpu.memory_space<vmem_shared>>
      %dma_wait3A_251 = arith.constant 0 : i32
      %dma_wait3A_252 = tpu.memref_slice %arg16[%add3A_9, %dma_wait3A_251] : memref<10112x64xf32, #tpu.memory_space<vmem_shared>> -> memref<128x64xf32, #tpu.memory_space<vmem_shared>>
      %dma_wait3A_253 = arith.constant 0 : i32
      %dma_wait3A_254 = arith.constant 0 : i32
      %dma_wait3A_255 = tpu.memref_slice %arg12[%dma_wait3A_253, %dma_wait3A_254] : memref<128x64xf32, #tpu.memory_space<vmem>> -> memref<128x64xf32, #tpu.memory_space<vmem>>
      tpu.wait_dma2 semaphore(%run_scoped3A : memref<!tpu.dma_semaphore, #tpu.memory_space<semaphore_mem>>) src(%dma_wait3A_255 : memref<128x64xf32, #tpu.memory_space<vmem>>) dst(%dma_wait3A_252 : memref<128x64xf32, #tpu.memory_space<vmem_shared>>)
      tpu.yield
    }) : () -> ()
    %add3A_10 = arith.constant 384 : i32
    %add3A_11 = arith.addi %mul3A_0, %add3A_10 : i32
    "tpu.region"() ({
      %run_scoped3A = tpu.sem_alloc : memref<!tpu.dma_semaphore, #tpu.memory_space<semaphore_mem>>
      %dma_start3A_236 = arith.constant 0 : i32
      %dma_start3A_237 = arith.constant 0 : i32
      %dma_start3A_238 = tpu.memref_slice %arg12[%dma_start3A_236, %dma_start3A_237] : memref<128x64xf32, #tpu.memory_space<vmem>> -> memref<128x64xf32, #tpu.memory_space<vmem>>
      %dma_start3A_239 = arith.constant 0 : i32
      %dma_start3A_240 = tpu.memref_slice %arg16[%add3A_11, %dma_start3A_239] : memref<10112x64xf32, #tpu.memory_space<vmem_shared>> -> memref<128x64xf32, #tpu.memory_space<vmem_shared>>
      %dma_start3A_241 = arith.constant 0 : i32
      %dma_start3A_242 = tpu.memref_slice %arg16[%add3A_11, %dma_start3A_241] : memref<10112x64xf32, #tpu.memory_space<vmem_shared>> -> memref<128x64xf32, #tpu.memory_space<vmem_shared>>
      %dma_start3A_243 = arith.constant 0 : i32
      %dma_start3A_244 = arith.constant 0 : i32
      %dma_start3A_245 = tpu.memref_slice %arg12[%dma_start3A_243, %dma_start3A_244] : memref<128x64xf32, #tpu.memory_space<vmem>> -> memref<128x64xf32, #tpu.memory_space<vmem>>
      tpu.enqueue_dma source(%dma_start3A_245 : memref<128x64xf32, #tpu.memory_space<vmem>>) target(%dma_start3A_242 : memref<128x64xf32, #tpu.memory_space<vmem_shared>>) target_semaphore(%run_scoped3A : memref<!tpu.dma_semaphore, #tpu.memory_space<semaphore_mem>>)
      %dma_wait3A_246 = arith.constant 0 : i32
      %dma_wait3A_247 = arith.constant 0 : i32
      %dma_wait3A_248 = tpu.memref_slice %arg12[%dma_wait3A_246, %dma_wait3A_247] : memref<128x64xf32, #tpu.memory_space<vmem>> -> memref<128x64xf32, #tpu.memory_space<vmem>>
      %dma_wait3A_249 = arith.constant 0 : i32
      %dma_wait3A_250 = tpu.memref_slice %arg16[%add3A_11, %dma_wait3A_249] : memref<10112x64xf32, #tpu.memory_space<vmem_shared>> -> memref<128x64xf32, #tpu.memory_space<vmem_shared>>
      %dma_wait3A_251 = arith.constant 0 : i32
      %dma_wait3A_252 = tpu.memref_slice %arg16[%add3A_11, %dma_wait3A_251] : memref<10112x64xf32, #tpu.memory_space<vmem_shared>> -> memref<128x64xf32, #tpu.memory_space<vmem_shared>>
      %dma_wait3A_253 = arith.constant 0 : i32
      %dma_wait3A_254 = arith.constant 0 : i32
      %dma_wait3A_255 = tpu.memref_slice %arg12[%dma_wait3A_253, %dma_wait3A_254] : memref<128x64xf32, #tpu.memory_space<vmem>> -> memref<128x64xf32, #tpu.memory_space<vmem>>
      tpu.wait_dma2 semaphore(%run_scoped3A : memref<!tpu.dma_semaphore, #tpu.memory_space<semaphore_mem>>) src(%dma_wait3A_255 : memref<128x64xf32, #tpu.memory_space<vmem>>) dst(%dma_wait3A_252 : memref<128x64xf32, #tpu.memory_space<vmem_shared>>)
      tpu.yield
    }) : () -> ()
    %add3A_12 = arith.constant 512 : i32
    %add3A_13 = arith.addi %mul3A_0, %add3A_12 : i32
    "tpu.region"() ({
      %run_scoped3A = tpu.sem_alloc : memref<!tpu.dma_semaphore, #tpu.memory_space<semaphore_mem>>
      %dma_start3A_236 = arith.constant 0 : i32
      %dma_start3A_237 = arith.constant 0 : i32
      %dma_start3A_238 = tpu.memref_slice %arg12[%dma_start3A_236, %dma_start3A_237] : memref<128x64xf32, #tpu.memory_space<vmem>> -> memref<120x64xf32, #tpu.memory_space<vmem>>
      %dma_start3A_239 = arith.constant 0 : i32
      %dma_start3A_240 = tpu.memref_slice %arg16[%add3A_13, %dma_start3A_239] : memref<10112x64xf32, #tpu.memory_space<vmem_shared>> -> memref<120x64xf32, #tpu.memory_space<vmem_shared>>
      %dma_start3A_241 = arith.constant 0 : i32
      %dma_start3A_242 = tpu.memref_slice %arg16[%add3A_13, %dma_start3A_241] : memref<10112x64xf32, #tpu.memory_space<vmem_shared>> -> memref<120x64xf32, #tpu.memory_space<vmem_shared>>
      %dma_start3A_243 = arith.constant 0 : i32
      %dma_start3A_244 = arith.constant 0 : i32
      %dma_start3A_245 = tpu.memref_slice %arg12[%dma_start3A_243, %dma_start3A_244] : memref<128x64xf32, #tpu.memory_space<vmem>> -> memref<120x64xf32, #tpu.memory_space<vmem>>
      tpu.enqueue_dma source(%dma_start3A_245 : memref<120x64xf32, #tpu.memory_space<vmem>>) target(%dma_start3A_242 : memref<120x64xf32, #tpu.memory_space<vmem_shared>>) target_semaphore(%run_scoped3A : memref<!tpu.dma_semaphore, #tpu.memory_space<semaphore_mem>>)
      %dma_wait3A_246 = arith.constant 0 : i32
      %dma_wait3A_247 = arith.constant 0 : i32
      %dma_wait3A_248 = tpu.memref_slice %arg12[%dma_wait3A_246, %dma_wait3A_247] : memref<128x64xf32, #tpu.memory_space<vmem>> -> memref<120x64xf32, #tpu.memory_space<vmem>>
      %dma_wait3A_249 = arith.constant 0 : i32
      %dma_wait3A_250 = tpu.memref_slice %arg16[%add3A_13, %dma_wait3A_249] : memref<10112x64xf32, #tpu.memory_space<vmem_shared>> -> memref<120x64xf32, #tpu.memory_space<vmem_shared>>
      %dma_wait3A_251 = arith.constant 0 : i32
      %dma_wait3A_252 = tpu.memref_slice %arg16[%add3A_13, %dma_wait3A_251] : memref<10112x64xf32, #tpu.memory_space<vmem_shared>> -> memref<120x64xf32, #tpu.memory_space<vmem_shared>>
      %dma_wait3A_253 = arith.constant 0 : i32
      %dma_wait3A_254 = arith.constant 0 : i32
      %dma_wait3A_255 = tpu.memref_slice %arg12[%dma_wait3A_253, %dma_wait3A_254] : memref<128x64xf32, #tpu.memory_space<vmem>> -> memref<120x64xf32, #tpu.memory_space<vmem>>
      tpu.wait_dma2 semaphore(%run_scoped3A : memref<!tpu.dma_semaphore, #tpu.memory_space<semaphore_mem>>) src(%dma_wait3A_255 : memref<120x64xf32, #tpu.memory_space<vmem>>) dst(%dma_wait3A_252 : memref<120x64xf32, #tpu.memory_space<vmem_shared>>)
      tpu.yield
    }) : () -> ()
    "tpu.region"() ({
      %run_scoped3A = tpu.sem_alloc : memref<!tpu.dma_semaphore, #tpu.memory_space<semaphore_mem>>
      tpu.enqueue_dma source(%arg6 : memref<128x16xf32, #tpu.memory_space<hbm>>) target(%arg22 : memref<128x16xf32, #tpu.memory_space<vmem>>) target_semaphore(%run_scoped3A : memref<!tpu.dma_semaphore, #tpu.memory_space<semaphore_mem>>)
      tpu.wait_dma2 semaphore(%run_scoped3A : memref<!tpu.dma_semaphore, #tpu.memory_space<semaphore_mem>>) src(%arg6 : memref<128x16xf32, #tpu.memory_space<hbm>>) dst(%arg22 : memref<128x16xf32, #tpu.memory_space<vmem>>)
      tpu.yield
    }) : () -> ()
    %add3A_14 = arith.constant 0 : i32
    %add3A_15 = arith.addi %mul3A_0, %add3A_14 : i32
    "tpu.region"() ({
      %run_scoped3A = tpu.sem_alloc : memref<!tpu.dma_semaphore, #tpu.memory_space<semaphore_mem>>
      %dma_start3A_236 = arith.constant 0 : i32
      %dma_start3A_237 = arith.constant 0 : i32
      %dma_start3A_238 = tpu.memref_slice %arg22[%dma_start3A_236, %dma_start3A_237] : memref<128x16xf32, #tpu.memory_space<vmem>> -> memref<128x16xf32, #tpu.memory_space<vmem>>
      %dma_start3A_239 = arith.constant 0 : i32
      %dma_start3A_240 = tpu.memref_slice %arg23[%add3A_15, %dma_start3A_239] : memref<10112x16xf32, #tpu.memory_space<vmem_shared>> -> memref<128x16xf32, #tpu.memory_space<vmem_shared>>
      %dma_start3A_241 = arith.constant 0 : i32
      %dma_start3A_242 = tpu.memref_slice %arg23[%add3A_15, %dma_start3A_241] : memref<10112x16xf32, #tpu.memory_space<vmem_shared>> -> memref<128x16xf32, #tpu.memory_space<vmem_shared>>
      %dma_start3A_243 = arith.constant 0 : i32
      %dma_start3A_244 = arith.constant 0 : i32
      %dma_start3A_245 = tpu.memref_slice %arg22[%dma_start3A_243, %dma_start3A_244] : memref<128x16xf32, #tpu.memory_space<vmem>> -> memref<128x16xf32, #tpu.memory_space<vmem>>
      tpu.enqueue_dma source(%dma_start3A_245 : memref<128x16xf32, #tpu.memory_space<vmem>>) target(%dma_start3A_242 : memref<128x16xf32, #tpu.memory_space<vmem_shared>>) target_semaphore(%run_scoped3A : memref<!tpu.dma_semaphore, #tpu.memory_space<semaphore_mem>>)
      %dma_wait3A_246 = arith.constant 0 : i32
      %dma_wait3A_247 = arith.constant 0 : i32
      %dma_wait3A_248 = tpu.memref_slice %arg22[%dma_wait3A_246, %dma_wait3A_247] : memref<128x16xf32, #tpu.memory_space<vmem>> -> memref<128x16xf32, #tpu.memory_space<vmem>>
      %dma_wait3A_249 = arith.constant 0 : i32
      %dma_wait3A_250 = tpu.memref_slice %arg23[%add3A_15, %dma_wait3A_249] : memref<10112x16xf32, #tpu.memory_space<vmem_shared>> -> memref<128x16xf32, #tpu.memory_space<vmem_shared>>
      %dma_wait3A_251 = arith.constant 0 : i32
      %dma_wait3A_252 = tpu.memref_slice %arg23[%add3A_15, %dma_wait3A_251] : memref<10112x16xf32, #tpu.memory_space<vmem_shared>> -> memref<128x16xf32, #tpu.memory_space<vmem_shared>>
      %dma_wait3A_253 = arith.constant 0 : i32
      %dma_wait3A_254 = arith.constant 0 : i32
      %dma_wait3A_255 = tpu.memref_slice %arg22[%dma_wait3A_253, %dma_wait3A_254] : memref<128x16xf32, #tpu.memory_space<vmem>> -> memref<128x16xf32, #tpu.memory_space<vmem>>
      tpu.wait_dma2 semaphore(%run_scoped3A : memref<!tpu.dma_semaphore, #tpu.memory_space<semaphore_mem>>) src(%dma_wait3A_255 : memref<128x16xf32, #tpu.memory_space<vmem>>) dst(%dma_wait3A_252 : memref<128x16xf32, #tpu.memory_space<vmem_shared>>)
      tpu.yield
    }) : () -> ()
    %add3A_16 = arith.constant 128 : i32
    %add3A_17 = arith.addi %mul3A_0, %add3A_16 : i32
    "tpu.region"() ({
      %run_scoped3A = tpu.sem_alloc : memref<!tpu.dma_semaphore, #tpu.memory_space<semaphore_mem>>
      %dma_start3A_236 = arith.constant 0 : i32
      %dma_start3A_237 = arith.constant 0 : i32
      %dma_start3A_238 = tpu.memref_slice %arg22[%dma_start3A_236, %dma_start3A_237] : memref<128x16xf32, #tpu.memory_space<vmem>> -> memref<128x16xf32, #tpu.memory_space<vmem>>
      %dma_start3A_239 = arith.constant 0 : i32
      %dma_start3A_240 = tpu.memref_slice %arg23[%add3A_17, %dma_start3A_239] : memref<10112x16xf32, #tpu.memory_space<vmem_shared>> -> memref<128x16xf32, #tpu.memory_space<vmem_shared>>
      %dma_start3A_241 = arith.constant 0 : i32
      %dma_start3A_242 = tpu.memref_slice %arg23[%add3A_17, %dma_start3A_241] : memref<10112x16xf32, #tpu.memory_space<vmem_shared>> -> memref<128x16xf32, #tpu.memory_space<vmem_shared>>
      %dma_start3A_243 = arith.constant 0 : i32
      %dma_start3A_244 = arith.constant 0 : i32
      %dma_start3A_245 = tpu.memref_slice %arg22[%dma_start3A_243, %dma_start3A_244] : memref<128x16xf32, #tpu.memory_space<vmem>> -> memref<128x16xf32, #tpu.memory_space<vmem>>
      tpu.enqueue_dma source(%dma_start3A_245 : memref<128x16xf32, #tpu.memory_space<vmem>>) target(%dma_start3A_242 : memref<128x16xf32, #tpu.memory_space<vmem_shared>>) target_semaphore(%run_scoped3A : memref<!tpu.dma_semaphore, #tpu.memory_space<semaphore_mem>>)
      %dma_wait3A_246 = arith.constant 0 : i32
      %dma_wait3A_247 = arith.constant 0 : i32
      %dma_wait3A_248 = tpu.memref_slice %arg22[%dma_wait3A_246, %dma_wait3A_247] : memref<128x16xf32, #tpu.memory_space<vmem>> -> memref<128x16xf32, #tpu.memory_space<vmem>>
      %dma_wait3A_249 = arith.constant 0 : i32
      %dma_wait3A_250 = tpu.memref_slice %arg23[%add3A_17, %dma_wait3A_249] : memref<10112x16xf32, #tpu.memory_space<vmem_shared>> -> memref<128x16xf32, #tpu.memory_space<vmem_shared>>
      %dma_wait3A_251 = arith.constant 0 : i32
      %dma_wait3A_252 = tpu.memref_slice %arg23[%add3A_17, %dma_wait3A_251] : memref<10112x16xf32, #tpu.memory_space<vmem_shared>> -> memref<128x16xf32, #tpu.memory_space<vmem_shared>>
      %dma_wait3A_253 = arith.constant 0 : i32
      %dma_wait3A_254 = arith.constant 0 : i32
      %dma_wait3A_255 = tpu.memref_slice %arg22[%dma_wait3A_253, %dma_wait3A_254] : memref<128x16xf32, #tpu.memory_space<vmem>> -> memref<128x16xf32, #tpu.memory_space<vmem>>
      tpu.wait_dma2 semaphore(%run_scoped3A : memref<!tpu.dma_semaphore, #tpu.memory_space<semaphore_mem>>) src(%dma_wait3A_255 : memref<128x16xf32, #tpu.memory_space<vmem>>) dst(%dma_wait3A_252 : memref<128x16xf32, #tpu.memory_space<vmem_shared>>)
      tpu.yield
    }) : () -> ()
    %add3A_18 = arith.constant 256 : i32
    %add3A_19 = arith.addi %mul3A_0, %add3A_18 : i32
    "tpu.region"() ({
      %run_scoped3A = tpu.sem_alloc : memref<!tpu.dma_semaphore, #tpu.memory_space<semaphore_mem>>
      %dma_start3A_236 = arith.constant 0 : i32
      %dma_start3A_237 = arith.constant 0 : i32
      %dma_start3A_238 = tpu.memref_slice %arg22[%dma_start3A_236, %dma_start3A_237] : memref<128x16xf32, #tpu.memory_space<vmem>> -> memref<128x16xf32, #tpu.memory_space<vmem>>
      %dma_start3A_239 = arith.constant 0 : i32
      %dma_start3A_240 = tpu.memref_slice %arg23[%add3A_19, %dma_start3A_239] : memref<10112x16xf32, #tpu.memory_space<vmem_shared>> -> memref<128x16xf32, #tpu.memory_space<vmem_shared>>
      %dma_start3A_241 = arith.constant 0 : i32
      %dma_start3A_242 = tpu.memref_slice %arg23[%add3A_19, %dma_start3A_241] : memref<10112x16xf32, #tpu.memory_space<vmem_shared>> -> memref<128x16xf32, #tpu.memory_space<vmem_shared>>
      %dma_start3A_243 = arith.constant 0 : i32
      %dma_start3A_244 = arith.constant 0 : i32
      %dma_start3A_245 = tpu.memref_slice %arg22[%dma_start3A_243, %dma_start3A_244] : memref<128x16xf32, #tpu.memory_space<vmem>> -> memref<128x16xf32, #tpu.memory_space<vmem>>
      tpu.enqueue_dma source(%dma_start3A_245 : memref<128x16xf32, #tpu.memory_space<vmem>>) target(%dma_start3A_242 : memref<128x16xf32, #tpu.memory_space<vmem_shared>>) target_semaphore(%run_scoped3A : memref<!tpu.dma_semaphore, #tpu.memory_space<semaphore_mem>>)
      %dma_wait3A_246 = arith.constant 0 : i32
      %dma_wait3A_247 = arith.constant 0 : i32
      %dma_wait3A_248 = tpu.memref_slice %arg22[%dma_wait3A_246, %dma_wait3A_247] : memref<128x16xf32, #tpu.memory_space<vmem>> -> memref<128x16xf32, #tpu.memory_space<vmem>>
      %dma_wait3A_249 = arith.constant 0 : i32
      %dma_wait3A_250 = tpu.memref_slice %arg23[%add3A_19, %dma_wait3A_249] : memref<10112x16xf32, #tpu.memory_space<vmem_shared>> -> memref<128x16xf32, #tpu.memory_space<vmem_shared>>
      %dma_wait3A_251 = arith.constant 0 : i32
      %dma_wait3A_252 = tpu.memref_slice %arg23[%add3A_19, %dma_wait3A_251] : memref<10112x16xf32, #tpu.memory_space<vmem_shared>> -> memref<128x16xf32, #tpu.memory_space<vmem_shared>>
      %dma_wait3A_253 = arith.constant 0 : i32
      %dma_wait3A_254 = arith.constant 0 : i32
      %dma_wait3A_255 = tpu.memref_slice %arg22[%dma_wait3A_253, %dma_wait3A_254] : memref<128x16xf32, #tpu.memory_space<vmem>> -> memref<128x16xf32, #tpu.memory_space<vmem>>
      tpu.wait_dma2 semaphore(%run_scoped3A : memref<!tpu.dma_semaphore, #tpu.memory_space<semaphore_mem>>) src(%dma_wait3A_255 : memref<128x16xf32, #tpu.memory_space<vmem>>) dst(%dma_wait3A_252 : memref<128x16xf32, #tpu.memory_space<vmem_shared>>)
      tpu.yield
    }) : () -> ()
    %add3A_20 = arith.constant 384 : i32
    %add3A_21 = arith.addi %mul3A_0, %add3A_20 : i32
    "tpu.region"() ({
      %run_scoped3A = tpu.sem_alloc : memref<!tpu.dma_semaphore, #tpu.memory_space<semaphore_mem>>
      %dma_start3A_236 = arith.constant 0 : i32
      %dma_start3A_237 = arith.constant 0 : i32
      %dma_start3A_238 = tpu.memref_slice %arg22[%dma_start3A_236, %dma_start3A_237] : memref<128x16xf32, #tpu.memory_space<vmem>> -> memref<128x16xf32, #tpu.memory_space<vmem>>
      %dma_start3A_239 = arith.constant 0 : i32
      %dma_start3A_240 = tpu.memref_slice %arg23[%add3A_21, %dma_start3A_239] : memref<10112x16xf32, #tpu.memory_space<vmem_shared>> -> memref<128x16xf32, #tpu.memory_space<vmem_shared>>
      %dma_start3A_241 = arith.constant 0 : i32
      %dma_start3A_242 = tpu.memref_slice %arg23[%add3A_21, %dma_start3A_241] : memref<10112x16xf32, #tpu.memory_space<vmem_shared>> -> memref<128x16xf32, #tpu.memory_space<vmem_shared>>
      %dma_start3A_243 = arith.constant 0 : i32
      %dma_start3A_244 = arith.constant 0 : i32
      %dma_start3A_245 = tpu.memref_slice %arg22[%dma_start3A_243, %dma_start3A_244] : memref<128x16xf32, #tpu.memory_space<vmem>> -> memref<128x16xf32, #tpu.memory_space<vmem>>
      tpu.enqueue_dma source(%dma_start3A_245 : memref<128x16xf32, #tpu.memory_space<vmem>>) target(%dma_start3A_242 : memref<128x16xf32, #tpu.memory_space<vmem_shared>>) target_semaphore(%run_scoped3A : memref<!tpu.dma_semaphore, #tpu.memory_space<semaphore_mem>>)
      %dma_wait3A_246 = arith.constant 0 : i32
      %dma_wait3A_247 = arith.constant 0 : i32
      %dma_wait3A_248 = tpu.memref_slice %arg22[%dma_wait3A_246, %dma_wait3A_247] : memref<128x16xf32, #tpu.memory_space<vmem>> -> memref<128x16xf32, #tpu.memory_space<vmem>>
      %dma_wait3A_249 = arith.constant 0 : i32
      %dma_wait3A_250 = tpu.memref_slice %arg23[%add3A_21, %dma_wait3A_249] : memref<10112x16xf32, #tpu.memory_space<vmem_shared>> -> memref<128x16xf32, #tpu.memory_space<vmem_shared>>
      %dma_wait3A_251 = arith.constant 0 : i32
      %dma_wait3A_252 = tpu.memref_slice %arg23[%add3A_21, %dma_wait3A_251] : memref<10112x16xf32, #tpu.memory_space<vmem_shared>> -> memref<128x16xf32, #tpu.memory_space<vmem_shared>>
      %dma_wait3A_253 = arith.constant 0 : i32
      %dma_wait3A_254 = arith.constant 0 : i32
      %dma_wait3A_255 = tpu.memref_slice %arg22[%dma_wait3A_253, %dma_wait3A_254] : memref<128x16xf32, #tpu.memory_space<vmem>> -> memref<128x16xf32, #tpu.memory_space<vmem>>
      tpu.wait_dma2 semaphore(%run_scoped3A : memref<!tpu.dma_semaphore, #tpu.memory_space<semaphore_mem>>) src(%dma_wait3A_255 : memref<128x16xf32, #tpu.memory_space<vmem>>) dst(%dma_wait3A_252 : memref<128x16xf32, #tpu.memory_space<vmem_shared>>)
      tpu.yield
    }) : () -> ()
    %add3A_22 = arith.constant 512 : i32
    %add3A_23 = arith.addi %mul3A_0, %add3A_22 : i32
    "tpu.region"() ({
      %run_scoped3A = tpu.sem_alloc : memref<!tpu.dma_semaphore, #tpu.memory_space<semaphore_mem>>
      %dma_start3A_236 = arith.constant 0 : i32
      %dma_start3A_237 = arith.constant 0 : i32
      %dma_start3A_238 = tpu.memref_slice %arg22[%dma_start3A_236, %dma_start3A_237] : memref<128x16xf32, #tpu.memory_space<vmem>> -> memref<120x16xf32, #tpu.memory_space<vmem>>
      %dma_start3A_239 = arith.constant 0 : i32
      %dma_start3A_240 = tpu.memref_slice %arg23[%add3A_23, %dma_start3A_239] : memref<10112x16xf32, #tpu.memory_space<vmem_shared>> -> memref<120x16xf32, #tpu.memory_space<vmem_shared>>
      %dma_start3A_241 = arith.constant 0 : i32
      %dma_start3A_242 = tpu.memref_slice %arg23[%add3A_23, %dma_start3A_241] : memref<10112x16xf32, #tpu.memory_space<vmem_shared>> -> memref<120x16xf32, #tpu.memory_space<vmem_shared>>
      %dma_start3A_243 = arith.constant 0 : i32
      %dma_start3A_244 = arith.constant 0 : i32
      %dma_start3A_245 = tpu.memref_slice %arg22[%dma_start3A_243, %dma_start3A_244] : memref<128x16xf32, #tpu.memory_space<vmem>> -> memref<120x16xf32, #tpu.memory_space<vmem>>
      tpu.enqueue_dma source(%dma_start3A_245 : memref<120x16xf32, #tpu.memory_space<vmem>>) target(%dma_start3A_242 : memref<120x16xf32, #tpu.memory_space<vmem_shared>>) target_semaphore(%run_scoped3A : memref<!tpu.dma_semaphore, #tpu.memory_space<semaphore_mem>>)
      %dma_wait3A_246 = arith.constant 0 : i32
      %dma_wait3A_247 = arith.constant 0 : i32
      %dma_wait3A_248 = tpu.memref_slice %arg22[%dma_wait3A_246, %dma_wait3A_247] : memref<128x16xf32, #tpu.memory_space<vmem>> -> memref<120x16xf32, #tpu.memory_space<vmem>>
      %dma_wait3A_249 = arith.constant 0 : i32
      %dma_wait3A_250 = tpu.memref_slice %arg23[%add3A_23, %dma_wait3A_249] : memref<10112x16xf32, #tpu.memory_space<vmem_shared>> -> memref<120x16xf32, #tpu.memory_space<vmem_shared>>
      %dma_wait3A_251 = arith.constant 0 : i32
      %dma_wait3A_252 = tpu.memref_slice %arg23[%add3A_23, %dma_wait3A_251] : memref<10112x16xf32, #tpu.memory_space<vmem_shared>> -> memref<120x16xf32, #tpu.memory_space<vmem_shared>>
      %dma_wait3A_253 = arith.constant 0 : i32
      %dma_wait3A_254 = arith.constant 0 : i32
      %dma_wait3A_255 = tpu.memref_slice %arg22[%dma_wait3A_253, %dma_wait3A_254] : memref<128x16xf32, #tpu.memory_space<vmem>> -> memref<120x16xf32, #tpu.memory_space<vmem>>
      tpu.wait_dma2 semaphore(%run_scoped3A : memref<!tpu.dma_semaphore, #tpu.memory_space<semaphore_mem>>) src(%dma_wait3A_255 : memref<120x16xf32, #tpu.memory_space<vmem>>) dst(%dma_wait3A_252 : memref<120x16xf32, #tpu.memory_space<vmem_shared>>)
      tpu.yield
    }) : () -> ()
    "tpu.region"() ({
      %run_scoped3A = tpu.sem_alloc : memref<!tpu.dma_semaphore, #tpu.memory_space<semaphore_mem>>
      tpu.enqueue_dma source(%arg7 : memref<128x16xf32, #tpu.memory_space<hbm>>) target(%arg22 : memref<128x16xf32, #tpu.memory_space<vmem>>) target_semaphore(%run_scoped3A : memref<!tpu.dma_semaphore, #tpu.memory_space<semaphore_mem>>)
      tpu.wait_dma2 semaphore(%run_scoped3A : memref<!tpu.dma_semaphore, #tpu.memory_space<semaphore_mem>>) src(%arg7 : memref<128x16xf32, #tpu.memory_space<hbm>>) dst(%arg22 : memref<128x16xf32, #tpu.memory_space<vmem>>)
      tpu.yield
    }) : () -> ()
    %barrier3A = arith.constant 0 : index
    tpu.barrier barrier_id(%barrier3A)
    %dma_start3A = arith.constant 0 : i32
    %dma_start3A_24 = arith.constant 0 : i32
    %dma_start3A_25 = tpu.memref_slice %arg10[%dma_start3A, %dma_start3A_24] : memref<160x128xi32, #tpu.memory_space<vmem>> -> memref<1x128xi32, #tpu.memory_space<vmem>>
    %dma_start3A_26 = tpu.memref_squeeze %dma_start3A_25 : memref<1x128xi32, #tpu.memory_space<vmem>> -> memref<128xi32, #tpu.memory_space<vmem>>
    %dma_start3A_27 = arith.constant 0 : i32
    %dma_start3A_28 = arith.constant 0 : i32
    %dma_start3A_29 = tpu.memref_slice %arg2[%arg0, %dma_start3A_27, %dma_start3A_28] : memref<2x10112x64xf32, #tpu.memory_space<hbm>> -> memref<1x10112x64xf32, #tpu.memory_space<hbm>>
    %dma_start3A_30 = tpu.memref_squeeze %dma_start3A_29 : memref<1x10112x64xf32, #tpu.memory_space<hbm>> -> memref<10112x64xf32, #tpu.memory_space<hbm>>
    %dma_start3A_31 = arith.constant 0 : i32
    %dma_start3A_32 = arith.constant 0 : i32
    %dma_start3A_33 = tpu.memref_slice %dma_start3A_30[%dma_start3A_31, %dma_start3A_32] : memref<10112x64xf32, #tpu.memory_space<hbm>> -> memref<10112x64xf32, #tpu.memory_space<hbm>>
    tpu.enqueue_indirect_dma source(%dma_start3A_33 : memref<10112x64xf32, #tpu.memory_space<hbm>>) target(%arg12 : memref<128x64xf32, #tpu.memory_space<vmem>>) offsets(%dma_start3A_26 : memref<128xi32, #tpu.memory_space<vmem>>) semaphore(%arg17 : memref<!tpu.dma_semaphore, #tpu.memory_space<semaphore_mem>>)
    %dma_start3A_34 = arith.constant 1 : i32
    %dma_start3A_35 = arith.constant 0 : i32
    %dma_start3A_36 = tpu.memref_slice %arg10[%dma_start3A_34, %dma_start3A_35] : memref<160x128xi32, #tpu.memory_space<vmem>> -> memref<1x128xi32, #tpu.memory_space<vmem>>
    %dma_start3A_37 = tpu.memref_squeeze %dma_start3A_36 : memref<1x128xi32, #tpu.memory_space<vmem>> -> memref<128xi32, #tpu.memory_space<vmem>>
    %dma_start3A_38 = arith.constant 0 : i32
    %dma_start3A_39 = arith.constant 0 : i32
    %dma_start3A_40 = tpu.memref_slice %arg2[%arg0, %dma_start3A_38, %dma_start3A_39] : memref<2x10112x64xf32, #tpu.memory_space<hbm>> -> memref<1x10112x64xf32, #tpu.memory_space<hbm>>
    %dma_start3A_41 = tpu.memref_squeeze %dma_start3A_40 : memref<1x10112x64xf32, #tpu.memory_space<hbm>> -> memref<10112x64xf32, #tpu.memory_space<hbm>>
    %dma_start3A_42 = arith.constant 0 : i32
    %dma_start3A_43 = arith.constant 0 : i32
    %dma_start3A_44 = tpu.memref_slice %dma_start3A_41[%dma_start3A_42, %dma_start3A_43] : memref<10112x64xf32, #tpu.memory_space<hbm>> -> memref<10112x64xf32, #tpu.memory_space<hbm>>
    tpu.enqueue_indirect_dma source(%dma_start3A_44 : memref<10112x64xf32, #tpu.memory_space<hbm>>) target(%arg13 : memref<128x64xf32, #tpu.memory_space<vmem>>) offsets(%dma_start3A_37 : memref<128xi32, #tpu.memory_space<vmem>>) semaphore(%arg18 : memref<!tpu.dma_semaphore, #tpu.memory_space<semaphore_mem>>)
    %dma_start3A_45 = arith.constant 2 : i32
    %dma_start3A_46 = arith.constant 0 : i32
    %dma_start3A_47 = tpu.memref_slice %arg10[%dma_start3A_45, %dma_start3A_46] : memref<160x128xi32, #tpu.memory_space<vmem>> -> memref<1x128xi32, #tpu.memory_space<vmem>>
    %dma_start3A_48 = tpu.memref_squeeze %dma_start3A_47 : memref<1x128xi32, #tpu.memory_space<vmem>> -> memref<128xi32, #tpu.memory_space<vmem>>
    %dma_start3A_49 = arith.constant 0 : i32
    %dma_start3A_50 = arith.constant 0 : i32
    %dma_start3A_51 = tpu.memref_slice %arg2[%arg0, %dma_start3A_49, %dma_start3A_50] : memref<2x10112x64xf32, #tpu.memory_space<hbm>> -> memref<1x10112x64xf32, #tpu.memory_space<hbm>>
    %dma_start3A_52 = tpu.memref_squeeze %dma_start3A_51 : memref<1x10112x64xf32, #tpu.memory_space<hbm>> -> memref<10112x64xf32, #tpu.memory_space<hbm>>
    %dma_start3A_53 = arith.constant 0 : i32
    %dma_start3A_54 = arith.constant 0 : i32
    %dma_start3A_55 = tpu.memref_slice %dma_start3A_52[%dma_start3A_53, %dma_start3A_54] : memref<10112x64xf32, #tpu.memory_space<hbm>> -> memref<10112x64xf32, #tpu.memory_space<hbm>>
    tpu.enqueue_indirect_dma source(%dma_start3A_55 : memref<10112x64xf32, #tpu.memory_space<hbm>>) target(%arg14 : memref<128x64xf32, #tpu.memory_space<vmem>>) offsets(%dma_start3A_48 : memref<128xi32, #tpu.memory_space<vmem>>) semaphore(%arg19 : memref<!tpu.dma_semaphore, #tpu.memory_space<semaphore_mem>>)
    %dma_wait3A = arith.constant 0 : i32
    %dma_wait3A_56 = arith.constant 0 : i32
    %dma_wait3A_57 = tpu.memref_slice %arg10[%dma_wait3A, %dma_wait3A_56] : memref<160x128xi32, #tpu.memory_space<vmem>> -> memref<1x128xi32, #tpu.memory_space<vmem>>
    %dma_wait3A_58 = tpu.memref_squeeze %dma_wait3A_57 : memref<1x128xi32, #tpu.memory_space<vmem>> -> memref<128xi32, #tpu.memory_space<vmem>>
    %dma_wait3A_59 = arith.constant 0 : i32
    %dma_wait3A_60 = arith.constant 0 : i32
    %dma_wait3A_61 = tpu.memref_slice %arg2[%arg0, %dma_wait3A_59, %dma_wait3A_60] : memref<2x10112x64xf32, #tpu.memory_space<hbm>> -> memref<1x10112x64xf32, #tpu.memory_space<hbm>>
    %dma_wait3A_62 = tpu.memref_squeeze %dma_wait3A_61 : memref<1x10112x64xf32, #tpu.memory_space<hbm>> -> memref<10112x64xf32, #tpu.memory_space<hbm>>
    %dma_wait3A_63 = arith.constant 0 : i32
    %dma_wait3A_64 = arith.constant 0 : i32
    %dma_wait3A_65 = tpu.memref_slice %dma_wait3A_62[%dma_wait3A_63, %dma_wait3A_64] : memref<10112x64xf32, #tpu.memory_space<hbm>> -> memref<10112x64xf32, #tpu.memory_space<hbm>>
    tpu.wait_indirect_dma semaphore(%arg17 : memref<!tpu.dma_semaphore, #tpu.memory_space<semaphore_mem>>) src(%dma_wait3A_65 : memref<10112x64xf32, #tpu.memory_space<hbm>>) dst(%arg12 : memref<128x64xf32, #tpu.memory_space<vmem>>)
    %eq3A = arith.constant 0 : i32
    %eq3A_66 = arith.cmpi eq, %arg0, %eq3A : i32
    %xor3A = arith.constant false
    %xor3A_67 = arith.xori %xor3A, %eq3A_66 : i1
    %convert_element_type3A = arith.extui %xor3A_67 : i1 to i32
    %cond3A = arith.constant 0 : i32
    %cond3A_68 = arith.cmpi ne, %convert_element_type3A, %cond3A : i32
    scf.if %cond3A_68 {
      %run_scoped3A = arith.constant 0 : i32
      "tpu.region"() ({
        %run_scoped3A_236 = tpu.sem_alloc : memref<!tpu.dma_semaphore, #tpu.memory_space<semaphore_mem>>
        %dma_start3A_237 = arith.constant 0 : i32
        %dma_start3A_238 = tpu.memref_slice %arg11[%run_scoped3A, %dma_start3A_237] : memref<160x128xi32, #tpu.memory_space<vmem>> -> memref<1x128xi32, #tpu.memory_space<vmem>>
        %dma_start3A_239 = tpu.memref_squeeze %dma_start3A_238 : memref<1x128xi32, #tpu.memory_space<vmem>> -> memref<128xi32, #tpu.memory_space<vmem>>
        %dma_start3A_240 = arith.constant 0 : i32
        %dma_start3A_241 = arith.constant 0 : i32
        %dma_start3A_242 = tpu.memref_slice %arg23[%dma_start3A_240, %dma_start3A_241] : memref<10112x16xf32, #tpu.memory_space<vmem_shared>> -> memref<10112x16xf32, #tpu.memory_space<vmem_shared>>
        tpu.enqueue_indirect_dma source(%arg22 : memref<128x16xf32, #tpu.memory_space<vmem>>) target(%dma_start3A_242 : memref<10112x16xf32, #tpu.memory_space<vmem_shared>>) offsets(%dma_start3A_239 : memref<128xi32, #tpu.memory_space<vmem>>) semaphore(%run_scoped3A_236 : memref<!tpu.dma_semaphore, #tpu.memory_space<semaphore_mem>>) {add = true}
        %dma_wait3A_243 = arith.constant 0 : i32
        %dma_wait3A_244 = tpu.memref_slice %arg11[%run_scoped3A, %dma_wait3A_243] : memref<160x128xi32, #tpu.memory_space<vmem>> -> memref<1x128xi32, #tpu.memory_space<vmem>>
        %dma_wait3A_245 = tpu.memref_squeeze %dma_wait3A_244 : memref<1x128xi32, #tpu.memory_space<vmem>> -> memref<128xi32, #tpu.memory_space<vmem>>
        %dma_wait3A_246 = arith.constant 0 : i32
        %dma_wait3A_247 = arith.constant 0 : i32
        %dma_wait3A_248 = tpu.memref_slice %arg23[%dma_wait3A_246, %dma_wait3A_247] : memref<10112x16xf32, #tpu.memory_space<vmem_shared>> -> memref<10112x16xf32, #tpu.memory_space<vmem_shared>>
        tpu.wait_indirect_dma semaphore(%run_scoped3A_236 : memref<!tpu.dma_semaphore, #tpu.memory_space<semaphore_mem>>) src(%arg22 : memref<128x16xf32, #tpu.memory_space<vmem>>) dst(%dma_wait3A_248 : memref<10112x16xf32, #tpu.memory_space<vmem_shared>>)
        tpu.yield
      }) : () -> ()
    } else {
    }
    %dma_start3A_69 = arith.constant 0 : i32
    %dma_start3A_70 = arith.constant 0 : i32
    %dma_start3A_71 = tpu.memref_slice %arg11[%dma_start3A_69, %dma_start3A_70] : memref<160x128xi32, #tpu.memory_space<vmem>> -> memref<1x128xi32, #tpu.memory_space<vmem>>
    %dma_start3A_72 = tpu.memref_squeeze %dma_start3A_71 : memref<1x128xi32, #tpu.memory_space<vmem>> -> memref<128xi32, #tpu.memory_space<vmem>>
    %dma_start3A_73 = arith.constant 0 : i32
    %dma_start3A_74 = arith.constant 0 : i32
    %dma_start3A_75 = tpu.memref_slice %arg16[%dma_start3A_73, %dma_start3A_74] : memref<10112x64xf32, #tpu.memory_space<vmem_shared>> -> memref<10112x64xf32, #tpu.memory_space<vmem_shared>>
    tpu.enqueue_indirect_dma source(%arg12 : memref<128x64xf32, #tpu.memory_space<vmem>>) target(%dma_start3A_75 : memref<10112x64xf32, #tpu.memory_space<vmem_shared>>) offsets(%dma_start3A_72 : memref<128xi32, #tpu.memory_space<vmem>>) semaphore(%arg21 : memref<!tpu.dma_semaphore, #tpu.memory_space<semaphore_mem>>) {add = true}
    %dma_start3A_76 = arith.constant 3 : i32
    %dma_start3A_77 = arith.constant 0 : i32
    %dma_start3A_78 = tpu.memref_slice %arg10[%dma_start3A_76, %dma_start3A_77] : memref<160x128xi32, #tpu.memory_space<vmem>> -> memref<1x128xi32, #tpu.memory_space<vmem>>
    %dma_start3A_79 = tpu.memref_squeeze %dma_start3A_78 : memref<1x128xi32, #tpu.memory_space<vmem>> -> memref<128xi32, #tpu.memory_space<vmem>>
    %dma_start3A_80 = arith.constant 0 : i32
    %dma_start3A_81 = arith.constant 0 : i32
    %dma_start3A_82 = tpu.memref_slice %arg2[%arg0, %dma_start3A_80, %dma_start3A_81] : memref<2x10112x64xf32, #tpu.memory_space<hbm>> -> memref<1x10112x64xf32, #tpu.memory_space<hbm>>
    %dma_start3A_83 = tpu.memref_squeeze %dma_start3A_82 : memref<1x10112x64xf32, #tpu.memory_space<hbm>> -> memref<10112x64xf32, #tpu.memory_space<hbm>>
    %dma_start3A_84 = arith.constant 0 : i32
    %dma_start3A_85 = arith.constant 0 : i32
    %dma_start3A_86 = tpu.memref_slice %dma_start3A_83[%dma_start3A_84, %dma_start3A_85] : memref<10112x64xf32, #tpu.memory_space<hbm>> -> memref<10112x64xf32, #tpu.memory_space<hbm>>
    tpu.enqueue_indirect_dma source(%dma_start3A_86 : memref<10112x64xf32, #tpu.memory_space<hbm>>) target(%arg15 : memref<128x64xf32, #tpu.memory_space<vmem>>) offsets(%dma_start3A_79 : memref<128xi32, #tpu.memory_space<vmem>>) semaphore(%arg20 : memref<!tpu.dma_semaphore, #tpu.memory_space<semaphore_mem>>)
    %scan3A = arith.constant 0 : i32
    %scan3A_87 = arith.constant 0 : i32
    %scan3A_88 = arith.constant 39 : i32
    %scan3A_89 = arith.addi %scan3A_87, %scan3A_88 : i32
    %scan3A_90 = arith.constant 1 : i32
    scf.for %scan3A_236 = %scan3A_87 to %scan3A_89 step %scan3A_90  : i32 {
      %mul3A_237 = arith.constant 4 : i32
      %mul3A_238 = arith.muli %scan3A_236, %mul3A_237 : i32
      %add3A_239 = arith.constant 1 : i32
      %add3A_240 = arith.addi %add3A_239, %mul3A_238 : i32
      %add3A_241 = arith.constant 0 : i32
      %add3A_242 = arith.addi %add3A_240, %add3A_241 : i32
      %dma_wait3A_243 = arith.constant 0 : i32
      %dma_wait3A_244 = tpu.memref_slice %arg10[%add3A_242, %dma_wait3A_243] : memref<160x128xi32, #tpu.memory_space<vmem>> -> memref<1x128xi32, #tpu.memory_space<vmem>>
      %dma_wait3A_245 = tpu.memref_squeeze %dma_wait3A_244 : memref<1x128xi32, #tpu.memory_space<vmem>> -> memref<128xi32, #tpu.memory_space<vmem>>
      %dma_wait3A_246 = arith.constant 0 : i32
      %dma_wait3A_247 = arith.constant 0 : i32
      %dma_wait3A_248 = tpu.memref_slice %arg2[%arg0, %dma_wait3A_246, %dma_wait3A_247] : memref<2x10112x64xf32, #tpu.memory_space<hbm>> -> memref<1x10112x64xf32, #tpu.memory_space<hbm>>
      %dma_wait3A_249 = tpu.memref_squeeze %dma_wait3A_248 : memref<1x10112x64xf32, #tpu.memory_space<hbm>> -> memref<10112x64xf32, #tpu.memory_space<hbm>>
      %dma_wait3A_250 = arith.constant 0 : i32
      %dma_wait3A_251 = arith.constant 0 : i32
      %dma_wait3A_252 = tpu.memref_slice %dma_wait3A_249[%dma_wait3A_250, %dma_wait3A_251] : memref<10112x64xf32, #tpu.memory_space<hbm>> -> memref<10112x64xf32, #tpu.memory_space<hbm>>
      tpu.wait_indirect_dma semaphore(%arg18 : memref<!tpu.dma_semaphore, #tpu.memory_space<semaphore_mem>>) src(%dma_wait3A_252 : memref<10112x64xf32, #tpu.memory_space<hbm>>) dst(%arg13 : memref<128x64xf32, #tpu.memory_space<vmem>>)
      %dma_wait3A_253 = arith.constant 0 : i32
      %dma_wait3A_254 = arith.constant 0 : i32
      %dma_wait3A_255 = tpu.memref_slice %arg11[%dma_wait3A_253, %dma_wait3A_254] : memref<160x128xi32, #tpu.memory_space<vmem>> -> memref<1x128xi32, #tpu.memory_space<vmem>>
      %dma_wait3A_256 = tpu.memref_squeeze %dma_wait3A_255 : memref<1x128xi32, #tpu.memory_space<vmem>> -> memref<128xi32, #tpu.memory_space<vmem>>
      %dma_wait3A_257 = arith.constant 0 : i32
      %dma_wait3A_258 = arith.constant 0 : i32
      %dma_wait3A_259 = tpu.memref_slice %arg16[%dma_wait3A_257, %dma_wait3A_258] : memref<10112x64xf32, #tpu.memory_space<vmem_shared>> -> memref<10112x64xf32, #tpu.memory_space<vmem_shared>>
      tpu.wait_indirect_dma semaphore(%arg21 : memref<!tpu.dma_semaphore, #tpu.memory_space<semaphore_mem>>) src(%arg13 : memref<128x64xf32, #tpu.memory_space<vmem>>) dst(%dma_wait3A_259 : memref<10112x64xf32, #tpu.memory_space<vmem_shared>>)
      %ge3A = arith.constant 80 : i32
      %ge3A_260 = arith.cmpi sge, %add3A_242, %ge3A : i32
      %eq3A_261 = arith.constant 0 : i32
      %eq3A_262 = arith.cmpi eq, %arg0, %eq3A_261 : i32
      %xor3A_263 = arith.xori %ge3A_260, %eq3A_262 : i1
      %convert_element_type3A_264 = arith.extui %xor3A_263 : i1 to i32
      %cond3A_265 = arith.constant 0 : i32
      %cond3A_266 = arith.cmpi ne, %convert_element_type3A_264, %cond3A_265 : i32
      scf.if %cond3A_266 {
        "tpu.region"() ({
          %run_scoped3A = tpu.sem_alloc : memref<!tpu.dma_semaphore, #tpu.memory_space<semaphore_mem>>
          %dma_start3A_439 = arith.constant 0 : i32
          %dma_start3A_440 = tpu.memref_slice %arg11[%add3A_242, %dma_start3A_439] : memref<160x128xi32, #tpu.memory_space<vmem>> -> memref<1x128xi32, #tpu.memory_space<vmem>>
          %dma_start3A_441 = tpu.memref_squeeze %dma_start3A_440 : memref<1x128xi32, #tpu.memory_space<vmem>> -> memref<128xi32, #tpu.memory_space<vmem>>
          %dma_start3A_442 = arith.constant 0 : i32
          %dma_start3A_443 = arith.constant 0 : i32
          %dma_start3A_444 = tpu.memref_slice %arg23[%dma_start3A_442, %dma_start3A_443] : memref<10112x16xf32, #tpu.memory_space<vmem_shared>> -> memref<10112x16xf32, #tpu.memory_space<vmem_shared>>
          tpu.enqueue_indirect_dma source(%arg22 : memref<128x16xf32, #tpu.memory_space<vmem>>) target(%dma_start3A_444 : memref<10112x16xf32, #tpu.memory_space<vmem_shared>>) offsets(%dma_start3A_441 : memref<128xi32, #tpu.memory_space<vmem>>) semaphore(%run_scoped3A : memref<!tpu.dma_semaphore, #tpu.memory_space<semaphore_mem>>) {add = true}
          %dma_wait3A_445 = arith.constant 0 : i32
          %dma_wait3A_446 = tpu.memref_slice %arg11[%add3A_242, %dma_wait3A_445] : memref<160x128xi32, #tpu.memory_space<vmem>> -> memref<1x128xi32, #tpu.memory_space<vmem>>
          %dma_wait3A_447 = tpu.memref_squeeze %dma_wait3A_446 : memref<1x128xi32, #tpu.memory_space<vmem>> -> memref<128xi32, #tpu.memory_space<vmem>>
          %dma_wait3A_448 = arith.constant 0 : i32
          %dma_wait3A_449 = arith.constant 0 : i32
          %dma_wait3A_450 = tpu.memref_slice %arg23[%dma_wait3A_448, %dma_wait3A_449] : memref<10112x16xf32, #tpu.memory_space<vmem_shared>> -> memref<10112x16xf32, #tpu.memory_space<vmem_shared>>
          tpu.wait_indirect_dma semaphore(%run_scoped3A : memref<!tpu.dma_semaphore, #tpu.memory_space<semaphore_mem>>) src(%arg22 : memref<128x16xf32, #tpu.memory_space<vmem>>) dst(%dma_wait3A_450 : memref<10112x16xf32, #tpu.memory_space<vmem_shared>>)
          tpu.yield
        }) : () -> ()
      } else {
      }
      %dma_start3A_267 = arith.constant 0 : i32
      %dma_start3A_268 = tpu.memref_slice %arg11[%add3A_242, %dma_start3A_267] : memref<160x128xi32, #tpu.memory_space<vmem>> -> memref<1x128xi32, #tpu.memory_space<vmem>>
      %dma_start3A_269 = tpu.memref_squeeze %dma_start3A_268 : memref<1x128xi32, #tpu.memory_space<vmem>> -> memref<128xi32, #tpu.memory_space<vmem>>
      %dma_start3A_270 = arith.constant 0 : i32
      %dma_start3A_271 = arith.constant 0 : i32
      %dma_start3A_272 = tpu.memref_slice %arg16[%dma_start3A_270, %dma_start3A_271] : memref<10112x64xf32, #tpu.memory_space<vmem_shared>> -> memref<10112x64xf32, #tpu.memory_space<vmem_shared>>
      tpu.enqueue_indirect_dma source(%arg13 : memref<128x64xf32, #tpu.memory_space<vmem>>) target(%dma_start3A_272 : memref<10112x64xf32, #tpu.memory_space<vmem_shared>>) offsets(%dma_start3A_269 : memref<128xi32, #tpu.memory_space<vmem>>) semaphore(%arg21 : memref<!tpu.dma_semaphore, #tpu.memory_space<semaphore_mem>>) {add = true}
      %add3A_273 = arith.constant 4 : i32
      %add3A_274 = arith.addi %add3A_242, %add3A_273 : i32
      %sub3A = arith.constant 1 : i32
      %sub3A_275 = arith.subi %add3A_274, %sub3A : i32
      %dma_start3A_276 = arith.constant 0 : i32
      %dma_start3A_277 = tpu.memref_slice %arg10[%sub3A_275, %dma_start3A_276] : memref<160x128xi32, #tpu.memory_space<vmem>> -> memref<1x128xi32, #tpu.memory_space<vmem>>
      %dma_start3A_278 = tpu.memref_squeeze %dma_start3A_277 : memref<1x128xi32, #tpu.memory_space<vmem>> -> memref<128xi32, #tpu.memory_space<vmem>>
      %dma_start3A_279 = arith.constant 0 : i32
      %dma_start3A_280 = arith.constant 0 : i32
      %dma_start3A_281 = tpu.memref_slice %arg2[%arg0, %dma_start3A_279, %dma_start3A_280] : memref<2x10112x64xf32, #tpu.memory_space<hbm>> -> memref<1x10112x64xf32, #tpu.memory_space<hbm>>
      %dma_start3A_282 = tpu.memref_squeeze %dma_start3A_281 : memref<1x10112x64xf32, #tpu.memory_space<hbm>> -> memref<10112x64xf32, #tpu.memory_space<hbm>>
      %dma_start3A_283 = arith.constant 0 : i32
      %dma_start3A_284 = arith.constant 0 : i32
      %dma_start3A_285 = tpu.memref_slice %dma_start3A_282[%dma_start3A_283, %dma_start3A_284] : memref<10112x64xf32, #tpu.memory_space<hbm>> -> memref<10112x64xf32, #tpu.memory_space<hbm>>
      tpu.enqueue_indirect_dma source(%dma_start3A_285 : memref<10112x64xf32, #tpu.memory_space<hbm>>) target(%arg12 : memref<128x64xf32, #tpu.memory_space<vmem>>) offsets(%dma_start3A_278 : memref<128xi32, #tpu.memory_space<vmem>>) semaphore(%arg17 : memref<!tpu.dma_semaphore, #tpu.memory_space<semaphore_mem>>)
      %mul3A_286 = arith.constant 4 : i32
      %mul3A_287 = arith.muli %scan3A_236, %mul3A_286 : i32
      %add3A_288 = arith.constant 1 : i32
      %add3A_289 = arith.addi %add3A_288, %mul3A_287 : i32
      %add3A_290 = arith.constant 1 : i32
      %add3A_291 = arith.addi %add3A_289, %add3A_290 : i32
      %dma_wait3A_292 = arith.constant 0 : i32
      %dma_wait3A_293 = tpu.memref_slice %arg10[%add3A_291, %dma_wait3A_292] : memref<160x128xi32, #tpu.memory_space<vmem>> -> memref<1x128xi32, #tpu.memory_space<vmem>>
      %dma_wait3A_294 = tpu.memref_squeeze %dma_wait3A_293 : memref<1x128xi32, #tpu.memory_space<vmem>> -> memref<128xi32, #tpu.memory_space<vmem>>
      %dma_wait3A_295 = arith.constant 0 : i32
      %dma_wait3A_296 = arith.constant 0 : i32
      %dma_wait3A_297 = tpu.memref_slice %arg2[%arg0, %dma_wait3A_295, %dma_wait3A_296] : memref<2x10112x64xf32, #tpu.memory_space<hbm>> -> memref<1x10112x64xf32, #tpu.memory_space<hbm>>
      %dma_wait3A_298 = tpu.memref_squeeze %dma_wait3A_297 : memref<1x10112x64xf32, #tpu.memory_space<hbm>> -> memref<10112x64xf32, #tpu.memory_space<hbm>>
      %dma_wait3A_299 = arith.constant 0 : i32
      %dma_wait3A_300 = arith.constant 0 : i32
      %dma_wait3A_301 = tpu.memref_slice %dma_wait3A_298[%dma_wait3A_299, %dma_wait3A_300] : memref<10112x64xf32, #tpu.memory_space<hbm>> -> memref<10112x64xf32, #tpu.memory_space<hbm>>
      tpu.wait_indirect_dma semaphore(%arg19 : memref<!tpu.dma_semaphore, #tpu.memory_space<semaphore_mem>>) src(%dma_wait3A_301 : memref<10112x64xf32, #tpu.memory_space<hbm>>) dst(%arg14 : memref<128x64xf32, #tpu.memory_space<vmem>>)
      %dma_wait3A_302 = arith.constant 0 : i32
      %dma_wait3A_303 = arith.constant 0 : i32
      %dma_wait3A_304 = tpu.memref_slice %arg11[%dma_wait3A_302, %dma_wait3A_303] : memref<160x128xi32, #tpu.memory_space<vmem>> -> memref<1x128xi32, #tpu.memory_space<vmem>>
      %dma_wait3A_305 = tpu.memref_squeeze %dma_wait3A_304 : memref<1x128xi32, #tpu.memory_space<vmem>> -> memref<128xi32, #tpu.memory_space<vmem>>
      %dma_wait3A_306 = arith.constant 0 : i32
      %dma_wait3A_307 = arith.constant 0 : i32
      %dma_wait3A_308 = tpu.memref_slice %arg16[%dma_wait3A_306, %dma_wait3A_307] : memref<10112x64xf32, #tpu.memory_space<vmem_shared>> -> memref<10112x64xf32, #tpu.memory_space<vmem_shared>>
      tpu.wait_indirect_dma semaphore(%arg21 : memref<!tpu.dma_semaphore, #tpu.memory_space<semaphore_mem>>) src(%arg14 : memref<128x64xf32, #tpu.memory_space<vmem>>) dst(%dma_wait3A_308 : memref<10112x64xf32, #tpu.memory_space<vmem_shared>>)
      %ge3A_309 = arith.constant 80 : i32
      %ge3A_310 = arith.cmpi sge, %add3A_291, %ge3A_309 : i32
      %eq3A_311 = arith.constant 0 : i32
      %eq3A_312 = arith.cmpi eq, %arg0, %eq3A_311 : i32
      %xor3A_313 = arith.xori %ge3A_310, %eq3A_312 : i1
      %convert_element_type3A_314 = arith.extui %xor3A_313 : i1 to i32
      %cond3A_315 = arith.constant 0 : i32
      %cond3A_316 = arith.cmpi ne, %convert_element_type3A_314, %cond3A_315 : i32
      scf.if %cond3A_316 {
        "tpu.region"() ({
          %run_scoped3A = tpu.sem_alloc : memref<!tpu.dma_semaphore, #tpu.memory_space<semaphore_mem>>
          %dma_start3A_439 = arith.constant 0 : i32
          %dma_start3A_440 = tpu.memref_slice %arg11[%add3A_291, %dma_start3A_439] : memref<160x128xi32, #tpu.memory_space<vmem>> -> memref<1x128xi32, #tpu.memory_space<vmem>>
          %dma_start3A_441 = tpu.memref_squeeze %dma_start3A_440 : memref<1x128xi32, #tpu.memory_space<vmem>> -> memref<128xi32, #tpu.memory_space<vmem>>
          %dma_start3A_442 = arith.constant 0 : i32
          %dma_start3A_443 = arith.constant 0 : i32
          %dma_start3A_444 = tpu.memref_slice %arg23[%dma_start3A_442, %dma_start3A_443] : memref<10112x16xf32, #tpu.memory_space<vmem_shared>> -> memref<10112x16xf32, #tpu.memory_space<vmem_shared>>
          tpu.enqueue_indirect_dma source(%arg22 : memref<128x16xf32, #tpu.memory_space<vmem>>) target(%dma_start3A_444 : memref<10112x16xf32, #tpu.memory_space<vmem_shared>>) offsets(%dma_start3A_441 : memref<128xi32, #tpu.memory_space<vmem>>) semaphore(%run_scoped3A : memref<!tpu.dma_semaphore, #tpu.memory_space<semaphore_mem>>) {add = true}
          %dma_wait3A_445 = arith.constant 0 : i32
          %dma_wait3A_446 = tpu.memref_slice %arg11[%add3A_291, %dma_wait3A_445] : memref<160x128xi32, #tpu.memory_space<vmem>> -> memref<1x128xi32, #tpu.memory_space<vmem>>
          %dma_wait3A_447 = tpu.memref_squeeze %dma_wait3A_446 : memref<1x128xi32, #tpu.memory_space<vmem>> -> memref<128xi32, #tpu.memory_space<vmem>>
          %dma_wait3A_448 = arith.constant 0 : i32
          %dma_wait3A_449 = arith.constant 0 : i32
          %dma_wait3A_450 = tpu.memref_slice %arg23[%dma_wait3A_448, %dma_wait3A_449] : memref<10112x16xf32, #tpu.memory_space<vmem_shared>> -> memref<10112x16xf32, #tpu.memory_space<vmem_shared>>
          tpu.wait_indirect_dma semaphore(%run_scoped3A : memref<!tpu.dma_semaphore, #tpu.memory_space<semaphore_mem>>) src(%arg22 : memref<128x16xf32, #tpu.memory_space<vmem>>) dst(%dma_wait3A_450 : memref<10112x16xf32, #tpu.memory_space<vmem_shared>>)
          tpu.yield
        }) : () -> ()
      } else {
      }
      %dma_start3A_317 = arith.constant 0 : i32
      %dma_start3A_318 = tpu.memref_slice %arg11[%add3A_291, %dma_start3A_317] : memref<160x128xi32, #tpu.memory_space<vmem>> -> memref<1x128xi32, #tpu.memory_space<vmem>>
      %dma_start3A_319 = tpu.memref_squeeze %dma_start3A_318 : memref<1x128xi32, #tpu.memory_space<vmem>> -> memref<128xi32, #tpu.memory_space<vmem>>
      %dma_start3A_320 = arith.constant 0 : i32
      %dma_start3A_321 = arith.constant 0 : i32
      %dma_start3A_322 = tpu.memref_slice %arg16[%dma_start3A_320, %dma_start3A_321] : memref<10112x64xf32, #tpu.memory_space<vmem_shared>> -> memref<10112x64xf32, #tpu.memory_space<vmem_shared>>
      tpu.enqueue_indirect_dma source(%arg14 : memref<128x64xf32, #tpu.memory_space<vmem>>) target(%dma_start3A_322 : memref<10112x64xf32, #tpu.memory_space<vmem_shared>>) offsets(%dma_start3A_319 : memref<128xi32, #tpu.memory_space<vmem>>) semaphore(%arg21 : memref<!tpu.dma_semaphore, #tpu.memory_space<semaphore_mem>>) {add = true}
      %add3A_323 = arith.constant 4 : i32
      %add3A_324 = arith.addi %add3A_291, %add3A_323 : i32
      %sub3A_325 = arith.constant 1 : i32
      %sub3A_326 = arith.subi %add3A_324, %sub3A_325 : i32
      %dma_start3A_327 = arith.constant 0 : i32
      %dma_start3A_328 = tpu.memref_slice %arg10[%sub3A_326, %dma_start3A_327] : memref<160x128xi32, #tpu.memory_space<vmem>> -> memref<1x128xi32, #tpu.memory_space<vmem>>
      %dma_start3A_329 = tpu.memref_squeeze %dma_start3A_328 : memref<1x128xi32, #tpu.memory_space<vmem>> -> memref<128xi32, #tpu.memory_space<vmem>>
      %dma_start3A_330 = arith.constant 0 : i32
      %dma_start3A_331 = arith.constant 0 : i32
      %dma_start3A_332 = tpu.memref_slice %arg2[%arg0, %dma_start3A_330, %dma_start3A_331] : memref<2x10112x64xf32, #tpu.memory_space<hbm>> -> memref<1x10112x64xf32, #tpu.memory_space<hbm>>
      %dma_start3A_333 = tpu.memref_squeeze %dma_start3A_332 : memref<1x10112x64xf32, #tpu.memory_space<hbm>> -> memref<10112x64xf32, #tpu.memory_space<hbm>>
      %dma_start3A_334 = arith.constant 0 : i32
      %dma_start3A_335 = arith.constant 0 : i32
      %dma_start3A_336 = tpu.memref_slice %dma_start3A_333[%dma_start3A_334, %dma_start3A_335] : memref<10112x64xf32, #tpu.memory_space<hbm>> -> memref<10112x64xf32, #tpu.memory_space<hbm>>
      tpu.enqueue_indirect_dma source(%dma_start3A_336 : memref<10112x64xf32, #tpu.memory_space<hbm>>) target(%arg13 : memref<128x64xf32, #tpu.memory_space<vmem>>) offsets(%dma_start3A_329 : memref<128xi32, #tpu.memory_space<vmem>>) semaphore(%arg18 : memref<!tpu.dma_semaphore, #tpu.memory_space<semaphore_mem>>)
      %mul3A_337 = arith.constant 4 : i32
      %mul3A_338 = arith.muli %scan3A_236, %mul3A_337 : i32
      %add3A_339 = arith.constant 1 : i32
      %add3A_340 = arith.addi %add3A_339, %mul3A_338 : i32
      %add3A_341 = arith.constant 2 : i32
      %add3A_342 = arith.addi %add3A_340, %add3A_341 : i32
      %dma_wait3A_343 = arith.constant 0 : i32
      %dma_wait3A_344 = tpu.memref_slice %arg10[%add3A_342, %dma_wait3A_343] : memref<160x128xi32, #tpu.memory_space<vmem>> -> memref<1x128xi32, #tpu.memory_space<vmem>>
      %dma_wait3A_345 = tpu.memref_squeeze %dma_wait3A_344 : memref<1x128xi32, #tpu.memory_space<vmem>> -> memref<128xi32, #tpu.memory_space<vmem>>
      %dma_wait3A_346 = arith.constant 0 : i32
      %dma_wait3A_347 = arith.constant 0 : i32
      %dma_wait3A_348 = tpu.memref_slice %arg2[%arg0, %dma_wait3A_346, %dma_wait3A_347] : memref<2x10112x64xf32, #tpu.memory_space<hbm>> -> memref<1x10112x64xf32, #tpu.memory_space<hbm>>
      %dma_wait3A_349 = tpu.memref_squeeze %dma_wait3A_348 : memref<1x10112x64xf32, #tpu.memory_space<hbm>> -> memref<10112x64xf32, #tpu.memory_space<hbm>>
      %dma_wait3A_350 = arith.constant 0 : i32
      %dma_wait3A_351 = arith.constant 0 : i32
      %dma_wait3A_352 = tpu.memref_slice %dma_wait3A_349[%dma_wait3A_350, %dma_wait3A_351] : memref<10112x64xf32, #tpu.memory_space<hbm>> -> memref<10112x64xf32, #tpu.memory_space<hbm>>
      tpu.wait_indirect_dma semaphore(%arg20 : memref<!tpu.dma_semaphore, #tpu.memory_space<semaphore_mem>>) src(%dma_wait3A_352 : memref<10112x64xf32, #tpu.memory_space<hbm>>) dst(%arg15 : memref<128x64xf32, #tpu.memory_space<vmem>>)
      %dma_wait3A_353 = arith.constant 0 : i32
      %dma_wait3A_354 = arith.constant 0 : i32
      %dma_wait3A_355 = tpu.memref_slice %arg11[%dma_wait3A_353, %dma_wait3A_354] : memref<160x128xi32, #tpu.memory_space<vmem>> -> memref<1x128xi32, #tpu.memory_space<vmem>>
      %dma_wait3A_356 = tpu.memref_squeeze %dma_wait3A_355 : memref<1x128xi32, #tpu.memory_space<vmem>> -> memref<128xi32, #tpu.memory_space<vmem>>
      %dma_wait3A_357 = arith.constant 0 : i32
      %dma_wait3A_358 = arith.constant 0 : i32
      %dma_wait3A_359 = tpu.memref_slice %arg16[%dma_wait3A_357, %dma_wait3A_358] : memref<10112x64xf32, #tpu.memory_space<vmem_shared>> -> memref<10112x64xf32, #tpu.memory_space<vmem_shared>>
      tpu.wait_indirect_dma semaphore(%arg21 : memref<!tpu.dma_semaphore, #tpu.memory_space<semaphore_mem>>) src(%arg15 : memref<128x64xf32, #tpu.memory_space<vmem>>) dst(%dma_wait3A_359 : memref<10112x64xf32, #tpu.memory_space<vmem_shared>>)
      %ge3A_360 = arith.constant 80 : i32
      %ge3A_361 = arith.cmpi sge, %add3A_342, %ge3A_360 : i32
      %eq3A_362 = arith.constant 0 : i32
      %eq3A_363 = arith.cmpi eq, %arg0, %eq3A_362 : i32
      %xor3A_364 = arith.xori %ge3A_361, %eq3A_363 : i1
      %convert_element_type3A_365 = arith.extui %xor3A_364 : i1 to i32
      %cond3A_366 = arith.constant 0 : i32
      %cond3A_367 = arith.cmpi ne, %convert_element_type3A_365, %cond3A_366 : i32
      scf.if %cond3A_367 {
        "tpu.region"() ({
          %run_scoped3A = tpu.sem_alloc : memref<!tpu.dma_semaphore, #tpu.memory_space<semaphore_mem>>
          %dma_start3A_439 = arith.constant 0 : i32
          %dma_start3A_440 = tpu.memref_slice %arg11[%add3A_342, %dma_start3A_439] : memref<160x128xi32, #tpu.memory_space<vmem>> -> memref<1x128xi32, #tpu.memory_space<vmem>>
          %dma_start3A_441 = tpu.memref_squeeze %dma_start3A_440 : memref<1x128xi32, #tpu.memory_space<vmem>> -> memref<128xi32, #tpu.memory_space<vmem>>
          %dma_start3A_442 = arith.constant 0 : i32
          %dma_start3A_443 = arith.constant 0 : i32
          %dma_start3A_444 = tpu.memref_slice %arg23[%dma_start3A_442, %dma_start3A_443] : memref<10112x16xf32, #tpu.memory_space<vmem_shared>> -> memref<10112x16xf32, #tpu.memory_space<vmem_shared>>
          tpu.enqueue_indirect_dma source(%arg22 : memref<128x16xf32, #tpu.memory_space<vmem>>) target(%dma_start3A_444 : memref<10112x16xf32, #tpu.memory_space<vmem_shared>>) offsets(%dma_start3A_441 : memref<128xi32, #tpu.memory_space<vmem>>) semaphore(%run_scoped3A : memref<!tpu.dma_semaphore, #tpu.memory_space<semaphore_mem>>) {add = true}
          %dma_wait3A_445 = arith.constant 0 : i32
          %dma_wait3A_446 = tpu.memref_slice %arg11[%add3A_342, %dma_wait3A_445] : memref<160x128xi32, #tpu.memory_space<vmem>> -> memref<1x128xi32, #tpu.memory_space<vmem>>
          %dma_wait3A_447 = tpu.memref_squeeze %dma_wait3A_446 : memref<1x128xi32, #tpu.memory_space<vmem>> -> memref<128xi32, #tpu.memory_space<vmem>>
          %dma_wait3A_448 = arith.constant 0 : i32
          %dma_wait3A_449 = arith.constant 0 : i32
          %dma_wait3A_450 = tpu.memref_slice %arg23[%dma_wait3A_448, %dma_wait3A_449] : memref<10112x16xf32, #tpu.memory_space<vmem_shared>> -> memref<10112x16xf32, #tpu.memory_space<vmem_shared>>
          tpu.wait_indirect_dma semaphore(%run_scoped3A : memref<!tpu.dma_semaphore, #tpu.memory_space<semaphore_mem>>) src(%arg22 : memref<128x16xf32, #tpu.memory_space<vmem>>) dst(%dma_wait3A_450 : memref<10112x16xf32, #tpu.memory_space<vmem_shared>>)
          tpu.yield
        }) : () -> ()
      } else {
      }
      %dma_start3A_368 = arith.constant 0 : i32
      %dma_start3A_369 = tpu.memref_slice %arg11[%add3A_342, %dma_start3A_368] : memref<160x128xi32, #tpu.memory_space<vmem>> -> memref<1x128xi32, #tpu.memory_space<vmem>>
      %dma_start3A_370 = tpu.memref_squeeze %dma_start3A_369 : memref<1x128xi32, #tpu.memory_space<vmem>> -> memref<128xi32, #tpu.memory_space<vmem>>
      %dma_start3A_371 = arith.constant 0 : i32
      %dma_start3A_372 = arith.constant 0 : i32
      %dma_start3A_373 = tpu.memref_slice %arg16[%dma_start3A_371, %dma_start3A_372] : memref<10112x64xf32, #tpu.memory_space<vmem_shared>> -> memref<10112x64xf32, #tpu.memory_space<vmem_shared>>
      tpu.enqueue_indirect_dma source(%arg15 : memref<128x64xf32, #tpu.memory_space<vmem>>) target(%dma_start3A_373 : memref<10112x64xf32, #tpu.memory_space<vmem_shared>>) offsets(%dma_start3A_370 : memref<128xi32, #tpu.memory_space<vmem>>) semaphore(%arg21 : memref<!tpu.dma_semaphore, #tpu.memory_space<semaphore_mem>>) {add = true}
      %add3A_374 = arith.constant 4 : i32
      %add3A_375 = arith.addi %add3A_342, %add3A_374 : i32
      %sub3A_376 = arith.constant 1 : i32
      %sub3A_377 = arith.subi %add3A_375, %sub3A_376 : i32
      %dma_start3A_378 = arith.constant 0 : i32
      %dma_start3A_379 = tpu.memref_slice %arg10[%sub3A_377, %dma_start3A_378] : memref<160x128xi32, #tpu.memory_space<vmem>> -> memref<1x128xi32, #tpu.memory_space<vmem>>
      %dma_start3A_380 = tpu.memref_squeeze %dma_start3A_379 : memref<1x128xi32, #tpu.memory_space<vmem>> -> memref<128xi32, #tpu.memory_space<vmem>>
      %dma_start3A_381 = arith.constant 0 : i32
      %dma_start3A_382 = arith.constant 0 : i32
      %dma_start3A_383 = tpu.memref_slice %arg2[%arg0, %dma_start3A_381, %dma_start3A_382] : memref<2x10112x64xf32, #tpu.memory_space<hbm>> -> memref<1x10112x64xf32, #tpu.memory_space<hbm>>
      %dma_start3A_384 = tpu.memref_squeeze %dma_start3A_383 : memref<1x10112x64xf32, #tpu.memory_space<hbm>> -> memref<10112x64xf32, #tpu.memory_space<hbm>>
      %dma_start3A_385 = arith.constant 0 : i32
      %dma_start3A_386 = arith.constant 0 : i32
      %dma_start3A_387 = tpu.memref_slice %dma_start3A_384[%dma_start3A_385, %dma_start3A_386] : memref<10112x64xf32, #tpu.memory_space<hbm>> -> memref<10112x64xf32, #tpu.memory_space<hbm>>
      tpu.enqueue_indirect_dma source(%dma_start3A_387 : memref<10112x64xf32, #tpu.memory_space<hbm>>) target(%arg14 : memref<128x64xf32, #tpu.memory_space<vmem>>) offsets(%dma_start3A_380 : memref<128xi32, #tpu.memory_space<vmem>>) semaphore(%arg19 : memref<!tpu.dma_semaphore, #tpu.memory_space<semaphore_mem>>)
      %mul3A_388 = arith.constant 4 : i32
      %mul3A_389 = arith.muli %scan3A_236, %mul3A_388 : i32
      %add3A_390 = arith.constant 1 : i32
      %add3A_391 = arith.addi %add3A_390, %mul3A_389 : i32
      %add3A_392 = arith.constant 3 : i32
      %add3A_393 = arith.addi %add3A_391, %add3A_392 : i32
      %dma_wait3A_394 = arith.constant 0 : i32
      %dma_wait3A_395 = tpu.memref_slice %arg10[%add3A_393, %dma_wait3A_394] : memref<160x128xi32, #tpu.memory_space<vmem>> -> memref<1x128xi32, #tpu.memory_space<vmem>>
      %dma_wait3A_396 = tpu.memref_squeeze %dma_wait3A_395 : memref<1x128xi32, #tpu.memory_space<vmem>> -> memref<128xi32, #tpu.memory_space<vmem>>
      %dma_wait3A_397 = arith.constant 0 : i32
      %dma_wait3A_398 = arith.constant 0 : i32
      %dma_wait3A_399 = tpu.memref_slice %arg2[%arg0, %dma_wait3A_397, %dma_wait3A_398] : memref<2x10112x64xf32, #tpu.memory_space<hbm>> -> memref<1x10112x64xf32, #tpu.memory_space<hbm>>
      %dma_wait3A_400 = tpu.memref_squeeze %dma_wait3A_399 : memref<1x10112x64xf32, #tpu.memory_space<hbm>> -> memref<10112x64xf32, #tpu.memory_space<hbm>>
      %dma_wait3A_401 = arith.constant 0 : i32
      %dma_wait3A_402 = arith.constant 0 : i32
      %dma_wait3A_403 = tpu.memref_slice %dma_wait3A_400[%dma_wait3A_401, %dma_wait3A_402] : memref<10112x64xf32, #tpu.memory_space<hbm>> -> memref<10112x64xf32, #tpu.memory_space<hbm>>
      tpu.wait_indirect_dma semaphore(%arg17 : memref<!tpu.dma_semaphore, #tpu.memory_space<semaphore_mem>>) src(%dma_wait3A_403 : memref<10112x64xf32, #tpu.memory_space<hbm>>) dst(%arg12 : memref<128x64xf32, #tpu.memory_space<vmem>>)
      %dma_wait3A_404 = arith.constant 0 : i32
      %dma_wait3A_405 = arith.constant 0 : i32
      %dma_wait3A_406 = tpu.memref_slice %arg11[%dma_wait3A_404, %dma_wait3A_405] : memref<160x128xi32, #tpu.memory_space<vmem>> -> memref<1x128xi32, #tpu.memory_space<vmem>>
      %dma_wait3A_407 = tpu.memref_squeeze %dma_wait3A_406 : memref<1x128xi32, #tpu.memory_space<vmem>> -> memref<128xi32, #tpu.memory_space<vmem>>
      %dma_wait3A_408 = arith.constant 0 : i32
      %dma_wait3A_409 = arith.constant 0 : i32
      %dma_wait3A_410 = tpu.memref_slice %arg16[%dma_wait3A_408, %dma_wait3A_409] : memref<10112x64xf32, #tpu.memory_space<vmem_shared>> -> memref<10112x64xf32, #tpu.memory_space<vmem_shared>>
      tpu.wait_indirect_dma semaphore(%arg21 : memref<!tpu.dma_semaphore, #tpu.memory_space<semaphore_mem>>) src(%arg12 : memref<128x64xf32, #tpu.memory_space<vmem>>) dst(%dma_wait3A_410 : memref<10112x64xf32, #tpu.memory_space<vmem_shared>>)
      %ge3A_411 = arith.constant 80 : i32
      %ge3A_412 = arith.cmpi sge, %add3A_393, %ge3A_411 : i32
      %eq3A_413 = arith.constant 0 : i32
      %eq3A_414 = arith.cmpi eq, %arg0, %eq3A_413 : i32
      %xor3A_415 = arith.xori %ge3A_412, %eq3A_414 : i1
      %convert_element_type3A_416 = arith.extui %xor3A_415 : i1 to i32
      %cond3A_417 = arith.constant 0 : i32
      %cond3A_418 = arith.cmpi ne, %convert_element_type3A_416, %cond3A_417 : i32
      scf.if %cond3A_418 {
        "tpu.region"() ({
          %run_scoped3A = tpu.sem_alloc : memref<!tpu.dma_semaphore, #tpu.memory_space<semaphore_mem>>
          %dma_start3A_439 = arith.constant 0 : i32
          %dma_start3A_440 = tpu.memref_slice %arg11[%add3A_393, %dma_start3A_439] : memref<160x128xi32, #tpu.memory_space<vmem>> -> memref<1x128xi32, #tpu.memory_space<vmem>>
          %dma_start3A_441 = tpu.memref_squeeze %dma_start3A_440 : memref<1x128xi32, #tpu.memory_space<vmem>> -> memref<128xi32, #tpu.memory_space<vmem>>
          %dma_start3A_442 = arith.constant 0 : i32
          %dma_start3A_443 = arith.constant 0 : i32
          %dma_start3A_444 = tpu.memref_slice %arg23[%dma_start3A_442, %dma_start3A_443] : memref<10112x16xf32, #tpu.memory_space<vmem_shared>> -> memref<10112x16xf32, #tpu.memory_space<vmem_shared>>
          tpu.enqueue_indirect_dma source(%arg22 : memref<128x16xf32, #tpu.memory_space<vmem>>) target(%dma_start3A_444 : memref<10112x16xf32, #tpu.memory_space<vmem_shared>>) offsets(%dma_start3A_441 : memref<128xi32, #tpu.memory_space<vmem>>) semaphore(%run_scoped3A : memref<!tpu.dma_semaphore, #tpu.memory_space<semaphore_mem>>) {add = true}
          %dma_wait3A_445 = arith.constant 0 : i32
          %dma_wait3A_446 = tpu.memref_slice %arg11[%add3A_393, %dma_wait3A_445] : memref<160x128xi32, #tpu.memory_space<vmem>> -> memref<1x128xi32, #tpu.memory_space<vmem>>
          %dma_wait3A_447 = tpu.memref_squeeze %dma_wait3A_446 : memref<1x128xi32, #tpu.memory_space<vmem>> -> memref<128xi32, #tpu.memory_space<vmem>>
          %dma_wait3A_448 = arith.constant 0 : i32
          %dma_wait3A_449 = arith.constant 0 : i32
          %dma_wait3A_450 = tpu.memref_slice %arg23[%dma_wait3A_448, %dma_wait3A_449] : memref<10112x16xf32, #tpu.memory_space<vmem_shared>> -> memref<10112x16xf32, #tpu.memory_space<vmem_shared>>
          tpu.wait_indirect_dma semaphore(%run_scoped3A : memref<!tpu.dma_semaphore, #tpu.memory_space<semaphore_mem>>) src(%arg22 : memref<128x16xf32, #tpu.memory_space<vmem>>) dst(%dma_wait3A_450 : memref<10112x16xf32, #tpu.memory_space<vmem_shared>>)
          tpu.yield
        }) : () -> ()
      } else {
      }
      %dma_start3A_419 = arith.constant 0 : i32
      %dma_start3A_420 = tpu.memref_slice %arg11[%add3A_393, %dma_start3A_419] : memref<160x128xi32, #tpu.memory_space<vmem>> -> memref<1x128xi32, #tpu.memory_space<vmem>>
      %dma_start3A_421 = tpu.memref_squeeze %dma_start3A_420 : memref<1x128xi32, #tpu.memory_space<vmem>> -> memref<128xi32, #tpu.memory_space<vmem>>
      %dma_start3A_422 = arith.constant 0 : i32
      %dma_start3A_423 = arith.constant 0 : i32
      %dma_start3A_424 = tpu.memref_slice %arg16[%dma_start3A_422, %dma_start3A_423] : memref<10112x64xf32, #tpu.memory_space<vmem_shared>> -> memref<10112x64xf32, #tpu.memory_space<vmem_shared>>
      tpu.enqueue_indirect_dma source(%arg12 : memref<128x64xf32, #tpu.memory_space<vmem>>) target(%dma_start3A_424 : memref<10112x64xf32, #tpu.memory_space<vmem_shared>>) offsets(%dma_start3A_421 : memref<128xi32, #tpu.memory_space<vmem>>) semaphore(%arg21 : memref<!tpu.dma_semaphore, #tpu.memory_space<semaphore_mem>>) {add = true}
      %add3A_425 = arith.constant 4 : i32
      %add3A_426 = arith.addi %add3A_393, %add3A_425 : i32
      %sub3A_427 = arith.constant 1 : i32
      %sub3A_428 = arith.subi %add3A_426, %sub3A_427 : i32
      %dma_start3A_429 = arith.constant 0 : i32
      %dma_start3A_430 = tpu.memref_slice %arg10[%sub3A_428, %dma_start3A_429] : memref<160x128xi32, #tpu.memory_space<vmem>> -> memref<1x128xi32, #tpu.memory_space<vmem>>
      %dma_start3A_431 = tpu.memref_squeeze %dma_start3A_430 : memref<1x128xi32, #tpu.memory_space<vmem>> -> memref<128xi32, #tpu.memory_space<vmem>>
      %dma_start3A_432 = arith.constant 0 : i32
      %dma_start3A_433 = arith.constant 0 : i32
      %dma_start3A_434 = tpu.memref_slice %arg2[%arg0, %dma_start3A_432, %dma_start3A_433] : memref<2x10112x64xf32, #tpu.memory_space<hbm>> -> memref<1x10112x64xf32, #tpu.memory_space<hbm>>
      %dma_start3A_435 = tpu.memref_squeeze %dma_start3A_434 : memref<1x10112x64xf32, #tpu.memory_space<hbm>> -> memref<10112x64xf32, #tpu.memory_space<hbm>>
      %dma_start3A_436 = arith.constant 0 : i32
      %dma_start3A_437 = arith.constant 0 : i32
      %dma_start3A_438 = tpu.memref_slice %dma_start3A_435[%dma_start3A_436, %dma_start3A_437] : memref<10112x64xf32, #tpu.memory_space<hbm>> -> memref<10112x64xf32, #tpu.memory_space<hbm>>
      tpu.enqueue_indirect_dma source(%dma_start3A_438 : memref<10112x64xf32, #tpu.memory_space<hbm>>) target(%arg15 : memref<128x64xf32, #tpu.memory_space<vmem>>) offsets(%dma_start3A_431 : memref<128xi32, #tpu.memory_space<vmem>>) semaphore(%arg20 : memref<!tpu.dma_semaphore, #tpu.memory_space<semaphore_mem>>)
    }
    %scan3A_91 = arith.constant 39 : i32
    %dma_wait3A_92 = arith.constant 157 : i32
    %dma_wait3A_93 = arith.constant 0 : i32
    %dma_wait3A_94 = tpu.memref_slice %arg10[%dma_wait3A_92, %dma_wait3A_93] : memref<160x128xi32, #tpu.memory_space<vmem>> -> memref<1x128xi32, #tpu.memory_space<vmem>>
    %dma_wait3A_95 = tpu.memref_squeeze %dma_wait3A_94 : memref<1x128xi32, #tpu.memory_space<vmem>> -> memref<128xi32, #tpu.memory_space<vmem>>
    %dma_wait3A_96 = arith.constant 0 : i32
    %dma_wait3A_97 = arith.constant 0 : i32
    %dma_wait3A_98 = tpu.memref_slice %arg2[%arg0, %dma_wait3A_96, %dma_wait3A_97] : memref<2x10112x64xf32, #tpu.memory_space<hbm>> -> memref<1x10112x64xf32, #tpu.memory_space<hbm>>
    %dma_wait3A_99 = tpu.memref_squeeze %dma_wait3A_98 : memref<1x10112x64xf32, #tpu.memory_space<hbm>> -> memref<10112x64xf32, #tpu.memory_space<hbm>>
    %dma_wait3A_100 = arith.constant 0 : i32
    %dma_wait3A_101 = arith.constant 0 : i32
    %dma_wait3A_102 = tpu.memref_slice %dma_wait3A_99[%dma_wait3A_100, %dma_wait3A_101] : memref<10112x64xf32, #tpu.memory_space<hbm>> -> memref<10112x64xf32, #tpu.memory_space<hbm>>
    tpu.wait_indirect_dma semaphore(%arg18 : memref<!tpu.dma_semaphore, #tpu.memory_space<semaphore_mem>>) src(%dma_wait3A_102 : memref<10112x64xf32, #tpu.memory_space<hbm>>) dst(%arg13 : memref<128x64xf32, #tpu.memory_space<vmem>>)
    %dma_wait3A_103 = arith.constant 0 : i32
    %dma_wait3A_104 = arith.constant 0 : i32
    %dma_wait3A_105 = tpu.memref_slice %arg11[%dma_wait3A_103, %dma_wait3A_104] : memref<160x128xi32, #tpu.memory_space<vmem>> -> memref<1x128xi32, #tpu.memory_space<vmem>>
    %dma_wait3A_106 = tpu.memref_squeeze %dma_wait3A_105 : memref<1x128xi32, #tpu.memory_space<vmem>> -> memref<128xi32, #tpu.memory_space<vmem>>
    %dma_wait3A_107 = arith.constant 0 : i32
    %dma_wait3A_108 = arith.constant 0 : i32
    %dma_wait3A_109 = tpu.memref_slice %arg16[%dma_wait3A_107, %dma_wait3A_108] : memref<10112x64xf32, #tpu.memory_space<vmem_shared>> -> memref<10112x64xf32, #tpu.memory_space<vmem_shared>>
    tpu.wait_indirect_dma semaphore(%arg21 : memref<!tpu.dma_semaphore, #tpu.memory_space<semaphore_mem>>) src(%arg13 : memref<128x64xf32, #tpu.memory_space<vmem>>) dst(%dma_wait3A_109 : memref<10112x64xf32, #tpu.memory_space<vmem_shared>>)
    %eq3A_110 = arith.constant 0 : i32
    %eq3A_111 = arith.cmpi eq, %arg0, %eq3A_110 : i32
    %xor3A_112 = arith.constant true
    %xor3A_113 = arith.xori %xor3A_112, %eq3A_111 : i1
    %convert_element_type3A_114 = arith.extui %xor3A_113 : i1 to i32
    %cond3A_115 = arith.constant 0 : i32
    %cond3A_116 = arith.cmpi ne, %convert_element_type3A_114, %cond3A_115 : i32
    scf.if %cond3A_116 {
      %run_scoped3A = arith.constant 157 : i32
      "tpu.region"() ({
        %run_scoped3A_236 = tpu.sem_alloc : memref<!tpu.dma_semaphore, #tpu.memory_space<semaphore_mem>>
        %dma_start3A_237 = arith.constant 0 : i32
        %dma_start3A_238 = tpu.memref_slice %arg11[%run_scoped3A, %dma_start3A_237] : memref<160x128xi32, #tpu.memory_space<vmem>> -> memref<1x128xi32, #tpu.memory_space<vmem>>
        %dma_start3A_239 = tpu.memref_squeeze %dma_start3A_238 : memref<1x128xi32, #tpu.memory_space<vmem>> -> memref<128xi32, #tpu.memory_space<vmem>>
        %dma_start3A_240 = arith.constant 0 : i32
        %dma_start3A_241 = arith.constant 0 : i32
        %dma_start3A_242 = tpu.memref_slice %arg23[%dma_start3A_240, %dma_start3A_241] : memref<10112x16xf32, #tpu.memory_space<vmem_shared>> -> memref<10112x16xf32, #tpu.memory_space<vmem_shared>>
        tpu.enqueue_indirect_dma source(%arg22 : memref<128x16xf32, #tpu.memory_space<vmem>>) target(%dma_start3A_242 : memref<10112x16xf32, #tpu.memory_space<vmem_shared>>) offsets(%dma_start3A_239 : memref<128xi32, #tpu.memory_space<vmem>>) semaphore(%run_scoped3A_236 : memref<!tpu.dma_semaphore, #tpu.memory_space<semaphore_mem>>) {add = true}
        %dma_wait3A_243 = arith.constant 0 : i32
        %dma_wait3A_244 = tpu.memref_slice %arg11[%run_scoped3A, %dma_wait3A_243] : memref<160x128xi32, #tpu.memory_space<vmem>> -> memref<1x128xi32, #tpu.memory_space<vmem>>
        %dma_wait3A_245 = tpu.memref_squeeze %dma_wait3A_244 : memref<1x128xi32, #tpu.memory_space<vmem>> -> memref<128xi32, #tpu.memory_space<vmem>>
        %dma_wait3A_246 = arith.constant 0 : i32
        %dma_wait3A_247 = arith.constant 0 : i32
        %dma_wait3A_248 = tpu.memref_slice %arg23[%dma_wait3A_246, %dma_wait3A_247] : memref<10112x16xf32, #tpu.memory_space<vmem_shared>> -> memref<10112x16xf32, #tpu.memory_space<vmem_shared>>
        tpu.wait_indirect_dma semaphore(%run_scoped3A_236 : memref<!tpu.dma_semaphore, #tpu.memory_space<semaphore_mem>>) src(%arg22 : memref<128x16xf32, #tpu.memory_space<vmem>>) dst(%dma_wait3A_248 : memref<10112x16xf32, #tpu.memory_space<vmem_shared>>)
        tpu.yield
      }) : () -> ()
    } else {
    }
    %dma_start3A_117 = arith.constant 157 : i32
    %dma_start3A_118 = arith.constant 0 : i32
    %dma_start3A_119 = tpu.memref_slice %arg11[%dma_start3A_117, %dma_start3A_118] : memref<160x128xi32, #tpu.memory_space<vmem>> -> memref<1x128xi32, #tpu.memory_space<vmem>>
    %dma_start3A_120 = tpu.memref_squeeze %dma_start3A_119 : memref<1x128xi32, #tpu.memory_space<vmem>> -> memref<128xi32, #tpu.memory_space<vmem>>
    %dma_start3A_121 = arith.constant 0 : i32
    %dma_start3A_122 = arith.constant 0 : i32
    %dma_start3A_123 = tpu.memref_slice %arg16[%dma_start3A_121, %dma_start3A_122] : memref<10112x64xf32, #tpu.memory_space<vmem_shared>> -> memref<10112x64xf32, #tpu.memory_space<vmem_shared>>
    tpu.enqueue_indirect_dma source(%arg13 : memref<128x64xf32, #tpu.memory_space<vmem>>) target(%dma_start3A_123 : memref<10112x64xf32, #tpu.memory_space<vmem_shared>>) offsets(%dma_start3A_120 : memref<128xi32, #tpu.memory_space<vmem>>) semaphore(%arg21 : memref<!tpu.dma_semaphore, #tpu.memory_space<semaphore_mem>>) {add = true}
    %dma_wait3A_124 = arith.constant 158 : i32
    %dma_wait3A_125 = arith.constant 0 : i32
    %dma_wait3A_126 = tpu.memref_slice %arg10[%dma_wait3A_124, %dma_wait3A_125] : memref<160x128xi32, #tpu.memory_space<vmem>> -> memref<1x128xi32, #tpu.memory_space<vmem>>
    %dma_wait3A_127 = tpu.memref_squeeze %dma_wait3A_126 : memref<1x128xi32, #tpu.memory_space<vmem>> -> memref<128xi32, #tpu.memory_space<vmem>>
    %dma_wait3A_128 = arith.constant 0 : i32
    %dma_wait3A_129 = arith.constant 0 : i32
    %dma_wait3A_130 = tpu.memref_slice %arg2[%arg0, %dma_wait3A_128, %dma_wait3A_129] : memref<2x10112x64xf32, #tpu.memory_space<hbm>> -> memref<1x10112x64xf32, #tpu.memory_space<hbm>>
    %dma_wait3A_131 = tpu.memref_squeeze %dma_wait3A_130 : memref<1x10112x64xf32, #tpu.memory_space<hbm>> -> memref<10112x64xf32, #tpu.memory_space<hbm>>
    %dma_wait3A_132 = arith.constant 0 : i32
    %dma_wait3A_133 = arith.constant 0 : i32
    %dma_wait3A_134 = tpu.memref_slice %dma_wait3A_131[%dma_wait3A_132, %dma_wait3A_133] : memref<10112x64xf32, #tpu.memory_space<hbm>> -> memref<10112x64xf32, #tpu.memory_space<hbm>>
    tpu.wait_indirect_dma semaphore(%arg19 : memref<!tpu.dma_semaphore, #tpu.memory_space<semaphore_mem>>) src(%dma_wait3A_134 : memref<10112x64xf32, #tpu.memory_space<hbm>>) dst(%arg14 : memref<128x64xf32, #tpu.memory_space<vmem>>)
    %dma_wait3A_135 = arith.constant 0 : i32
    %dma_wait3A_136 = arith.constant 0 : i32
    %dma_wait3A_137 = tpu.memref_slice %arg11[%dma_wait3A_135, %dma_wait3A_136] : memref<160x128xi32, #tpu.memory_space<vmem>> -> memref<1x128xi32, #tpu.memory_space<vmem>>
    %dma_wait3A_138 = tpu.memref_squeeze %dma_wait3A_137 : memref<1x128xi32, #tpu.memory_space<vmem>> -> memref<128xi32, #tpu.memory_space<vmem>>
    %dma_wait3A_139 = arith.constant 0 : i32
    %dma_wait3A_140 = arith.constant 0 : i32
    %dma_wait3A_141 = tpu.memref_slice %arg16[%dma_wait3A_139, %dma_wait3A_140] : memref<10112x64xf32, #tpu.memory_space<vmem_shared>> -> memref<10112x64xf32, #tpu.memory_space<vmem_shared>>
    tpu.wait_indirect_dma semaphore(%arg21 : memref<!tpu.dma_semaphore, #tpu.memory_space<semaphore_mem>>) src(%arg14 : memref<128x64xf32, #tpu.memory_space<vmem>>) dst(%dma_wait3A_141 : memref<10112x64xf32, #tpu.memory_space<vmem_shared>>)
    %eq3A_142 = arith.constant 0 : i32
    %eq3A_143 = arith.cmpi eq, %arg0, %eq3A_142 : i32
    %xor3A_144 = arith.constant true
    %xor3A_145 = arith.xori %xor3A_144, %eq3A_143 : i1
    %convert_element_type3A_146 = arith.extui %xor3A_145 : i1 to i32
    %cond3A_147 = arith.constant 0 : i32
    %cond3A_148 = arith.cmpi ne, %convert_element_type3A_146, %cond3A_147 : i32
    scf.if %cond3A_148 {
      %run_scoped3A = arith.constant 158 : i32
      "tpu.region"() ({
        %run_scoped3A_236 = tpu.sem_alloc : memref<!tpu.dma_semaphore, #tpu.memory_space<semaphore_mem>>
        %dma_start3A_237 = arith.constant 0 : i32
        %dma_start3A_238 = tpu.memref_slice %arg11[%run_scoped3A, %dma_start3A_237] : memref<160x128xi32, #tpu.memory_space<vmem>> -> memref<1x128xi32, #tpu.memory_space<vmem>>
        %dma_start3A_239 = tpu.memref_squeeze %dma_start3A_238 : memref<1x128xi32, #tpu.memory_space<vmem>> -> memref<128xi32, #tpu.memory_space<vmem>>
        %dma_start3A_240 = arith.constant 0 : i32
        %dma_start3A_241 = arith.constant 0 : i32
        %dma_start3A_242 = tpu.memref_slice %arg23[%dma_start3A_240, %dma_start3A_241] : memref<10112x16xf32, #tpu.memory_space<vmem_shared>> -> memref<10112x16xf32, #tpu.memory_space<vmem_shared>>
        tpu.enqueue_indirect_dma source(%arg22 : memref<128x16xf32, #tpu.memory_space<vmem>>) target(%dma_start3A_242 : memref<10112x16xf32, #tpu.memory_space<vmem_shared>>) offsets(%dma_start3A_239 : memref<128xi32, #tpu.memory_space<vmem>>) semaphore(%run_scoped3A_236 : memref<!tpu.dma_semaphore, #tpu.memory_space<semaphore_mem>>) {add = true}
        %dma_wait3A_243 = arith.constant 0 : i32
        %dma_wait3A_244 = tpu.memref_slice %arg11[%run_scoped3A, %dma_wait3A_243] : memref<160x128xi32, #tpu.memory_space<vmem>> -> memref<1x128xi32, #tpu.memory_space<vmem>>
        %dma_wait3A_245 = tpu.memref_squeeze %dma_wait3A_244 : memref<1x128xi32, #tpu.memory_space<vmem>> -> memref<128xi32, #tpu.memory_space<vmem>>
        %dma_wait3A_246 = arith.constant 0 : i32
        %dma_wait3A_247 = arith.constant 0 : i32
        %dma_wait3A_248 = tpu.memref_slice %arg23[%dma_wait3A_246, %dma_wait3A_247] : memref<10112x16xf32, #tpu.memory_space<vmem_shared>> -> memref<10112x16xf32, #tpu.memory_space<vmem_shared>>
        tpu.wait_indirect_dma semaphore(%run_scoped3A_236 : memref<!tpu.dma_semaphore, #tpu.memory_space<semaphore_mem>>) src(%arg22 : memref<128x16xf32, #tpu.memory_space<vmem>>) dst(%dma_wait3A_248 : memref<10112x16xf32, #tpu.memory_space<vmem_shared>>)
        tpu.yield
      }) : () -> ()
    } else {
    }
    %dma_start3A_149 = arith.constant 158 : i32
    %dma_start3A_150 = arith.constant 0 : i32
    %dma_start3A_151 = tpu.memref_slice %arg11[%dma_start3A_149, %dma_start3A_150] : memref<160x128xi32, #tpu.memory_space<vmem>> -> memref<1x128xi32, #tpu.memory_space<vmem>>
    %dma_start3A_152 = tpu.memref_squeeze %dma_start3A_151 : memref<1x128xi32, #tpu.memory_space<vmem>> -> memref<128xi32, #tpu.memory_space<vmem>>
    %dma_start3A_153 = arith.constant 0 : i32
    %dma_start3A_154 = arith.constant 0 : i32
    %dma_start3A_155 = tpu.memref_slice %arg16[%dma_start3A_153, %dma_start3A_154] : memref<10112x64xf32, #tpu.memory_space<vmem_shared>> -> memref<10112x64xf32, #tpu.memory_space<vmem_shared>>
    tpu.enqueue_indirect_dma source(%arg14 : memref<128x64xf32, #tpu.memory_space<vmem>>) target(%dma_start3A_155 : memref<10112x64xf32, #tpu.memory_space<vmem_shared>>) offsets(%dma_start3A_152 : memref<128xi32, #tpu.memory_space<vmem>>) semaphore(%arg21 : memref<!tpu.dma_semaphore, #tpu.memory_space<semaphore_mem>>) {add = true}
    %dma_wait3A_156 = arith.constant 159 : i32
    %dma_wait3A_157 = arith.constant 0 : i32
    %dma_wait3A_158 = tpu.memref_slice %arg10[%dma_wait3A_156, %dma_wait3A_157] : memref<160x128xi32, #tpu.memory_space<vmem>> -> memref<1x128xi32, #tpu.memory_space<vmem>>
    %dma_wait3A_159 = tpu.memref_squeeze %dma_wait3A_158 : memref<1x128xi32, #tpu.memory_space<vmem>> -> memref<128xi32, #tpu.memory_space<vmem>>
    %dma_wait3A_160 = arith.constant 0 : i32
    %dma_wait3A_161 = arith.constant 0 : i32
    %dma_wait3A_162 = tpu.memref_slice %arg2[%arg0, %dma_wait3A_160, %dma_wait3A_161] : memref<2x10112x64xf32, #tpu.memory_space<hbm>> -> memref<1x10112x64xf32, #tpu.memory_space<hbm>>
    %dma_wait3A_163 = tpu.memref_squeeze %dma_wait3A_162 : memref<1x10112x64xf32, #tpu.memory_space<hbm>> -> memref<10112x64xf32, #tpu.memory_space<hbm>>
    %dma_wait3A_164 = arith.constant 0 : i32
    %dma_wait3A_165 = arith.constant 0 : i32
    %dma_wait3A_166 = tpu.memref_slice %dma_wait3A_163[%dma_wait3A_164, %dma_wait3A_165] : memref<10112x64xf32, #tpu.memory_space<hbm>> -> memref<10112x64xf32, #tpu.memory_space<hbm>>
    tpu.wait_indirect_dma semaphore(%arg20 : memref<!tpu.dma_semaphore, #tpu.memory_space<semaphore_mem>>) src(%dma_wait3A_166 : memref<10112x64xf32, #tpu.memory_space<hbm>>) dst(%arg15 : memref<128x64xf32, #tpu.memory_space<vmem>>)
    %dma_wait3A_167 = arith.constant 0 : i32
    %dma_wait3A_168 = arith.constant 0 : i32
    %dma_wait3A_169 = tpu.memref_slice %arg11[%dma_wait3A_167, %dma_wait3A_168] : memref<160x128xi32, #tpu.memory_space<vmem>> -> memref<1x128xi32, #tpu.memory_space<vmem>>
    %dma_wait3A_170 = tpu.memref_squeeze %dma_wait3A_169 : memref<1x128xi32, #tpu.memory_space<vmem>> -> memref<128xi32, #tpu.memory_space<vmem>>
    %dma_wait3A_171 = arith.constant 0 : i32
    %dma_wait3A_172 = arith.constant 0 : i32
    %dma_wait3A_173 = tpu.memref_slice %arg16[%dma_wait3A_171, %dma_wait3A_172] : memref<10112x64xf32, #tpu.memory_space<vmem_shared>> -> memref<10112x64xf32, #tpu.memory_space<vmem_shared>>
    tpu.wait_indirect_dma semaphore(%arg21 : memref<!tpu.dma_semaphore, #tpu.memory_space<semaphore_mem>>) src(%arg15 : memref<128x64xf32, #tpu.memory_space<vmem>>) dst(%dma_wait3A_173 : memref<10112x64xf32, #tpu.memory_space<vmem_shared>>)
    %eq3A_174 = arith.constant 0 : i32
    %eq3A_175 = arith.cmpi eq, %arg0, %eq3A_174 : i32
    %xor3A_176 = arith.constant true
    %xor3A_177 = arith.xori %xor3A_176, %eq3A_175 : i1
    %convert_element_type3A_178 = arith.extui %xor3A_177 : i1 to i32
    %cond3A_179 = arith.constant 0 : i32
    %cond3A_180 = arith.cmpi ne, %convert_element_type3A_178, %cond3A_179 : i32
    scf.if %cond3A_180 {
      %run_scoped3A = arith.constant 159 : i32
      "tpu.region"() ({
        %run_scoped3A_236 = tpu.sem_alloc : memref<!tpu.dma_semaphore, #tpu.memory_space<semaphore_mem>>
        %dma_start3A_237 = arith.constant 0 : i32
        %dma_start3A_238 = tpu.memref_slice %arg11[%run_scoped3A, %dma_start3A_237] : memref<160x128xi32, #tpu.memory_space<vmem>> -> memref<1x128xi32, #tpu.memory_space<vmem>>
        %dma_start3A_239 = tpu.memref_squeeze %dma_start3A_238 : memref<1x128xi32, #tpu.memory_space<vmem>> -> memref<128xi32, #tpu.memory_space<vmem>>
        %dma_start3A_240 = arith.constant 0 : i32
        %dma_start3A_241 = arith.constant 0 : i32
        %dma_start3A_242 = tpu.memref_slice %arg23[%dma_start3A_240, %dma_start3A_241] : memref<10112x16xf32, #tpu.memory_space<vmem_shared>> -> memref<10112x16xf32, #tpu.memory_space<vmem_shared>>
        tpu.enqueue_indirect_dma source(%arg22 : memref<128x16xf32, #tpu.memory_space<vmem>>) target(%dma_start3A_242 : memref<10112x16xf32, #tpu.memory_space<vmem_shared>>) offsets(%dma_start3A_239 : memref<128xi32, #tpu.memory_space<vmem>>) semaphore(%run_scoped3A_236 : memref<!tpu.dma_semaphore, #tpu.memory_space<semaphore_mem>>) {add = true}
        %dma_wait3A_243 = arith.constant 0 : i32
        %dma_wait3A_244 = tpu.memref_slice %arg11[%run_scoped3A, %dma_wait3A_243] : memref<160x128xi32, #tpu.memory_space<vmem>> -> memref<1x128xi32, #tpu.memory_space<vmem>>
        %dma_wait3A_245 = tpu.memref_squeeze %dma_wait3A_244 : memref<1x128xi32, #tpu.memory_space<vmem>> -> memref<128xi32, #tpu.memory_space<vmem>>
        %dma_wait3A_246 = arith.constant 0 : i32
        %dma_wait3A_247 = arith.constant 0 : i32
        %dma_wait3A_248 = tpu.memref_slice %arg23[%dma_wait3A_246, %dma_wait3A_247] : memref<10112x16xf32, #tpu.memory_space<vmem_shared>> -> memref<10112x16xf32, #tpu.memory_space<vmem_shared>>
        tpu.wait_indirect_dma semaphore(%run_scoped3A_236 : memref<!tpu.dma_semaphore, #tpu.memory_space<semaphore_mem>>) src(%arg22 : memref<128x16xf32, #tpu.memory_space<vmem>>) dst(%dma_wait3A_248 : memref<10112x16xf32, #tpu.memory_space<vmem_shared>>)
        tpu.yield
      }) : () -> ()
    } else {
    }
    %dma_start3A_181 = arith.constant 159 : i32
    %dma_start3A_182 = arith.constant 0 : i32
    %dma_start3A_183 = tpu.memref_slice %arg11[%dma_start3A_181, %dma_start3A_182] : memref<160x128xi32, #tpu.memory_space<vmem>> -> memref<1x128xi32, #tpu.memory_space<vmem>>
    %dma_start3A_184 = tpu.memref_squeeze %dma_start3A_183 : memref<1x128xi32, #tpu.memory_space<vmem>> -> memref<128xi32, #tpu.memory_space<vmem>>
    %dma_start3A_185 = arith.constant 0 : i32
    %dma_start3A_186 = arith.constant 0 : i32
    %dma_start3A_187 = tpu.memref_slice %arg16[%dma_start3A_185, %dma_start3A_186] : memref<10112x64xf32, #tpu.memory_space<vmem_shared>> -> memref<10112x64xf32, #tpu.memory_space<vmem_shared>>
    tpu.enqueue_indirect_dma source(%arg15 : memref<128x64xf32, #tpu.memory_space<vmem>>) target(%dma_start3A_187 : memref<10112x64xf32, #tpu.memory_space<vmem_shared>>) offsets(%dma_start3A_184 : memref<128xi32, #tpu.memory_space<vmem>>) semaphore(%arg21 : memref<!tpu.dma_semaphore, #tpu.memory_space<semaphore_mem>>) {add = true}
    %dma_wait3A_188 = arith.constant 0 : i32
    %dma_wait3A_189 = arith.constant 0 : i32
    %dma_wait3A_190 = tpu.memref_slice %arg11[%dma_wait3A_188, %dma_wait3A_189] : memref<160x128xi32, #tpu.memory_space<vmem>> -> memref<1x128xi32, #tpu.memory_space<vmem>>
    %dma_wait3A_191 = tpu.memref_squeeze %dma_wait3A_190 : memref<1x128xi32, #tpu.memory_space<vmem>> -> memref<128xi32, #tpu.memory_space<vmem>>
    %dma_wait3A_192 = arith.constant 0 : i32
    %dma_wait3A_193 = arith.constant 0 : i32
    %dma_wait3A_194 = tpu.memref_slice %arg16[%dma_wait3A_192, %dma_wait3A_193] : memref<10112x64xf32, #tpu.memory_space<vmem_shared>> -> memref<10112x64xf32, #tpu.memory_space<vmem_shared>>
    tpu.wait_indirect_dma semaphore(%arg21 : memref<!tpu.dma_semaphore, #tpu.memory_space<semaphore_mem>>) src(%arg12 : memref<128x64xf32, #tpu.memory_space<vmem>>) dst(%dma_wait3A_194 : memref<10112x64xf32, #tpu.memory_space<vmem_shared>>)
    %barrier3A_195 = arith.constant 0 : index
    tpu.barrier barrier_id(%barrier3A_195)
    %add3A_196 = arith.constant 0 : i32
    %add3A_197 = arith.addi %mul3A_0, %add3A_196 : i32
    "tpu.region"() ({
      %run_scoped3A = tpu.sem_alloc : memref<!tpu.dma_semaphore, #tpu.memory_space<semaphore_mem>>
      %dma_start3A_236 = arith.constant 0 : i32
      %dma_start3A_237 = arith.constant 0 : i32
      %dma_start3A_238 = tpu.memref_slice %arg12[%dma_start3A_236, %dma_start3A_237] : memref<128x64xf32, #tpu.memory_space<vmem>> -> memref<128x64xf32, #tpu.memory_space<vmem>>
      %dma_start3A_239 = arith.constant 0 : i32
      %dma_start3A_240 = tpu.memref_slice %arg16[%add3A_197, %dma_start3A_239] : memref<10112x64xf32, #tpu.memory_space<vmem_shared>> -> memref<128x64xf32, #tpu.memory_space<vmem_shared>>
      %dma_start3A_241 = arith.constant 0 : i32
      %dma_start3A_242 = arith.constant 0 : i32
      %dma_start3A_243 = tpu.memref_slice %arg12[%dma_start3A_241, %dma_start3A_242] : memref<128x64xf32, #tpu.memory_space<vmem>> -> memref<128x64xf32, #tpu.memory_space<vmem>>
      %dma_start3A_244 = arith.constant 0 : i32
      %dma_start3A_245 = tpu.memref_slice %arg16[%add3A_197, %dma_start3A_244] : memref<10112x64xf32, #tpu.memory_space<vmem_shared>> -> memref<128x64xf32, #tpu.memory_space<vmem_shared>>
      tpu.enqueue_dma source(%dma_start3A_245 : memref<128x64xf32, #tpu.memory_space<vmem_shared>>) target(%dma_start3A_243 : memref<128x64xf32, #tpu.memory_space<vmem>>) target_semaphore(%run_scoped3A : memref<!tpu.dma_semaphore, #tpu.memory_space<semaphore_mem>>)
      %dma_wait3A_246 = arith.constant 0 : i32
      %dma_wait3A_247 = arith.constant 0 : i32
      %dma_wait3A_248 = tpu.memref_slice %arg12[%dma_wait3A_246, %dma_wait3A_247] : memref<128x64xf32, #tpu.memory_space<vmem>> -> memref<128x64xf32, #tpu.memory_space<vmem>>
      %dma_wait3A_249 = arith.constant 0 : i32
      %dma_wait3A_250 = tpu.memref_slice %arg16[%add3A_197, %dma_wait3A_249] : memref<10112x64xf32, #tpu.memory_space<vmem_shared>> -> memref<128x64xf32, #tpu.memory_space<vmem_shared>>
      %dma_wait3A_251 = arith.constant 0 : i32
      %dma_wait3A_252 = arith.constant 0 : i32
      %dma_wait3A_253 = tpu.memref_slice %arg12[%dma_wait3A_251, %dma_wait3A_252] : memref<128x64xf32, #tpu.memory_space<vmem>> -> memref<128x64xf32, #tpu.memory_space<vmem>>
      %dma_wait3A_254 = arith.constant 0 : i32
      %dma_wait3A_255 = tpu.memref_slice %arg16[%add3A_197, %dma_wait3A_254] : memref<10112x64xf32, #tpu.memory_space<vmem_shared>> -> memref<128x64xf32, #tpu.memory_space<vmem_shared>>
      tpu.wait_dma2 semaphore(%run_scoped3A : memref<!tpu.dma_semaphore, #tpu.memory_space<semaphore_mem>>) src(%dma_wait3A_255 : memref<128x64xf32, #tpu.memory_space<vmem_shared>>) dst(%dma_wait3A_253 : memref<128x64xf32, #tpu.memory_space<vmem>>)
      tpu.yield
    }) : () -> ()
    %add3A_198 = arith.constant 0 : i32
    %add3A_199 = arith.addi %mul3A_0, %add3A_198 : i32
    "tpu.region"() ({
      %run_scoped3A = tpu.sem_alloc : memref<!tpu.dma_semaphore, #tpu.memory_space<semaphore_mem>>
      %dma_start3A_236 = arith.constant 0 : i32
      %dma_start3A_237 = arith.constant 0 : i32
      %dma_start3A_238 = tpu.memref_slice %arg12[%dma_start3A_236, %dma_start3A_237] : memref<128x64xf32, #tpu.memory_space<vmem>> -> memref<128x64xf32, #tpu.memory_space<vmem>>
      %dma_start3A_239 = arith.constant 0 : i32
      %dma_start3A_240 = tpu.memref_slice %arg8[%arg0, %add3A_199, %dma_start3A_239] : memref<2x10112x64xf32, #tpu.memory_space<hbm>> -> memref<1x128x64xf32, #tpu.memory_space<hbm>>
      %dma_start3A_241 = tpu.memref_squeeze %dma_start3A_240 : memref<1x128x64xf32, #tpu.memory_space<hbm>> -> memref<128x64xf32, #tpu.memory_space<hbm>>
      %dma_start3A_242 = arith.constant 0 : i32
      %dma_start3A_243 = tpu.memref_slice %arg8[%arg0, %add3A_199, %dma_start3A_242] : memref<2x10112x64xf32, #tpu.memory_space<hbm>> -> memref<1x128x64xf32, #tpu.memory_space<hbm>>
      %dma_start3A_244 = tpu.memref_squeeze %dma_start3A_243 : memref<1x128x64xf32, #tpu.memory_space<hbm>> -> memref<128x64xf32, #tpu.memory_space<hbm>>
      %dma_start3A_245 = arith.constant 0 : i32
      %dma_start3A_246 = arith.constant 0 : i32
      %dma_start3A_247 = tpu.memref_slice %arg12[%dma_start3A_245, %dma_start3A_246] : memref<128x64xf32, #tpu.memory_space<vmem>> -> memref<128x64xf32, #tpu.memory_space<vmem>>
      tpu.enqueue_dma source(%dma_start3A_247 : memref<128x64xf32, #tpu.memory_space<vmem>>) target(%dma_start3A_244 : memref<128x64xf32, #tpu.memory_space<hbm>>) target_semaphore(%run_scoped3A : memref<!tpu.dma_semaphore, #tpu.memory_space<semaphore_mem>>)
      %dma_wait3A_248 = arith.constant 0 : i32
      %dma_wait3A_249 = arith.constant 0 : i32
      %dma_wait3A_250 = tpu.memref_slice %arg12[%dma_wait3A_248, %dma_wait3A_249] : memref<128x64xf32, #tpu.memory_space<vmem>> -> memref<128x64xf32, #tpu.memory_space<vmem>>
      %dma_wait3A_251 = arith.constant 0 : i32
      %dma_wait3A_252 = tpu.memref_slice %arg8[%arg0, %add3A_199, %dma_wait3A_251] : memref<2x10112x64xf32, #tpu.memory_space<hbm>> -> memref<1x128x64xf32, #tpu.memory_space<hbm>>
      %dma_wait3A_253 = tpu.memref_squeeze %dma_wait3A_252 : memref<1x128x64xf32, #tpu.memory_space<hbm>> -> memref<128x64xf32, #tpu.memory_space<hbm>>
      %dma_wait3A_254 = arith.constant 0 : i32
      %dma_wait3A_255 = tpu.memref_slice %arg8[%arg0, %add3A_199, %dma_wait3A_254] : memref<2x10112x64xf32, #tpu.memory_space<hbm>> -> memref<1x128x64xf32, #tpu.memory_space<hbm>>
      %dma_wait3A_256 = tpu.memref_squeeze %dma_wait3A_255 : memref<1x128x64xf32, #tpu.memory_space<hbm>> -> memref<128x64xf32, #tpu.memory_space<hbm>>
      %dma_wait3A_257 = arith.constant 0 : i32
      %dma_wait3A_258 = arith.constant 0 : i32
      %dma_wait3A_259 = tpu.memref_slice %arg12[%dma_wait3A_257, %dma_wait3A_258] : memref<128x64xf32, #tpu.memory_space<vmem>> -> memref<128x64xf32, #tpu.memory_space<vmem>>
      tpu.wait_dma2 semaphore(%run_scoped3A : memref<!tpu.dma_semaphore, #tpu.memory_space<semaphore_mem>>) src(%dma_wait3A_259 : memref<128x64xf32, #tpu.memory_space<vmem>>) dst(%dma_wait3A_256 : memref<128x64xf32, #tpu.memory_space<hbm>>)
      tpu.yield
    }) : () -> ()
    %add3A_200 = arith.constant 128 : i32
    %add3A_201 = arith.addi %mul3A_0, %add3A_200 : i32
    "tpu.region"() ({
      %run_scoped3A = tpu.sem_alloc : memref<!tpu.dma_semaphore, #tpu.memory_space<semaphore_mem>>
      %dma_start3A_236 = arith.constant 0 : i32
      %dma_start3A_237 = arith.constant 0 : i32
      %dma_start3A_238 = tpu.memref_slice %arg12[%dma_start3A_236, %dma_start3A_237] : memref<128x64xf32, #tpu.memory_space<vmem>> -> memref<128x64xf32, #tpu.memory_space<vmem>>
      %dma_start3A_239 = arith.constant 0 : i32
      %dma_start3A_240 = tpu.memref_slice %arg16[%add3A_201, %dma_start3A_239] : memref<10112x64xf32, #tpu.memory_space<vmem_shared>> -> memref<128x64xf32, #tpu.memory_space<vmem_shared>>
      %dma_start3A_241 = arith.constant 0 : i32
      %dma_start3A_242 = arith.constant 0 : i32
      %dma_start3A_243 = tpu.memref_slice %arg12[%dma_start3A_241, %dma_start3A_242] : memref<128x64xf32, #tpu.memory_space<vmem>> -> memref<128x64xf32, #tpu.memory_space<vmem>>
      %dma_start3A_244 = arith.constant 0 : i32
      %dma_start3A_245 = tpu.memref_slice %arg16[%add3A_201, %dma_start3A_244] : memref<10112x64xf32, #tpu.memory_space<vmem_shared>> -> memref<128x64xf32, #tpu.memory_space<vmem_shared>>
      tpu.enqueue_dma source(%dma_start3A_245 : memref<128x64xf32, #tpu.memory_space<vmem_shared>>) target(%dma_start3A_243 : memref<128x64xf32, #tpu.memory_space<vmem>>) target_semaphore(%run_scoped3A : memref<!tpu.dma_semaphore, #tpu.memory_space<semaphore_mem>>)
      %dma_wait3A_246 = arith.constant 0 : i32
      %dma_wait3A_247 = arith.constant 0 : i32
      %dma_wait3A_248 = tpu.memref_slice %arg12[%dma_wait3A_246, %dma_wait3A_247] : memref<128x64xf32, #tpu.memory_space<vmem>> -> memref<128x64xf32, #tpu.memory_space<vmem>>
      %dma_wait3A_249 = arith.constant 0 : i32
      %dma_wait3A_250 = tpu.memref_slice %arg16[%add3A_201, %dma_wait3A_249] : memref<10112x64xf32, #tpu.memory_space<vmem_shared>> -> memref<128x64xf32, #tpu.memory_space<vmem_shared>>
      %dma_wait3A_251 = arith.constant 0 : i32
      %dma_wait3A_252 = arith.constant 0 : i32
      %dma_wait3A_253 = tpu.memref_slice %arg12[%dma_wait3A_251, %dma_wait3A_252] : memref<128x64xf32, #tpu.memory_space<vmem>> -> memref<128x64xf32, #tpu.memory_space<vmem>>
      %dma_wait3A_254 = arith.constant 0 : i32
      %dma_wait3A_255 = tpu.memref_slice %arg16[%add3A_201, %dma_wait3A_254] : memref<10112x64xf32, #tpu.memory_space<vmem_shared>> -> memref<128x64xf32, #tpu.memory_space<vmem_shared>>
      tpu.wait_dma2 semaphore(%run_scoped3A : memref<!tpu.dma_semaphore, #tpu.memory_space<semaphore_mem>>) src(%dma_wait3A_255 : memref<128x64xf32, #tpu.memory_space<vmem_shared>>) dst(%dma_wait3A_253 : memref<128x64xf32, #tpu.memory_space<vmem>>)
      tpu.yield
    }) : () -> ()
    %add3A_202 = arith.constant 128 : i32
    %add3A_203 = arith.addi %mul3A_0, %add3A_202 : i32
    "tpu.region"() ({
      %run_scoped3A = tpu.sem_alloc : memref<!tpu.dma_semaphore, #tpu.memory_space<semaphore_mem>>
      %dma_start3A_236 = arith.constant 0 : i32
      %dma_start3A_237 = arith.constant 0 : i32
      %dma_start3A_238 = tpu.memref_slice %arg12[%dma_start3A_236, %dma_start3A_237] : memref<128x64xf32, #tpu.memory_space<vmem>> -> memref<128x64xf32, #tpu.memory_space<vmem>>
      %dma_start3A_239 = arith.constant 0 : i32
      %dma_start3A_240 = tpu.memref_slice %arg8[%arg0, %add3A_203, %dma_start3A_239] : memref<2x10112x64xf32, #tpu.memory_space<hbm>> -> memref<1x128x64xf32, #tpu.memory_space<hbm>>
      %dma_start3A_241 = tpu.memref_squeeze %dma_start3A_240 : memref<1x128x64xf32, #tpu.memory_space<hbm>> -> memref<128x64xf32, #tpu.memory_space<hbm>>
      %dma_start3A_242 = arith.constant 0 : i32
      %dma_start3A_243 = tpu.memref_slice %arg8[%arg0, %add3A_203, %dma_start3A_242] : memref<2x10112x64xf32, #tpu.memory_space<hbm>> -> memref<1x128x64xf32, #tpu.memory_space<hbm>>
      %dma_start3A_244 = tpu.memref_squeeze %dma_start3A_243 : memref<1x128x64xf32, #tpu.memory_space<hbm>> -> memref<128x64xf32, #tpu.memory_space<hbm>>
      %dma_start3A_245 = arith.constant 0 : i32
      %dma_start3A_246 = arith.constant 0 : i32
      %dma_start3A_247 = tpu.memref_slice %arg12[%dma_start3A_245, %dma_start3A_246] : memref<128x64xf32, #tpu.memory_space<vmem>> -> memref<128x64xf32, #tpu.memory_space<vmem>>
      tpu.enqueue_dma source(%dma_start3A_247 : memref<128x64xf32, #tpu.memory_space<vmem>>) target(%dma_start3A_244 : memref<128x64xf32, #tpu.memory_space<hbm>>) target_semaphore(%run_scoped3A : memref<!tpu.dma_semaphore, #tpu.memory_space<semaphore_mem>>)
      %dma_wait3A_248 = arith.constant 0 : i32
      %dma_wait3A_249 = arith.constant 0 : i32
      %dma_wait3A_250 = tpu.memref_slice %arg12[%dma_wait3A_248, %dma_wait3A_249] : memref<128x64xf32, #tpu.memory_space<vmem>> -> memref<128x64xf32, #tpu.memory_space<vmem>>
      %dma_wait3A_251 = arith.constant 0 : i32
      %dma_wait3A_252 = tpu.memref_slice %arg8[%arg0, %add3A_203, %dma_wait3A_251] : memref<2x10112x64xf32, #tpu.memory_space<hbm>> -> memref<1x128x64xf32, #tpu.memory_space<hbm>>
      %dma_wait3A_253 = tpu.memref_squeeze %dma_wait3A_252 : memref<1x128x64xf32, #tpu.memory_space<hbm>> -> memref<128x64xf32, #tpu.memory_space<hbm>>
      %dma_wait3A_254 = arith.constant 0 : i32
      %dma_wait3A_255 = tpu.memref_slice %arg8[%arg0, %add3A_203, %dma_wait3A_254] : memref<2x10112x64xf32, #tpu.memory_space<hbm>> -> memref<1x128x64xf32, #tpu.memory_space<hbm>>
      %dma_wait3A_256 = tpu.memref_squeeze %dma_wait3A_255 : memref<1x128x64xf32, #tpu.memory_space<hbm>> -> memref<128x64xf32, #tpu.memory_space<hbm>>
      %dma_wait3A_257 = arith.constant 0 : i32
      %dma_wait3A_258 = arith.constant 0 : i32
      %dma_wait3A_259 = tpu.memref_slice %arg12[%dma_wait3A_257, %dma_wait3A_258] : memref<128x64xf32, #tpu.memory_space<vmem>> -> memref<128x64xf32, #tpu.memory_space<vmem>>
      tpu.wait_dma2 semaphore(%run_scoped3A : memref<!tpu.dma_semaphore, #tpu.memory_space<semaphore_mem>>) src(%dma_wait3A_259 : memref<128x64xf32, #tpu.memory_space<vmem>>) dst(%dma_wait3A_256 : memref<128x64xf32, #tpu.memory_space<hbm>>)
      tpu.yield
    }) : () -> ()
    %add3A_204 = arith.constant 256 : i32
    %add3A_205 = arith.addi %mul3A_0, %add3A_204 : i32
    "tpu.region"() ({
      %run_scoped3A = tpu.sem_alloc : memref<!tpu.dma_semaphore, #tpu.memory_space<semaphore_mem>>
      %dma_start3A_236 = arith.constant 0 : i32
      %dma_start3A_237 = arith.constant 0 : i32
      %dma_start3A_238 = tpu.memref_slice %arg12[%dma_start3A_236, %dma_start3A_237] : memref<128x64xf32, #tpu.memory_space<vmem>> -> memref<128x64xf32, #tpu.memory_space<vmem>>
      %dma_start3A_239 = arith.constant 0 : i32
      %dma_start3A_240 = tpu.memref_slice %arg16[%add3A_205, %dma_start3A_239] : memref<10112x64xf32, #tpu.memory_space<vmem_shared>> -> memref<128x64xf32, #tpu.memory_space<vmem_shared>>
      %dma_start3A_241 = arith.constant 0 : i32
      %dma_start3A_242 = arith.constant 0 : i32
      %dma_start3A_243 = tpu.memref_slice %arg12[%dma_start3A_241, %dma_start3A_242] : memref<128x64xf32, #tpu.memory_space<vmem>> -> memref<128x64xf32, #tpu.memory_space<vmem>>
      %dma_start3A_244 = arith.constant 0 : i32
      %dma_start3A_245 = tpu.memref_slice %arg16[%add3A_205, %dma_start3A_244] : memref<10112x64xf32, #tpu.memory_space<vmem_shared>> -> memref<128x64xf32, #tpu.memory_space<vmem_shared>>
      tpu.enqueue_dma source(%dma_start3A_245 : memref<128x64xf32, #tpu.memory_space<vmem_shared>>) target(%dma_start3A_243 : memref<128x64xf32, #tpu.memory_space<vmem>>) target_semaphore(%run_scoped3A : memref<!tpu.dma_semaphore, #tpu.memory_space<semaphore_mem>>)
      %dma_wait3A_246 = arith.constant 0 : i32
      %dma_wait3A_247 = arith.constant 0 : i32
      %dma_wait3A_248 = tpu.memref_slice %arg12[%dma_wait3A_246, %dma_wait3A_247] : memref<128x64xf32, #tpu.memory_space<vmem>> -> memref<128x64xf32, #tpu.memory_space<vmem>>
      %dma_wait3A_249 = arith.constant 0 : i32
      %dma_wait3A_250 = tpu.memref_slice %arg16[%add3A_205, %dma_wait3A_249] : memref<10112x64xf32, #tpu.memory_space<vmem_shared>> -> memref<128x64xf32, #tpu.memory_space<vmem_shared>>
      %dma_wait3A_251 = arith.constant 0 : i32
      %dma_wait3A_252 = arith.constant 0 : i32
      %dma_wait3A_253 = tpu.memref_slice %arg12[%dma_wait3A_251, %dma_wait3A_252] : memref<128x64xf32, #tpu.memory_space<vmem>> -> memref<128x64xf32, #tpu.memory_space<vmem>>
      %dma_wait3A_254 = arith.constant 0 : i32
      %dma_wait3A_255 = tpu.memref_slice %arg16[%add3A_205, %dma_wait3A_254] : memref<10112x64xf32, #tpu.memory_space<vmem_shared>> -> memref<128x64xf32, #tpu.memory_space<vmem_shared>>
      tpu.wait_dma2 semaphore(%run_scoped3A : memref<!tpu.dma_semaphore, #tpu.memory_space<semaphore_mem>>) src(%dma_wait3A_255 : memref<128x64xf32, #tpu.memory_space<vmem_shared>>) dst(%dma_wait3A_253 : memref<128x64xf32, #tpu.memory_space<vmem>>)
      tpu.yield
    }) : () -> ()
    %add3A_206 = arith.constant 256 : i32
    %add3A_207 = arith.addi %mul3A_0, %add3A_206 : i32
    "tpu.region"() ({
      %run_scoped3A = tpu.sem_alloc : memref<!tpu.dma_semaphore, #tpu.memory_space<semaphore_mem>>
      %dma_start3A_236 = arith.constant 0 : i32
      %dma_start3A_237 = arith.constant 0 : i32
      %dma_start3A_238 = tpu.memref_slice %arg12[%dma_start3A_236, %dma_start3A_237] : memref<128x64xf32, #tpu.memory_space<vmem>> -> memref<128x64xf32, #tpu.memory_space<vmem>>
      %dma_start3A_239 = arith.constant 0 : i32
      %dma_start3A_240 = tpu.memref_slice %arg8[%arg0, %add3A_207, %dma_start3A_239] : memref<2x10112x64xf32, #tpu.memory_space<hbm>> -> memref<1x128x64xf32, #tpu.memory_space<hbm>>
      %dma_start3A_241 = tpu.memref_squeeze %dma_start3A_240 : memref<1x128x64xf32, #tpu.memory_space<hbm>> -> memref<128x64xf32, #tpu.memory_space<hbm>>
      %dma_start3A_242 = arith.constant 0 : i32
      %dma_start3A_243 = tpu.memref_slice %arg8[%arg0, %add3A_207, %dma_start3A_242] : memref<2x10112x64xf32, #tpu.memory_space<hbm>> -> memref<1x128x64xf32, #tpu.memory_space<hbm>>
      %dma_start3A_244 = tpu.memref_squeeze %dma_start3A_243 : memref<1x128x64xf32, #tpu.memory_space<hbm>> -> memref<128x64xf32, #tpu.memory_space<hbm>>
      %dma_start3A_245 = arith.constant 0 : i32
      %dma_start3A_246 = arith.constant 0 : i32
      %dma_start3A_247 = tpu.memref_slice %arg12[%dma_start3A_245, %dma_start3A_246] : memref<128x64xf32, #tpu.memory_space<vmem>> -> memref<128x64xf32, #tpu.memory_space<vmem>>
      tpu.enqueue_dma source(%dma_start3A_247 : memref<128x64xf32, #tpu.memory_space<vmem>>) target(%dma_start3A_244 : memref<128x64xf32, #tpu.memory_space<hbm>>) target_semaphore(%run_scoped3A : memref<!tpu.dma_semaphore, #tpu.memory_space<semaphore_mem>>)
      %dma_wait3A_248 = arith.constant 0 : i32
      %dma_wait3A_249 = arith.constant 0 : i32
      %dma_wait3A_250 = tpu.memref_slice %arg12[%dma_wait3A_248, %dma_wait3A_249] : memref<128x64xf32, #tpu.memory_space<vmem>> -> memref<128x64xf32, #tpu.memory_space<vmem>>
      %dma_wait3A_251 = arith.constant 0 : i32
      %dma_wait3A_252 = tpu.memref_slice %arg8[%arg0, %add3A_207, %dma_wait3A_251] : memref<2x10112x64xf32, #tpu.memory_space<hbm>> -> memref<1x128x64xf32, #tpu.memory_space<hbm>>
      %dma_wait3A_253 = tpu.memref_squeeze %dma_wait3A_252 : memref<1x128x64xf32, #tpu.memory_space<hbm>> -> memref<128x64xf32, #tpu.memory_space<hbm>>
      %dma_wait3A_254 = arith.constant 0 : i32
      %dma_wait3A_255 = tpu.memref_slice %arg8[%arg0, %add3A_207, %dma_wait3A_254] : memref<2x10112x64xf32, #tpu.memory_space<hbm>> -> memref<1x128x64xf32, #tpu.memory_space<hbm>>
      %dma_wait3A_256 = tpu.memref_squeeze %dma_wait3A_255 : memref<1x128x64xf32, #tpu.memory_space<hbm>> -> memref<128x64xf32, #tpu.memory_space<hbm>>
      %dma_wait3A_257 = arith.constant 0 : i32
      %dma_wait3A_258 = arith.constant 0 : i32
      %dma_wait3A_259 = tpu.memref_slice %arg12[%dma_wait3A_257, %dma_wait3A_258] : memref<128x64xf32, #tpu.memory_space<vmem>> -> memref<128x64xf32, #tpu.memory_space<vmem>>
      tpu.wait_dma2 semaphore(%run_scoped3A : memref<!tpu.dma_semaphore, #tpu.memory_space<semaphore_mem>>) src(%dma_wait3A_259 : memref<128x64xf32, #tpu.memory_space<vmem>>) dst(%dma_wait3A_256 : memref<128x64xf32, #tpu.memory_space<hbm>>)
      tpu.yield
    }) : () -> ()
    %add3A_208 = arith.constant 384 : i32
    %add3A_209 = arith.addi %mul3A_0, %add3A_208 : i32
    "tpu.region"() ({
      %run_scoped3A = tpu.sem_alloc : memref<!tpu.dma_semaphore, #tpu.memory_space<semaphore_mem>>
      %dma_start3A_236 = arith.constant 0 : i32
      %dma_start3A_237 = arith.constant 0 : i32
      %dma_start3A_238 = tpu.memref_slice %arg12[%dma_start3A_236, %dma_start3A_237] : memref<128x64xf32, #tpu.memory_space<vmem>> -> memref<128x64xf32, #tpu.memory_space<vmem>>
      %dma_start3A_239 = arith.constant 0 : i32
      %dma_start3A_240 = tpu.memref_slice %arg16[%add3A_209, %dma_start3A_239] : memref<10112x64xf32, #tpu.memory_space<vmem_shared>> -> memref<128x64xf32, #tpu.memory_space<vmem_shared>>
      %dma_start3A_241 = arith.constant 0 : i32
      %dma_start3A_242 = arith.constant 0 : i32
      %dma_start3A_243 = tpu.memref_slice %arg12[%dma_start3A_241, %dma_start3A_242] : memref<128x64xf32, #tpu.memory_space<vmem>> -> memref<128x64xf32, #tpu.memory_space<vmem>>
      %dma_start3A_244 = arith.constant 0 : i32
      %dma_start3A_245 = tpu.memref_slice %arg16[%add3A_209, %dma_start3A_244] : memref<10112x64xf32, #tpu.memory_space<vmem_shared>> -> memref<128x64xf32, #tpu.memory_space<vmem_shared>>
      tpu.enqueue_dma source(%dma_start3A_245 : memref<128x64xf32, #tpu.memory_space<vmem_shared>>) target(%dma_start3A_243 : memref<128x64xf32, #tpu.memory_space<vmem>>) target_semaphore(%run_scoped3A : memref<!tpu.dma_semaphore, #tpu.memory_space<semaphore_mem>>)
      %dma_wait3A_246 = arith.constant 0 : i32
      %dma_wait3A_247 = arith.constant 0 : i32
      %dma_wait3A_248 = tpu.memref_slice %arg12[%dma_wait3A_246, %dma_wait3A_247] : memref<128x64xf32, #tpu.memory_space<vmem>> -> memref<128x64xf32, #tpu.memory_space<vmem>>
      %dma_wait3A_249 = arith.constant 0 : i32
      %dma_wait3A_250 = tpu.memref_slice %arg16[%add3A_209, %dma_wait3A_249] : memref<10112x64xf32, #tpu.memory_space<vmem_shared>> -> memref<128x64xf32, #tpu.memory_space<vmem_shared>>
      %dma_wait3A_251 = arith.constant 0 : i32
      %dma_wait3A_252 = arith.constant 0 : i32
      %dma_wait3A_253 = tpu.memref_slice %arg12[%dma_wait3A_251, %dma_wait3A_252] : memref<128x64xf32, #tpu.memory_space<vmem>> -> memref<128x64xf32, #tpu.memory_space<vmem>>
      %dma_wait3A_254 = arith.constant 0 : i32
      %dma_wait3A_255 = tpu.memref_slice %arg16[%add3A_209, %dma_wait3A_254] : memref<10112x64xf32, #tpu.memory_space<vmem_shared>> -> memref<128x64xf32, #tpu.memory_space<vmem_shared>>
      tpu.wait_dma2 semaphore(%run_scoped3A : memref<!tpu.dma_semaphore, #tpu.memory_space<semaphore_mem>>) src(%dma_wait3A_255 : memref<128x64xf32, #tpu.memory_space<vmem_shared>>) dst(%dma_wait3A_253 : memref<128x64xf32, #tpu.memory_space<vmem>>)
      tpu.yield
    }) : () -> ()
    %add3A_210 = arith.constant 384 : i32
    %add3A_211 = arith.addi %mul3A_0, %add3A_210 : i32
    "tpu.region"() ({
      %run_scoped3A = tpu.sem_alloc : memref<!tpu.dma_semaphore, #tpu.memory_space<semaphore_mem>>
      %dma_start3A_236 = arith.constant 0 : i32
      %dma_start3A_237 = arith.constant 0 : i32
      %dma_start3A_238 = tpu.memref_slice %arg12[%dma_start3A_236, %dma_start3A_237] : memref<128x64xf32, #tpu.memory_space<vmem>> -> memref<128x64xf32, #tpu.memory_space<vmem>>
      %dma_start3A_239 = arith.constant 0 : i32
      %dma_start3A_240 = tpu.memref_slice %arg8[%arg0, %add3A_211, %dma_start3A_239] : memref<2x10112x64xf32, #tpu.memory_space<hbm>> -> memref<1x128x64xf32, #tpu.memory_space<hbm>>
      %dma_start3A_241 = tpu.memref_squeeze %dma_start3A_240 : memref<1x128x64xf32, #tpu.memory_space<hbm>> -> memref<128x64xf32, #tpu.memory_space<hbm>>
      %dma_start3A_242 = arith.constant 0 : i32
      %dma_start3A_243 = tpu.memref_slice %arg8[%arg0, %add3A_211, %dma_start3A_242] : memref<2x10112x64xf32, #tpu.memory_space<hbm>> -> memref<1x128x64xf32, #tpu.memory_space<hbm>>
      %dma_start3A_244 = tpu.memref_squeeze %dma_start3A_243 : memref<1x128x64xf32, #tpu.memory_space<hbm>> -> memref<128x64xf32, #tpu.memory_space<hbm>>
      %dma_start3A_245 = arith.constant 0 : i32
      %dma_start3A_246 = arith.constant 0 : i32
      %dma_start3A_247 = tpu.memref_slice %arg12[%dma_start3A_245, %dma_start3A_246] : memref<128x64xf32, #tpu.memory_space<vmem>> -> memref<128x64xf32, #tpu.memory_space<vmem>>
      tpu.enqueue_dma source(%dma_start3A_247 : memref<128x64xf32, #tpu.memory_space<vmem>>) target(%dma_start3A_244 : memref<128x64xf32, #tpu.memory_space<hbm>>) target_semaphore(%run_scoped3A : memref<!tpu.dma_semaphore, #tpu.memory_space<semaphore_mem>>)
      %dma_wait3A_248 = arith.constant 0 : i32
      %dma_wait3A_249 = arith.constant 0 : i32
      %dma_wait3A_250 = tpu.memref_slice %arg12[%dma_wait3A_248, %dma_wait3A_249] : memref<128x64xf32, #tpu.memory_space<vmem>> -> memref<128x64xf32, #tpu.memory_space<vmem>>
      %dma_wait3A_251 = arith.constant 0 : i32
      %dma_wait3A_252 = tpu.memref_slice %arg8[%arg0, %add3A_211, %dma_wait3A_251] : memref<2x10112x64xf32, #tpu.memory_space<hbm>> -> memref<1x128x64xf32, #tpu.memory_space<hbm>>
      %dma_wait3A_253 = tpu.memref_squeeze %dma_wait3A_252 : memref<1x128x64xf32, #tpu.memory_space<hbm>> -> memref<128x64xf32, #tpu.memory_space<hbm>>
      %dma_wait3A_254 = arith.constant 0 : i32
      %dma_wait3A_255 = tpu.memref_slice %arg8[%arg0, %add3A_211, %dma_wait3A_254] : memref<2x10112x64xf32, #tpu.memory_space<hbm>> -> memref<1x128x64xf32, #tpu.memory_space<hbm>>
      %dma_wait3A_256 = tpu.memref_squeeze %dma_wait3A_255 : memref<1x128x64xf32, #tpu.memory_space<hbm>> -> memref<128x64xf32, #tpu.memory_space<hbm>>
      %dma_wait3A_257 = arith.constant 0 : i32
      %dma_wait3A_258 = arith.constant 0 : i32
      %dma_wait3A_259 = tpu.memref_slice %arg12[%dma_wait3A_257, %dma_wait3A_258] : memref<128x64xf32, #tpu.memory_space<vmem>> -> memref<128x64xf32, #tpu.memory_space<vmem>>
      tpu.wait_dma2 semaphore(%run_scoped3A : memref<!tpu.dma_semaphore, #tpu.memory_space<semaphore_mem>>) src(%dma_wait3A_259 : memref<128x64xf32, #tpu.memory_space<vmem>>) dst(%dma_wait3A_256 : memref<128x64xf32, #tpu.memory_space<hbm>>)
      tpu.yield
    }) : () -> ()
    %add3A_212 = arith.constant 512 : i32
    %add3A_213 = arith.addi %mul3A_0, %add3A_212 : i32
    "tpu.region"() ({
      %run_scoped3A = tpu.sem_alloc : memref<!tpu.dma_semaphore, #tpu.memory_space<semaphore_mem>>
      %dma_start3A_236 = arith.constant 0 : i32
      %dma_start3A_237 = arith.constant 0 : i32
      %dma_start3A_238 = tpu.memref_slice %arg12[%dma_start3A_236, %dma_start3A_237] : memref<128x64xf32, #tpu.memory_space<vmem>> -> memref<120x64xf32, #tpu.memory_space<vmem>>
      %dma_start3A_239 = arith.constant 0 : i32
      %dma_start3A_240 = tpu.memref_slice %arg16[%add3A_213, %dma_start3A_239] : memref<10112x64xf32, #tpu.memory_space<vmem_shared>> -> memref<120x64xf32, #tpu.memory_space<vmem_shared>>
      %dma_start3A_241 = arith.constant 0 : i32
      %dma_start3A_242 = arith.constant 0 : i32
      %dma_start3A_243 = tpu.memref_slice %arg12[%dma_start3A_241, %dma_start3A_242] : memref<128x64xf32, #tpu.memory_space<vmem>> -> memref<120x64xf32, #tpu.memory_space<vmem>>
      %dma_start3A_244 = arith.constant 0 : i32
      %dma_start3A_245 = tpu.memref_slice %arg16[%add3A_213, %dma_start3A_244] : memref<10112x64xf32, #tpu.memory_space<vmem_shared>> -> memref<120x64xf32, #tpu.memory_space<vmem_shared>>
      tpu.enqueue_dma source(%dma_start3A_245 : memref<120x64xf32, #tpu.memory_space<vmem_shared>>) target(%dma_start3A_243 : memref<120x64xf32, #tpu.memory_space<vmem>>) target_semaphore(%run_scoped3A : memref<!tpu.dma_semaphore, #tpu.memory_space<semaphore_mem>>)
      %dma_wait3A_246 = arith.constant 0 : i32
      %dma_wait3A_247 = arith.constant 0 : i32
      %dma_wait3A_248 = tpu.memref_slice %arg12[%dma_wait3A_246, %dma_wait3A_247] : memref<128x64xf32, #tpu.memory_space<vmem>> -> memref<120x64xf32, #tpu.memory_space<vmem>>
      %dma_wait3A_249 = arith.constant 0 : i32
      %dma_wait3A_250 = tpu.memref_slice %arg16[%add3A_213, %dma_wait3A_249] : memref<10112x64xf32, #tpu.memory_space<vmem_shared>> -> memref<120x64xf32, #tpu.memory_space<vmem_shared>>
      %dma_wait3A_251 = arith.constant 0 : i32
      %dma_wait3A_252 = arith.constant 0 : i32
      %dma_wait3A_253 = tpu.memref_slice %arg12[%dma_wait3A_251, %dma_wait3A_252] : memref<128x64xf32, #tpu.memory_space<vmem>> -> memref<120x64xf32, #tpu.memory_space<vmem>>
      %dma_wait3A_254 = arith.constant 0 : i32
      %dma_wait3A_255 = tpu.memref_slice %arg16[%add3A_213, %dma_wait3A_254] : memref<10112x64xf32, #tpu.memory_space<vmem_shared>> -> memref<120x64xf32, #tpu.memory_space<vmem_shared>>
      tpu.wait_dma2 semaphore(%run_scoped3A : memref<!tpu.dma_semaphore, #tpu.memory_space<semaphore_mem>>) src(%dma_wait3A_255 : memref<120x64xf32, #tpu.memory_space<vmem_shared>>) dst(%dma_wait3A_253 : memref<120x64xf32, #tpu.memory_space<vmem>>)
      tpu.yield
    }) : () -> ()
    %add3A_214 = arith.constant 512 : i32
    %add3A_215 = arith.addi %mul3A_0, %add3A_214 : i32
    "tpu.region"() ({
      %run_scoped3A = tpu.sem_alloc : memref<!tpu.dma_semaphore, #tpu.memory_space<semaphore_mem>>
      %dma_start3A_236 = arith.constant 0 : i32
      %dma_start3A_237 = arith.constant 0 : i32
      %dma_start3A_238 = tpu.memref_slice %arg12[%dma_start3A_236, %dma_start3A_237] : memref<128x64xf32, #tpu.memory_space<vmem>> -> memref<120x64xf32, #tpu.memory_space<vmem>>
      %dma_start3A_239 = arith.constant 0 : i32
      %dma_start3A_240 = tpu.memref_slice %arg8[%arg0, %add3A_215, %dma_start3A_239] : memref<2x10112x64xf32, #tpu.memory_space<hbm>> -> memref<1x120x64xf32, #tpu.memory_space<hbm>>
      %dma_start3A_241 = tpu.memref_squeeze %dma_start3A_240 : memref<1x120x64xf32, #tpu.memory_space<hbm>> -> memref<120x64xf32, #tpu.memory_space<hbm>>
      %dma_start3A_242 = arith.constant 0 : i32
      %dma_start3A_243 = tpu.memref_slice %arg8[%arg0, %add3A_215, %dma_start3A_242] : memref<2x10112x64xf32, #tpu.memory_space<hbm>> -> memref<1x120x64xf32, #tpu.memory_space<hbm>>
      %dma_start3A_244 = tpu.memref_squeeze %dma_start3A_243 : memref<1x120x64xf32, #tpu.memory_space<hbm>> -> memref<120x64xf32, #tpu.memory_space<hbm>>
      %dma_start3A_245 = arith.constant 0 : i32
      %dma_start3A_246 = arith.constant 0 : i32
      %dma_start3A_247 = tpu.memref_slice %arg12[%dma_start3A_245, %dma_start3A_246] : memref<128x64xf32, #tpu.memory_space<vmem>> -> memref<120x64xf32, #tpu.memory_space<vmem>>
      tpu.enqueue_dma source(%dma_start3A_247 : memref<120x64xf32, #tpu.memory_space<vmem>>) target(%dma_start3A_244 : memref<120x64xf32, #tpu.memory_space<hbm>>) target_semaphore(%run_scoped3A : memref<!tpu.dma_semaphore, #tpu.memory_space<semaphore_mem>>)
      %dma_wait3A_248 = arith.constant 0 : i32
      %dma_wait3A_249 = arith.constant 0 : i32
      %dma_wait3A_250 = tpu.memref_slice %arg12[%dma_wait3A_248, %dma_wait3A_249] : memref<128x64xf32, #tpu.memory_space<vmem>> -> memref<120x64xf32, #tpu.memory_space<vmem>>
      %dma_wait3A_251 = arith.constant 0 : i32
      %dma_wait3A_252 = tpu.memref_slice %arg8[%arg0, %add3A_215, %dma_wait3A_251] : memref<2x10112x64xf32, #tpu.memory_space<hbm>> -> memref<1x120x64xf32, #tpu.memory_space<hbm>>
      %dma_wait3A_253 = tpu.memref_squeeze %dma_wait3A_252 : memref<1x120x64xf32, #tpu.memory_space<hbm>> -> memref<120x64xf32, #tpu.memory_space<hbm>>
      %dma_wait3A_254 = arith.constant 0 : i32
      %dma_wait3A_255 = tpu.memref_slice %arg8[%arg0, %add3A_215, %dma_wait3A_254] : memref<2x10112x64xf32, #tpu.memory_space<hbm>> -> memref<1x120x64xf32, #tpu.memory_space<hbm>>
      %dma_wait3A_256 = tpu.memref_squeeze %dma_wait3A_255 : memref<1x120x64xf32, #tpu.memory_space<hbm>> -> memref<120x64xf32, #tpu.memory_space<hbm>>
      %dma_wait3A_257 = arith.constant 0 : i32
      %dma_wait3A_258 = arith.constant 0 : i32
      %dma_wait3A_259 = tpu.memref_slice %arg12[%dma_wait3A_257, %dma_wait3A_258] : memref<128x64xf32, #tpu.memory_space<vmem>> -> memref<120x64xf32, #tpu.memory_space<vmem>>
      tpu.wait_dma2 semaphore(%run_scoped3A : memref<!tpu.dma_semaphore, #tpu.memory_space<semaphore_mem>>) src(%dma_wait3A_259 : memref<120x64xf32, #tpu.memory_space<vmem>>) dst(%dma_wait3A_256 : memref<120x64xf32, #tpu.memory_space<hbm>>)
      tpu.yield
    }) : () -> ()
    %add3A_216 = arith.constant 0 : i32
    %add3A_217 = arith.addi %mul3A_0, %add3A_216 : i32
    "tpu.region"() ({
      %run_scoped3A = tpu.sem_alloc : memref<!tpu.dma_semaphore, #tpu.memory_space<semaphore_mem>>
      %dma_start3A_236 = arith.constant 0 : i32
      %dma_start3A_237 = arith.constant 0 : i32
      %dma_start3A_238 = tpu.memref_slice %arg22[%dma_start3A_236, %dma_start3A_237] : memref<128x16xf32, #tpu.memory_space<vmem>> -> memref<128x16xf32, #tpu.memory_space<vmem>>
      %dma_start3A_239 = arith.constant 0 : i32
      %dma_start3A_240 = tpu.memref_slice %arg23[%add3A_217, %dma_start3A_239] : memref<10112x16xf32, #tpu.memory_space<vmem_shared>> -> memref<128x16xf32, #tpu.memory_space<vmem_shared>>
      %dma_start3A_241 = arith.constant 0 : i32
      %dma_start3A_242 = arith.constant 0 : i32
      %dma_start3A_243 = tpu.memref_slice %arg22[%dma_start3A_241, %dma_start3A_242] : memref<128x16xf32, #tpu.memory_space<vmem>> -> memref<128x16xf32, #tpu.memory_space<vmem>>
      %dma_start3A_244 = arith.constant 0 : i32
      %dma_start3A_245 = tpu.memref_slice %arg23[%add3A_217, %dma_start3A_244] : memref<10112x16xf32, #tpu.memory_space<vmem_shared>> -> memref<128x16xf32, #tpu.memory_space<vmem_shared>>
      tpu.enqueue_dma source(%dma_start3A_245 : memref<128x16xf32, #tpu.memory_space<vmem_shared>>) target(%dma_start3A_243 : memref<128x16xf32, #tpu.memory_space<vmem>>) target_semaphore(%run_scoped3A : memref<!tpu.dma_semaphore, #tpu.memory_space<semaphore_mem>>)
      %dma_wait3A_246 = arith.constant 0 : i32
      %dma_wait3A_247 = arith.constant 0 : i32
      %dma_wait3A_248 = tpu.memref_slice %arg22[%dma_wait3A_246, %dma_wait3A_247] : memref<128x16xf32, #tpu.memory_space<vmem>> -> memref<128x16xf32, #tpu.memory_space<vmem>>
      %dma_wait3A_249 = arith.constant 0 : i32
      %dma_wait3A_250 = tpu.memref_slice %arg23[%add3A_217, %dma_wait3A_249] : memref<10112x16xf32, #tpu.memory_space<vmem_shared>> -> memref<128x16xf32, #tpu.memory_space<vmem_shared>>
      %dma_wait3A_251 = arith.constant 0 : i32
      %dma_wait3A_252 = arith.constant 0 : i32
      %dma_wait3A_253 = tpu.memref_slice %arg22[%dma_wait3A_251, %dma_wait3A_252] : memref<128x16xf32, #tpu.memory_space<vmem>> -> memref<128x16xf32, #tpu.memory_space<vmem>>
      %dma_wait3A_254 = arith.constant 0 : i32
      %dma_wait3A_255 = tpu.memref_slice %arg23[%add3A_217, %dma_wait3A_254] : memref<10112x16xf32, #tpu.memory_space<vmem_shared>> -> memref<128x16xf32, #tpu.memory_space<vmem_shared>>
      tpu.wait_dma2 semaphore(%run_scoped3A : memref<!tpu.dma_semaphore, #tpu.memory_space<semaphore_mem>>) src(%dma_wait3A_255 : memref<128x16xf32, #tpu.memory_space<vmem_shared>>) dst(%dma_wait3A_253 : memref<128x16xf32, #tpu.memory_space<vmem>>)
      tpu.yield
    }) : () -> ()
    %add3A_218 = arith.constant 0 : i32
    %add3A_219 = arith.addi %mul3A_0, %add3A_218 : i32
    "tpu.region"() ({
      %run_scoped3A = tpu.sem_alloc : memref<!tpu.dma_semaphore, #tpu.memory_space<semaphore_mem>>
      %dma_start3A_236 = arith.constant 0 : i32
      %dma_start3A_237 = arith.constant 0 : i32
      %dma_start3A_238 = tpu.memref_slice %arg22[%dma_start3A_236, %dma_start3A_237] : memref<128x16xf32, #tpu.memory_space<vmem>> -> memref<128x16xf32, #tpu.memory_space<vmem>>
      %dma_start3A_239 = arith.constant 0 : i32
      %dma_start3A_240 = tpu.memref_slice %arg9[%arg0, %add3A_219, %dma_start3A_239] : memref<2x10112x16xf32, #tpu.memory_space<hbm>> -> memref<1x128x16xf32, #tpu.memory_space<hbm>>
      %dma_start3A_241 = tpu.memref_squeeze %dma_start3A_240 : memref<1x128x16xf32, #tpu.memory_space<hbm>> -> memref<128x16xf32, #tpu.memory_space<hbm>>
      %dma_start3A_242 = arith.constant 0 : i32
      %dma_start3A_243 = tpu.memref_slice %arg9[%arg0, %add3A_219, %dma_start3A_242] : memref<2x10112x16xf32, #tpu.memory_space<hbm>> -> memref<1x128x16xf32, #tpu.memory_space<hbm>>
      %dma_start3A_244 = tpu.memref_squeeze %dma_start3A_243 : memref<1x128x16xf32, #tpu.memory_space<hbm>> -> memref<128x16xf32, #tpu.memory_space<hbm>>
      %dma_start3A_245 = arith.constant 0 : i32
      %dma_start3A_246 = arith.constant 0 : i32
      %dma_start3A_247 = tpu.memref_slice %arg22[%dma_start3A_245, %dma_start3A_246] : memref<128x16xf32, #tpu.memory_space<vmem>> -> memref<128x16xf32, #tpu.memory_space<vmem>>
      tpu.enqueue_dma source(%dma_start3A_247 : memref<128x16xf32, #tpu.memory_space<vmem>>) target(%dma_start3A_244 : memref<128x16xf32, #tpu.memory_space<hbm>>) target_semaphore(%run_scoped3A : memref<!tpu.dma_semaphore, #tpu.memory_space<semaphore_mem>>)
      %dma_wait3A_248 = arith.constant 0 : i32
      %dma_wait3A_249 = arith.constant 0 : i32
      %dma_wait3A_250 = tpu.memref_slice %arg22[%dma_wait3A_248, %dma_wait3A_249] : memref<128x16xf32, #tpu.memory_space<vmem>> -> memref<128x16xf32, #tpu.memory_space<vmem>>
      %dma_wait3A_251 = arith.constant 0 : i32
      %dma_wait3A_252 = tpu.memref_slice %arg9[%arg0, %add3A_219, %dma_wait3A_251] : memref<2x10112x16xf32, #tpu.memory_space<hbm>> -> memref<1x128x16xf32, #tpu.memory_space<hbm>>
      %dma_wait3A_253 = tpu.memref_squeeze %dma_wait3A_252 : memref<1x128x16xf32, #tpu.memory_space<hbm>> -> memref<128x16xf32, #tpu.memory_space<hbm>>
      %dma_wait3A_254 = arith.constant 0 : i32
      %dma_wait3A_255 = tpu.memref_slice %arg9[%arg0, %add3A_219, %dma_wait3A_254] : memref<2x10112x16xf32, #tpu.memory_space<hbm>> -> memref<1x128x16xf32, #tpu.memory_space<hbm>>
      %dma_wait3A_256 = tpu.memref_squeeze %dma_wait3A_255 : memref<1x128x16xf32, #tpu.memory_space<hbm>> -> memref<128x16xf32, #tpu.memory_space<hbm>>
      %dma_wait3A_257 = arith.constant 0 : i32
      %dma_wait3A_258 = arith.constant 0 : i32
      %dma_wait3A_259 = tpu.memref_slice %arg22[%dma_wait3A_257, %dma_wait3A_258] : memref<128x16xf32, #tpu.memory_space<vmem>> -> memref<128x16xf32, #tpu.memory_space<vmem>>
      tpu.wait_dma2 semaphore(%run_scoped3A : memref<!tpu.dma_semaphore, #tpu.memory_space<semaphore_mem>>) src(%dma_wait3A_259 : memref<128x16xf32, #tpu.memory_space<vmem>>) dst(%dma_wait3A_256 : memref<128x16xf32, #tpu.memory_space<hbm>>)
      tpu.yield
    }) : () -> ()
    %add3A_220 = arith.constant 128 : i32
    %add3A_221 = arith.addi %mul3A_0, %add3A_220 : i32
    "tpu.region"() ({
      %run_scoped3A = tpu.sem_alloc : memref<!tpu.dma_semaphore, #tpu.memory_space<semaphore_mem>>
      %dma_start3A_236 = arith.constant 0 : i32
      %dma_start3A_237 = arith.constant 0 : i32
      %dma_start3A_238 = tpu.memref_slice %arg22[%dma_start3A_236, %dma_start3A_237] : memref<128x16xf32, #tpu.memory_space<vmem>> -> memref<128x16xf32, #tpu.memory_space<vmem>>
      %dma_start3A_239 = arith.constant 0 : i32
      %dma_start3A_240 = tpu.memref_slice %arg23[%add3A_221, %dma_start3A_239] : memref<10112x16xf32, #tpu.memory_space<vmem_shared>> -> memref<128x16xf32, #tpu.memory_space<vmem_shared>>
      %dma_start3A_241 = arith.constant 0 : i32
      %dma_start3A_242 = arith.constant 0 : i32
      %dma_start3A_243 = tpu.memref_slice %arg22[%dma_start3A_241, %dma_start3A_242] : memref<128x16xf32, #tpu.memory_space<vmem>> -> memref<128x16xf32, #tpu.memory_space<vmem>>
      %dma_start3A_244 = arith.constant 0 : i32
      %dma_start3A_245 = tpu.memref_slice %arg23[%add3A_221, %dma_start3A_244] : memref<10112x16xf32, #tpu.memory_space<vmem_shared>> -> memref<128x16xf32, #tpu.memory_space<vmem_shared>>
      tpu.enqueue_dma source(%dma_start3A_245 : memref<128x16xf32, #tpu.memory_space<vmem_shared>>) target(%dma_start3A_243 : memref<128x16xf32, #tpu.memory_space<vmem>>) target_semaphore(%run_scoped3A : memref<!tpu.dma_semaphore, #tpu.memory_space<semaphore_mem>>)
      %dma_wait3A_246 = arith.constant 0 : i32
      %dma_wait3A_247 = arith.constant 0 : i32
      %dma_wait3A_248 = tpu.memref_slice %arg22[%dma_wait3A_246, %dma_wait3A_247] : memref<128x16xf32, #tpu.memory_space<vmem>> -> memref<128x16xf32, #tpu.memory_space<vmem>>
      %dma_wait3A_249 = arith.constant 0 : i32
      %dma_wait3A_250 = tpu.memref_slice %arg23[%add3A_221, %dma_wait3A_249] : memref<10112x16xf32, #tpu.memory_space<vmem_shared>> -> memref<128x16xf32, #tpu.memory_space<vmem_shared>>
      %dma_wait3A_251 = arith.constant 0 : i32
      %dma_wait3A_252 = arith.constant 0 : i32
      %dma_wait3A_253 = tpu.memref_slice %arg22[%dma_wait3A_251, %dma_wait3A_252] : memref<128x16xf32, #tpu.memory_space<vmem>> -> memref<128x16xf32, #tpu.memory_space<vmem>>
      %dma_wait3A_254 = arith.constant 0 : i32
      %dma_wait3A_255 = tpu.memref_slice %arg23[%add3A_221, %dma_wait3A_254] : memref<10112x16xf32, #tpu.memory_space<vmem_shared>> -> memref<128x16xf32, #tpu.memory_space<vmem_shared>>
      tpu.wait_dma2 semaphore(%run_scoped3A : memref<!tpu.dma_semaphore, #tpu.memory_space<semaphore_mem>>) src(%dma_wait3A_255 : memref<128x16xf32, #tpu.memory_space<vmem_shared>>) dst(%dma_wait3A_253 : memref<128x16xf32, #tpu.memory_space<vmem>>)
      tpu.yield
    }) : () -> ()
    %add3A_222 = arith.constant 128 : i32
    %add3A_223 = arith.addi %mul3A_0, %add3A_222 : i32
    "tpu.region"() ({
      %run_scoped3A = tpu.sem_alloc : memref<!tpu.dma_semaphore, #tpu.memory_space<semaphore_mem>>
      %dma_start3A_236 = arith.constant 0 : i32
      %dma_start3A_237 = arith.constant 0 : i32
      %dma_start3A_238 = tpu.memref_slice %arg22[%dma_start3A_236, %dma_start3A_237] : memref<128x16xf32, #tpu.memory_space<vmem>> -> memref<128x16xf32, #tpu.memory_space<vmem>>
      %dma_start3A_239 = arith.constant 0 : i32
      %dma_start3A_240 = tpu.memref_slice %arg9[%arg0, %add3A_223, %dma_start3A_239] : memref<2x10112x16xf32, #tpu.memory_space<hbm>> -> memref<1x128x16xf32, #tpu.memory_space<hbm>>
      %dma_start3A_241 = tpu.memref_squeeze %dma_start3A_240 : memref<1x128x16xf32, #tpu.memory_space<hbm>> -> memref<128x16xf32, #tpu.memory_space<hbm>>
      %dma_start3A_242 = arith.constant 0 : i32
      %dma_start3A_243 = tpu.memref_slice %arg9[%arg0, %add3A_223, %dma_start3A_242] : memref<2x10112x16xf32, #tpu.memory_space<hbm>> -> memref<1x128x16xf32, #tpu.memory_space<hbm>>
      %dma_start3A_244 = tpu.memref_squeeze %dma_start3A_243 : memref<1x128x16xf32, #tpu.memory_space<hbm>> -> memref<128x16xf32, #tpu.memory_space<hbm>>
      %dma_start3A_245 = arith.constant 0 : i32
      %dma_start3A_246 = arith.constant 0 : i32
      %dma_start3A_247 = tpu.memref_slice %arg22[%dma_start3A_245, %dma_start3A_246] : memref<128x16xf32, #tpu.memory_space<vmem>> -> memref<128x16xf32, #tpu.memory_space<vmem>>
      tpu.enqueue_dma source(%dma_start3A_247 : memref<128x16xf32, #tpu.memory_space<vmem>>) target(%dma_start3A_244 : memref<128x16xf32, #tpu.memory_space<hbm>>) target_semaphore(%run_scoped3A : memref<!tpu.dma_semaphore, #tpu.memory_space<semaphore_mem>>)
      %dma_wait3A_248 = arith.constant 0 : i32
      %dma_wait3A_249 = arith.constant 0 : i32
      %dma_wait3A_250 = tpu.memref_slice %arg22[%dma_wait3A_248, %dma_wait3A_249] : memref<128x16xf32, #tpu.memory_space<vmem>> -> memref<128x16xf32, #tpu.memory_space<vmem>>
      %dma_wait3A_251 = arith.constant 0 : i32
      %dma_wait3A_252 = tpu.memref_slice %arg9[%arg0, %add3A_223, %dma_wait3A_251] : memref<2x10112x16xf32, #tpu.memory_space<hbm>> -> memref<1x128x16xf32, #tpu.memory_space<hbm>>
      %dma_wait3A_253 = tpu.memref_squeeze %dma_wait3A_252 : memref<1x128x16xf32, #tpu.memory_space<hbm>> -> memref<128x16xf32, #tpu.memory_space<hbm>>
      %dma_wait3A_254 = arith.constant 0 : i32
      %dma_wait3A_255 = tpu.memref_slice %arg9[%arg0, %add3A_223, %dma_wait3A_254] : memref<2x10112x16xf32, #tpu.memory_space<hbm>> -> memref<1x128x16xf32, #tpu.memory_space<hbm>>
      %dma_wait3A_256 = tpu.memref_squeeze %dma_wait3A_255 : memref<1x128x16xf32, #tpu.memory_space<hbm>> -> memref<128x16xf32, #tpu.memory_space<hbm>>
      %dma_wait3A_257 = arith.constant 0 : i32
      %dma_wait3A_258 = arith.constant 0 : i32
      %dma_wait3A_259 = tpu.memref_slice %arg22[%dma_wait3A_257, %dma_wait3A_258] : memref<128x16xf32, #tpu.memory_space<vmem>> -> memref<128x16xf32, #tpu.memory_space<vmem>>
      tpu.wait_dma2 semaphore(%run_scoped3A : memref<!tpu.dma_semaphore, #tpu.memory_space<semaphore_mem>>) src(%dma_wait3A_259 : memref<128x16xf32, #tpu.memory_space<vmem>>) dst(%dma_wait3A_256 : memref<128x16xf32, #tpu.memory_space<hbm>>)
      tpu.yield
    }) : () -> ()
    %add3A_224 = arith.constant 256 : i32
    %add3A_225 = arith.addi %mul3A_0, %add3A_224 : i32
    "tpu.region"() ({
      %run_scoped3A = tpu.sem_alloc : memref<!tpu.dma_semaphore, #tpu.memory_space<semaphore_mem>>
      %dma_start3A_236 = arith.constant 0 : i32
      %dma_start3A_237 = arith.constant 0 : i32
      %dma_start3A_238 = tpu.memref_slice %arg22[%dma_start3A_236, %dma_start3A_237] : memref<128x16xf32, #tpu.memory_space<vmem>> -> memref<128x16xf32, #tpu.memory_space<vmem>>
      %dma_start3A_239 = arith.constant 0 : i32
      %dma_start3A_240 = tpu.memref_slice %arg23[%add3A_225, %dma_start3A_239] : memref<10112x16xf32, #tpu.memory_space<vmem_shared>> -> memref<128x16xf32, #tpu.memory_space<vmem_shared>>
      %dma_start3A_241 = arith.constant 0 : i32
      %dma_start3A_242 = arith.constant 0 : i32
      %dma_start3A_243 = tpu.memref_slice %arg22[%dma_start3A_241, %dma_start3A_242] : memref<128x16xf32, #tpu.memory_space<vmem>> -> memref<128x16xf32, #tpu.memory_space<vmem>>
      %dma_start3A_244 = arith.constant 0 : i32
      %dma_start3A_245 = tpu.memref_slice %arg23[%add3A_225, %dma_start3A_244] : memref<10112x16xf32, #tpu.memory_space<vmem_shared>> -> memref<128x16xf32, #tpu.memory_space<vmem_shared>>
      tpu.enqueue_dma source(%dma_start3A_245 : memref<128x16xf32, #tpu.memory_space<vmem_shared>>) target(%dma_start3A_243 : memref<128x16xf32, #tpu.memory_space<vmem>>) target_semaphore(%run_scoped3A : memref<!tpu.dma_semaphore, #tpu.memory_space<semaphore_mem>>)
      %dma_wait3A_246 = arith.constant 0 : i32
      %dma_wait3A_247 = arith.constant 0 : i32
      %dma_wait3A_248 = tpu.memref_slice %arg22[%dma_wait3A_246, %dma_wait3A_247] : memref<128x16xf32, #tpu.memory_space<vmem>> -> memref<128x16xf32, #tpu.memory_space<vmem>>
      %dma_wait3A_249 = arith.constant 0 : i32
      %dma_wait3A_250 = tpu.memref_slice %arg23[%add3A_225, %dma_wait3A_249] : memref<10112x16xf32, #tpu.memory_space<vmem_shared>> -> memref<128x16xf32, #tpu.memory_space<vmem_shared>>
      %dma_wait3A_251 = arith.constant 0 : i32
      %dma_wait3A_252 = arith.constant 0 : i32
      %dma_wait3A_253 = tpu.memref_slice %arg22[%dma_wait3A_251, %dma_wait3A_252] : memref<128x16xf32, #tpu.memory_space<vmem>> -> memref<128x16xf32, #tpu.memory_space<vmem>>
      %dma_wait3A_254 = arith.constant 0 : i32
      %dma_wait3A_255 = tpu.memref_slice %arg23[%add3A_225, %dma_wait3A_254] : memref<10112x16xf32, #tpu.memory_space<vmem_shared>> -> memref<128x16xf32, #tpu.memory_space<vmem_shared>>
      tpu.wait_dma2 semaphore(%run_scoped3A : memref<!tpu.dma_semaphore, #tpu.memory_space<semaphore_mem>>) src(%dma_wait3A_255 : memref<128x16xf32, #tpu.memory_space<vmem_shared>>) dst(%dma_wait3A_253 : memref<128x16xf32, #tpu.memory_space<vmem>>)
      tpu.yield
    }) : () -> ()
    %add3A_226 = arith.constant 256 : i32
    %add3A_227 = arith.addi %mul3A_0, %add3A_226 : i32
    "tpu.region"() ({
      %run_scoped3A = tpu.sem_alloc : memref<!tpu.dma_semaphore, #tpu.memory_space<semaphore_mem>>
      %dma_start3A_236 = arith.constant 0 : i32
      %dma_start3A_237 = arith.constant 0 : i32
      %dma_start3A_238 = tpu.memref_slice %arg22[%dma_start3A_236, %dma_start3A_237] : memref<128x16xf32, #tpu.memory_space<vmem>> -> memref<128x16xf32, #tpu.memory_space<vmem>>
      %dma_start3A_239 = arith.constant 0 : i32
      %dma_start3A_240 = tpu.memref_slice %arg9[%arg0, %add3A_227, %dma_start3A_239] : memref<2x10112x16xf32, #tpu.memory_space<hbm>> -> memref<1x128x16xf32, #tpu.memory_space<hbm>>
      %dma_start3A_241 = tpu.memref_squeeze %dma_start3A_240 : memref<1x128x16xf32, #tpu.memory_space<hbm>> -> memref<128x16xf32, #tpu.memory_space<hbm>>
      %dma_start3A_242 = arith.constant 0 : i32
      %dma_start3A_243 = tpu.memref_slice %arg9[%arg0, %add3A_227, %dma_start3A_242] : memref<2x10112x16xf32, #tpu.memory_space<hbm>> -> memref<1x128x16xf32, #tpu.memory_space<hbm>>
      %dma_start3A_244 = tpu.memref_squeeze %dma_start3A_243 : memref<1x128x16xf32, #tpu.memory_space<hbm>> -> memref<128x16xf32, #tpu.memory_space<hbm>>
      %dma_start3A_245 = arith.constant 0 : i32
      %dma_start3A_246 = arith.constant 0 : i32
      %dma_start3A_247 = tpu.memref_slice %arg22[%dma_start3A_245, %dma_start3A_246] : memref<128x16xf32, #tpu.memory_space<vmem>> -> memref<128x16xf32, #tpu.memory_space<vmem>>
      tpu.enqueue_dma source(%dma_start3A_247 : memref<128x16xf32, #tpu.memory_space<vmem>>) target(%dma_start3A_244 : memref<128x16xf32, #tpu.memory_space<hbm>>) target_semaphore(%run_scoped3A : memref<!tpu.dma_semaphore, #tpu.memory_space<semaphore_mem>>)
      %dma_wait3A_248 = arith.constant 0 : i32
      %dma_wait3A_249 = arith.constant 0 : i32
      %dma_wait3A_250 = tpu.memref_slice %arg22[%dma_wait3A_248, %dma_wait3A_249] : memref<128x16xf32, #tpu.memory_space<vmem>> -> memref<128x16xf32, #tpu.memory_space<vmem>>
      %dma_wait3A_251 = arith.constant 0 : i32
      %dma_wait3A_252 = tpu.memref_slice %arg9[%arg0, %add3A_227, %dma_wait3A_251] : memref<2x10112x16xf32, #tpu.memory_space<hbm>> -> memref<1x128x16xf32, #tpu.memory_space<hbm>>
      %dma_wait3A_253 = tpu.memref_squeeze %dma_wait3A_252 : memref<1x128x16xf32, #tpu.memory_space<hbm>> -> memref<128x16xf32, #tpu.memory_space<hbm>>
      %dma_wait3A_254 = arith.constant 0 : i32
      %dma_wait3A_255 = tpu.memref_slice %arg9[%arg0, %add3A_227, %dma_wait3A_254] : memref<2x10112x16xf32, #tpu.memory_space<hbm>> -> memref<1x128x16xf32, #tpu.memory_space<hbm>>
      %dma_wait3A_256 = tpu.memref_squeeze %dma_wait3A_255 : memref<1x128x16xf32, #tpu.memory_space<hbm>> -> memref<128x16xf32, #tpu.memory_space<hbm>>
      %dma_wait3A_257 = arith.constant 0 : i32
      %dma_wait3A_258 = arith.constant 0 : i32
      %dma_wait3A_259 = tpu.memref_slice %arg22[%dma_wait3A_257, %dma_wait3A_258] : memref<128x16xf32, #tpu.memory_space<vmem>> -> memref<128x16xf32, #tpu.memory_space<vmem>>
      tpu.wait_dma2 semaphore(%run_scoped3A : memref<!tpu.dma_semaphore, #tpu.memory_space<semaphore_mem>>) src(%dma_wait3A_259 : memref<128x16xf32, #tpu.memory_space<vmem>>) dst(%dma_wait3A_256 : memref<128x16xf32, #tpu.memory_space<hbm>>)
      tpu.yield
    }) : () -> ()
    %add3A_228 = arith.constant 384 : i32
    %add3A_229 = arith.addi %mul3A_0, %add3A_228 : i32
    "tpu.region"() ({
      %run_scoped3A = tpu.sem_alloc : memref<!tpu.dma_semaphore, #tpu.memory_space<semaphore_mem>>
      %dma_start3A_236 = arith.constant 0 : i32
      %dma_start3A_237 = arith.constant 0 : i32
      %dma_start3A_238 = tpu.memref_slice %arg22[%dma_start3A_236, %dma_start3A_237] : memref<128x16xf32, #tpu.memory_space<vmem>> -> memref<128x16xf32, #tpu.memory_space<vmem>>
      %dma_start3A_239 = arith.constant 0 : i32
      %dma_start3A_240 = tpu.memref_slice %arg23[%add3A_229, %dma_start3A_239] : memref<10112x16xf32, #tpu.memory_space<vmem_shared>> -> memref<128x16xf32, #tpu.memory_space<vmem_shared>>
      %dma_start3A_241 = arith.constant 0 : i32
      %dma_start3A_242 = arith.constant 0 : i32
      %dma_start3A_243 = tpu.memref_slice %arg22[%dma_start3A_241, %dma_start3A_242] : memref<128x16xf32, #tpu.memory_space<vmem>> -> memref<128x16xf32, #tpu.memory_space<vmem>>
      %dma_start3A_244 = arith.constant 0 : i32
      %dma_start3A_245 = tpu.memref_slice %arg23[%add3A_229, %dma_start3A_244] : memref<10112x16xf32, #tpu.memory_space<vmem_shared>> -> memref<128x16xf32, #tpu.memory_space<vmem_shared>>
      tpu.enqueue_dma source(%dma_start3A_245 : memref<128x16xf32, #tpu.memory_space<vmem_shared>>) target(%dma_start3A_243 : memref<128x16xf32, #tpu.memory_space<vmem>>) target_semaphore(%run_scoped3A : memref<!tpu.dma_semaphore, #tpu.memory_space<semaphore_mem>>)
      %dma_wait3A_246 = arith.constant 0 : i32
      %dma_wait3A_247 = arith.constant 0 : i32
      %dma_wait3A_248 = tpu.memref_slice %arg22[%dma_wait3A_246, %dma_wait3A_247] : memref<128x16xf32, #tpu.memory_space<vmem>> -> memref<128x16xf32, #tpu.memory_space<vmem>>
      %dma_wait3A_249 = arith.constant 0 : i32
      %dma_wait3A_250 = tpu.memref_slice %arg23[%add3A_229, %dma_wait3A_249] : memref<10112x16xf32, #tpu.memory_space<vmem_shared>> -> memref<128x16xf32, #tpu.memory_space<vmem_shared>>
      %dma_wait3A_251 = arith.constant 0 : i32
      %dma_wait3A_252 = arith.constant 0 : i32
      %dma_wait3A_253 = tpu.memref_slice %arg22[%dma_wait3A_251, %dma_wait3A_252] : memref<128x16xf32, #tpu.memory_space<vmem>> -> memref<128x16xf32, #tpu.memory_space<vmem>>
      %dma_wait3A_254 = arith.constant 0 : i32
      %dma_wait3A_255 = tpu.memref_slice %arg23[%add3A_229, %dma_wait3A_254] : memref<10112x16xf32, #tpu.memory_space<vmem_shared>> -> memref<128x16xf32, #tpu.memory_space<vmem_shared>>
      tpu.wait_dma2 semaphore(%run_scoped3A : memref<!tpu.dma_semaphore, #tpu.memory_space<semaphore_mem>>) src(%dma_wait3A_255 : memref<128x16xf32, #tpu.memory_space<vmem_shared>>) dst(%dma_wait3A_253 : memref<128x16xf32, #tpu.memory_space<vmem>>)
      tpu.yield
    }) : () -> ()
    %add3A_230 = arith.constant 384 : i32
    %add3A_231 = arith.addi %mul3A_0, %add3A_230 : i32
    "tpu.region"() ({
      %run_scoped3A = tpu.sem_alloc : memref<!tpu.dma_semaphore, #tpu.memory_space<semaphore_mem>>
      %dma_start3A_236 = arith.constant 0 : i32
      %dma_start3A_237 = arith.constant 0 : i32
      %dma_start3A_238 = tpu.memref_slice %arg22[%dma_start3A_236, %dma_start3A_237] : memref<128x16xf32, #tpu.memory_space<vmem>> -> memref<128x16xf32, #tpu.memory_space<vmem>>
      %dma_start3A_239 = arith.constant 0 : i32
      %dma_start3A_240 = tpu.memref_slice %arg9[%arg0, %add3A_231, %dma_start3A_239] : memref<2x10112x16xf32, #tpu.memory_space<hbm>> -> memref<1x128x16xf32, #tpu.memory_space<hbm>>
      %dma_start3A_241 = tpu.memref_squeeze %dma_start3A_240 : memref<1x128x16xf32, #tpu.memory_space<hbm>> -> memref<128x16xf32, #tpu.memory_space<hbm>>
      %dma_start3A_242 = arith.constant 0 : i32
      %dma_start3A_243 = tpu.memref_slice %arg9[%arg0, %add3A_231, %dma_start3A_242] : memref<2x10112x16xf32, #tpu.memory_space<hbm>> -> memref<1x128x16xf32, #tpu.memory_space<hbm>>
      %dma_start3A_244 = tpu.memref_squeeze %dma_start3A_243 : memref<1x128x16xf32, #tpu.memory_space<hbm>> -> memref<128x16xf32, #tpu.memory_space<hbm>>
      %dma_start3A_245 = arith.constant 0 : i32
      %dma_start3A_246 = arith.constant 0 : i32
      %dma_start3A_247 = tpu.memref_slice %arg22[%dma_start3A_245, %dma_start3A_246] : memref<128x16xf32, #tpu.memory_space<vmem>> -> memref<128x16xf32, #tpu.memory_space<vmem>>
      tpu.enqueue_dma source(%dma_start3A_247 : memref<128x16xf32, #tpu.memory_space<vmem>>) target(%dma_start3A_244 : memref<128x16xf32, #tpu.memory_space<hbm>>) target_semaphore(%run_scoped3A : memref<!tpu.dma_semaphore, #tpu.memory_space<semaphore_mem>>)
      %dma_wait3A_248 = arith.constant 0 : i32
      %dma_wait3A_249 = arith.constant 0 : i32
      %dma_wait3A_250 = tpu.memref_slice %arg22[%dma_wait3A_248, %dma_wait3A_249] : memref<128x16xf32, #tpu.memory_space<vmem>> -> memref<128x16xf32, #tpu.memory_space<vmem>>
      %dma_wait3A_251 = arith.constant 0 : i32
      %dma_wait3A_252 = tpu.memref_slice %arg9[%arg0, %add3A_231, %dma_wait3A_251] : memref<2x10112x16xf32, #tpu.memory_space<hbm>> -> memref<1x128x16xf32, #tpu.memory_space<hbm>>
      %dma_wait3A_253 = tpu.memref_squeeze %dma_wait3A_252 : memref<1x128x16xf32, #tpu.memory_space<hbm>> -> memref<128x16xf32, #tpu.memory_space<hbm>>
      %dma_wait3A_254 = arith.constant 0 : i32
      %dma_wait3A_255 = tpu.memref_slice %arg9[%arg0, %add3A_231, %dma_wait3A_254] : memref<2x10112x16xf32, #tpu.memory_space<hbm>> -> memref<1x128x16xf32, #tpu.memory_space<hbm>>
      %dma_wait3A_256 = tpu.memref_squeeze %dma_wait3A_255 : memref<1x128x16xf32, #tpu.memory_space<hbm>> -> memref<128x16xf32, #tpu.memory_space<hbm>>
      %dma_wait3A_257 = arith.constant 0 : i32
      %dma_wait3A_258 = arith.constant 0 : i32
      %dma_wait3A_259 = tpu.memref_slice %arg22[%dma_wait3A_257, %dma_wait3A_258] : memref<128x16xf32, #tpu.memory_space<vmem>> -> memref<128x16xf32, #tpu.memory_space<vmem>>
      tpu.wait_dma2 semaphore(%run_scoped3A : memref<!tpu.dma_semaphore, #tpu.memory_space<semaphore_mem>>) src(%dma_wait3A_259 : memref<128x16xf32, #tpu.memory_space<vmem>>) dst(%dma_wait3A_256 : memref<128x16xf32, #tpu.memory_space<hbm>>)
      tpu.yield
    }) : () -> ()
    %add3A_232 = arith.constant 512 : i32
    %add3A_233 = arith.addi %mul3A_0, %add3A_232 : i32
    "tpu.region"() ({
      %run_scoped3A = tpu.sem_alloc : memref<!tpu.dma_semaphore, #tpu.memory_space<semaphore_mem>>
      %dma_start3A_236 = arith.constant 0 : i32
      %dma_start3A_237 = arith.constant 0 : i32
      %dma_start3A_238 = tpu.memref_slice %arg22[%dma_start3A_236, %dma_start3A_237] : memref<128x16xf32, #tpu.memory_space<vmem>> -> memref<120x16xf32, #tpu.memory_space<vmem>>
      %dma_start3A_239 = arith.constant 0 : i32
      %dma_start3A_240 = tpu.memref_slice %arg23[%add3A_233, %dma_start3A_239] : memref<10112x16xf32, #tpu.memory_space<vmem_shared>> -> memref<120x16xf32, #tpu.memory_space<vmem_shared>>
      %dma_start3A_241 = arith.constant 0 : i32
      %dma_start3A_242 = arith.constant 0 : i32
      %dma_start3A_243 = tpu.memref_slice %arg22[%dma_start3A_241, %dma_start3A_242] : memref<128x16xf32, #tpu.memory_space<vmem>> -> memref<120x16xf32, #tpu.memory_space<vmem>>
      %dma_start3A_244 = arith.constant 0 : i32
      %dma_start3A_245 = tpu.memref_slice %arg23[%add3A_233, %dma_start3A_244] : memref<10112x16xf32, #tpu.memory_space<vmem_shared>> -> memref<120x16xf32, #tpu.memory_space<vmem_shared>>
      tpu.enqueue_dma source(%dma_start3A_245 : memref<120x16xf32, #tpu.memory_space<vmem_shared>>) target(%dma_start3A_243 : memref<120x16xf32, #tpu.memory_space<vmem>>) target_semaphore(%run_scoped3A : memref<!tpu.dma_semaphore, #tpu.memory_space<semaphore_mem>>)
      %dma_wait3A_246 = arith.constant 0 : i32
      %dma_wait3A_247 = arith.constant 0 : i32
      %dma_wait3A_248 = tpu.memref_slice %arg22[%dma_wait3A_246, %dma_wait3A_247] : memref<128x16xf32, #tpu.memory_space<vmem>> -> memref<120x16xf32, #tpu.memory_space<vmem>>
      %dma_wait3A_249 = arith.constant 0 : i32
      %dma_wait3A_250 = tpu.memref_slice %arg23[%add3A_233, %dma_wait3A_249] : memref<10112x16xf32, #tpu.memory_space<vmem_shared>> -> memref<120x16xf32, #tpu.memory_space<vmem_shared>>
      %dma_wait3A_251 = arith.constant 0 : i32
      %dma_wait3A_252 = arith.constant 0 : i32
      %dma_wait3A_253 = tpu.memref_slice %arg22[%dma_wait3A_251, %dma_wait3A_252] : memref<128x16xf32, #tpu.memory_space<vmem>> -> memref<120x16xf32, #tpu.memory_space<vmem>>
      %dma_wait3A_254 = arith.constant 0 : i32
      %dma_wait3A_255 = tpu.memref_slice %arg23[%add3A_233, %dma_wait3A_254] : memref<10112x16xf32, #tpu.memory_space<vmem_shared>> -> memref<120x16xf32, #tpu.memory_space<vmem_shared>>
      tpu.wait_dma2 semaphore(%run_scoped3A : memref<!tpu.dma_semaphore, #tpu.memory_space<semaphore_mem>>) src(%dma_wait3A_255 : memref<120x16xf32, #tpu.memory_space<vmem_shared>>) dst(%dma_wait3A_253 : memref<120x16xf32, #tpu.memory_space<vmem>>)
      tpu.yield
    }) : () -> ()
    %add3A_234 = arith.constant 512 : i32
    %add3A_235 = arith.addi %mul3A_0, %add3A_234 : i32
    "tpu.region"() ({
      %run_scoped3A = tpu.sem_alloc : memref<!tpu.dma_semaphore, #tpu.memory_space<semaphore_mem>>
      %dma_start3A_236 = arith.constant 0 : i32
      %dma_start3A_237 = arith.constant 0 : i32
      %dma_start3A_238 = tpu.memref_slice %arg22[%dma_start3A_236, %dma_start3A_237] : memref<128x16xf32, #tpu.memory_space<vmem>> -> memref<120x16xf32, #tpu.memory_space<vmem>>
      %dma_start3A_239 = arith.constant 0 : i32
      %dma_start3A_240 = tpu.memref_slice %arg9[%arg0, %add3A_235, %dma_start3A_239] : memref<2x10112x16xf32, #tpu.memory_space<hbm>> -> memref<1x120x16xf32, #tpu.memory_space<hbm>>
      %dma_start3A_241 = tpu.memref_squeeze %dma_start3A_240 : memref<1x120x16xf32, #tpu.memory_space<hbm>> -> memref<120x16xf32, #tpu.memory_space<hbm>>
      %dma_start3A_242 = arith.constant 0 : i32
      %dma_start3A_243 = tpu.memref_slice %arg9[%arg0, %add3A_235, %dma_start3A_242] : memref<2x10112x16xf32, #tpu.memory_space<hbm>> -> memref<1x120x16xf32, #tpu.memory_space<hbm>>
      %dma_start3A_244 = tpu.memref_squeeze %dma_start3A_243 : memref<1x120x16xf32, #tpu.memory_space<hbm>> -> memref<120x16xf32, #tpu.memory_space<hbm>>
      %dma_start3A_245 = arith.constant 0 : i32
      %dma_start3A_246 = arith.constant 0 : i32
      %dma_start3A_247 = tpu.memref_slice %arg22[%dma_start3A_245, %dma_start3A_246] : memref<128x16xf32, #tpu.memory_space<vmem>> -> memref<120x16xf32, #tpu.memory_space<vmem>>
      tpu.enqueue_dma source(%dma_start3A_247 : memref<120x16xf32, #tpu.memory_space<vmem>>) target(%dma_start3A_244 : memref<120x16xf32, #tpu.memory_space<hbm>>) target_semaphore(%run_scoped3A : memref<!tpu.dma_semaphore, #tpu.memory_space<semaphore_mem>>)
      %dma_wait3A_248 = arith.constant 0 : i32
      %dma_wait3A_249 = arith.constant 0 : i32
      %dma_wait3A_250 = tpu.memref_slice %arg22[%dma_wait3A_248, %dma_wait3A_249] : memref<128x16xf32, #tpu.memory_space<vmem>> -> memref<120x16xf32, #tpu.memory_space<vmem>>
      %dma_wait3A_251 = arith.constant 0 : i32
      %dma_wait3A_252 = tpu.memref_slice %arg9[%arg0, %add3A_235, %dma_wait3A_251] : memref<2x10112x16xf32, #tpu.memory_space<hbm>> -> memref<1x120x16xf32, #tpu.memory_space<hbm>>
      %dma_wait3A_253 = tpu.memref_squeeze %dma_wait3A_252 : memref<1x120x16xf32, #tpu.memory_space<hbm>> -> memref<120x16xf32, #tpu.memory_space<hbm>>
      %dma_wait3A_254 = arith.constant 0 : i32
      %dma_wait3A_255 = tpu.memref_slice %arg9[%arg0, %add3A_235, %dma_wait3A_254] : memref<2x10112x16xf32, #tpu.memory_space<hbm>> -> memref<1x120x16xf32, #tpu.memory_space<hbm>>
      %dma_wait3A_256 = tpu.memref_squeeze %dma_wait3A_255 : memref<1x120x16xf32, #tpu.memory_space<hbm>> -> memref<120x16xf32, #tpu.memory_space<hbm>>
      %dma_wait3A_257 = arith.constant 0 : i32
      %dma_wait3A_258 = arith.constant 0 : i32
      %dma_wait3A_259 = tpu.memref_slice %arg22[%dma_wait3A_257, %dma_wait3A_258] : memref<128x16xf32, #tpu.memory_space<vmem>> -> memref<120x16xf32, #tpu.memory_space<vmem>>
      tpu.wait_dma2 semaphore(%run_scoped3A : memref<!tpu.dma_semaphore, #tpu.memory_space<semaphore_mem>>) src(%dma_wait3A_259 : memref<120x16xf32, #tpu.memory_space<vmem>>) dst(%dma_wait3A_256 : memref<120x16xf32, #tpu.memory_space<hbm>>)
      tpu.yield
    }) : () -> ()
    return
  }
}

#map = affine_map<(d0, d1) -> (0, 0, 0)>
#map1 = affine_map<(d0, d1) -> (0, 0)>
module attributes {stable_mosaic.version = 14 : i64} {
  func.func @body(%arg0: i32, %arg1: i32, %arg2: memref<2x10112x64xf32, #tpu.memory_space<hbm>>, %arg3: memref<2560x128xi32, #tpu.memory_space<hbm>>, %arg4: memref<2560x128xi32, #tpu.memory_space<hbm>>, %arg5: memref<128x64xf32, #tpu.memory_space<hbm>>, %arg6: memref<2x10112x64xf32, #tpu.memory_space<hbm>>, %arg7: memref<160x128xi32, #tpu.memory_space<vmem>>, %arg8: memref<160x128xi32, #tpu.memory_space<vmem>>, %arg9: memref<128x64xf32, #tpu.memory_space<vmem>>, %arg10: memref<128x64xf32, #tpu.memory_space<vmem>>, %arg11: memref<128x64xf32, #tpu.memory_space<vmem>>, %arg12: memref<128x64xf32, #tpu.memory_space<vmem>>, %arg13: memref<10112x64xf32, #tpu.memory_space<vmem_shared>>, %arg14: memref<!tpu.dma_semaphore, #tpu.memory_space<semaphore_mem>>, %arg15: memref<!tpu.dma_semaphore, #tpu.memory_space<semaphore_mem>>, %arg16: memref<!tpu.dma_semaphore, #tpu.memory_space<semaphore_mem>>, %arg17: memref<!tpu.dma_semaphore, #tpu.memory_space<semaphore_mem>>, %arg18: memref<!tpu.dma_semaphore, #tpu.memory_space<semaphore_mem>>) attributes {dimension_semantics = [#tpu.dimension_semantics<core_parallel>, #tpu.dimension_semantics<subcore_parallel>], iteration_bounds = array<i64: 2, 16>, scalar_prefetch = 0 : i64, scratch_operands = 12 : i64, tpu.core_type = #tpu.core_type<sc_vector_subcore>, window_params = [{transform_indices = #map}, {transform_indices = #map1}, {transform_indices = #map1}, {transform_indices = #map1}, {transform_indices = #map}]} {
    %mul3A = arith.constant 632 : i32
    %mul3A_0 = arith.muli %arg1, %mul3A : i32
    %mul3A_1 = arith.constant 160 : i32
    %mul3A_2 = arith.muli %arg1, %mul3A_1 : i32
    "tpu.region"() ({
      %run_scoped3A = tpu.sem_alloc : memref<!tpu.dma_semaphore, #tpu.memory_space<semaphore_mem>>
      %dma_start3A_182 = arith.constant 0 : i32
      %dma_start3A_183 = tpu.memref_slice %arg3[%mul3A_2, %dma_start3A_182] : memref<2560x128xi32, #tpu.memory_space<hbm>> -> memref<160x128xi32, #tpu.memory_space<hbm>>
      %dma_start3A_184 = arith.constant 0 : i32
      %dma_start3A_185 = tpu.memref_slice %arg3[%mul3A_2, %dma_start3A_184] : memref<2560x128xi32, #tpu.memory_space<hbm>> -> memref<160x128xi32, #tpu.memory_space<hbm>>
      tpu.enqueue_dma source(%dma_start3A_185 : memref<160x128xi32, #tpu.memory_space<hbm>>) target(%arg7 : memref<160x128xi32, #tpu.memory_space<vmem>>) target_semaphore(%run_scoped3A : memref<!tpu.dma_semaphore, #tpu.memory_space<semaphore_mem>>)
      %dma_wait3A_186 = arith.constant 0 : i32
      %dma_wait3A_187 = tpu.memref_slice %arg3[%mul3A_2, %dma_wait3A_186] : memref<2560x128xi32, #tpu.memory_space<hbm>> -> memref<160x128xi32, #tpu.memory_space<hbm>>
      %dma_wait3A_188 = arith.constant 0 : i32
      %dma_wait3A_189 = tpu.memref_slice %arg3[%mul3A_2, %dma_wait3A_188] : memref<2560x128xi32, #tpu.memory_space<hbm>> -> memref<160x128xi32, #tpu.memory_space<hbm>>
      tpu.wait_dma2 semaphore(%run_scoped3A : memref<!tpu.dma_semaphore, #tpu.memory_space<semaphore_mem>>) src(%dma_wait3A_189 : memref<160x128xi32, #tpu.memory_space<hbm>>) dst(%arg7 : memref<160x128xi32, #tpu.memory_space<vmem>>)
      tpu.yield
    }) : () -> ()
    %mul3A_3 = arith.constant 160 : i32
    %mul3A_4 = arith.muli %arg1, %mul3A_3 : i32
    "tpu.region"() ({
      %run_scoped3A = tpu.sem_alloc : memref<!tpu.dma_semaphore, #tpu.memory_space<semaphore_mem>>
      %dma_start3A_182 = arith.constant 0 : i32
      %dma_start3A_183 = tpu.memref_slice %arg4[%mul3A_4, %dma_start3A_182] : memref<2560x128xi32, #tpu.memory_space<hbm>> -> memref<160x128xi32, #tpu.memory_space<hbm>>
      %dma_start3A_184 = arith.constant 0 : i32
      %dma_start3A_185 = tpu.memref_slice %arg4[%mul3A_4, %dma_start3A_184] : memref<2560x128xi32, #tpu.memory_space<hbm>> -> memref<160x128xi32, #tpu.memory_space<hbm>>
      tpu.enqueue_dma source(%dma_start3A_185 : memref<160x128xi32, #tpu.memory_space<hbm>>) target(%arg8 : memref<160x128xi32, #tpu.memory_space<vmem>>) target_semaphore(%run_scoped3A : memref<!tpu.dma_semaphore, #tpu.memory_space<semaphore_mem>>)
      %dma_wait3A_186 = arith.constant 0 : i32
      %dma_wait3A_187 = tpu.memref_slice %arg4[%mul3A_4, %dma_wait3A_186] : memref<2560x128xi32, #tpu.memory_space<hbm>> -> memref<160x128xi32, #tpu.memory_space<hbm>>
      %dma_wait3A_188 = arith.constant 0 : i32
      %dma_wait3A_189 = tpu.memref_slice %arg4[%mul3A_4, %dma_wait3A_188] : memref<2560x128xi32, #tpu.memory_space<hbm>> -> memref<160x128xi32, #tpu.memory_space<hbm>>
      tpu.wait_dma2 semaphore(%run_scoped3A : memref<!tpu.dma_semaphore, #tpu.memory_space<semaphore_mem>>) src(%dma_wait3A_189 : memref<160x128xi32, #tpu.memory_space<hbm>>) dst(%arg8 : memref<160x128xi32, #tpu.memory_space<vmem>>)
      tpu.yield
    }) : () -> ()
    "tpu.region"() ({
      %run_scoped3A = tpu.sem_alloc : memref<!tpu.dma_semaphore, #tpu.memory_space<semaphore_mem>>
      tpu.enqueue_dma source(%arg5 : memref<128x64xf32, #tpu.memory_space<hbm>>) target(%arg9 : memref<128x64xf32, #tpu.memory_space<vmem>>) target_semaphore(%run_scoped3A : memref<!tpu.dma_semaphore, #tpu.memory_space<semaphore_mem>>)
      tpu.wait_dma2 semaphore(%run_scoped3A : memref<!tpu.dma_semaphore, #tpu.memory_space<semaphore_mem>>) src(%arg5 : memref<128x64xf32, #tpu.memory_space<hbm>>) dst(%arg9 : memref<128x64xf32, #tpu.memory_space<vmem>>)
      tpu.yield
    }) : () -> ()
    %add3A = arith.constant 0 : i32
    %add3A_5 = arith.addi %mul3A_0, %add3A : i32
    "tpu.region"() ({
      %run_scoped3A = tpu.sem_alloc : memref<!tpu.dma_semaphore, #tpu.memory_space<semaphore_mem>>
      %dma_start3A_182 = arith.constant 0 : i32
      %dma_start3A_183 = arith.constant 0 : i32
      %dma_start3A_184 = tpu.memref_slice %arg9[%dma_start3A_182, %dma_start3A_183] : memref<128x64xf32, #tpu.memory_space<vmem>> -> memref<128x64xf32, #tpu.memory_space<vmem>>
      %dma_start3A_185 = arith.constant 0 : i32
      %dma_start3A_186 = tpu.memref_slice %arg13[%add3A_5, %dma_start3A_185] : memref<10112x64xf32, #tpu.memory_space<vmem_shared>> -> memref<128x64xf32, #tpu.memory_space<vmem_shared>>
      %dma_start3A_187 = arith.constant 0 : i32
      %dma_start3A_188 = tpu.memref_slice %arg13[%add3A_5, %dma_start3A_187] : memref<10112x64xf32, #tpu.memory_space<vmem_shared>> -> memref<128x64xf32, #tpu.memory_space<vmem_shared>>
      %dma_start3A_189 = arith.constant 0 : i32
      %dma_start3A_190 = arith.constant 0 : i32
      %dma_start3A_191 = tpu.memref_slice %arg9[%dma_start3A_189, %dma_start3A_190] : memref<128x64xf32, #tpu.memory_space<vmem>> -> memref<128x64xf32, #tpu.memory_space<vmem>>
      tpu.enqueue_dma source(%dma_start3A_191 : memref<128x64xf32, #tpu.memory_space<vmem>>) target(%dma_start3A_188 : memref<128x64xf32, #tpu.memory_space<vmem_shared>>) target_semaphore(%run_scoped3A : memref<!tpu.dma_semaphore, #tpu.memory_space<semaphore_mem>>)
      %dma_wait3A_192 = arith.constant 0 : i32
      %dma_wait3A_193 = arith.constant 0 : i32
      %dma_wait3A_194 = tpu.memref_slice %arg9[%dma_wait3A_192, %dma_wait3A_193] : memref<128x64xf32, #tpu.memory_space<vmem>> -> memref<128x64xf32, #tpu.memory_space<vmem>>
      %dma_wait3A_195 = arith.constant 0 : i32
      %dma_wait3A_196 = tpu.memref_slice %arg13[%add3A_5, %dma_wait3A_195] : memref<10112x64xf32, #tpu.memory_space<vmem_shared>> -> memref<128x64xf32, #tpu.memory_space<vmem_shared>>
      %dma_wait3A_197 = arith.constant 0 : i32
      %dma_wait3A_198 = tpu.memref_slice %arg13[%add3A_5, %dma_wait3A_197] : memref<10112x64xf32, #tpu.memory_space<vmem_shared>> -> memref<128x64xf32, #tpu.memory_space<vmem_shared>>
      %dma_wait3A_199 = arith.constant 0 : i32
      %dma_wait3A_200 = arith.constant 0 : i32
      %dma_wait3A_201 = tpu.memref_slice %arg9[%dma_wait3A_199, %dma_wait3A_200] : memref<128x64xf32, #tpu.memory_space<vmem>> -> memref<128x64xf32, #tpu.memory_space<vmem>>
      tpu.wait_dma2 semaphore(%run_scoped3A : memref<!tpu.dma_semaphore, #tpu.memory_space<semaphore_mem>>) src(%dma_wait3A_201 : memref<128x64xf32, #tpu.memory_space<vmem>>) dst(%dma_wait3A_198 : memref<128x64xf32, #tpu.memory_space<vmem_shared>>)
      tpu.yield
    }) : () -> ()
    %add3A_6 = arith.constant 128 : i32
    %add3A_7 = arith.addi %mul3A_0, %add3A_6 : i32
    "tpu.region"() ({
      %run_scoped3A = tpu.sem_alloc : memref<!tpu.dma_semaphore, #tpu.memory_space<semaphore_mem>>
      %dma_start3A_182 = arith.constant 0 : i32
      %dma_start3A_183 = arith.constant 0 : i32
      %dma_start3A_184 = tpu.memref_slice %arg9[%dma_start3A_182, %dma_start3A_183] : memref<128x64xf32, #tpu.memory_space<vmem>> -> memref<128x64xf32, #tpu.memory_space<vmem>>
      %dma_start3A_185 = arith.constant 0 : i32
      %dma_start3A_186 = tpu.memref_slice %arg13[%add3A_7, %dma_start3A_185] : memref<10112x64xf32, #tpu.memory_space<vmem_shared>> -> memref<128x64xf32, #tpu.memory_space<vmem_shared>>
      %dma_start3A_187 = arith.constant 0 : i32
      %dma_start3A_188 = tpu.memref_slice %arg13[%add3A_7, %dma_start3A_187] : memref<10112x64xf32, #tpu.memory_space<vmem_shared>> -> memref<128x64xf32, #tpu.memory_space<vmem_shared>>
      %dma_start3A_189 = arith.constant 0 : i32
      %dma_start3A_190 = arith.constant 0 : i32
      %dma_start3A_191 = tpu.memref_slice %arg9[%dma_start3A_189, %dma_start3A_190] : memref<128x64xf32, #tpu.memory_space<vmem>> -> memref<128x64xf32, #tpu.memory_space<vmem>>
      tpu.enqueue_dma source(%dma_start3A_191 : memref<128x64xf32, #tpu.memory_space<vmem>>) target(%dma_start3A_188 : memref<128x64xf32, #tpu.memory_space<vmem_shared>>) target_semaphore(%run_scoped3A : memref<!tpu.dma_semaphore, #tpu.memory_space<semaphore_mem>>)
      %dma_wait3A_192 = arith.constant 0 : i32
      %dma_wait3A_193 = arith.constant 0 : i32
      %dma_wait3A_194 = tpu.memref_slice %arg9[%dma_wait3A_192, %dma_wait3A_193] : memref<128x64xf32, #tpu.memory_space<vmem>> -> memref<128x64xf32, #tpu.memory_space<vmem>>
      %dma_wait3A_195 = arith.constant 0 : i32
      %dma_wait3A_196 = tpu.memref_slice %arg13[%add3A_7, %dma_wait3A_195] : memref<10112x64xf32, #tpu.memory_space<vmem_shared>> -> memref<128x64xf32, #tpu.memory_space<vmem_shared>>
      %dma_wait3A_197 = arith.constant 0 : i32
      %dma_wait3A_198 = tpu.memref_slice %arg13[%add3A_7, %dma_wait3A_197] : memref<10112x64xf32, #tpu.memory_space<vmem_shared>> -> memref<128x64xf32, #tpu.memory_space<vmem_shared>>
      %dma_wait3A_199 = arith.constant 0 : i32
      %dma_wait3A_200 = arith.constant 0 : i32
      %dma_wait3A_201 = tpu.memref_slice %arg9[%dma_wait3A_199, %dma_wait3A_200] : memref<128x64xf32, #tpu.memory_space<vmem>> -> memref<128x64xf32, #tpu.memory_space<vmem>>
      tpu.wait_dma2 semaphore(%run_scoped3A : memref<!tpu.dma_semaphore, #tpu.memory_space<semaphore_mem>>) src(%dma_wait3A_201 : memref<128x64xf32, #tpu.memory_space<vmem>>) dst(%dma_wait3A_198 : memref<128x64xf32, #tpu.memory_space<vmem_shared>>)
      tpu.yield
    }) : () -> ()
    %add3A_8 = arith.constant 256 : i32
    %add3A_9 = arith.addi %mul3A_0, %add3A_8 : i32
    "tpu.region"() ({
      %run_scoped3A = tpu.sem_alloc : memref<!tpu.dma_semaphore, #tpu.memory_space<semaphore_mem>>
      %dma_start3A_182 = arith.constant 0 : i32
      %dma_start3A_183 = arith.constant 0 : i32
      %dma_start3A_184 = tpu.memref_slice %arg9[%dma_start3A_182, %dma_start3A_183] : memref<128x64xf32, #tpu.memory_space<vmem>> -> memref<128x64xf32, #tpu.memory_space<vmem>>
      %dma_start3A_185 = arith.constant 0 : i32
      %dma_start3A_186 = tpu.memref_slice %arg13[%add3A_9, %dma_start3A_185] : memref<10112x64xf32, #tpu.memory_space<vmem_shared>> -> memref<128x64xf32, #tpu.memory_space<vmem_shared>>
      %dma_start3A_187 = arith.constant 0 : i32
      %dma_start3A_188 = tpu.memref_slice %arg13[%add3A_9, %dma_start3A_187] : memref<10112x64xf32, #tpu.memory_space<vmem_shared>> -> memref<128x64xf32, #tpu.memory_space<vmem_shared>>
      %dma_start3A_189 = arith.constant 0 : i32
      %dma_start3A_190 = arith.constant 0 : i32
      %dma_start3A_191 = tpu.memref_slice %arg9[%dma_start3A_189, %dma_start3A_190] : memref<128x64xf32, #tpu.memory_space<vmem>> -> memref<128x64xf32, #tpu.memory_space<vmem>>
      tpu.enqueue_dma source(%dma_start3A_191 : memref<128x64xf32, #tpu.memory_space<vmem>>) target(%dma_start3A_188 : memref<128x64xf32, #tpu.memory_space<vmem_shared>>) target_semaphore(%run_scoped3A : memref<!tpu.dma_semaphore, #tpu.memory_space<semaphore_mem>>)
      %dma_wait3A_192 = arith.constant 0 : i32
      %dma_wait3A_193 = arith.constant 0 : i32
      %dma_wait3A_194 = tpu.memref_slice %arg9[%dma_wait3A_192, %dma_wait3A_193] : memref<128x64xf32, #tpu.memory_space<vmem>> -> memref<128x64xf32, #tpu.memory_space<vmem>>
      %dma_wait3A_195 = arith.constant 0 : i32
      %dma_wait3A_196 = tpu.memref_slice %arg13[%add3A_9, %dma_wait3A_195] : memref<10112x64xf32, #tpu.memory_space<vmem_shared>> -> memref<128x64xf32, #tpu.memory_space<vmem_shared>>
      %dma_wait3A_197 = arith.constant 0 : i32
      %dma_wait3A_198 = tpu.memref_slice %arg13[%add3A_9, %dma_wait3A_197] : memref<10112x64xf32, #tpu.memory_space<vmem_shared>> -> memref<128x64xf32, #tpu.memory_space<vmem_shared>>
      %dma_wait3A_199 = arith.constant 0 : i32
      %dma_wait3A_200 = arith.constant 0 : i32
      %dma_wait3A_201 = tpu.memref_slice %arg9[%dma_wait3A_199, %dma_wait3A_200] : memref<128x64xf32, #tpu.memory_space<vmem>> -> memref<128x64xf32, #tpu.memory_space<vmem>>
      tpu.wait_dma2 semaphore(%run_scoped3A : memref<!tpu.dma_semaphore, #tpu.memory_space<semaphore_mem>>) src(%dma_wait3A_201 : memref<128x64xf32, #tpu.memory_space<vmem>>) dst(%dma_wait3A_198 : memref<128x64xf32, #tpu.memory_space<vmem_shared>>)
      tpu.yield
    }) : () -> ()
    %add3A_10 = arith.constant 384 : i32
    %add3A_11 = arith.addi %mul3A_0, %add3A_10 : i32
    "tpu.region"() ({
      %run_scoped3A = tpu.sem_alloc : memref<!tpu.dma_semaphore, #tpu.memory_space<semaphore_mem>>
      %dma_start3A_182 = arith.constant 0 : i32
      %dma_start3A_183 = arith.constant 0 : i32
      %dma_start3A_184 = tpu.memref_slice %arg9[%dma_start3A_182, %dma_start3A_183] : memref<128x64xf32, #tpu.memory_space<vmem>> -> memref<128x64xf32, #tpu.memory_space<vmem>>
      %dma_start3A_185 = arith.constant 0 : i32
      %dma_start3A_186 = tpu.memref_slice %arg13[%add3A_11, %dma_start3A_185] : memref<10112x64xf32, #tpu.memory_space<vmem_shared>> -> memref<128x64xf32, #tpu.memory_space<vmem_shared>>
      %dma_start3A_187 = arith.constant 0 : i32
      %dma_start3A_188 = tpu.memref_slice %arg13[%add3A_11, %dma_start3A_187] : memref<10112x64xf32, #tpu.memory_space<vmem_shared>> -> memref<128x64xf32, #tpu.memory_space<vmem_shared>>
      %dma_start3A_189 = arith.constant 0 : i32
      %dma_start3A_190 = arith.constant 0 : i32
      %dma_start3A_191 = tpu.memref_slice %arg9[%dma_start3A_189, %dma_start3A_190] : memref<128x64xf32, #tpu.memory_space<vmem>> -> memref<128x64xf32, #tpu.memory_space<vmem>>
      tpu.enqueue_dma source(%dma_start3A_191 : memref<128x64xf32, #tpu.memory_space<vmem>>) target(%dma_start3A_188 : memref<128x64xf32, #tpu.memory_space<vmem_shared>>) target_semaphore(%run_scoped3A : memref<!tpu.dma_semaphore, #tpu.memory_space<semaphore_mem>>)
      %dma_wait3A_192 = arith.constant 0 : i32
      %dma_wait3A_193 = arith.constant 0 : i32
      %dma_wait3A_194 = tpu.memref_slice %arg9[%dma_wait3A_192, %dma_wait3A_193] : memref<128x64xf32, #tpu.memory_space<vmem>> -> memref<128x64xf32, #tpu.memory_space<vmem>>
      %dma_wait3A_195 = arith.constant 0 : i32
      %dma_wait3A_196 = tpu.memref_slice %arg13[%add3A_11, %dma_wait3A_195] : memref<10112x64xf32, #tpu.memory_space<vmem_shared>> -> memref<128x64xf32, #tpu.memory_space<vmem_shared>>
      %dma_wait3A_197 = arith.constant 0 : i32
      %dma_wait3A_198 = tpu.memref_slice %arg13[%add3A_11, %dma_wait3A_197] : memref<10112x64xf32, #tpu.memory_space<vmem_shared>> -> memref<128x64xf32, #tpu.memory_space<vmem_shared>>
      %dma_wait3A_199 = arith.constant 0 : i32
      %dma_wait3A_200 = arith.constant 0 : i32
      %dma_wait3A_201 = tpu.memref_slice %arg9[%dma_wait3A_199, %dma_wait3A_200] : memref<128x64xf32, #tpu.memory_space<vmem>> -> memref<128x64xf32, #tpu.memory_space<vmem>>
      tpu.wait_dma2 semaphore(%run_scoped3A : memref<!tpu.dma_semaphore, #tpu.memory_space<semaphore_mem>>) src(%dma_wait3A_201 : memref<128x64xf32, #tpu.memory_space<vmem>>) dst(%dma_wait3A_198 : memref<128x64xf32, #tpu.memory_space<vmem_shared>>)
      tpu.yield
    }) : () -> ()
    %add3A_12 = arith.constant 512 : i32
    %add3A_13 = arith.addi %mul3A_0, %add3A_12 : i32
    "tpu.region"() ({
      %run_scoped3A = tpu.sem_alloc : memref<!tpu.dma_semaphore, #tpu.memory_space<semaphore_mem>>
      %dma_start3A_182 = arith.constant 0 : i32
      %dma_start3A_183 = arith.constant 0 : i32
      %dma_start3A_184 = tpu.memref_slice %arg9[%dma_start3A_182, %dma_start3A_183] : memref<128x64xf32, #tpu.memory_space<vmem>> -> memref<120x64xf32, #tpu.memory_space<vmem>>
      %dma_start3A_185 = arith.constant 0 : i32
      %dma_start3A_186 = tpu.memref_slice %arg13[%add3A_13, %dma_start3A_185] : memref<10112x64xf32, #tpu.memory_space<vmem_shared>> -> memref<120x64xf32, #tpu.memory_space<vmem_shared>>
      %dma_start3A_187 = arith.constant 0 : i32
      %dma_start3A_188 = tpu.memref_slice %arg13[%add3A_13, %dma_start3A_187] : memref<10112x64xf32, #tpu.memory_space<vmem_shared>> -> memref<120x64xf32, #tpu.memory_space<vmem_shared>>
      %dma_start3A_189 = arith.constant 0 : i32
      %dma_start3A_190 = arith.constant 0 : i32
      %dma_start3A_191 = tpu.memref_slice %arg9[%dma_start3A_189, %dma_start3A_190] : memref<128x64xf32, #tpu.memory_space<vmem>> -> memref<120x64xf32, #tpu.memory_space<vmem>>
      tpu.enqueue_dma source(%dma_start3A_191 : memref<120x64xf32, #tpu.memory_space<vmem>>) target(%dma_start3A_188 : memref<120x64xf32, #tpu.memory_space<vmem_shared>>) target_semaphore(%run_scoped3A : memref<!tpu.dma_semaphore, #tpu.memory_space<semaphore_mem>>)
      %dma_wait3A_192 = arith.constant 0 : i32
      %dma_wait3A_193 = arith.constant 0 : i32
      %dma_wait3A_194 = tpu.memref_slice %arg9[%dma_wait3A_192, %dma_wait3A_193] : memref<128x64xf32, #tpu.memory_space<vmem>> -> memref<120x64xf32, #tpu.memory_space<vmem>>
      %dma_wait3A_195 = arith.constant 0 : i32
      %dma_wait3A_196 = tpu.memref_slice %arg13[%add3A_13, %dma_wait3A_195] : memref<10112x64xf32, #tpu.memory_space<vmem_shared>> -> memref<120x64xf32, #tpu.memory_space<vmem_shared>>
      %dma_wait3A_197 = arith.constant 0 : i32
      %dma_wait3A_198 = tpu.memref_slice %arg13[%add3A_13, %dma_wait3A_197] : memref<10112x64xf32, #tpu.memory_space<vmem_shared>> -> memref<120x64xf32, #tpu.memory_space<vmem_shared>>
      %dma_wait3A_199 = arith.constant 0 : i32
      %dma_wait3A_200 = arith.constant 0 : i32
      %dma_wait3A_201 = tpu.memref_slice %arg9[%dma_wait3A_199, %dma_wait3A_200] : memref<128x64xf32, #tpu.memory_space<vmem>> -> memref<120x64xf32, #tpu.memory_space<vmem>>
      tpu.wait_dma2 semaphore(%run_scoped3A : memref<!tpu.dma_semaphore, #tpu.memory_space<semaphore_mem>>) src(%dma_wait3A_201 : memref<120x64xf32, #tpu.memory_space<vmem>>) dst(%dma_wait3A_198 : memref<120x64xf32, #tpu.memory_space<vmem_shared>>)
      tpu.yield
    }) : () -> ()
    %barrier3A = arith.constant 0 : index
    tpu.barrier barrier_id(%barrier3A)
    %dma_start3A = arith.constant 0 : i32
    %dma_start3A_14 = arith.constant 0 : i32
    %dma_start3A_15 = tpu.memref_slice %arg7[%dma_start3A, %dma_start3A_14] : memref<160x128xi32, #tpu.memory_space<vmem>> -> memref<1x128xi32, #tpu.memory_space<vmem>>
    %dma_start3A_16 = tpu.memref_squeeze %dma_start3A_15 : memref<1x128xi32, #tpu.memory_space<vmem>> -> memref<128xi32, #tpu.memory_space<vmem>>
    %dma_start3A_17 = arith.constant 0 : i32
    %dma_start3A_18 = arith.constant 0 : i32
    %dma_start3A_19 = tpu.memref_slice %arg2[%arg0, %dma_start3A_17, %dma_start3A_18] : memref<2x10112x64xf32, #tpu.memory_space<hbm>> -> memref<1x10112x64xf32, #tpu.memory_space<hbm>>
    %dma_start3A_20 = tpu.memref_squeeze %dma_start3A_19 : memref<1x10112x64xf32, #tpu.memory_space<hbm>> -> memref<10112x64xf32, #tpu.memory_space<hbm>>
    %dma_start3A_21 = arith.constant 0 : i32
    %dma_start3A_22 = arith.constant 0 : i32
    %dma_start3A_23 = tpu.memref_slice %dma_start3A_20[%dma_start3A_21, %dma_start3A_22] : memref<10112x64xf32, #tpu.memory_space<hbm>> -> memref<10112x64xf32, #tpu.memory_space<hbm>>
    tpu.enqueue_indirect_dma source(%dma_start3A_23 : memref<10112x64xf32, #tpu.memory_space<hbm>>) target(%arg9 : memref<128x64xf32, #tpu.memory_space<vmem>>) offsets(%dma_start3A_16 : memref<128xi32, #tpu.memory_space<vmem>>) semaphore(%arg14 : memref<!tpu.dma_semaphore, #tpu.memory_space<semaphore_mem>>)
    %dma_start3A_24 = arith.constant 1 : i32
    %dma_start3A_25 = arith.constant 0 : i32
    %dma_start3A_26 = tpu.memref_slice %arg7[%dma_start3A_24, %dma_start3A_25] : memref<160x128xi32, #tpu.memory_space<vmem>> -> memref<1x128xi32, #tpu.memory_space<vmem>>
    %dma_start3A_27 = tpu.memref_squeeze %dma_start3A_26 : memref<1x128xi32, #tpu.memory_space<vmem>> -> memref<128xi32, #tpu.memory_space<vmem>>
    %dma_start3A_28 = arith.constant 0 : i32
    %dma_start3A_29 = arith.constant 0 : i32
    %dma_start3A_30 = tpu.memref_slice %arg2[%arg0, %dma_start3A_28, %dma_start3A_29] : memref<2x10112x64xf32, #tpu.memory_space<hbm>> -> memref<1x10112x64xf32, #tpu.memory_space<hbm>>
    %dma_start3A_31 = tpu.memref_squeeze %dma_start3A_30 : memref<1x10112x64xf32, #tpu.memory_space<hbm>> -> memref<10112x64xf32, #tpu.memory_space<hbm>>
    %dma_start3A_32 = arith.constant 0 : i32
    %dma_start3A_33 = arith.constant 0 : i32
    %dma_start3A_34 = tpu.memref_slice %dma_start3A_31[%dma_start3A_32, %dma_start3A_33] : memref<10112x64xf32, #tpu.memory_space<hbm>> -> memref<10112x64xf32, #tpu.memory_space<hbm>>
    tpu.enqueue_indirect_dma source(%dma_start3A_34 : memref<10112x64xf32, #tpu.memory_space<hbm>>) target(%arg10 : memref<128x64xf32, #tpu.memory_space<vmem>>) offsets(%dma_start3A_27 : memref<128xi32, #tpu.memory_space<vmem>>) semaphore(%arg15 : memref<!tpu.dma_semaphore, #tpu.memory_space<semaphore_mem>>)
    %dma_start3A_35 = arith.constant 2 : i32
    %dma_start3A_36 = arith.constant 0 : i32
    %dma_start3A_37 = tpu.memref_slice %arg7[%dma_start3A_35, %dma_start3A_36] : memref<160x128xi32, #tpu.memory_space<vmem>> -> memref<1x128xi32, #tpu.memory_space<vmem>>
    %dma_start3A_38 = tpu.memref_squeeze %dma_start3A_37 : memref<1x128xi32, #tpu.memory_space<vmem>> -> memref<128xi32, #tpu.memory_space<vmem>>
    %dma_start3A_39 = arith.constant 0 : i32
    %dma_start3A_40 = arith.constant 0 : i32
    %dma_start3A_41 = tpu.memref_slice %arg2[%arg0, %dma_start3A_39, %dma_start3A_40] : memref<2x10112x64xf32, #tpu.memory_space<hbm>> -> memref<1x10112x64xf32, #tpu.memory_space<hbm>>
    %dma_start3A_42 = tpu.memref_squeeze %dma_start3A_41 : memref<1x10112x64xf32, #tpu.memory_space<hbm>> -> memref<10112x64xf32, #tpu.memory_space<hbm>>
    %dma_start3A_43 = arith.constant 0 : i32
    %dma_start3A_44 = arith.constant 0 : i32
    %dma_start3A_45 = tpu.memref_slice %dma_start3A_42[%dma_start3A_43, %dma_start3A_44] : memref<10112x64xf32, #tpu.memory_space<hbm>> -> memref<10112x64xf32, #tpu.memory_space<hbm>>
    tpu.enqueue_indirect_dma source(%dma_start3A_45 : memref<10112x64xf32, #tpu.memory_space<hbm>>) target(%arg11 : memref<128x64xf32, #tpu.memory_space<vmem>>) offsets(%dma_start3A_38 : memref<128xi32, #tpu.memory_space<vmem>>) semaphore(%arg16 : memref<!tpu.dma_semaphore, #tpu.memory_space<semaphore_mem>>)
    %dma_wait3A = arith.constant 0 : i32
    %dma_wait3A_46 = arith.constant 0 : i32
    %dma_wait3A_47 = tpu.memref_slice %arg7[%dma_wait3A, %dma_wait3A_46] : memref<160x128xi32, #tpu.memory_space<vmem>> -> memref<1x128xi32, #tpu.memory_space<vmem>>
    %dma_wait3A_48 = tpu.memref_squeeze %dma_wait3A_47 : memref<1x128xi32, #tpu.memory_space<vmem>> -> memref<128xi32, #tpu.memory_space<vmem>>
    %dma_wait3A_49 = arith.constant 0 : i32
    %dma_wait3A_50 = arith.constant 0 : i32
    %dma_wait3A_51 = tpu.memref_slice %arg2[%arg0, %dma_wait3A_49, %dma_wait3A_50] : memref<2x10112x64xf32, #tpu.memory_space<hbm>> -> memref<1x10112x64xf32, #tpu.memory_space<hbm>>
    %dma_wait3A_52 = tpu.memref_squeeze %dma_wait3A_51 : memref<1x10112x64xf32, #tpu.memory_space<hbm>> -> memref<10112x64xf32, #tpu.memory_space<hbm>>
    %dma_wait3A_53 = arith.constant 0 : i32
    %dma_wait3A_54 = arith.constant 0 : i32
    %dma_wait3A_55 = tpu.memref_slice %dma_wait3A_52[%dma_wait3A_53, %dma_wait3A_54] : memref<10112x64xf32, #tpu.memory_space<hbm>> -> memref<10112x64xf32, #tpu.memory_space<hbm>>
    tpu.wait_indirect_dma semaphore(%arg14 : memref<!tpu.dma_semaphore, #tpu.memory_space<semaphore_mem>>) src(%dma_wait3A_55 : memref<10112x64xf32, #tpu.memory_space<hbm>>) dst(%arg9 : memref<128x64xf32, #tpu.memory_space<vmem>>)
    %dma_start3A_56 = arith.constant 0 : i32
    %dma_start3A_57 = arith.constant 0 : i32
    %dma_start3A_58 = tpu.memref_slice %arg8[%dma_start3A_56, %dma_start3A_57] : memref<160x128xi32, #tpu.memory_space<vmem>> -> memref<1x128xi32, #tpu.memory_space<vmem>>
    %dma_start3A_59 = tpu.memref_squeeze %dma_start3A_58 : memref<1x128xi32, #tpu.memory_space<vmem>> -> memref<128xi32, #tpu.memory_space<vmem>>
    %dma_start3A_60 = arith.constant 0 : i32
    %dma_start3A_61 = arith.constant 0 : i32
    %dma_start3A_62 = tpu.memref_slice %arg13[%dma_start3A_60, %dma_start3A_61] : memref<10112x64xf32, #tpu.memory_space<vmem_shared>> -> memref<10112x64xf32, #tpu.memory_space<vmem_shared>>
    tpu.enqueue_indirect_dma source(%arg9 : memref<128x64xf32, #tpu.memory_space<vmem>>) target(%dma_start3A_62 : memref<10112x64xf32, #tpu.memory_space<vmem_shared>>) offsets(%dma_start3A_59 : memref<128xi32, #tpu.memory_space<vmem>>) semaphore(%arg18 : memref<!tpu.dma_semaphore, #tpu.memory_space<semaphore_mem>>) {add = true}
    %dma_start3A_63 = arith.constant 3 : i32
    %dma_start3A_64 = arith.constant 0 : i32
    %dma_start3A_65 = tpu.memref_slice %arg7[%dma_start3A_63, %dma_start3A_64] : memref<160x128xi32, #tpu.memory_space<vmem>> -> memref<1x128xi32, #tpu.memory_space<vmem>>
    %dma_start3A_66 = tpu.memref_squeeze %dma_start3A_65 : memref<1x128xi32, #tpu.memory_space<vmem>> -> memref<128xi32, #tpu.memory_space<vmem>>
    %dma_start3A_67 = arith.constant 0 : i32
    %dma_start3A_68 = arith.constant 0 : i32
    %dma_start3A_69 = tpu.memref_slice %arg2[%arg0, %dma_start3A_67, %dma_start3A_68] : memref<2x10112x64xf32, #tpu.memory_space<hbm>> -> memref<1x10112x64xf32, #tpu.memory_space<hbm>>
    %dma_start3A_70 = tpu.memref_squeeze %dma_start3A_69 : memref<1x10112x64xf32, #tpu.memory_space<hbm>> -> memref<10112x64xf32, #tpu.memory_space<hbm>>
    %dma_start3A_71 = arith.constant 0 : i32
    %dma_start3A_72 = arith.constant 0 : i32
    %dma_start3A_73 = tpu.memref_slice %dma_start3A_70[%dma_start3A_71, %dma_start3A_72] : memref<10112x64xf32, #tpu.memory_space<hbm>> -> memref<10112x64xf32, #tpu.memory_space<hbm>>
    tpu.enqueue_indirect_dma source(%dma_start3A_73 : memref<10112x64xf32, #tpu.memory_space<hbm>>) target(%arg12 : memref<128x64xf32, #tpu.memory_space<vmem>>) offsets(%dma_start3A_66 : memref<128xi32, #tpu.memory_space<vmem>>) semaphore(%arg17 : memref<!tpu.dma_semaphore, #tpu.memory_space<semaphore_mem>>)
    %scan3A = arith.constant 0 : i32
    %scan3A_74 = arith.constant 0 : i32
    %scan3A_75 = arith.constant 39 : i32
    %scan3A_76 = arith.addi %scan3A_74, %scan3A_75 : i32
    %scan3A_77 = arith.constant 1 : i32
    scf.for %scan3A_182 = %scan3A_74 to %scan3A_76 step %scan3A_77  : i32 {
      %mul3A_183 = arith.constant 4 : i32
      %mul3A_184 = arith.muli %scan3A_182, %mul3A_183 : i32
      %add3A_185 = arith.constant 1 : i32
      %add3A_186 = arith.addi %add3A_185, %mul3A_184 : i32
      %add3A_187 = arith.constant 0 : i32
      %add3A_188 = arith.addi %add3A_186, %add3A_187 : i32
      %dma_wait3A_189 = arith.constant 0 : i32
      %dma_wait3A_190 = tpu.memref_slice %arg7[%add3A_188, %dma_wait3A_189] : memref<160x128xi32, #tpu.memory_space<vmem>> -> memref<1x128xi32, #tpu.memory_space<vmem>>
      %dma_wait3A_191 = tpu.memref_squeeze %dma_wait3A_190 : memref<1x128xi32, #tpu.memory_space<vmem>> -> memref<128xi32, #tpu.memory_space<vmem>>
      %dma_wait3A_192 = arith.constant 0 : i32
      %dma_wait3A_193 = arith.constant 0 : i32
      %dma_wait3A_194 = tpu.memref_slice %arg2[%arg0, %dma_wait3A_192, %dma_wait3A_193] : memref<2x10112x64xf32, #tpu.memory_space<hbm>> -> memref<1x10112x64xf32, #tpu.memory_space<hbm>>
      %dma_wait3A_195 = tpu.memref_squeeze %dma_wait3A_194 : memref<1x10112x64xf32, #tpu.memory_space<hbm>> -> memref<10112x64xf32, #tpu.memory_space<hbm>>
      %dma_wait3A_196 = arith.constant 0 : i32
      %dma_wait3A_197 = arith.constant 0 : i32
      %dma_wait3A_198 = tpu.memref_slice %dma_wait3A_195[%dma_wait3A_196, %dma_wait3A_197] : memref<10112x64xf32, #tpu.memory_space<hbm>> -> memref<10112x64xf32, #tpu.memory_space<hbm>>
      tpu.wait_indirect_dma semaphore(%arg15 : memref<!tpu.dma_semaphore, #tpu.memory_space<semaphore_mem>>) src(%dma_wait3A_198 : memref<10112x64xf32, #tpu.memory_space<hbm>>) dst(%arg10 : memref<128x64xf32, #tpu.memory_space<vmem>>)
      %dma_wait3A_199 = arith.constant 0 : i32
      %dma_wait3A_200 = arith.constant 0 : i32
      %dma_wait3A_201 = tpu.memref_slice %arg8[%dma_wait3A_199, %dma_wait3A_200] : memref<160x128xi32, #tpu.memory_space<vmem>> -> memref<1x128xi32, #tpu.memory_space<vmem>>
      %dma_wait3A_202 = tpu.memref_squeeze %dma_wait3A_201 : memref<1x128xi32, #tpu.memory_space<vmem>> -> memref<128xi32, #tpu.memory_space<vmem>>
      %dma_wait3A_203 = arith.constant 0 : i32
      %dma_wait3A_204 = arith.constant 0 : i32
      %dma_wait3A_205 = tpu.memref_slice %arg13[%dma_wait3A_203, %dma_wait3A_204] : memref<10112x64xf32, #tpu.memory_space<vmem_shared>> -> memref<10112x64xf32, #tpu.memory_space<vmem_shared>>
      tpu.wait_indirect_dma semaphore(%arg18 : memref<!tpu.dma_semaphore, #tpu.memory_space<semaphore_mem>>) src(%arg10 : memref<128x64xf32, #tpu.memory_space<vmem>>) dst(%dma_wait3A_205 : memref<10112x64xf32, #tpu.memory_space<vmem_shared>>)
      %dma_start3A_206 = arith.constant 0 : i32
      %dma_start3A_207 = tpu.memref_slice %arg8[%add3A_188, %dma_start3A_206] : memref<160x128xi32, #tpu.memory_space<vmem>> -> memref<1x128xi32, #tpu.memory_space<vmem>>
      %dma_start3A_208 = tpu.memref_squeeze %dma_start3A_207 : memref<1x128xi32, #tpu.memory_space<vmem>> -> memref<128xi32, #tpu.memory_space<vmem>>
      %dma_start3A_209 = arith.constant 0 : i32
      %dma_start3A_210 = arith.constant 0 : i32
      %dma_start3A_211 = tpu.memref_slice %arg13[%dma_start3A_209, %dma_start3A_210] : memref<10112x64xf32, #tpu.memory_space<vmem_shared>> -> memref<10112x64xf32, #tpu.memory_space<vmem_shared>>
      tpu.enqueue_indirect_dma source(%arg10 : memref<128x64xf32, #tpu.memory_space<vmem>>) target(%dma_start3A_211 : memref<10112x64xf32, #tpu.memory_space<vmem_shared>>) offsets(%dma_start3A_208 : memref<128xi32, #tpu.memory_space<vmem>>) semaphore(%arg18 : memref<!tpu.dma_semaphore, #tpu.memory_space<semaphore_mem>>) {add = true}
      %add3A_212 = arith.constant 4 : i32
      %add3A_213 = arith.addi %add3A_188, %add3A_212 : i32
      %sub3A = arith.constant 1 : i32
      %sub3A_214 = arith.subi %add3A_213, %sub3A : i32
      %dma_start3A_215 = arith.constant 0 : i32
      %dma_start3A_216 = tpu.memref_slice %arg7[%sub3A_214, %dma_start3A_215] : memref<160x128xi32, #tpu.memory_space<vmem>> -> memref<1x128xi32, #tpu.memory_space<vmem>>
      %dma_start3A_217 = tpu.memref_squeeze %dma_start3A_216 : memref<1x128xi32, #tpu.memory_space<vmem>> -> memref<128xi32, #tpu.memory_space<vmem>>
      %dma_start3A_218 = arith.constant 0 : i32
      %dma_start3A_219 = arith.constant 0 : i32
      %dma_start3A_220 = tpu.memref_slice %arg2[%arg0, %dma_start3A_218, %dma_start3A_219] : memref<2x10112x64xf32, #tpu.memory_space<hbm>> -> memref<1x10112x64xf32, #tpu.memory_space<hbm>>
      %dma_start3A_221 = tpu.memref_squeeze %dma_start3A_220 : memref<1x10112x64xf32, #tpu.memory_space<hbm>> -> memref<10112x64xf32, #tpu.memory_space<hbm>>
      %dma_start3A_222 = arith.constant 0 : i32
      %dma_start3A_223 = arith.constant 0 : i32
      %dma_start3A_224 = tpu.memref_slice %dma_start3A_221[%dma_start3A_222, %dma_start3A_223] : memref<10112x64xf32, #tpu.memory_space<hbm>> -> memref<10112x64xf32, #tpu.memory_space<hbm>>
      tpu.enqueue_indirect_dma source(%dma_start3A_224 : memref<10112x64xf32, #tpu.memory_space<hbm>>) target(%arg9 : memref<128x64xf32, #tpu.memory_space<vmem>>) offsets(%dma_start3A_217 : memref<128xi32, #tpu.memory_space<vmem>>) semaphore(%arg14 : memref<!tpu.dma_semaphore, #tpu.memory_space<semaphore_mem>>)
      %mul3A_225 = arith.constant 4 : i32
      %mul3A_226 = arith.muli %scan3A_182, %mul3A_225 : i32
      %add3A_227 = arith.constant 1 : i32
      %add3A_228 = arith.addi %add3A_227, %mul3A_226 : i32
      %add3A_229 = arith.constant 1 : i32
      %add3A_230 = arith.addi %add3A_228, %add3A_229 : i32
      %dma_wait3A_231 = arith.constant 0 : i32
      %dma_wait3A_232 = tpu.memref_slice %arg7[%add3A_230, %dma_wait3A_231] : memref<160x128xi32, #tpu.memory_space<vmem>> -> memref<1x128xi32, #tpu.memory_space<vmem>>
      %dma_wait3A_233 = tpu.memref_squeeze %dma_wait3A_232 : memref<1x128xi32, #tpu.memory_space<vmem>> -> memref<128xi32, #tpu.memory_space<vmem>>
      %dma_wait3A_234 = arith.constant 0 : i32
      %dma_wait3A_235 = arith.constant 0 : i32
      %dma_wait3A_236 = tpu.memref_slice %arg2[%arg0, %dma_wait3A_234, %dma_wait3A_235] : memref<2x10112x64xf32, #tpu.memory_space<hbm>> -> memref<1x10112x64xf32, #tpu.memory_space<hbm>>
      %dma_wait3A_237 = tpu.memref_squeeze %dma_wait3A_236 : memref<1x10112x64xf32, #tpu.memory_space<hbm>> -> memref<10112x64xf32, #tpu.memory_space<hbm>>
      %dma_wait3A_238 = arith.constant 0 : i32
      %dma_wait3A_239 = arith.constant 0 : i32
      %dma_wait3A_240 = tpu.memref_slice %dma_wait3A_237[%dma_wait3A_238, %dma_wait3A_239] : memref<10112x64xf32, #tpu.memory_space<hbm>> -> memref<10112x64xf32, #tpu.memory_space<hbm>>
      tpu.wait_indirect_dma semaphore(%arg16 : memref<!tpu.dma_semaphore, #tpu.memory_space<semaphore_mem>>) src(%dma_wait3A_240 : memref<10112x64xf32, #tpu.memory_space<hbm>>) dst(%arg11 : memref<128x64xf32, #tpu.memory_space<vmem>>)
      %dma_wait3A_241 = arith.constant 0 : i32
      %dma_wait3A_242 = arith.constant 0 : i32
      %dma_wait3A_243 = tpu.memref_slice %arg8[%dma_wait3A_241, %dma_wait3A_242] : memref<160x128xi32, #tpu.memory_space<vmem>> -> memref<1x128xi32, #tpu.memory_space<vmem>>
      %dma_wait3A_244 = tpu.memref_squeeze %dma_wait3A_243 : memref<1x128xi32, #tpu.memory_space<vmem>> -> memref<128xi32, #tpu.memory_space<vmem>>
      %dma_wait3A_245 = arith.constant 0 : i32
      %dma_wait3A_246 = arith.constant 0 : i32
      %dma_wait3A_247 = tpu.memref_slice %arg13[%dma_wait3A_245, %dma_wait3A_246] : memref<10112x64xf32, #tpu.memory_space<vmem_shared>> -> memref<10112x64xf32, #tpu.memory_space<vmem_shared>>
      tpu.wait_indirect_dma semaphore(%arg18 : memref<!tpu.dma_semaphore, #tpu.memory_space<semaphore_mem>>) src(%arg11 : memref<128x64xf32, #tpu.memory_space<vmem>>) dst(%dma_wait3A_247 : memref<10112x64xf32, #tpu.memory_space<vmem_shared>>)
      %dma_start3A_248 = arith.constant 0 : i32
      %dma_start3A_249 = tpu.memref_slice %arg8[%add3A_230, %dma_start3A_248] : memref<160x128xi32, #tpu.memory_space<vmem>> -> memref<1x128xi32, #tpu.memory_space<vmem>>
      %dma_start3A_250 = tpu.memref_squeeze %dma_start3A_249 : memref<1x128xi32, #tpu.memory_space<vmem>> -> memref<128xi32, #tpu.memory_space<vmem>>
      %dma_start3A_251 = arith.constant 0 : i32
      %dma_start3A_252 = arith.constant 0 : i32
      %dma_start3A_253 = tpu.memref_slice %arg13[%dma_start3A_251, %dma_start3A_252] : memref<10112x64xf32, #tpu.memory_space<vmem_shared>> -> memref<10112x64xf32, #tpu.memory_space<vmem_shared>>
      tpu.enqueue_indirect_dma source(%arg11 : memref<128x64xf32, #tpu.memory_space<vmem>>) target(%dma_start3A_253 : memref<10112x64xf32, #tpu.memory_space<vmem_shared>>) offsets(%dma_start3A_250 : memref<128xi32, #tpu.memory_space<vmem>>) semaphore(%arg18 : memref<!tpu.dma_semaphore, #tpu.memory_space<semaphore_mem>>) {add = true}
      %add3A_254 = arith.constant 4 : i32
      %add3A_255 = arith.addi %add3A_230, %add3A_254 : i32
      %sub3A_256 = arith.constant 1 : i32
      %sub3A_257 = arith.subi %add3A_255, %sub3A_256 : i32
      %dma_start3A_258 = arith.constant 0 : i32
      %dma_start3A_259 = tpu.memref_slice %arg7[%sub3A_257, %dma_start3A_258] : memref<160x128xi32, #tpu.memory_space<vmem>> -> memref<1x128xi32, #tpu.memory_space<vmem>>
      %dma_start3A_260 = tpu.memref_squeeze %dma_start3A_259 : memref<1x128xi32, #tpu.memory_space<vmem>> -> memref<128xi32, #tpu.memory_space<vmem>>
      %dma_start3A_261 = arith.constant 0 : i32
      %dma_start3A_262 = arith.constant 0 : i32
      %dma_start3A_263 = tpu.memref_slice %arg2[%arg0, %dma_start3A_261, %dma_start3A_262] : memref<2x10112x64xf32, #tpu.memory_space<hbm>> -> memref<1x10112x64xf32, #tpu.memory_space<hbm>>
      %dma_start3A_264 = tpu.memref_squeeze %dma_start3A_263 : memref<1x10112x64xf32, #tpu.memory_space<hbm>> -> memref<10112x64xf32, #tpu.memory_space<hbm>>
      %dma_start3A_265 = arith.constant 0 : i32
      %dma_start3A_266 = arith.constant 0 : i32
      %dma_start3A_267 = tpu.memref_slice %dma_start3A_264[%dma_start3A_265, %dma_start3A_266] : memref<10112x64xf32, #tpu.memory_space<hbm>> -> memref<10112x64xf32, #tpu.memory_space<hbm>>
      tpu.enqueue_indirect_dma source(%dma_start3A_267 : memref<10112x64xf32, #tpu.memory_space<hbm>>) target(%arg10 : memref<128x64xf32, #tpu.memory_space<vmem>>) offsets(%dma_start3A_260 : memref<128xi32, #tpu.memory_space<vmem>>) semaphore(%arg15 : memref<!tpu.dma_semaphore, #tpu.memory_space<semaphore_mem>>)
      %mul3A_268 = arith.constant 4 : i32
      %mul3A_269 = arith.muli %scan3A_182, %mul3A_268 : i32
      %add3A_270 = arith.constant 1 : i32
      %add3A_271 = arith.addi %add3A_270, %mul3A_269 : i32
      %add3A_272 = arith.constant 2 : i32
      %add3A_273 = arith.addi %add3A_271, %add3A_272 : i32
      %dma_wait3A_274 = arith.constant 0 : i32
      %dma_wait3A_275 = tpu.memref_slice %arg7[%add3A_273, %dma_wait3A_274] : memref<160x128xi32, #tpu.memory_space<vmem>> -> memref<1x128xi32, #tpu.memory_space<vmem>>
      %dma_wait3A_276 = tpu.memref_squeeze %dma_wait3A_275 : memref<1x128xi32, #tpu.memory_space<vmem>> -> memref<128xi32, #tpu.memory_space<vmem>>
      %dma_wait3A_277 = arith.constant 0 : i32
      %dma_wait3A_278 = arith.constant 0 : i32
      %dma_wait3A_279 = tpu.memref_slice %arg2[%arg0, %dma_wait3A_277, %dma_wait3A_278] : memref<2x10112x64xf32, #tpu.memory_space<hbm>> -> memref<1x10112x64xf32, #tpu.memory_space<hbm>>
      %dma_wait3A_280 = tpu.memref_squeeze %dma_wait3A_279 : memref<1x10112x64xf32, #tpu.memory_space<hbm>> -> memref<10112x64xf32, #tpu.memory_space<hbm>>
      %dma_wait3A_281 = arith.constant 0 : i32
      %dma_wait3A_282 = arith.constant 0 : i32
      %dma_wait3A_283 = tpu.memref_slice %dma_wait3A_280[%dma_wait3A_281, %dma_wait3A_282] : memref<10112x64xf32, #tpu.memory_space<hbm>> -> memref<10112x64xf32, #tpu.memory_space<hbm>>
      tpu.wait_indirect_dma semaphore(%arg17 : memref<!tpu.dma_semaphore, #tpu.memory_space<semaphore_mem>>) src(%dma_wait3A_283 : memref<10112x64xf32, #tpu.memory_space<hbm>>) dst(%arg12 : memref<128x64xf32, #tpu.memory_space<vmem>>)
      %dma_wait3A_284 = arith.constant 0 : i32
      %dma_wait3A_285 = arith.constant 0 : i32
      %dma_wait3A_286 = tpu.memref_slice %arg8[%dma_wait3A_284, %dma_wait3A_285] : memref<160x128xi32, #tpu.memory_space<vmem>> -> memref<1x128xi32, #tpu.memory_space<vmem>>
      %dma_wait3A_287 = tpu.memref_squeeze %dma_wait3A_286 : memref<1x128xi32, #tpu.memory_space<vmem>> -> memref<128xi32, #tpu.memory_space<vmem>>
      %dma_wait3A_288 = arith.constant 0 : i32
      %dma_wait3A_289 = arith.constant 0 : i32
      %dma_wait3A_290 = tpu.memref_slice %arg13[%dma_wait3A_288, %dma_wait3A_289] : memref<10112x64xf32, #tpu.memory_space<vmem_shared>> -> memref<10112x64xf32, #tpu.memory_space<vmem_shared>>
      tpu.wait_indirect_dma semaphore(%arg18 : memref<!tpu.dma_semaphore, #tpu.memory_space<semaphore_mem>>) src(%arg12 : memref<128x64xf32, #tpu.memory_space<vmem>>) dst(%dma_wait3A_290 : memref<10112x64xf32, #tpu.memory_space<vmem_shared>>)
      %dma_start3A_291 = arith.constant 0 : i32
      %dma_start3A_292 = tpu.memref_slice %arg8[%add3A_273, %dma_start3A_291] : memref<160x128xi32, #tpu.memory_space<vmem>> -> memref<1x128xi32, #tpu.memory_space<vmem>>
      %dma_start3A_293 = tpu.memref_squeeze %dma_start3A_292 : memref<1x128xi32, #tpu.memory_space<vmem>> -> memref<128xi32, #tpu.memory_space<vmem>>
      %dma_start3A_294 = arith.constant 0 : i32
      %dma_start3A_295 = arith.constant 0 : i32
      %dma_start3A_296 = tpu.memref_slice %arg13[%dma_start3A_294, %dma_start3A_295] : memref<10112x64xf32, #tpu.memory_space<vmem_shared>> -> memref<10112x64xf32, #tpu.memory_space<vmem_shared>>
      tpu.enqueue_indirect_dma source(%arg12 : memref<128x64xf32, #tpu.memory_space<vmem>>) target(%dma_start3A_296 : memref<10112x64xf32, #tpu.memory_space<vmem_shared>>) offsets(%dma_start3A_293 : memref<128xi32, #tpu.memory_space<vmem>>) semaphore(%arg18 : memref<!tpu.dma_semaphore, #tpu.memory_space<semaphore_mem>>) {add = true}
      %add3A_297 = arith.constant 4 : i32
      %add3A_298 = arith.addi %add3A_273, %add3A_297 : i32
      %sub3A_299 = arith.constant 1 : i32
      %sub3A_300 = arith.subi %add3A_298, %sub3A_299 : i32
      %dma_start3A_301 = arith.constant 0 : i32
      %dma_start3A_302 = tpu.memref_slice %arg7[%sub3A_300, %dma_start3A_301] : memref<160x128xi32, #tpu.memory_space<vmem>> -> memref<1x128xi32, #tpu.memory_space<vmem>>
      %dma_start3A_303 = tpu.memref_squeeze %dma_start3A_302 : memref<1x128xi32, #tpu.memory_space<vmem>> -> memref<128xi32, #tpu.memory_space<vmem>>
      %dma_start3A_304 = arith.constant 0 : i32
      %dma_start3A_305 = arith.constant 0 : i32
      %dma_start3A_306 = tpu.memref_slice %arg2[%arg0, %dma_start3A_304, %dma_start3A_305] : memref<2x10112x64xf32, #tpu.memory_space<hbm>> -> memref<1x10112x64xf32, #tpu.memory_space<hbm>>
      %dma_start3A_307 = tpu.memref_squeeze %dma_start3A_306 : memref<1x10112x64xf32, #tpu.memory_space<hbm>> -> memref<10112x64xf32, #tpu.memory_space<hbm>>
      %dma_start3A_308 = arith.constant 0 : i32
      %dma_start3A_309 = arith.constant 0 : i32
      %dma_start3A_310 = tpu.memref_slice %dma_start3A_307[%dma_start3A_308, %dma_start3A_309] : memref<10112x64xf32, #tpu.memory_space<hbm>> -> memref<10112x64xf32, #tpu.memory_space<hbm>>
      tpu.enqueue_indirect_dma source(%dma_start3A_310 : memref<10112x64xf32, #tpu.memory_space<hbm>>) target(%arg11 : memref<128x64xf32, #tpu.memory_space<vmem>>) offsets(%dma_start3A_303 : memref<128xi32, #tpu.memory_space<vmem>>) semaphore(%arg16 : memref<!tpu.dma_semaphore, #tpu.memory_space<semaphore_mem>>)
      %mul3A_311 = arith.constant 4 : i32
      %mul3A_312 = arith.muli %scan3A_182, %mul3A_311 : i32
      %add3A_313 = arith.constant 1 : i32
      %add3A_314 = arith.addi %add3A_313, %mul3A_312 : i32
      %add3A_315 = arith.constant 3 : i32
      %add3A_316 = arith.addi %add3A_314, %add3A_315 : i32
      %dma_wait3A_317 = arith.constant 0 : i32
      %dma_wait3A_318 = tpu.memref_slice %arg7[%add3A_316, %dma_wait3A_317] : memref<160x128xi32, #tpu.memory_space<vmem>> -> memref<1x128xi32, #tpu.memory_space<vmem>>
      %dma_wait3A_319 = tpu.memref_squeeze %dma_wait3A_318 : memref<1x128xi32, #tpu.memory_space<vmem>> -> memref<128xi32, #tpu.memory_space<vmem>>
      %dma_wait3A_320 = arith.constant 0 : i32
      %dma_wait3A_321 = arith.constant 0 : i32
      %dma_wait3A_322 = tpu.memref_slice %arg2[%arg0, %dma_wait3A_320, %dma_wait3A_321] : memref<2x10112x64xf32, #tpu.memory_space<hbm>> -> memref<1x10112x64xf32, #tpu.memory_space<hbm>>
      %dma_wait3A_323 = tpu.memref_squeeze %dma_wait3A_322 : memref<1x10112x64xf32, #tpu.memory_space<hbm>> -> memref<10112x64xf32, #tpu.memory_space<hbm>>
      %dma_wait3A_324 = arith.constant 0 : i32
      %dma_wait3A_325 = arith.constant 0 : i32
      %dma_wait3A_326 = tpu.memref_slice %dma_wait3A_323[%dma_wait3A_324, %dma_wait3A_325] : memref<10112x64xf32, #tpu.memory_space<hbm>> -> memref<10112x64xf32, #tpu.memory_space<hbm>>
      tpu.wait_indirect_dma semaphore(%arg14 : memref<!tpu.dma_semaphore, #tpu.memory_space<semaphore_mem>>) src(%dma_wait3A_326 : memref<10112x64xf32, #tpu.memory_space<hbm>>) dst(%arg9 : memref<128x64xf32, #tpu.memory_space<vmem>>)
      %dma_wait3A_327 = arith.constant 0 : i32
      %dma_wait3A_328 = arith.constant 0 : i32
      %dma_wait3A_329 = tpu.memref_slice %arg8[%dma_wait3A_327, %dma_wait3A_328] : memref<160x128xi32, #tpu.memory_space<vmem>> -> memref<1x128xi32, #tpu.memory_space<vmem>>
      %dma_wait3A_330 = tpu.memref_squeeze %dma_wait3A_329 : memref<1x128xi32, #tpu.memory_space<vmem>> -> memref<128xi32, #tpu.memory_space<vmem>>
      %dma_wait3A_331 = arith.constant 0 : i32
      %dma_wait3A_332 = arith.constant 0 : i32
      %dma_wait3A_333 = tpu.memref_slice %arg13[%dma_wait3A_331, %dma_wait3A_332] : memref<10112x64xf32, #tpu.memory_space<vmem_shared>> -> memref<10112x64xf32, #tpu.memory_space<vmem_shared>>
      tpu.wait_indirect_dma semaphore(%arg18 : memref<!tpu.dma_semaphore, #tpu.memory_space<semaphore_mem>>) src(%arg9 : memref<128x64xf32, #tpu.memory_space<vmem>>) dst(%dma_wait3A_333 : memref<10112x64xf32, #tpu.memory_space<vmem_shared>>)
      %dma_start3A_334 = arith.constant 0 : i32
      %dma_start3A_335 = tpu.memref_slice %arg8[%add3A_316, %dma_start3A_334] : memref<160x128xi32, #tpu.memory_space<vmem>> -> memref<1x128xi32, #tpu.memory_space<vmem>>
      %dma_start3A_336 = tpu.memref_squeeze %dma_start3A_335 : memref<1x128xi32, #tpu.memory_space<vmem>> -> memref<128xi32, #tpu.memory_space<vmem>>
      %dma_start3A_337 = arith.constant 0 : i32
      %dma_start3A_338 = arith.constant 0 : i32
      %dma_start3A_339 = tpu.memref_slice %arg13[%dma_start3A_337, %dma_start3A_338] : memref<10112x64xf32, #tpu.memory_space<vmem_shared>> -> memref<10112x64xf32, #tpu.memory_space<vmem_shared>>
      tpu.enqueue_indirect_dma source(%arg9 : memref<128x64xf32, #tpu.memory_space<vmem>>) target(%dma_start3A_339 : memref<10112x64xf32, #tpu.memory_space<vmem_shared>>) offsets(%dma_start3A_336 : memref<128xi32, #tpu.memory_space<vmem>>) semaphore(%arg18 : memref<!tpu.dma_semaphore, #tpu.memory_space<semaphore_mem>>) {add = true}
      %add3A_340 = arith.constant 4 : i32
      %add3A_341 = arith.addi %add3A_316, %add3A_340 : i32
      %sub3A_342 = arith.constant 1 : i32
      %sub3A_343 = arith.subi %add3A_341, %sub3A_342 : i32
      %dma_start3A_344 = arith.constant 0 : i32
      %dma_start3A_345 = tpu.memref_slice %arg7[%sub3A_343, %dma_start3A_344] : memref<160x128xi32, #tpu.memory_space<vmem>> -> memref<1x128xi32, #tpu.memory_space<vmem>>
      %dma_start3A_346 = tpu.memref_squeeze %dma_start3A_345 : memref<1x128xi32, #tpu.memory_space<vmem>> -> memref<128xi32, #tpu.memory_space<vmem>>
      %dma_start3A_347 = arith.constant 0 : i32
      %dma_start3A_348 = arith.constant 0 : i32
      %dma_start3A_349 = tpu.memref_slice %arg2[%arg0, %dma_start3A_347, %dma_start3A_348] : memref<2x10112x64xf32, #tpu.memory_space<hbm>> -> memref<1x10112x64xf32, #tpu.memory_space<hbm>>
      %dma_start3A_350 = tpu.memref_squeeze %dma_start3A_349 : memref<1x10112x64xf32, #tpu.memory_space<hbm>> -> memref<10112x64xf32, #tpu.memory_space<hbm>>
      %dma_start3A_351 = arith.constant 0 : i32
      %dma_start3A_352 = arith.constant 0 : i32
      %dma_start3A_353 = tpu.memref_slice %dma_start3A_350[%dma_start3A_351, %dma_start3A_352] : memref<10112x64xf32, #tpu.memory_space<hbm>> -> memref<10112x64xf32, #tpu.memory_space<hbm>>
      tpu.enqueue_indirect_dma source(%dma_start3A_353 : memref<10112x64xf32, #tpu.memory_space<hbm>>) target(%arg12 : memref<128x64xf32, #tpu.memory_space<vmem>>) offsets(%dma_start3A_346 : memref<128xi32, #tpu.memory_space<vmem>>) semaphore(%arg17 : memref<!tpu.dma_semaphore, #tpu.memory_space<semaphore_mem>>)
    }
    %scan3A_78 = arith.constant 39 : i32
    %dma_wait3A_79 = arith.constant 157 : i32
    %dma_wait3A_80 = arith.constant 0 : i32
    %dma_wait3A_81 = tpu.memref_slice %arg7[%dma_wait3A_79, %dma_wait3A_80] : memref<160x128xi32, #tpu.memory_space<vmem>> -> memref<1x128xi32, #tpu.memory_space<vmem>>
    %dma_wait3A_82 = tpu.memref_squeeze %dma_wait3A_81 : memref<1x128xi32, #tpu.memory_space<vmem>> -> memref<128xi32, #tpu.memory_space<vmem>>
    %dma_wait3A_83 = arith.constant 0 : i32
    %dma_wait3A_84 = arith.constant 0 : i32
    %dma_wait3A_85 = tpu.memref_slice %arg2[%arg0, %dma_wait3A_83, %dma_wait3A_84] : memref<2x10112x64xf32, #tpu.memory_space<hbm>> -> memref<1x10112x64xf32, #tpu.memory_space<hbm>>
    %dma_wait3A_86 = tpu.memref_squeeze %dma_wait3A_85 : memref<1x10112x64xf32, #tpu.memory_space<hbm>> -> memref<10112x64xf32, #tpu.memory_space<hbm>>
    %dma_wait3A_87 = arith.constant 0 : i32
    %dma_wait3A_88 = arith.constant 0 : i32
    %dma_wait3A_89 = tpu.memref_slice %dma_wait3A_86[%dma_wait3A_87, %dma_wait3A_88] : memref<10112x64xf32, #tpu.memory_space<hbm>> -> memref<10112x64xf32, #tpu.memory_space<hbm>>
    tpu.wait_indirect_dma semaphore(%arg15 : memref<!tpu.dma_semaphore, #tpu.memory_space<semaphore_mem>>) src(%dma_wait3A_89 : memref<10112x64xf32, #tpu.memory_space<hbm>>) dst(%arg10 : memref<128x64xf32, #tpu.memory_space<vmem>>)
    %dma_wait3A_90 = arith.constant 0 : i32
    %dma_wait3A_91 = arith.constant 0 : i32
    %dma_wait3A_92 = tpu.memref_slice %arg8[%dma_wait3A_90, %dma_wait3A_91] : memref<160x128xi32, #tpu.memory_space<vmem>> -> memref<1x128xi32, #tpu.memory_space<vmem>>
    %dma_wait3A_93 = tpu.memref_squeeze %dma_wait3A_92 : memref<1x128xi32, #tpu.memory_space<vmem>> -> memref<128xi32, #tpu.memory_space<vmem>>
    %dma_wait3A_94 = arith.constant 0 : i32
    %dma_wait3A_95 = arith.constant 0 : i32
    %dma_wait3A_96 = tpu.memref_slice %arg13[%dma_wait3A_94, %dma_wait3A_95] : memref<10112x64xf32, #tpu.memory_space<vmem_shared>> -> memref<10112x64xf32, #tpu.memory_space<vmem_shared>>
    tpu.wait_indirect_dma semaphore(%arg18 : memref<!tpu.dma_semaphore, #tpu.memory_space<semaphore_mem>>) src(%arg10 : memref<128x64xf32, #tpu.memory_space<vmem>>) dst(%dma_wait3A_96 : memref<10112x64xf32, #tpu.memory_space<vmem_shared>>)
    %dma_start3A_97 = arith.constant 157 : i32
    %dma_start3A_98 = arith.constant 0 : i32
    %dma_start3A_99 = tpu.memref_slice %arg8[%dma_start3A_97, %dma_start3A_98] : memref<160x128xi32, #tpu.memory_space<vmem>> -> memref<1x128xi32, #tpu.memory_space<vmem>>
    %dma_start3A_100 = tpu.memref_squeeze %dma_start3A_99 : memref<1x128xi32, #tpu.memory_space<vmem>> -> memref<128xi32, #tpu.memory_space<vmem>>
    %dma_start3A_101 = arith.constant 0 : i32
    %dma_start3A_102 = arith.constant 0 : i32
    %dma_start3A_103 = tpu.memref_slice %arg13[%dma_start3A_101, %dma_start3A_102] : memref<10112x64xf32, #tpu.memory_space<vmem_shared>> -> memref<10112x64xf32, #tpu.memory_space<vmem_shared>>
    tpu.enqueue_indirect_dma source(%arg10 : memref<128x64xf32, #tpu.memory_space<vmem>>) target(%dma_start3A_103 : memref<10112x64xf32, #tpu.memory_space<vmem_shared>>) offsets(%dma_start3A_100 : memref<128xi32, #tpu.memory_space<vmem>>) semaphore(%arg18 : memref<!tpu.dma_semaphore, #tpu.memory_space<semaphore_mem>>) {add = true}
    %dma_wait3A_104 = arith.constant 158 : i32
    %dma_wait3A_105 = arith.constant 0 : i32
    %dma_wait3A_106 = tpu.memref_slice %arg7[%dma_wait3A_104, %dma_wait3A_105] : memref<160x128xi32, #tpu.memory_space<vmem>> -> memref<1x128xi32, #tpu.memory_space<vmem>>
    %dma_wait3A_107 = tpu.memref_squeeze %dma_wait3A_106 : memref<1x128xi32, #tpu.memory_space<vmem>> -> memref<128xi32, #tpu.memory_space<vmem>>
    %dma_wait3A_108 = arith.constant 0 : i32
    %dma_wait3A_109 = arith.constant 0 : i32
    %dma_wait3A_110 = tpu.memref_slice %arg2[%arg0, %dma_wait3A_108, %dma_wait3A_109] : memref<2x10112x64xf32, #tpu.memory_space<hbm>> -> memref<1x10112x64xf32, #tpu.memory_space<hbm>>
    %dma_wait3A_111 = tpu.memref_squeeze %dma_wait3A_110 : memref<1x10112x64xf32, #tpu.memory_space<hbm>> -> memref<10112x64xf32, #tpu.memory_space<hbm>>
    %dma_wait3A_112 = arith.constant 0 : i32
    %dma_wait3A_113 = arith.constant 0 : i32
    %dma_wait3A_114 = tpu.memref_slice %dma_wait3A_111[%dma_wait3A_112, %dma_wait3A_113] : memref<10112x64xf32, #tpu.memory_space<hbm>> -> memref<10112x64xf32, #tpu.memory_space<hbm>>
    tpu.wait_indirect_dma semaphore(%arg16 : memref<!tpu.dma_semaphore, #tpu.memory_space<semaphore_mem>>) src(%dma_wait3A_114 : memref<10112x64xf32, #tpu.memory_space<hbm>>) dst(%arg11 : memref<128x64xf32, #tpu.memory_space<vmem>>)
    %dma_wait3A_115 = arith.constant 0 : i32
    %dma_wait3A_116 = arith.constant 0 : i32
    %dma_wait3A_117 = tpu.memref_slice %arg8[%dma_wait3A_115, %dma_wait3A_116] : memref<160x128xi32, #tpu.memory_space<vmem>> -> memref<1x128xi32, #tpu.memory_space<vmem>>
    %dma_wait3A_118 = tpu.memref_squeeze %dma_wait3A_117 : memref<1x128xi32, #tpu.memory_space<vmem>> -> memref<128xi32, #tpu.memory_space<vmem>>
    %dma_wait3A_119 = arith.constant 0 : i32
    %dma_wait3A_120 = arith.constant 0 : i32
    %dma_wait3A_121 = tpu.memref_slice %arg13[%dma_wait3A_119, %dma_wait3A_120] : memref<10112x64xf32, #tpu.memory_space<vmem_shared>> -> memref<10112x64xf32, #tpu.memory_space<vmem_shared>>
    tpu.wait_indirect_dma semaphore(%arg18 : memref<!tpu.dma_semaphore, #tpu.memory_space<semaphore_mem>>) src(%arg11 : memref<128x64xf32, #tpu.memory_space<vmem>>) dst(%dma_wait3A_121 : memref<10112x64xf32, #tpu.memory_space<vmem_shared>>)
    %dma_start3A_122 = arith.constant 158 : i32
    %dma_start3A_123 = arith.constant 0 : i32
    %dma_start3A_124 = tpu.memref_slice %arg8[%dma_start3A_122, %dma_start3A_123] : memref<160x128xi32, #tpu.memory_space<vmem>> -> memref<1x128xi32, #tpu.memory_space<vmem>>
    %dma_start3A_125 = tpu.memref_squeeze %dma_start3A_124 : memref<1x128xi32, #tpu.memory_space<vmem>> -> memref<128xi32, #tpu.memory_space<vmem>>
    %dma_start3A_126 = arith.constant 0 : i32
    %dma_start3A_127 = arith.constant 0 : i32
    %dma_start3A_128 = tpu.memref_slice %arg13[%dma_start3A_126, %dma_start3A_127] : memref<10112x64xf32, #tpu.memory_space<vmem_shared>> -> memref<10112x64xf32, #tpu.memory_space<vmem_shared>>
    tpu.enqueue_indirect_dma source(%arg11 : memref<128x64xf32, #tpu.memory_space<vmem>>) target(%dma_start3A_128 : memref<10112x64xf32, #tpu.memory_space<vmem_shared>>) offsets(%dma_start3A_125 : memref<128xi32, #tpu.memory_space<vmem>>) semaphore(%arg18 : memref<!tpu.dma_semaphore, #tpu.memory_space<semaphore_mem>>) {add = true}
    %dma_wait3A_129 = arith.constant 159 : i32
    %dma_wait3A_130 = arith.constant 0 : i32
    %dma_wait3A_131 = tpu.memref_slice %arg7[%dma_wait3A_129, %dma_wait3A_130] : memref<160x128xi32, #tpu.memory_space<vmem>> -> memref<1x128xi32, #tpu.memory_space<vmem>>
    %dma_wait3A_132 = tpu.memref_squeeze %dma_wait3A_131 : memref<1x128xi32, #tpu.memory_space<vmem>> -> memref<128xi32, #tpu.memory_space<vmem>>
    %dma_wait3A_133 = arith.constant 0 : i32
    %dma_wait3A_134 = arith.constant 0 : i32
    %dma_wait3A_135 = tpu.memref_slice %arg2[%arg0, %dma_wait3A_133, %dma_wait3A_134] : memref<2x10112x64xf32, #tpu.memory_space<hbm>> -> memref<1x10112x64xf32, #tpu.memory_space<hbm>>
    %dma_wait3A_136 = tpu.memref_squeeze %dma_wait3A_135 : memref<1x10112x64xf32, #tpu.memory_space<hbm>> -> memref<10112x64xf32, #tpu.memory_space<hbm>>
    %dma_wait3A_137 = arith.constant 0 : i32
    %dma_wait3A_138 = arith.constant 0 : i32
    %dma_wait3A_139 = tpu.memref_slice %dma_wait3A_136[%dma_wait3A_137, %dma_wait3A_138] : memref<10112x64xf32, #tpu.memory_space<hbm>> -> memref<10112x64xf32, #tpu.memory_space<hbm>>
    tpu.wait_indirect_dma semaphore(%arg17 : memref<!tpu.dma_semaphore, #tpu.memory_space<semaphore_mem>>) src(%dma_wait3A_139 : memref<10112x64xf32, #tpu.memory_space<hbm>>) dst(%arg12 : memref<128x64xf32, #tpu.memory_space<vmem>>)
    %dma_wait3A_140 = arith.constant 0 : i32
    %dma_wait3A_141 = arith.constant 0 : i32
    %dma_wait3A_142 = tpu.memref_slice %arg8[%dma_wait3A_140, %dma_wait3A_141] : memref<160x128xi32, #tpu.memory_space<vmem>> -> memref<1x128xi32, #tpu.memory_space<vmem>>
    %dma_wait3A_143 = tpu.memref_squeeze %dma_wait3A_142 : memref<1x128xi32, #tpu.memory_space<vmem>> -> memref<128xi32, #tpu.memory_space<vmem>>
    %dma_wait3A_144 = arith.constant 0 : i32
    %dma_wait3A_145 = arith.constant 0 : i32
    %dma_wait3A_146 = tpu.memref_slice %arg13[%dma_wait3A_144, %dma_wait3A_145] : memref<10112x64xf32, #tpu.memory_space<vmem_shared>> -> memref<10112x64xf32, #tpu.memory_space<vmem_shared>>
    tpu.wait_indirect_dma semaphore(%arg18 : memref<!tpu.dma_semaphore, #tpu.memory_space<semaphore_mem>>) src(%arg12 : memref<128x64xf32, #tpu.memory_space<vmem>>) dst(%dma_wait3A_146 : memref<10112x64xf32, #tpu.memory_space<vmem_shared>>)
    %dma_start3A_147 = arith.constant 159 : i32
    %dma_start3A_148 = arith.constant 0 : i32
    %dma_start3A_149 = tpu.memref_slice %arg8[%dma_start3A_147, %dma_start3A_148] : memref<160x128xi32, #tpu.memory_space<vmem>> -> memref<1x128xi32, #tpu.memory_space<vmem>>
    %dma_start3A_150 = tpu.memref_squeeze %dma_start3A_149 : memref<1x128xi32, #tpu.memory_space<vmem>> -> memref<128xi32, #tpu.memory_space<vmem>>
    %dma_start3A_151 = arith.constant 0 : i32
    %dma_start3A_152 = arith.constant 0 : i32
    %dma_start3A_153 = tpu.memref_slice %arg13[%dma_start3A_151, %dma_start3A_152] : memref<10112x64xf32, #tpu.memory_space<vmem_shared>> -> memref<10112x64xf32, #tpu.memory_space<vmem_shared>>
    tpu.enqueue_indirect_dma source(%arg12 : memref<128x64xf32, #tpu.memory_space<vmem>>) target(%dma_start3A_153 : memref<10112x64xf32, #tpu.memory_space<vmem_shared>>) offsets(%dma_start3A_150 : memref<128xi32, #tpu.memory_space<vmem>>) semaphore(%arg18 : memref<!tpu.dma_semaphore, #tpu.memory_space<semaphore_mem>>) {add = true}
    %dma_wait3A_154 = arith.constant 0 : i32
    %dma_wait3A_155 = arith.constant 0 : i32
    %dma_wait3A_156 = tpu.memref_slice %arg8[%dma_wait3A_154, %dma_wait3A_155] : memref<160x128xi32, #tpu.memory_space<vmem>> -> memref<1x128xi32, #tpu.memory_space<vmem>>
    %dma_wait3A_157 = tpu.memref_squeeze %dma_wait3A_156 : memref<1x128xi32, #tpu.memory_space<vmem>> -> memref<128xi32, #tpu.memory_space<vmem>>
    %dma_wait3A_158 = arith.constant 0 : i32
    %dma_wait3A_159 = arith.constant 0 : i32
    %dma_wait3A_160 = tpu.memref_slice %arg13[%dma_wait3A_158, %dma_wait3A_159] : memref<10112x64xf32, #tpu.memory_space<vmem_shared>> -> memref<10112x64xf32, #tpu.memory_space<vmem_shared>>
    tpu.wait_indirect_dma semaphore(%arg18 : memref<!tpu.dma_semaphore, #tpu.memory_space<semaphore_mem>>) src(%arg9 : memref<128x64xf32, #tpu.memory_space<vmem>>) dst(%dma_wait3A_160 : memref<10112x64xf32, #tpu.memory_space<vmem_shared>>)
    %barrier3A_161 = arith.constant 0 : index
    tpu.barrier barrier_id(%barrier3A_161)
    %add3A_162 = arith.constant 0 : i32
    %add3A_163 = arith.addi %mul3A_0, %add3A_162 : i32
    "tpu.region"() ({
      %run_scoped3A = tpu.sem_alloc : memref<!tpu.dma_semaphore, #tpu.memory_space<semaphore_mem>>
      %dma_start3A_182 = arith.constant 0 : i32
      %dma_start3A_183 = arith.constant 0 : i32
      %dma_start3A_184 = tpu.memref_slice %arg9[%dma_start3A_182, %dma_start3A_183] : memref<128x64xf32, #tpu.memory_space<vmem>> -> memref<128x64xf32, #tpu.memory_space<vmem>>
      %dma_start3A_185 = arith.constant 0 : i32
      %dma_start3A_186 = tpu.memref_slice %arg13[%add3A_163, %dma_start3A_185] : memref<10112x64xf32, #tpu.memory_space<vmem_shared>> -> memref<128x64xf32, #tpu.memory_space<vmem_shared>>
      %dma_start3A_187 = arith.constant 0 : i32
      %dma_start3A_188 = arith.constant 0 : i32
      %dma_start3A_189 = tpu.memref_slice %arg9[%dma_start3A_187, %dma_start3A_188] : memref<128x64xf32, #tpu.memory_space<vmem>> -> memref<128x64xf32, #tpu.memory_space<vmem>>
      %dma_start3A_190 = arith.constant 0 : i32
      %dma_start3A_191 = tpu.memref_slice %arg13[%add3A_163, %dma_start3A_190] : memref<10112x64xf32, #tpu.memory_space<vmem_shared>> -> memref<128x64xf32, #tpu.memory_space<vmem_shared>>
      tpu.enqueue_dma source(%dma_start3A_191 : memref<128x64xf32, #tpu.memory_space<vmem_shared>>) target(%dma_start3A_189 : memref<128x64xf32, #tpu.memory_space<vmem>>) target_semaphore(%run_scoped3A : memref<!tpu.dma_semaphore, #tpu.memory_space<semaphore_mem>>)
      %dma_wait3A_192 = arith.constant 0 : i32
      %dma_wait3A_193 = arith.constant 0 : i32
      %dma_wait3A_194 = tpu.memref_slice %arg9[%dma_wait3A_192, %dma_wait3A_193] : memref<128x64xf32, #tpu.memory_space<vmem>> -> memref<128x64xf32, #tpu.memory_space<vmem>>
      %dma_wait3A_195 = arith.constant 0 : i32
      %dma_wait3A_196 = tpu.memref_slice %arg13[%add3A_163, %dma_wait3A_195] : memref<10112x64xf32, #tpu.memory_space<vmem_shared>> -> memref<128x64xf32, #tpu.memory_space<vmem_shared>>
      %dma_wait3A_197 = arith.constant 0 : i32
      %dma_wait3A_198 = arith.constant 0 : i32
      %dma_wait3A_199 = tpu.memref_slice %arg9[%dma_wait3A_197, %dma_wait3A_198] : memref<128x64xf32, #tpu.memory_space<vmem>> -> memref<128x64xf32, #tpu.memory_space<vmem>>
      %dma_wait3A_200 = arith.constant 0 : i32
      %dma_wait3A_201 = tpu.memref_slice %arg13[%add3A_163, %dma_wait3A_200] : memref<10112x64xf32, #tpu.memory_space<vmem_shared>> -> memref<128x64xf32, #tpu.memory_space<vmem_shared>>
      tpu.wait_dma2 semaphore(%run_scoped3A : memref<!tpu.dma_semaphore, #tpu.memory_space<semaphore_mem>>) src(%dma_wait3A_201 : memref<128x64xf32, #tpu.memory_space<vmem_shared>>) dst(%dma_wait3A_199 : memref<128x64xf32, #tpu.memory_space<vmem>>)
      tpu.yield
    }) : () -> ()
    %add3A_164 = arith.constant 0 : i32
    %add3A_165 = arith.addi %mul3A_0, %add3A_164 : i32
    "tpu.region"() ({
      %run_scoped3A = tpu.sem_alloc : memref<!tpu.dma_semaphore, #tpu.memory_space<semaphore_mem>>
      %dma_start3A_182 = arith.constant 0 : i32
      %dma_start3A_183 = arith.constant 0 : i32
      %dma_start3A_184 = tpu.memref_slice %arg9[%dma_start3A_182, %dma_start3A_183] : memref<128x64xf32, #tpu.memory_space<vmem>> -> memref<128x64xf32, #tpu.memory_space<vmem>>
      %dma_start3A_185 = arith.constant 0 : i32
      %dma_start3A_186 = tpu.memref_slice %arg6[%arg0, %add3A_165, %dma_start3A_185] : memref<2x10112x64xf32, #tpu.memory_space<hbm>> -> memref<1x128x64xf32, #tpu.memory_space<hbm>>
      %dma_start3A_187 = tpu.memref_squeeze %dma_start3A_186 : memref<1x128x64xf32, #tpu.memory_space<hbm>> -> memref<128x64xf32, #tpu.memory_space<hbm>>
      %dma_start3A_188 = arith.constant 0 : i32
      %dma_start3A_189 = tpu.memref_slice %arg6[%arg0, %add3A_165, %dma_start3A_188] : memref<2x10112x64xf32, #tpu.memory_space<hbm>> -> memref<1x128x64xf32, #tpu.memory_space<hbm>>
      %dma_start3A_190 = tpu.memref_squeeze %dma_start3A_189 : memref<1x128x64xf32, #tpu.memory_space<hbm>> -> memref<128x64xf32, #tpu.memory_space<hbm>>
      %dma_start3A_191 = arith.constant 0 : i32
      %dma_start3A_192 = arith.constant 0 : i32
      %dma_start3A_193 = tpu.memref_slice %arg9[%dma_start3A_191, %dma_start3A_192] : memref<128x64xf32, #tpu.memory_space<vmem>> -> memref<128x64xf32, #tpu.memory_space<vmem>>
      tpu.enqueue_dma source(%dma_start3A_193 : memref<128x64xf32, #tpu.memory_space<vmem>>) target(%dma_start3A_190 : memref<128x64xf32, #tpu.memory_space<hbm>>) target_semaphore(%run_scoped3A : memref<!tpu.dma_semaphore, #tpu.memory_space<semaphore_mem>>)
      %dma_wait3A_194 = arith.constant 0 : i32
      %dma_wait3A_195 = arith.constant 0 : i32
      %dma_wait3A_196 = tpu.memref_slice %arg9[%dma_wait3A_194, %dma_wait3A_195] : memref<128x64xf32, #tpu.memory_space<vmem>> -> memref<128x64xf32, #tpu.memory_space<vmem>>
      %dma_wait3A_197 = arith.constant 0 : i32
      %dma_wait3A_198 = tpu.memref_slice %arg6[%arg0, %add3A_165, %dma_wait3A_197] : memref<2x10112x64xf32, #tpu.memory_space<hbm>> -> memref<1x128x64xf32, #tpu.memory_space<hbm>>
      %dma_wait3A_199 = tpu.memref_squeeze %dma_wait3A_198 : memref<1x128x64xf32, #tpu.memory_space<hbm>> -> memref<128x64xf32, #tpu.memory_space<hbm>>
      %dma_wait3A_200 = arith.constant 0 : i32
      %dma_wait3A_201 = tpu.memref_slice %arg6[%arg0, %add3A_165, %dma_wait3A_200] : memref<2x10112x64xf32, #tpu.memory_space<hbm>> -> memref<1x128x64xf32, #tpu.memory_space<hbm>>
      %dma_wait3A_202 = tpu.memref_squeeze %dma_wait3A_201 : memref<1x128x64xf32, #tpu.memory_space<hbm>> -> memref<128x64xf32, #tpu.memory_space<hbm>>
      %dma_wait3A_203 = arith.constant 0 : i32
      %dma_wait3A_204 = arith.constant 0 : i32
      %dma_wait3A_205 = tpu.memref_slice %arg9[%dma_wait3A_203, %dma_wait3A_204] : memref<128x64xf32, #tpu.memory_space<vmem>> -> memref<128x64xf32, #tpu.memory_space<vmem>>
      tpu.wait_dma2 semaphore(%run_scoped3A : memref<!tpu.dma_semaphore, #tpu.memory_space<semaphore_mem>>) src(%dma_wait3A_205 : memref<128x64xf32, #tpu.memory_space<vmem>>) dst(%dma_wait3A_202 : memref<128x64xf32, #tpu.memory_space<hbm>>)
      tpu.yield
    }) : () -> ()
    %add3A_166 = arith.constant 128 : i32
    %add3A_167 = arith.addi %mul3A_0, %add3A_166 : i32
    "tpu.region"() ({
      %run_scoped3A = tpu.sem_alloc : memref<!tpu.dma_semaphore, #tpu.memory_space<semaphore_mem>>
      %dma_start3A_182 = arith.constant 0 : i32
      %dma_start3A_183 = arith.constant 0 : i32
      %dma_start3A_184 = tpu.memref_slice %arg9[%dma_start3A_182, %dma_start3A_183] : memref<128x64xf32, #tpu.memory_space<vmem>> -> memref<128x64xf32, #tpu.memory_space<vmem>>
      %dma_start3A_185 = arith.constant 0 : i32
      %dma_start3A_186 = tpu.memref_slice %arg13[%add3A_167, %dma_start3A_185] : memref<10112x64xf32, #tpu.memory_space<vmem_shared>> -> memref<128x64xf32, #tpu.memory_space<vmem_shared>>
      %dma_start3A_187 = arith.constant 0 : i32
      %dma_start3A_188 = arith.constant 0 : i32
      %dma_start3A_189 = tpu.memref_slice %arg9[%dma_start3A_187, %dma_start3A_188] : memref<128x64xf32, #tpu.memory_space<vmem>> -> memref<128x64xf32, #tpu.memory_space<vmem>>
      %dma_start3A_190 = arith.constant 0 : i32
      %dma_start3A_191 = tpu.memref_slice %arg13[%add3A_167, %dma_start3A_190] : memref<10112x64xf32, #tpu.memory_space<vmem_shared>> -> memref<128x64xf32, #tpu.memory_space<vmem_shared>>
      tpu.enqueue_dma source(%dma_start3A_191 : memref<128x64xf32, #tpu.memory_space<vmem_shared>>) target(%dma_start3A_189 : memref<128x64xf32, #tpu.memory_space<vmem>>) target_semaphore(%run_scoped3A : memref<!tpu.dma_semaphore, #tpu.memory_space<semaphore_mem>>)
      %dma_wait3A_192 = arith.constant 0 : i32
      %dma_wait3A_193 = arith.constant 0 : i32
      %dma_wait3A_194 = tpu.memref_slice %arg9[%dma_wait3A_192, %dma_wait3A_193] : memref<128x64xf32, #tpu.memory_space<vmem>> -> memref<128x64xf32, #tpu.memory_space<vmem>>
      %dma_wait3A_195 = arith.constant 0 : i32
      %dma_wait3A_196 = tpu.memref_slice %arg13[%add3A_167, %dma_wait3A_195] : memref<10112x64xf32, #tpu.memory_space<vmem_shared>> -> memref<128x64xf32, #tpu.memory_space<vmem_shared>>
      %dma_wait3A_197 = arith.constant 0 : i32
      %dma_wait3A_198 = arith.constant 0 : i32
      %dma_wait3A_199 = tpu.memref_slice %arg9[%dma_wait3A_197, %dma_wait3A_198] : memref<128x64xf32, #tpu.memory_space<vmem>> -> memref<128x64xf32, #tpu.memory_space<vmem>>
      %dma_wait3A_200 = arith.constant 0 : i32
      %dma_wait3A_201 = tpu.memref_slice %arg13[%add3A_167, %dma_wait3A_200] : memref<10112x64xf32, #tpu.memory_space<vmem_shared>> -> memref<128x64xf32, #tpu.memory_space<vmem_shared>>
      tpu.wait_dma2 semaphore(%run_scoped3A : memref<!tpu.dma_semaphore, #tpu.memory_space<semaphore_mem>>) src(%dma_wait3A_201 : memref<128x64xf32, #tpu.memory_space<vmem_shared>>) dst(%dma_wait3A_199 : memref<128x64xf32, #tpu.memory_space<vmem>>)
      tpu.yield
    }) : () -> ()
    %add3A_168 = arith.constant 128 : i32
    %add3A_169 = arith.addi %mul3A_0, %add3A_168 : i32
    "tpu.region"() ({
      %run_scoped3A = tpu.sem_alloc : memref<!tpu.dma_semaphore, #tpu.memory_space<semaphore_mem>>
      %dma_start3A_182 = arith.constant 0 : i32
      %dma_start3A_183 = arith.constant 0 : i32
      %dma_start3A_184 = tpu.memref_slice %arg9[%dma_start3A_182, %dma_start3A_183] : memref<128x64xf32, #tpu.memory_space<vmem>> -> memref<128x64xf32, #tpu.memory_space<vmem>>
      %dma_start3A_185 = arith.constant 0 : i32
      %dma_start3A_186 = tpu.memref_slice %arg6[%arg0, %add3A_169, %dma_start3A_185] : memref<2x10112x64xf32, #tpu.memory_space<hbm>> -> memref<1x128x64xf32, #tpu.memory_space<hbm>>
      %dma_start3A_187 = tpu.memref_squeeze %dma_start3A_186 : memref<1x128x64xf32, #tpu.memory_space<hbm>> -> memref<128x64xf32, #tpu.memory_space<hbm>>
      %dma_start3A_188 = arith.constant 0 : i32
      %dma_start3A_189 = tpu.memref_slice %arg6[%arg0, %add3A_169, %dma_start3A_188] : memref<2x10112x64xf32, #tpu.memory_space<hbm>> -> memref<1x128x64xf32, #tpu.memory_space<hbm>>
      %dma_start3A_190 = tpu.memref_squeeze %dma_start3A_189 : memref<1x128x64xf32, #tpu.memory_space<hbm>> -> memref<128x64xf32, #tpu.memory_space<hbm>>
      %dma_start3A_191 = arith.constant 0 : i32
      %dma_start3A_192 = arith.constant 0 : i32
      %dma_start3A_193 = tpu.memref_slice %arg9[%dma_start3A_191, %dma_start3A_192] : memref<128x64xf32, #tpu.memory_space<vmem>> -> memref<128x64xf32, #tpu.memory_space<vmem>>
      tpu.enqueue_dma source(%dma_start3A_193 : memref<128x64xf32, #tpu.memory_space<vmem>>) target(%dma_start3A_190 : memref<128x64xf32, #tpu.memory_space<hbm>>) target_semaphore(%run_scoped3A : memref<!tpu.dma_semaphore, #tpu.memory_space<semaphore_mem>>)
      %dma_wait3A_194 = arith.constant 0 : i32
      %dma_wait3A_195 = arith.constant 0 : i32
      %dma_wait3A_196 = tpu.memref_slice %arg9[%dma_wait3A_194, %dma_wait3A_195] : memref<128x64xf32, #tpu.memory_space<vmem>> -> memref<128x64xf32, #tpu.memory_space<vmem>>
      %dma_wait3A_197 = arith.constant 0 : i32
      %dma_wait3A_198 = tpu.memref_slice %arg6[%arg0, %add3A_169, %dma_wait3A_197] : memref<2x10112x64xf32, #tpu.memory_space<hbm>> -> memref<1x128x64xf32, #tpu.memory_space<hbm>>
      %dma_wait3A_199 = tpu.memref_squeeze %dma_wait3A_198 : memref<1x128x64xf32, #tpu.memory_space<hbm>> -> memref<128x64xf32, #tpu.memory_space<hbm>>
      %dma_wait3A_200 = arith.constant 0 : i32
      %dma_wait3A_201 = tpu.memref_slice %arg6[%arg0, %add3A_169, %dma_wait3A_200] : memref<2x10112x64xf32, #tpu.memory_space<hbm>> -> memref<1x128x64xf32, #tpu.memory_space<hbm>>
      %dma_wait3A_202 = tpu.memref_squeeze %dma_wait3A_201 : memref<1x128x64xf32, #tpu.memory_space<hbm>> -> memref<128x64xf32, #tpu.memory_space<hbm>>
      %dma_wait3A_203 = arith.constant 0 : i32
      %dma_wait3A_204 = arith.constant 0 : i32
      %dma_wait3A_205 = tpu.memref_slice %arg9[%dma_wait3A_203, %dma_wait3A_204] : memref<128x64xf32, #tpu.memory_space<vmem>> -> memref<128x64xf32, #tpu.memory_space<vmem>>
      tpu.wait_dma2 semaphore(%run_scoped3A : memref<!tpu.dma_semaphore, #tpu.memory_space<semaphore_mem>>) src(%dma_wait3A_205 : memref<128x64xf32, #tpu.memory_space<vmem>>) dst(%dma_wait3A_202 : memref<128x64xf32, #tpu.memory_space<hbm>>)
      tpu.yield
    }) : () -> ()
    %add3A_170 = arith.constant 256 : i32
    %add3A_171 = arith.addi %mul3A_0, %add3A_170 : i32
    "tpu.region"() ({
      %run_scoped3A = tpu.sem_alloc : memref<!tpu.dma_semaphore, #tpu.memory_space<semaphore_mem>>
      %dma_start3A_182 = arith.constant 0 : i32
      %dma_start3A_183 = arith.constant 0 : i32
      %dma_start3A_184 = tpu.memref_slice %arg9[%dma_start3A_182, %dma_start3A_183] : memref<128x64xf32, #tpu.memory_space<vmem>> -> memref<128x64xf32, #tpu.memory_space<vmem>>
      %dma_start3A_185 = arith.constant 0 : i32
      %dma_start3A_186 = tpu.memref_slice %arg13[%add3A_171, %dma_start3A_185] : memref<10112x64xf32, #tpu.memory_space<vmem_shared>> -> memref<128x64xf32, #tpu.memory_space<vmem_shared>>
      %dma_start3A_187 = arith.constant 0 : i32
      %dma_start3A_188 = arith.constant 0 : i32
      %dma_start3A_189 = tpu.memref_slice %arg9[%dma_start3A_187, %dma_start3A_188] : memref<128x64xf32, #tpu.memory_space<vmem>> -> memref<128x64xf32, #tpu.memory_space<vmem>>
      %dma_start3A_190 = arith.constant 0 : i32
      %dma_start3A_191 = tpu.memref_slice %arg13[%add3A_171, %dma_start3A_190] : memref<10112x64xf32, #tpu.memory_space<vmem_shared>> -> memref<128x64xf32, #tpu.memory_space<vmem_shared>>
      tpu.enqueue_dma source(%dma_start3A_191 : memref<128x64xf32, #tpu.memory_space<vmem_shared>>) target(%dma_start3A_189 : memref<128x64xf32, #tpu.memory_space<vmem>>) target_semaphore(%run_scoped3A : memref<!tpu.dma_semaphore, #tpu.memory_space<semaphore_mem>>)
      %dma_wait3A_192 = arith.constant 0 : i32
      %dma_wait3A_193 = arith.constant 0 : i32
      %dma_wait3A_194 = tpu.memref_slice %arg9[%dma_wait3A_192, %dma_wait3A_193] : memref<128x64xf32, #tpu.memory_space<vmem>> -> memref<128x64xf32, #tpu.memory_space<vmem>>
      %dma_wait3A_195 = arith.constant 0 : i32
      %dma_wait3A_196 = tpu.memref_slice %arg13[%add3A_171, %dma_wait3A_195] : memref<10112x64xf32, #tpu.memory_space<vmem_shared>> -> memref<128x64xf32, #tpu.memory_space<vmem_shared>>
      %dma_wait3A_197 = arith.constant 0 : i32
      %dma_wait3A_198 = arith.constant 0 : i32
      %dma_wait3A_199 = tpu.memref_slice %arg9[%dma_wait3A_197, %dma_wait3A_198] : memref<128x64xf32, #tpu.memory_space<vmem>> -> memref<128x64xf32, #tpu.memory_space<vmem>>
      %dma_wait3A_200 = arith.constant 0 : i32
      %dma_wait3A_201 = tpu.memref_slice %arg13[%add3A_171, %dma_wait3A_200] : memref<10112x64xf32, #tpu.memory_space<vmem_shared>> -> memref<128x64xf32, #tpu.memory_space<vmem_shared>>
      tpu.wait_dma2 semaphore(%run_scoped3A : memref<!tpu.dma_semaphore, #tpu.memory_space<semaphore_mem>>) src(%dma_wait3A_201 : memref<128x64xf32, #tpu.memory_space<vmem_shared>>) dst(%dma_wait3A_199 : memref<128x64xf32, #tpu.memory_space<vmem>>)
      tpu.yield
    }) : () -> ()
    %add3A_172 = arith.constant 256 : i32
    %add3A_173 = arith.addi %mul3A_0, %add3A_172 : i32
    "tpu.region"() ({
      %run_scoped3A = tpu.sem_alloc : memref<!tpu.dma_semaphore, #tpu.memory_space<semaphore_mem>>
      %dma_start3A_182 = arith.constant 0 : i32
      %dma_start3A_183 = arith.constant 0 : i32
      %dma_start3A_184 = tpu.memref_slice %arg9[%dma_start3A_182, %dma_start3A_183] : memref<128x64xf32, #tpu.memory_space<vmem>> -> memref<128x64xf32, #tpu.memory_space<vmem>>
      %dma_start3A_185 = arith.constant 0 : i32
      %dma_start3A_186 = tpu.memref_slice %arg6[%arg0, %add3A_173, %dma_start3A_185] : memref<2x10112x64xf32, #tpu.memory_space<hbm>> -> memref<1x128x64xf32, #tpu.memory_space<hbm>>
      %dma_start3A_187 = tpu.memref_squeeze %dma_start3A_186 : memref<1x128x64xf32, #tpu.memory_space<hbm>> -> memref<128x64xf32, #tpu.memory_space<hbm>>
      %dma_start3A_188 = arith.constant 0 : i32
      %dma_start3A_189 = tpu.memref_slice %arg6[%arg0, %add3A_173, %dma_start3A_188] : memref<2x10112x64xf32, #tpu.memory_space<hbm>> -> memref<1x128x64xf32, #tpu.memory_space<hbm>>
      %dma_start3A_190 = tpu.memref_squeeze %dma_start3A_189 : memref<1x128x64xf32, #tpu.memory_space<hbm>> -> memref<128x64xf32, #tpu.memory_space<hbm>>
      %dma_start3A_191 = arith.constant 0 : i32
      %dma_start3A_192 = arith.constant 0 : i32
      %dma_start3A_193 = tpu.memref_slice %arg9[%dma_start3A_191, %dma_start3A_192] : memref<128x64xf32, #tpu.memory_space<vmem>> -> memref<128x64xf32, #tpu.memory_space<vmem>>
      tpu.enqueue_dma source(%dma_start3A_193 : memref<128x64xf32, #tpu.memory_space<vmem>>) target(%dma_start3A_190 : memref<128x64xf32, #tpu.memory_space<hbm>>) target_semaphore(%run_scoped3A : memref<!tpu.dma_semaphore, #tpu.memory_space<semaphore_mem>>)
      %dma_wait3A_194 = arith.constant 0 : i32
      %dma_wait3A_195 = arith.constant 0 : i32
      %dma_wait3A_196 = tpu.memref_slice %arg9[%dma_wait3A_194, %dma_wait3A_195] : memref<128x64xf32, #tpu.memory_space<vmem>> -> memref<128x64xf32, #tpu.memory_space<vmem>>
      %dma_wait3A_197 = arith.constant 0 : i32
      %dma_wait3A_198 = tpu.memref_slice %arg6[%arg0, %add3A_173, %dma_wait3A_197] : memref<2x10112x64xf32, #tpu.memory_space<hbm>> -> memref<1x128x64xf32, #tpu.memory_space<hbm>>
      %dma_wait3A_199 = tpu.memref_squeeze %dma_wait3A_198 : memref<1x128x64xf32, #tpu.memory_space<hbm>> -> memref<128x64xf32, #tpu.memory_space<hbm>>
      %dma_wait3A_200 = arith.constant 0 : i32
      %dma_wait3A_201 = tpu.memref_slice %arg6[%arg0, %add3A_173, %dma_wait3A_200] : memref<2x10112x64xf32, #tpu.memory_space<hbm>> -> memref<1x128x64xf32, #tpu.memory_space<hbm>>
      %dma_wait3A_202 = tpu.memref_squeeze %dma_wait3A_201 : memref<1x128x64xf32, #tpu.memory_space<hbm>> -> memref<128x64xf32, #tpu.memory_space<hbm>>
      %dma_wait3A_203 = arith.constant 0 : i32
      %dma_wait3A_204 = arith.constant 0 : i32
      %dma_wait3A_205 = tpu.memref_slice %arg9[%dma_wait3A_203, %dma_wait3A_204] : memref<128x64xf32, #tpu.memory_space<vmem>> -> memref<128x64xf32, #tpu.memory_space<vmem>>
      tpu.wait_dma2 semaphore(%run_scoped3A : memref<!tpu.dma_semaphore, #tpu.memory_space<semaphore_mem>>) src(%dma_wait3A_205 : memref<128x64xf32, #tpu.memory_space<vmem>>) dst(%dma_wait3A_202 : memref<128x64xf32, #tpu.memory_space<hbm>>)
      tpu.yield
    }) : () -> ()
    %add3A_174 = arith.constant 384 : i32
    %add3A_175 = arith.addi %mul3A_0, %add3A_174 : i32
    "tpu.region"() ({
      %run_scoped3A = tpu.sem_alloc : memref<!tpu.dma_semaphore, #tpu.memory_space<semaphore_mem>>
      %dma_start3A_182 = arith.constant 0 : i32
      %dma_start3A_183 = arith.constant 0 : i32
      %dma_start3A_184 = tpu.memref_slice %arg9[%dma_start3A_182, %dma_start3A_183] : memref<128x64xf32, #tpu.memory_space<vmem>> -> memref<128x64xf32, #tpu.memory_space<vmem>>
      %dma_start3A_185 = arith.constant 0 : i32
      %dma_start3A_186 = tpu.memref_slice %arg13[%add3A_175, %dma_start3A_185] : memref<10112x64xf32, #tpu.memory_space<vmem_shared>> -> memref<128x64xf32, #tpu.memory_space<vmem_shared>>
      %dma_start3A_187 = arith.constant 0 : i32
      %dma_start3A_188 = arith.constant 0 : i32
      %dma_start3A_189 = tpu.memref_slice %arg9[%dma_start3A_187, %dma_start3A_188] : memref<128x64xf32, #tpu.memory_space<vmem>> -> memref<128x64xf32, #tpu.memory_space<vmem>>
      %dma_start3A_190 = arith.constant 0 : i32
      %dma_start3A_191 = tpu.memref_slice %arg13[%add3A_175, %dma_start3A_190] : memref<10112x64xf32, #tpu.memory_space<vmem_shared>> -> memref<128x64xf32, #tpu.memory_space<vmem_shared>>
      tpu.enqueue_dma source(%dma_start3A_191 : memref<128x64xf32, #tpu.memory_space<vmem_shared>>) target(%dma_start3A_189 : memref<128x64xf32, #tpu.memory_space<vmem>>) target_semaphore(%run_scoped3A : memref<!tpu.dma_semaphore, #tpu.memory_space<semaphore_mem>>)
      %dma_wait3A_192 = arith.constant 0 : i32
      %dma_wait3A_193 = arith.constant 0 : i32
      %dma_wait3A_194 = tpu.memref_slice %arg9[%dma_wait3A_192, %dma_wait3A_193] : memref<128x64xf32, #tpu.memory_space<vmem>> -> memref<128x64xf32, #tpu.memory_space<vmem>>
      %dma_wait3A_195 = arith.constant 0 : i32
      %dma_wait3A_196 = tpu.memref_slice %arg13[%add3A_175, %dma_wait3A_195] : memref<10112x64xf32, #tpu.memory_space<vmem_shared>> -> memref<128x64xf32, #tpu.memory_space<vmem_shared>>
      %dma_wait3A_197 = arith.constant 0 : i32
      %dma_wait3A_198 = arith.constant 0 : i32
      %dma_wait3A_199 = tpu.memref_slice %arg9[%dma_wait3A_197, %dma_wait3A_198] : memref<128x64xf32, #tpu.memory_space<vmem>> -> memref<128x64xf32, #tpu.memory_space<vmem>>
      %dma_wait3A_200 = arith.constant 0 : i32
      %dma_wait3A_201 = tpu.memref_slice %arg13[%add3A_175, %dma_wait3A_200] : memref<10112x64xf32, #tpu.memory_space<vmem_shared>> -> memref<128x64xf32, #tpu.memory_space<vmem_shared>>
      tpu.wait_dma2 semaphore(%run_scoped3A : memref<!tpu.dma_semaphore, #tpu.memory_space<semaphore_mem>>) src(%dma_wait3A_201 : memref<128x64xf32, #tpu.memory_space<vmem_shared>>) dst(%dma_wait3A_199 : memref<128x64xf32, #tpu.memory_space<vmem>>)
      tpu.yield
    }) : () -> ()
    %add3A_176 = arith.constant 384 : i32
    %add3A_177 = arith.addi %mul3A_0, %add3A_176 : i32
    "tpu.region"() ({
      %run_scoped3A = tpu.sem_alloc : memref<!tpu.dma_semaphore, #tpu.memory_space<semaphore_mem>>
      %dma_start3A_182 = arith.constant 0 : i32
      %dma_start3A_183 = arith.constant 0 : i32
      %dma_start3A_184 = tpu.memref_slice %arg9[%dma_start3A_182, %dma_start3A_183] : memref<128x64xf32, #tpu.memory_space<vmem>> -> memref<128x64xf32, #tpu.memory_space<vmem>>
      %dma_start3A_185 = arith.constant 0 : i32
      %dma_start3A_186 = tpu.memref_slice %arg6[%arg0, %add3A_177, %dma_start3A_185] : memref<2x10112x64xf32, #tpu.memory_space<hbm>> -> memref<1x128x64xf32, #tpu.memory_space<hbm>>
      %dma_start3A_187 = tpu.memref_squeeze %dma_start3A_186 : memref<1x128x64xf32, #tpu.memory_space<hbm>> -> memref<128x64xf32, #tpu.memory_space<hbm>>
      %dma_start3A_188 = arith.constant 0 : i32
      %dma_start3A_189 = tpu.memref_slice %arg6[%arg0, %add3A_177, %dma_start3A_188] : memref<2x10112x64xf32, #tpu.memory_space<hbm>> -> memref<1x128x64xf32, #tpu.memory_space<hbm>>
      %dma_start3A_190 = tpu.memref_squeeze %dma_start3A_189 : memref<1x128x64xf32, #tpu.memory_space<hbm>> -> memref<128x64xf32, #tpu.memory_space<hbm>>
      %dma_start3A_191 = arith.constant 0 : i32
      %dma_start3A_192 = arith.constant 0 : i32
      %dma_start3A_193 = tpu.memref_slice %arg9[%dma_start3A_191, %dma_start3A_192] : memref<128x64xf32, #tpu.memory_space<vmem>> -> memref<128x64xf32, #tpu.memory_space<vmem>>
      tpu.enqueue_dma source(%dma_start3A_193 : memref<128x64xf32, #tpu.memory_space<vmem>>) target(%dma_start3A_190 : memref<128x64xf32, #tpu.memory_space<hbm>>) target_semaphore(%run_scoped3A : memref<!tpu.dma_semaphore, #tpu.memory_space<semaphore_mem>>)
      %dma_wait3A_194 = arith.constant 0 : i32
      %dma_wait3A_195 = arith.constant 0 : i32
      %dma_wait3A_196 = tpu.memref_slice %arg9[%dma_wait3A_194, %dma_wait3A_195] : memref<128x64xf32, #tpu.memory_space<vmem>> -> memref<128x64xf32, #tpu.memory_space<vmem>>
      %dma_wait3A_197 = arith.constant 0 : i32
      %dma_wait3A_198 = tpu.memref_slice %arg6[%arg0, %add3A_177, %dma_wait3A_197] : memref<2x10112x64xf32, #tpu.memory_space<hbm>> -> memref<1x128x64xf32, #tpu.memory_space<hbm>>
      %dma_wait3A_199 = tpu.memref_squeeze %dma_wait3A_198 : memref<1x128x64xf32, #tpu.memory_space<hbm>> -> memref<128x64xf32, #tpu.memory_space<hbm>>
      %dma_wait3A_200 = arith.constant 0 : i32
      %dma_wait3A_201 = tpu.memref_slice %arg6[%arg0, %add3A_177, %dma_wait3A_200] : memref<2x10112x64xf32, #tpu.memory_space<hbm>> -> memref<1x128x64xf32, #tpu.memory_space<hbm>>
      %dma_wait3A_202 = tpu.memref_squeeze %dma_wait3A_201 : memref<1x128x64xf32, #tpu.memory_space<hbm>> -> memref<128x64xf32, #tpu.memory_space<hbm>>
      %dma_wait3A_203 = arith.constant 0 : i32
      %dma_wait3A_204 = arith.constant 0 : i32
      %dma_wait3A_205 = tpu.memref_slice %arg9[%dma_wait3A_203, %dma_wait3A_204] : memref<128x64xf32, #tpu.memory_space<vmem>> -> memref<128x64xf32, #tpu.memory_space<vmem>>
      tpu.wait_dma2 semaphore(%run_scoped3A : memref<!tpu.dma_semaphore, #tpu.memory_space<semaphore_mem>>) src(%dma_wait3A_205 : memref<128x64xf32, #tpu.memory_space<vmem>>) dst(%dma_wait3A_202 : memref<128x64xf32, #tpu.memory_space<hbm>>)
      tpu.yield
    }) : () -> ()
    %add3A_178 = arith.constant 512 : i32
    %add3A_179 = arith.addi %mul3A_0, %add3A_178 : i32
    "tpu.region"() ({
      %run_scoped3A = tpu.sem_alloc : memref<!tpu.dma_semaphore, #tpu.memory_space<semaphore_mem>>
      %dma_start3A_182 = arith.constant 0 : i32
      %dma_start3A_183 = arith.constant 0 : i32
      %dma_start3A_184 = tpu.memref_slice %arg9[%dma_start3A_182, %dma_start3A_183] : memref<128x64xf32, #tpu.memory_space<vmem>> -> memref<120x64xf32, #tpu.memory_space<vmem>>
      %dma_start3A_185 = arith.constant 0 : i32
      %dma_start3A_186 = tpu.memref_slice %arg13[%add3A_179, %dma_start3A_185] : memref<10112x64xf32, #tpu.memory_space<vmem_shared>> -> memref<120x64xf32, #tpu.memory_space<vmem_shared>>
      %dma_start3A_187 = arith.constant 0 : i32
      %dma_start3A_188 = arith.constant 0 : i32
      %dma_start3A_189 = tpu.memref_slice %arg9[%dma_start3A_187, %dma_start3A_188] : memref<128x64xf32, #tpu.memory_space<vmem>> -> memref<120x64xf32, #tpu.memory_space<vmem>>
      %dma_start3A_190 = arith.constant 0 : i32
      %dma_start3A_191 = tpu.memref_slice %arg13[%add3A_179, %dma_start3A_190] : memref<10112x64xf32, #tpu.memory_space<vmem_shared>> -> memref<120x64xf32, #tpu.memory_space<vmem_shared>>
      tpu.enqueue_dma source(%dma_start3A_191 : memref<120x64xf32, #tpu.memory_space<vmem_shared>>) target(%dma_start3A_189 : memref<120x64xf32, #tpu.memory_space<vmem>>) target_semaphore(%run_scoped3A : memref<!tpu.dma_semaphore, #tpu.memory_space<semaphore_mem>>)
      %dma_wait3A_192 = arith.constant 0 : i32
      %dma_wait3A_193 = arith.constant 0 : i32
      %dma_wait3A_194 = tpu.memref_slice %arg9[%dma_wait3A_192, %dma_wait3A_193] : memref<128x64xf32, #tpu.memory_space<vmem>> -> memref<120x64xf32, #tpu.memory_space<vmem>>
      %dma_wait3A_195 = arith.constant 0 : i32
      %dma_wait3A_196 = tpu.memref_slice %arg13[%add3A_179, %dma_wait3A_195] : memref<10112x64xf32, #tpu.memory_space<vmem_shared>> -> memref<120x64xf32, #tpu.memory_space<vmem_shared>>
      %dma_wait3A_197 = arith.constant 0 : i32
      %dma_wait3A_198 = arith.constant 0 : i32
      %dma_wait3A_199 = tpu.memref_slice %arg9[%dma_wait3A_197, %dma_wait3A_198] : memref<128x64xf32, #tpu.memory_space<vmem>> -> memref<120x64xf32, #tpu.memory_space<vmem>>
      %dma_wait3A_200 = arith.constant 0 : i32
      %dma_wait3A_201 = tpu.memref_slice %arg13[%add3A_179, %dma_wait3A_200] : memref<10112x64xf32, #tpu.memory_space<vmem_shared>> -> memref<120x64xf32, #tpu.memory_space<vmem_shared>>
      tpu.wait_dma2 semaphore(%run_scoped3A : memref<!tpu.dma_semaphore, #tpu.memory_space<semaphore_mem>>) src(%dma_wait3A_201 : memref<120x64xf32, #tpu.memory_space<vmem_shared>>) dst(%dma_wait3A_199 : memref<120x64xf32, #tpu.memory_space<vmem>>)
      tpu.yield
    }) : () -> ()
    %add3A_180 = arith.constant 512 : i32
    %add3A_181 = arith.addi %mul3A_0, %add3A_180 : i32
    "tpu.region"() ({
      %run_scoped3A = tpu.sem_alloc : memref<!tpu.dma_semaphore, #tpu.memory_space<semaphore_mem>>
      %dma_start3A_182 = arith.constant 0 : i32
      %dma_start3A_183 = arith.constant 0 : i32
      %dma_start3A_184 = tpu.memref_slice %arg9[%dma_start3A_182, %dma_start3A_183] : memref<128x64xf32, #tpu.memory_space<vmem>> -> memref<120x64xf32, #tpu.memory_space<vmem>>
      %dma_start3A_185 = arith.constant 0 : i32
      %dma_start3A_186 = tpu.memref_slice %arg6[%arg0, %add3A_181, %dma_start3A_185] : memref<2x10112x64xf32, #tpu.memory_space<hbm>> -> memref<1x120x64xf32, #tpu.memory_space<hbm>>
      %dma_start3A_187 = tpu.memref_squeeze %dma_start3A_186 : memref<1x120x64xf32, #tpu.memory_space<hbm>> -> memref<120x64xf32, #tpu.memory_space<hbm>>
      %dma_start3A_188 = arith.constant 0 : i32
      %dma_start3A_189 = tpu.memref_slice %arg6[%arg0, %add3A_181, %dma_start3A_188] : memref<2x10112x64xf32, #tpu.memory_space<hbm>> -> memref<1x120x64xf32, #tpu.memory_space<hbm>>
      %dma_start3A_190 = tpu.memref_squeeze %dma_start3A_189 : memref<1x120x64xf32, #tpu.memory_space<hbm>> -> memref<120x64xf32, #tpu.memory_space<hbm>>
      %dma_start3A_191 = arith.constant 0 : i32
      %dma_start3A_192 = arith.constant 0 : i32
      %dma_start3A_193 = tpu.memref_slice %arg9[%dma_start3A_191, %dma_start3A_192] : memref<128x64xf32, #tpu.memory_space<vmem>> -> memref<120x64xf32, #tpu.memory_space<vmem>>
      tpu.enqueue_dma source(%dma_start3A_193 : memref<120x64xf32, #tpu.memory_space<vmem>>) target(%dma_start3A_190 : memref<120x64xf32, #tpu.memory_space<hbm>>) target_semaphore(%run_scoped3A : memref<!tpu.dma_semaphore, #tpu.memory_space<semaphore_mem>>)
      %dma_wait3A_194 = arith.constant 0 : i32
      %dma_wait3A_195 = arith.constant 0 : i32
      %dma_wait3A_196 = tpu.memref_slice %arg9[%dma_wait3A_194, %dma_wait3A_195] : memref<128x64xf32, #tpu.memory_space<vmem>> -> memref<120x64xf32, #tpu.memory_space<vmem>>
      %dma_wait3A_197 = arith.constant 0 : i32
      %dma_wait3A_198 = tpu.memref_slice %arg6[%arg0, %add3A_181, %dma_wait3A_197] : memref<2x10112x64xf32, #tpu.memory_space<hbm>> -> memref<1x120x64xf32, #tpu.memory_space<hbm>>
      %dma_wait3A_199 = tpu.memref_squeeze %dma_wait3A_198 : memref<1x120x64xf32, #tpu.memory_space<hbm>> -> memref<120x64xf32, #tpu.memory_space<hbm>>
      %dma_wait3A_200 = arith.constant 0 : i32
      %dma_wait3A_201 = tpu.memref_slice %arg6[%arg0, %add3A_181, %dma_wait3A_200] : memref<2x10112x64xf32, #tpu.memory_space<hbm>> -> memref<1x120x64xf32, #tpu.memory_space<hbm>>
      %dma_wait3A_202 = tpu.memref_squeeze %dma_wait3A_201 : memref<1x120x64xf32, #tpu.memory_space<hbm>> -> memref<120x64xf32, #tpu.memory_space<hbm>>
      %dma_wait3A_203 = arith.constant 0 : i32
      %dma_wait3A_204 = arith.constant 0 : i32
      %dma_wait3A_205 = tpu.memref_slice %arg9[%dma_wait3A_203, %dma_wait3A_204] : memref<128x64xf32, #tpu.memory_space<vmem>> -> memref<120x64xf32, #tpu.memory_space<vmem>>
      tpu.wait_dma2 semaphore(%run_scoped3A : memref<!tpu.dma_semaphore, #tpu.memory_space<semaphore_mem>>) src(%dma_wait3A_205 : memref<120x64xf32, #tpu.memory_space<vmem>>) dst(%dma_wait3A_202 : memref<120x64xf32, #tpu.memory_space<hbm>>)
      tpu.yield
    }) : () -> ()
    return
  }
}

module attributes {stable_mosaic.version = 14 : i64} {
  func.func @body(%arg0: i32, %arg1: memref<2x2528x64xf32, #tpu.memory_space<vmem>>, %arg2: memref<2x2528x16xf32, #tpu.memory_space<vmem>>, %arg3: memref<2x2528x64xf32, #tpu.memory_space<vmem>>, %arg4: memref<128x128xf32, #tpu.memory_space<vmem>>, %arg5: memref<128x128xf32, #tpu.memory_space<vmem>>, %arg6: memref<1x128xf32, #tpu.memory_space<vmem>>, %arg7: memref<2x2528x64xf32, #tpu.memory_space<vmem>>) attributes {dimension_semantics = [#tpu.dimension_semantics<arbitrary>], iteration_bounds = array<i64: 4>, scalar_prefetch = 0 : i64, scratch_operands = 0 : i64, tpu.core_type = #tpu.core_type<tc>, window_params = [{transform_indices = @transform_0, window_bounds = array<i64: 2, 2528, 64>}, {transform_indices = @transform_1, window_bounds = array<i64: 2, 2528, 16>}, {transform_indices = @transform_2, window_bounds = array<i64: 2, 2528, 64>}, {pipeline_mode = #tpu.pipeline_mode<synchronous>, transform_indices = @transform_3, window_bounds = array<i64: 128, 128>}, {pipeline_mode = #tpu.pipeline_mode<synchronous>, transform_indices = @transform_4, window_bounds = array<i64: 128, 128>}, {pipeline_mode = #tpu.pipeline_mode<synchronous>, transform_indices = @transform_5, window_bounds = array<i64: 1, 128>}, {transform_indices = @transform_6, window_bounds = array<i64: 2, 2528, 64>}]} {
    %get3A = arith.constant 0 : index
    %get3A_0 = arith.constant 0 : index
    %get3A_1 = arith.constant 0 : index
    %get3A_2 = vector.load %arg2[%get3A, %get3A_0, %get3A_1] : memref<2x2528x16xf32, #tpu.memory_space<vmem>>, vector<1x2528x1xf32>
    %get3A_3 = vector.shape_cast %get3A_2 : vector<1x2528x1xf32> to vector<2528x1xf32>
    %get3A_4 = arith.constant 1 : index
    %get3A_5 = arith.constant 0 : index
    %get3A_6 = arith.constant 0 : index
    %get3A_7 = vector.load %arg2[%get3A_4, %get3A_5, %get3A_6] : memref<2x2528x16xf32, #tpu.memory_space<vmem>>, vector<1x2528x1xf32>
    %get3A_8 = vector.shape_cast %get3A_7 : vector<1x2528x1xf32> to vector<2528x1xf32>
    %add3A = arith.addf %get3A_3, %get3A_8 : vector<2528x1xf32>
    %max3A = arith.constant 1.000000e+00 : f32
    %max3A_9 = vector.broadcast %max3A : f32 to vector<2528x1xf32>
    %max3A_10 = arith.maximumf %add3A, %max3A_9 : vector<2528x1xf32>
    %div3A = arith.constant 1.000000e+00 : f32
    %div3A_11 = vector.broadcast %div3A : f32 to vector<2528x1xf32>
    %div3A_12 = arith.divf %div3A_11, %max3A_10 : vector<2528x1xf32>
    %get3A_13 = arith.constant 0 : index
    %get3A_14 = arith.constant 0 : index
    %get3A_15 = arith.constant 0 : index
    %get3A_16 = vector.load %arg1[%get3A_13, %get3A_14, %get3A_15] : memref<2x2528x64xf32, #tpu.memory_space<vmem>>, vector<1x2528x64xf32>
    %get3A_17 = vector.shape_cast %get3A_16 : vector<1x2528x64xf32> to vector<2528x64xf32>
    %mul3A = vector.broadcast %div3A_12 : vector<2528x1xf32> to vector<2528x64xf32>
    %mul3A_18 = arith.mulf %get3A_17, %mul3A : vector<2528x64xf32>
    %get3A_19 = arith.constant 0 : index
    %get3A_20 = arith.constant 0 : index
    %get3A_21 = vector.load %arg4[%get3A_19, %get3A_20] : memref<128x128xf32, #tpu.memory_space<vmem>>, vector<64x128xf32>
    %dot_general3A = arith.constant dense<0.000000e+00> : vector<2528x128xf32>
    %dot_general3A_22 = tpu.matmul %mul3A_18, %get3A_21, %dot_general3A {dimension_numbers = #tpu.dot_dimension_numbers<[1], [0], [0], [1], [0, 0, 1, 1], [], []>, transpose_lhs_hint = false} : vector<2528x64xf32>, vector<64x128xf32>, vector<2528x128xf32> -> vector<2528x128xf32>
    %get3A_23 = arith.constant 1 : index
    %get3A_24 = arith.constant 0 : index
    %get3A_25 = arith.constant 0 : index
    %get3A_26 = vector.load %arg1[%get3A_23, %get3A_24, %get3A_25] : memref<2x2528x64xf32, #tpu.memory_space<vmem>>, vector<1x2528x64xf32>
    %get3A_27 = vector.shape_cast %get3A_26 : vector<1x2528x64xf32> to vector<2528x64xf32>
    %mul3A_28 = vector.broadcast %div3A_12 : vector<2528x1xf32> to vector<2528x64xf32>
    %mul3A_29 = arith.mulf %get3A_27, %mul3A_28 : vector<2528x64xf32>
    %get3A_30 = arith.constant 64 : index
    %get3A_31 = arith.constant 0 : index
    %get3A_32 = vector.load %arg4[%get3A_30, %get3A_31] : memref<128x128xf32, #tpu.memory_space<vmem>>, vector<64x128xf32>
    %dot_general3A_33 = arith.constant dense<0.000000e+00> : vector<2528x128xf32>
    %dot_general3A_34 = tpu.matmul %mul3A_29, %get3A_32, %dot_general3A_33 {dimension_numbers = #tpu.dot_dimension_numbers<[1], [0], [0], [1], [0, 0, 1, 1], [], []>, transpose_lhs_hint = false} : vector<2528x64xf32>, vector<64x128xf32>, vector<2528x128xf32> -> vector<2528x128xf32>
    %add3A_35 = arith.addf %dot_general3A_22, %dot_general3A_34 : vector<2528x128xf32>
    %get3A_36 = arith.constant 0 : index
    %get3A_37 = arith.constant 0 : index
    %get3A_38 = arith.constant 0 : index
    %get3A_39 = vector.load %arg3[%get3A_36, %get3A_37, %get3A_38] : memref<2x2528x64xf32, #tpu.memory_space<vmem>>, vector<1x2528x64xf32>
    %get3A_40 = vector.shape_cast %get3A_39 : vector<1x2528x64xf32> to vector<2528x64xf32>
    %get3A_41 = arith.constant 0 : index
    %get3A_42 = arith.constant 0 : index
    %get3A_43 = vector.load %arg5[%get3A_41, %get3A_42] : memref<128x128xf32, #tpu.memory_space<vmem>>, vector<64x128xf32>
    %dot_general3A_44 = arith.constant dense<0.000000e+00> : vector<2528x128xf32>
    %dot_general3A_45 = tpu.matmul %get3A_40, %get3A_43, %dot_general3A_44 {dimension_numbers = #tpu.dot_dimension_numbers<[1], [0], [0], [1], [0, 0, 1, 1], [], []>, transpose_lhs_hint = false} : vector<2528x64xf32>, vector<64x128xf32>, vector<2528x128xf32> -> vector<2528x128xf32>
    %add3A_46 = arith.addf %add3A_35, %dot_general3A_45 : vector<2528x128xf32>
    %get3A_47 = arith.constant 1 : index
    %get3A_48 = arith.constant 0 : index
    %get3A_49 = arith.constant 0 : index
    %get3A_50 = vector.load %arg3[%get3A_47, %get3A_48, %get3A_49] : memref<2x2528x64xf32, #tpu.memory_space<vmem>>, vector<1x2528x64xf32>
    %get3A_51 = vector.shape_cast %get3A_50 : vector<1x2528x64xf32> to vector<2528x64xf32>
    %get3A_52 = arith.constant 64 : index
    %get3A_53 = arith.constant 0 : index
    %get3A_54 = vector.load %arg5[%get3A_52, %get3A_53] : memref<128x128xf32, #tpu.memory_space<vmem>>, vector<64x128xf32>
    %dot_general3A_55 = arith.constant dense<0.000000e+00> : vector<2528x128xf32>
    %dot_general3A_56 = tpu.matmul %get3A_51, %get3A_54, %dot_general3A_55 {dimension_numbers = #tpu.dot_dimension_numbers<[1], [0], [0], [1], [0, 0, 1, 1], [], []>, transpose_lhs_hint = false} : vector<2528x64xf32>, vector<64x128xf32>, vector<2528x128xf32> -> vector<2528x128xf32>
    %add3A_57 = arith.addf %add3A_46, %dot_general3A_56 : vector<2528x128xf32>
    %get3A_58 = arith.constant 0 : index
    %get3A_59 = arith.constant 0 : index
    %get3A_60 = vector.load %arg6[%get3A_58, %get3A_59] : memref<1x128xf32, #tpu.memory_space<vmem>>, vector<1x128xf32>
    %add3A_61 = vector.broadcast %get3A_60 : vector<1x128xf32> to vector<2528x128xf32>
    %add3A_62 = arith.addf %add3A_57, %add3A_61 : vector<2528x128xf32>
    %max3A_63 = arith.constant 0.000000e+00 : f32
    %max3A_64 = vector.broadcast %max3A_63 : f32 to vector<2528x128xf32>
    %max3A_65 = arith.maximumf %add3A_62, %max3A_64 : vector<2528x128xf32>
    %slice3A = vector.extract_strided_slice %max3A_65 {offsets = [0, 0], sizes = [2528, 64], strides = [1, 1]} : vector<2528x128xf32> to vector<2528x64xf32>
    %swap3A = arith.constant 0 : index
    %swap3A_66 = arith.constant 0 : index
    %swap3A_67 = arith.constant 0 : index
    %swap3A_68 = vector.load %arg7[%swap3A, %swap3A_66, %swap3A_67] : memref<2x2528x64xf32, #tpu.memory_space<vmem>>, vector<1x2528x64xf32>
    %swap3A_69 = vector.shape_cast %swap3A_68 : vector<1x2528x64xf32> to vector<2528x64xf32>
    %swap3A_70 = vector.shape_cast %slice3A : vector<2528x64xf32> to vector<1x2528x64xf32>
    tpu.vector_store %arg7[%swap3A, %swap3A_66, %swap3A_67], %swap3A_70 {strides = array<i32>} : memref<2x2528x64xf32, #tpu.memory_space<vmem>>, vector<1x2528x64xf32>,
    %slice3A_71 = vector.extract_strided_slice %max3A_65 {offsets = [0, 64], sizes = [2528, 64], strides = [1, 1]} : vector<2528x128xf32> to vector<2528x64xf32>
    %swap3A_72 = arith.constant 1 : index
    %swap3A_73 = arith.constant 0 : index
    %swap3A_74 = arith.constant 0 : index
    %swap3A_75 = vector.load %arg7[%swap3A_72, %swap3A_73, %swap3A_74] : memref<2x2528x64xf32, #tpu.memory_space<vmem>>, vector<1x2528x64xf32>
    %swap3A_76 = vector.shape_cast %swap3A_75 : vector<1x2528x64xf32> to vector<2528x64xf32>
    %swap3A_77 = vector.shape_cast %slice3A_71 : vector<2528x64xf32> to vector<1x2528x64xf32>
    tpu.vector_store %arg7[%swap3A_72, %swap3A_73, %swap3A_74], %swap3A_77 {strides = array<i32>} : memref<2x2528x64xf32, #tpu.memory_space<vmem>>, vector<1x2528x64xf32>,
    return
  }
  func.func @transform_0(%arg0: i32) -> (i32, i32, i32) {
    %c0_i32 = arith.constant 0 : i32
    %c0_i32_0 = arith.constant 0 : i32
    %c0_i32_1 = arith.constant 0 : i32
    return %c0_i32, %arg0, %c0_i32_0 : i32, i32, i32
  }
  func.func @transform_1(%arg0: i32) -> (i32, i32, i32) {
    %c0_i32 = arith.constant 0 : i32
    %c0_i32_0 = arith.constant 0 : i32
    %c0_i32_1 = arith.constant 0 : i32
    return %c0_i32, %arg0, %c0_i32_0 : i32, i32, i32
  }
  func.func @transform_2(%arg0: i32) -> (i32, i32, i32) {
    %c0_i32 = arith.constant 0 : i32
    %c0_i32_0 = arith.constant 0 : i32
    %c0_i32_1 = arith.constant 0 : i32
    return %c0_i32, %arg0, %c0_i32_0 : i32, i32, i32
  }
  func.func @transform_3(%arg0: i32) -> (i32, i32) {
    %c0_i32 = arith.constant 0 : i32
    %c0_i32_0 = arith.constant 0 : i32
    %c0_i32_1 = arith.constant 0 : i32
    return %c0_i32, %c0_i32_0 : i32, i32
  }
  func.func @transform_4(%arg0: i32) -> (i32, i32) {
    %c0_i32 = arith.constant 0 : i32
    %c0_i32_0 = arith.constant 0 : i32
    %c0_i32_1 = arith.constant 0 : i32
    return %c0_i32, %c0_i32_0 : i32, i32
  }
  func.func @transform_5(%arg0: i32) -> (i32, i32) {
    %c0_i32 = arith.constant 0 : i32
    %c0_i32_0 = arith.constant 0 : i32
    %c0_i32_1 = arith.constant 0 : i32
    return %c0_i32, %c0_i32_0 : i32, i32
  }
  func.func @transform_6(%arg0: i32) -> (i32, i32, i32) {
    %c0_i32 = arith.constant 0 : i32
    %c0_i32_0 = arith.constant 0 : i32
    %c0_i32_1 = arith.constant 0 : i32
    return %c0_i32, %arg0, %c0_i32_0 : i32, i32, i32
  }
}

module attributes {stable_mosaic.version = 14 : i64} {
  func.func @body(%arg0: i32, %arg1: memref<2x2528x64xf32, #tpu.memory_space<vmem>>, %arg2: memref<2x2528x16xf32, #tpu.memory_space<vmem>>, %arg3: memref<2x2528x64xf32, #tpu.memory_space<vmem>>, %arg4: memref<128x128xf32, #tpu.memory_space<vmem>>, %arg5: memref<128x128xf32, #tpu.memory_space<vmem>>, %arg6: memref<1x128xf32, #tpu.memory_space<vmem>>, %arg7: memref<2528x128xf32, #tpu.memory_space<vmem>>) attributes {dimension_semantics = [#tpu.dimension_semantics<arbitrary>], iteration_bounds = array<i64: 4>, scalar_prefetch = 0 : i64, scratch_operands = 0 : i64, tpu.core_type = #tpu.core_type<tc>, window_params = [{transform_indices = @transform_0, window_bounds = array<i64: 2, 2528, 64>}, {transform_indices = @transform_1, window_bounds = array<i64: 2, 2528, 16>}, {transform_indices = @transform_2, window_bounds = array<i64: 2, 2528, 64>}, {pipeline_mode = #tpu.pipeline_mode<synchronous>, transform_indices = @transform_3, window_bounds = array<i64: 128, 128>}, {pipeline_mode = #tpu.pipeline_mode<synchronous>, transform_indices = @transform_4, window_bounds = array<i64: 128, 128>}, {pipeline_mode = #tpu.pipeline_mode<synchronous>, transform_indices = @transform_5, window_bounds = array<i64: 1, 128>}, {transform_indices = @transform_6, window_bounds = array<i64: 2528, 128>}]} {
    %get3A = arith.constant 0 : index
    %get3A_0 = arith.constant 0 : index
    %get3A_1 = arith.constant 0 : index
    %get3A_2 = vector.load %arg2[%get3A, %get3A_0, %get3A_1] : memref<2x2528x16xf32, #tpu.memory_space<vmem>>, vector<1x2528x1xf32>
    %get3A_3 = vector.shape_cast %get3A_2 : vector<1x2528x1xf32> to vector<2528x1xf32>
    %get3A_4 = arith.constant 1 : index
    %get3A_5 = arith.constant 0 : index
    %get3A_6 = arith.constant 0 : index
    %get3A_7 = vector.load %arg2[%get3A_4, %get3A_5, %get3A_6] : memref<2x2528x16xf32, #tpu.memory_space<vmem>>, vector<1x2528x1xf32>
    %get3A_8 = vector.shape_cast %get3A_7 : vector<1x2528x1xf32> to vector<2528x1xf32>
    %add3A = arith.addf %get3A_3, %get3A_8 : vector<2528x1xf32>
    %max3A = arith.constant 1.000000e+00 : f32
    %max3A_9 = vector.broadcast %max3A : f32 to vector<2528x1xf32>
    %max3A_10 = arith.maximumf %add3A, %max3A_9 : vector<2528x1xf32>
    %div3A = arith.constant 1.000000e+00 : f32
    %div3A_11 = vector.broadcast %div3A : f32 to vector<2528x1xf32>
    %div3A_12 = arith.divf %div3A_11, %max3A_10 : vector<2528x1xf32>
    %get3A_13 = arith.constant 0 : index
    %get3A_14 = arith.constant 0 : index
    %get3A_15 = arith.constant 0 : index
    %get3A_16 = vector.load %arg1[%get3A_13, %get3A_14, %get3A_15] : memref<2x2528x64xf32, #tpu.memory_space<vmem>>, vector<1x2528x64xf32>
    %get3A_17 = vector.shape_cast %get3A_16 : vector<1x2528x64xf32> to vector<2528x64xf32>
    %mul3A = vector.broadcast %div3A_12 : vector<2528x1xf32> to vector<2528x64xf32>
    %mul3A_18 = arith.mulf %get3A_17, %mul3A : vector<2528x64xf32>
    %get3A_19 = arith.constant 0 : index
    %get3A_20 = arith.constant 0 : index
    %get3A_21 = vector.load %arg4[%get3A_19, %get3A_20] : memref<128x128xf32, #tpu.memory_space<vmem>>, vector<64x128xf32>
    %dot_general3A = arith.constant dense<0.000000e+00> : vector<2528x128xf32>
    %dot_general3A_22 = tpu.matmul %mul3A_18, %get3A_21, %dot_general3A {dimension_numbers = #tpu.dot_dimension_numbers<[1], [0], [0], [1], [0, 0, 1, 1], [], []>, transpose_lhs_hint = false} : vector<2528x64xf32>, vector<64x128xf32>, vector<2528x128xf32> -> vector<2528x128xf32>
    %get3A_23 = arith.constant 1 : index
    %get3A_24 = arith.constant 0 : index
    %get3A_25 = arith.constant 0 : index
    %get3A_26 = vector.load %arg1[%get3A_23, %get3A_24, %get3A_25] : memref<2x2528x64xf32, #tpu.memory_space<vmem>>, vector<1x2528x64xf32>
    %get3A_27 = vector.shape_cast %get3A_26 : vector<1x2528x64xf32> to vector<2528x64xf32>
    %mul3A_28 = vector.broadcast %div3A_12 : vector<2528x1xf32> to vector<2528x64xf32>
    %mul3A_29 = arith.mulf %get3A_27, %mul3A_28 : vector<2528x64xf32>
    %get3A_30 = arith.constant 64 : index
    %get3A_31 = arith.constant 0 : index
    %get3A_32 = vector.load %arg4[%get3A_30, %get3A_31] : memref<128x128xf32, #tpu.memory_space<vmem>>, vector<64x128xf32>
    %dot_general3A_33 = arith.constant dense<0.000000e+00> : vector<2528x128xf32>
    %dot_general3A_34 = tpu.matmul %mul3A_29, %get3A_32, %dot_general3A_33 {dimension_numbers = #tpu.dot_dimension_numbers<[1], [0], [0], [1], [0, 0, 1, 1], [], []>, transpose_lhs_hint = false} : vector<2528x64xf32>, vector<64x128xf32>, vector<2528x128xf32> -> vector<2528x128xf32>
    %add3A_35 = arith.addf %dot_general3A_22, %dot_general3A_34 : vector<2528x128xf32>
    %get3A_36 = arith.constant 0 : index
    %get3A_37 = arith.constant 0 : index
    %get3A_38 = arith.constant 0 : index
    %get3A_39 = vector.load %arg3[%get3A_36, %get3A_37, %get3A_38] : memref<2x2528x64xf32, #tpu.memory_space<vmem>>, vector<1x2528x64xf32>
    %get3A_40 = vector.shape_cast %get3A_39 : vector<1x2528x64xf32> to vector<2528x64xf32>
    %get3A_41 = arith.constant 0 : index
    %get3A_42 = arith.constant 0 : index
    %get3A_43 = vector.load %arg5[%get3A_41, %get3A_42] : memref<128x128xf32, #tpu.memory_space<vmem>>, vector<64x128xf32>
    %dot_general3A_44 = arith.constant dense<0.000000e+00> : vector<2528x128xf32>
    %dot_general3A_45 = tpu.matmul %get3A_40, %get3A_43, %dot_general3A_44 {dimension_numbers = #tpu.dot_dimension_numbers<[1], [0], [0], [1], [0, 0, 1, 1], [], []>, transpose_lhs_hint = false} : vector<2528x64xf32>, vector<64x128xf32>, vector<2528x128xf32> -> vector<2528x128xf32>
    %add3A_46 = arith.addf %add3A_35, %dot_general3A_45 : vector<2528x128xf32>
    %get3A_47 = arith.constant 1 : index
    %get3A_48 = arith.constant 0 : index
    %get3A_49 = arith.constant 0 : index
    %get3A_50 = vector.load %arg3[%get3A_47, %get3A_48, %get3A_49] : memref<2x2528x64xf32, #tpu.memory_space<vmem>>, vector<1x2528x64xf32>
    %get3A_51 = vector.shape_cast %get3A_50 : vector<1x2528x64xf32> to vector<2528x64xf32>
    %get3A_52 = arith.constant 64 : index
    %get3A_53 = arith.constant 0 : index
    %get3A_54 = vector.load %arg5[%get3A_52, %get3A_53] : memref<128x128xf32, #tpu.memory_space<vmem>>, vector<64x128xf32>
    %dot_general3A_55 = arith.constant dense<0.000000e+00> : vector<2528x128xf32>
    %dot_general3A_56 = tpu.matmul %get3A_51, %get3A_54, %dot_general3A_55 {dimension_numbers = #tpu.dot_dimension_numbers<[1], [0], [0], [1], [0, 0, 1, 1], [], []>, transpose_lhs_hint = false} : vector<2528x64xf32>, vector<64x128xf32>, vector<2528x128xf32> -> vector<2528x128xf32>
    %add3A_57 = arith.addf %add3A_46, %dot_general3A_56 : vector<2528x128xf32>
    %get3A_58 = arith.constant 0 : index
    %get3A_59 = arith.constant 0 : index
    %get3A_60 = vector.load %arg6[%get3A_58, %get3A_59] : memref<1x128xf32, #tpu.memory_space<vmem>>, vector<1x128xf32>
    %add3A_61 = vector.broadcast %get3A_60 : vector<1x128xf32> to vector<2528x128xf32>
    %add3A_62 = arith.addf %add3A_57, %add3A_61 : vector<2528x128xf32>
    %swap3A = arith.constant 0 : index
    %swap3A_63 = arith.constant 0 : index
    %swap3A_64 = vector.load %arg7[%swap3A, %swap3A_63] : memref<2528x128xf32, #tpu.memory_space<vmem>>, vector<2528x128xf32>
    tpu.vector_store %arg7[%swap3A, %swap3A_63], %add3A_62 {strides = array<i32>} : memref<2528x128xf32, #tpu.memory_space<vmem>>, vector<2528x128xf32>,
    return
  }
  func.func @transform_0(%arg0: i32) -> (i32, i32, i32) {
    %c0_i32 = arith.constant 0 : i32
    %c0_i32_0 = arith.constant 0 : i32
    %c0_i32_1 = arith.constant 0 : i32
    return %c0_i32, %arg0, %c0_i32_0 : i32, i32, i32
  }
  func.func @transform_1(%arg0: i32) -> (i32, i32, i32) {
    %c0_i32 = arith.constant 0 : i32
    %c0_i32_0 = arith.constant 0 : i32
    %c0_i32_1 = arith.constant 0 : i32
    return %c0_i32, %arg0, %c0_i32_0 : i32, i32, i32
  }
  func.func @transform_2(%arg0: i32) -> (i32, i32, i32) {
    %c0_i32 = arith.constant 0 : i32
    %c0_i32_0 = arith.constant 0 : i32
    %c0_i32_1 = arith.constant 0 : i32
    return %c0_i32, %arg0, %c0_i32_0 : i32, i32, i32
  }
  func.func @transform_3(%arg0: i32) -> (i32, i32) {
    %c0_i32 = arith.constant 0 : i32
    %c0_i32_0 = arith.constant 0 : i32
    %c0_i32_1 = arith.constant 0 : i32
    return %c0_i32, %c0_i32_0 : i32, i32
  }
  func.func @transform_4(%arg0: i32) -> (i32, i32) {
    %c0_i32 = arith.constant 0 : i32
    %c0_i32_0 = arith.constant 0 : i32
    %c0_i32_1 = arith.constant 0 : i32
    return %c0_i32, %c0_i32_0 : i32, i32
  }
  func.func @transform_5(%arg0: i32) -> (i32, i32) {
    %c0_i32 = arith.constant 0 : i32
    %c0_i32_0 = arith.constant 0 : i32
    %c0_i32_1 = arith.constant 0 : i32
    return %c0_i32, %c0_i32_0 : i32, i32
  }
  func.func @transform_6(%arg0: i32) -> (i32, i32) {
    %c0_i32 = arith.constant 0 : i32
    %c0_i32_0 = arith.constant 0 : i32
    return %arg0, %c0_i32 : i32, i32
  }
}

</mosaic_0001>

<sc_bundles>
// kernel: kernel.6.cloned.1.call-start
scs
__scs_entry_jumppad:
0x0: {  	(pc) =	sbr.rel $0x88, $3  }
0x1: {  	(tag) =	ssettag $0x0;
	lr =	simm.s32 $0x1  }
0x2: {  	[smem:$0x3F99] =	sst lr;
	_ =	strace $0xD0000000  }
0x3: {  	_ = 	snop  }
0x4: {  	_ = 	snop  }
0x5: {  	_ = 	snop  }
0x6: {  	_ = 	snop  }
0x7: {  	_ = 	snop  }
__scs_overlays_trampoline_lowered:
0x8: {  	[smem:$0x3FA8] =	sst s0  }
0x9: {  	[smem:$0x3FA9] =	sst s1  }
0xa: {  	[smem:$0x3FAA] =	sst s2  }
0xb: {  	[smem:$0x3FAB] =	sst s3  }
0xc: {  	[smem:$0x3FAC] =	sst s4  }
0xd: {  	[smem:$0x3FAD] =	sst s5  }
0xe: {  	[smem:$0x3FAE] =	sst s6  }
0xf: {  	[smem:$0x3FAF] =	sst s7  }
0x10: {  	[smem:$0x3FB0] =	sst s8  }
0x11: {  	[smem:$0x3FB1] =	sst s9;
	s0 =	simm.s32 @!p0 $0x0  }
0x12: {  	s1 =	sld [smem:$0x3F97];
	s0 =	simm.s32 @p0 $0x1  }
0x13: {  	[smem:$0x3FB2] =	sst s0;
	s0 =	simm.s32 @!p1 $0x0  }
0x14: {  	s2 =	sld [smem:$0x3F96];
	s0 =	simm.s32 @p1 $0x1  }
0x15: {  	[smem:$0x3FB3] =	sst s0;
	s0 =	simm.s32 @!p2 $0x0  }
0x16: {  	s3 =	sld [smem:$0x3FDB];
	s0 =	simm.s32 @p2 $0x1  }
0x17: {  	s4 =	simm.s32 $0x1BF5;
	[smem:$0x3FB5] =	sst s0  }
0x18: {  	s0 =	sld [smem:$0x3F98];
	_ =	swait.ge [sflag:s4], $0x0  }
0x19: {  	s7 =	sld [smem:$0x3F99]  }
0x1a: {  	s8 =	sadd.s32 $0xFFFFE003, lr  }
0x1b: {  	s9 =	sadd.s32 $0xFFFFFEF7, lr;
	s5 =	simm.s32 $0xFFFFFFFF;
	p2 =	slt.u32 s8, $0xFFFFF086  }
0x1c: {  	p1 =	slt.u32 s9, $0xF7A;
	s5 =	simm.s32 @!p2 $0x0  }
0x1d: {  	s5 =	simm.s32 @p1 $0x1;
	p0 =	seq.s32 s7, s2  }
0x1e: {  	s7 =	smul.u32 @!p0 $0xF7A, s2;
	p2 =	seq.s32 @!p0 s5, $0x0  }
0x1f: {  	s9 =	smul.u32 $0xF7A, s1;
	s8 =	simm.s32 @!p0 $0x1BF5;
	p2 =	por !p2, p0  }
0x20: {  	[sflag:s8] =	ssyncset.s32 @!p0 $0xFFFFF086;
	s6 =	sadd.s32 @!p0 s3, s7;
	s7 =	simm.s32 @!p0 $0x108  }
0x21: {  	s3 =	sadd.s32 s3, s9;
	s6 =	sadd.s32 @!p0 $0x88, s6;
	s7 =	simm.s32 @p2 $0x1082  }
0x22: {  	[simem:s7], [sflag:s8] =	dma.local @!p0 [hbm:s6], $0xF7A  }
0x23: {  	s9 =	sor.u32 $0xD0000000, s2;
	s6 =	simm.s32 $0x108;
	_ =	swait.ge @!p0 [sflag:s8], $0x0  }
0x24: {  	s3 =	sadd.s32 $0x88, s3;
	s6 =	simm.s32 @!p1 $0x1082;
	[sflag:s4] =	ssyncset.s32 $0xFFFFF086  }
0x25: {  	[simem:s6], [sflag:s4] =	dma.local [hbm:s3], $0xF7A  }
0x26: {  	[smem:$0x3F99] =	sst s1;
	(tag) =	ssettag s2;
	_ =	strace s9  }
0x27: {  	s1 =	sld [smem:$0x3FA9]  }
0x28: {  	s2 =	sld [smem:$0x3FAA]  }
0x29: {  	s4 =	sld [smem:$0x3FAC]  }
0x2a: {  	p0 =	seq.s32 s5, $0x0;
	s5 =	sld [smem:$0x3FAD]  }
0x2b: {  	s6 =	sld [smem:$0x3FAE]  }
0x2c: {  	s7 =	sld [smem:$0x3FAF]  }
0x2d: {  	s3 =	simm.s32 $0x108;
	s8 =	sld [smem:$0x3FB0]  }
0x2e: {  	s3 =	simm.s32 @!p0 $0x1082;
	s9 =	sld [smem:$0x3FB1]  }
0x2f: {  	lr =	sadd.s32 s0, s3;
	s0 =	sld [smem:$0x3FA8]  }
0x30: {  	s3 =	sld [smem:$0x3FAB]  }
0x31: {  	[smem:$0x3FB4] =	sst s10  }
0x32: {  	s10 =	sld [smem:$0x3FB2];
	_ =	sdelay $0x3  }
0x33: {  	p0 =	seq.s32 s10, $0x1;
	s10 =	sld [smem:$0x3FB4];
	_ =	sdelay $0x3  }
0x34: {  	[smem:$0x3FB4] =	sst s10  }
0x35: {  	s10 =	sld [smem:$0x3FB3];
	_ =	sdelay $0x3  }
0x36: {  	p1 =	seq.s32 s10, $0x1;
	s10 =	sld [smem:$0x3FB4];
	_ =	sdelay $0x3  }
0x37: {  	[smem:$0x3FB4] =	sst s10  }
0x38: {  	s10 =	sld [smem:$0x3FB5]  }
0x39: {  	_ = 	snop;
	(pc) =	sbr.ind lr, $3  }
0x3a: {  	_ = 	snop  }
0x3b: {  	_ = 	snop  }
0x3c: {  	p2 =	seq.s32 s10, $0x1;
	s10 =	sld [smem:$0x3FB4]  }
0x3d: {  	_ =	shalt  }
0x3e: {  	_ =	shalt  }
0x3f: {  	_ =	shalt  }
0x40: {  	_ =	shalt  }
0x41: {  	_ =	shalt  }
0x42: {  	_ =	shalt  }
0x43: {  	_ =	shalt  }
0x44: {  	_ =	shalt  }
0x45: {  	_ =	shalt  }
0x46: {  	_ =	shalt  }
0x47: {  	_ =	shalt  }
0x48: {  	_ =	shalt  }
0x49: {  	_ =	shalt  }
0x4a: {  	_ =	shalt  }
0x4b: {  	_ =	shalt  }
0x4c: {  	_ =	shalt  }
0x4d: {  	_ =	shalt  }
0x4e: {  	_ =	shalt  }
0x4f: {  	_ =	shalt  }
0x50: {  	_ =	shalt  }
0x51: {  	_ =	shalt  }
0x52: {  	_ =	shalt  }
0x53: {  	_ =	shalt  }
0x54: {  	_ =	shalt  }
0x55: {  	_ =	shalt  }
0x56: {  	_ =	shalt  }
0x57: {  	_ =	shalt  }
0x58: {  	_ =	shalt  }
0x59: {  	_ =	shalt  }
0x5a: {  	_ =	shalt  }
0x5b: {  	_ =	shalt  }
0x5c: {  	_ =	shalt  }
0x5d: {  	_ =	shalt  }
0x5e: {  	_ =	shalt  }
0x5f: {  	_ =	shalt  }
0x60: {  	_ =	shalt  }
0x61: {  	_ =	shalt  }
0x62: {  	_ =	shalt  }
0x63: {  	_ =	shalt  }
0x64: {  	_ =	shalt  }
0x65: {  	_ =	shalt  }
0x66: {  	_ =	shalt  }
0x67: {  	_ =	shalt  }
0x68: {  	_ =	shalt  }
0x69: {  	_ =	shalt  }
0x6a: {  	_ =	shalt  }
0x6b: {  	_ =	shalt  }
0x6c: {  	_ =	shalt  }
0x6d: {  	_ =	shalt  }
0x6e: {  	_ =	shalt  }
0x6f: {  	_ =	shalt  }
0x70: {  	_ =	shalt  }
0x71: {  	_ =	shalt  }
0x72: {  	_ =	shalt  }
0x73: {  	_ =	shalt  }
0x74: {  	_ =	shalt  }
0x75: {  	_ =	shalt  }
0x76: {  	_ =	shalt  }
0x77: {  	_ =	shalt  }
0x78: {  	_ =	shalt  }
0x79: {  	_ =	shalt  }
0x7a: {  	_ =	shalt  }
0x7b: {  	_ =	shalt  }
0x7c: {  	_ =	shalt  }
0x7d: {  	_ =	shalt  }
0x7e: {  	_ =	shalt  }
0x7f: {  	_ =	shalt  }
0x80: {  	_ =	shalt  }
0x81: {  	_ =	shalt  }
0x82: {  	_ =	shalt  }
0x83: {  	_ =	shalt  }
0x84: {  	_ =	shalt  }
0x85: {  	_ =	shalt  }
0x86: {  	_ =	shalt  }
0x87: {  	_ =	shalt  }
.Lfunc_end0:
.L_simem_size_0:
called_computation_lowered:
.L_overlay_start_0:
0x88: {  	s2 =	sld [smem:$0x3FD9]  }
0x89: {  	s3 =	sld [smem:$0x3FFE];
	_ =	sdelay $0x1  }
0x8a: {  	s1 =	srdreg.scid  }
0x8b: {  	s0 =	sand.u32 $0x1, s1  }
0x8c: {  	s17 =	sshll.u32 s0, $0xA;
	s2 =	sadd.s32 s3, s2  }
0x8d: {  	s2 =	sadd.s32 s2, s17  }
0x8e: {  	[smem:$0x3FC0] =	sst s2  }
0x8f: {  	_ = 	snop  }
0x90: {  	s2 =	sld [smem:$0x3FD0];
	(tm) =	ssettm $0x1  }
0x91: {  	s18 =	sld [smem:$0x3FFB];
	_ =	sdelay $0x3  }
0x92: {  	_ =	strace s18  }
0x93: {  	s3 =	sld [smem:$0x3FFC];
	_ =	sdelay $0x3  }
0x94: {  	_ =	strace s3  }
0x95: {  	s3 =	sld [smem:$0x3FFD];
	_ =	sdelay $0x3  }
0x96: {  	_ =	strace s3  }
0x97: {  	_ =	strace $0x8FFFFFFF  }
0x98: {  	s19 =	sld [smem:$0x3FDB];
	_ =	sdelay $0x1  }
0x99: {  	s4 =	simm.s32 $_scs_section_size  }
0x9a: {  	s5 =	simm.s32 $_size__tile_overlayer_lowered;
	s6 =	simm.s32 $_tile_overlayer_lowered  }
0x9b: {  	s22 =	simm.s32 $0x1BFF;
	s21 =	sshll.u32 s6, $0x1;
	s3 =	sadd.s32 s4, s19  }
0x9c: {  	s7 =	simm.s32 $0x0;
	s20 =	sshll.u32 s5, $0x1;
	s5 =	sadd.s32 s21, s3  }
0x9d: {  	[timem:s7], [sflag:s22] =	dma.local [hbm:s5], s20  }
0x9e: {  	_ =	swait.ge [sflag:s22], s20  }
0x9f: {  	s4 =	ssub.s32 $0x0, s20;
	[sflag:s22] =	ssyncset.done $0x0  }
0xa0: {  	[sflag:s22] =	ssyncadd.s32 s4;
	_ =	sdelay $0x1  }
0xa1: {  	s23 =	simm.s32 $0x1B8B  }
0xa2: {  	_ =	swait.ge [sflag:s23], $0x1  }
0xa3: {  	[sflag:s23] =	ssyncset.done $0x0  }
0xa4: {  	s25 =	simm.s32 $0x1B8E;
	s24 =	sld [smem:$0x3FFE];
	[sflag:s23] =	ssyncadd.s32 $0xFFFFFFFF  }
0xa5: {  	s26 =	simm.s32 $execute0_lowered;
	[smem:$0x3FD2] =	sst s25  }
0xa6: {  	s5 =	sshll.u32 s26, $0x1;
	_ =	strace $0x80000046;
	[dreg:$0x1] =	wrdreg $0xFFFFFFFF  }
0xa7: {  	s28 =	simm.s32 $_size_execute0_lowered;
	s3 =	sadd.s32 s3, s5;
	[dreg:$0x0] =	wrdreg $0x0  }
0xa8: {  	s5 =	sshll.u32 s28, $0x1;
	[dreg:$0x2] =	wrdreg s3  }
0xa9: {  	[dreg:$0x3] =	wrdreg s5  }
0xaa: {  	[dreg:$0x4] =	wrdreg $0xC0  }
0xab: {  	_ =	task [dreg:s7], $0x5FFFF  }
0xac: {  	[dreg:$0x1] =	wrdreg $0xFFFFFFFF  }
0xad: {  	[dreg:$0x0] =	wrdreg $0x60  }
0xae: {  	[dreg:$0x2] =	wrdreg s24  }
0xaf: {  	[dreg:$0x3] =	wrdreg s2  }
0xb0: {  	[dreg:$0x4] =	wrdreg $0x120000  }
0xb1: {  	[dreg:$0x5] =	wrdreg $0x1C6000  }
0xb2: {  	[dreg:$0x6] =	wrdreg $0x9  }
0xb3: {  	_ =	task.clear_ibuf [dreg:s7], $0x7FFFF;
	_ =	strace $0x90000046  }
0xb4: {  	s29 =	simm.s32 $0x9;
	_ =	strace $0x80000048  }
0xb5: {  	_ =	swait.ge [sflag:s29], $0x1  }
0xb6: {  	[sflag:s29] =	ssyncadd.s32 $0xFFFFFFFF  }
0xb7: {  	_ =	strace $0x90000048  }
0xb8: {  	_ =	sfence  }
0xb9: {  	s30 =	sld [smem:$0x0];
	_ =	sdelay $0x2  }
0xba: {  	s31 =	sshll.u32 s1, $0xD;
	s1 =	sshrl.u32 s1, $0x2  }
0xbb: {  	s3 =	sand.u32 $0x4000, s31;
	s1 =	sadd.s32 s1, s30  }
0xbc: {  	s0 =	sor.u32 s3, s0;
	s1 =	sshll.u32 s1, $0x11  }
0xbd: {  	s0 =	sor.u32 s1, s0  }
0xbe: {  	s0 =	sadd.s32 $0x8F2B, s0  }
0xbf: {  	[sflag:s0] =	ssyncadd.remote.s32 $0x1  }
0xc0: {  	_ =	sfence.sel $0xFFFF  }
0xc1: {  	[dreg:$0x0] =	wrdreg $0xFFFFFFFF;
	(pc) =	sbr.abs _section_cstart, $3  }
0xc2: {  	[dreg:$0x1] =	wrdreg $0xFFFFFFFF  }
0xc3: {  	_ =	task.clear_ibuf [dreg:s7], $0x2FFFF;
	_ =	strace $0x9FFFFFFF  }
0xc4: {  	(tm) =	ssettm $0x7FFFFFFF  }
0xc5: {  	_ =	shalt  }
tec
execute0_lowered:
.L_overlay_start_1:
0x0: {  	(tag) =	ssettag $0x1  }
0x1: {  	s21 =	stileid.u32  }
0x2: {  	s2 =	rddreg [dreg:$0x0];
	s4 =	smul.u32 $0x278, s21  }
0x3: {  	s0 =	srdreg.scid;
	s1 =	simm.s32 $0x0;
	s9 =	smul.u32 $0x9E00, s21  }
0x4: {  	s30 =	simm.s32 $0x5000;
	s3 =	sand.u32 $0x1, s0;
	s17 =	smul.u32 $0x2780, s21  }
0x5: {  	[smem:$0x7FF] =	sst s1;
	s6 =	sadd.s32 $0x8C600, s2;
	s5 =	smul.u32 $0x9E000, s3  }
0x6: {  	s8 =	sadd.s32 $0x82800, s2;
	s0 =	ssub.s32 $0x2, s3;
	s20 =	smul.u32 $0x27800, s3  }
0x7: {  	p0 =	sne.s32 s3, $0x0;
	p1 =	seq.s32 s3, $0x0;
	s3 =	simm.s32 $0xA000  }
0x8: {  	s7 =	sshrl.u32 s0, $0x1;
	s28 =	sadd.s32 $0x80, s4;
	s11 =	sadd.s32 $0x100, s4  }
0x9: {  	s12 =	sadd.s32 $0x180, s4;
	s4 =	sadd.s32 $0x200, s4;
	s0 =	ssub.s32 s0, s7  }
0xa: {  	s10 =	sshll.u32 s28, $0x6;
	s13 =	sshll.u32 s11, $0x6;
	s15 =	sshll.u32 s12, $0x6  }
0xb: {  	s16 =	sshll.u32 s4, $0x6;
	s7 =	sshll.u32 s28, $0x4;
	s11 =	sshll.u32 s11, $0x4  }
0xc: {  	s18 =	sshll.u32 s12, $0x4;
	s4 =	sshll.u32 s4, $0x4;
	s29 =	sadd.s32 s9, s5  }
0xd: {  	s14 =	sadd.s32 s5, s10;
	s12 =	sshrl.u32 s29, $0x3;
	s19 =	sadd.s32 s5, s13  }
0xe: {  	s22 =	sadd.s32 s5, s15;
	s23 =	sadd.s32 s5, s16;
	s29 =	sadd.s32 s20, s11  }
0xf: {  	s14 =	sshrl.u32 s14, $0x3;
	s12 =	sadd.s32 s6, s12;
	s19 =	sshrl.u32 s19, $0x3  }
0x10: {  	s24 =	sshrl.u32 s22, $0x3;
	[dreg:$0x5] =	wrdreg s12;
	s14 =	sadd.s32 s6, s14  }
0x11: {  	s22 =	sshrl.u32 s29, $0x3;
	s12 =	sadd.s32 s6, s19;
	[dreg:$0x6] =	wrdreg s14  }
0x12: {  	s25 =	sshrl.u32 s23, $0x3;
	s23 =	sadd.s32 s8, s22;
	[dreg:$0x7] =	wrdreg s12  }
0x13: {  	s26 =	sadd.s32 s17, s20;
	s28 =	sadd.s32 s20, s7;
	[dreg:$0xc] =	wrdreg s23  }
0x14: {  	s5 =	sshrl.u32 s5, $0x3;
	s12 =	sadd.s32 s6, s24;
	s14 =	rddreg [dreg:$0x3]  }
0x15: {  	s0 =	smax.u32 s0, $0x1;
	s6 =	sadd.s32 s6, s25;
	[dreg:$0x8] =	wrdreg s12  }
0x16: {  	s29 =	smul.u32 $0xA00, s21;
	[dreg:$0x9] =	wrdreg s6;
	s6 =	sshrl.u32 s26, $0x3  }
0x17: {  	s19 =	sshrl.u32 s28, $0x3;
	s26 =	rddreg [dreg:$0x1];
	s6 =	sadd.s32 s8, s6  }
0x18: {  	s24 =	sadd.s32 s20, s18;
	[dreg:$0xa] =	wrdreg s6;
	s6 =	sadd.s32 s8, s19  }
0x19: {  	s25 =	sadd.s32 s20, s4;
	[dreg:$0xb] =	wrdreg s6;
	s6 =	sshrl.u32 s24, $0x3  }
0x1a: {  	s28 =	sshrl.u32 s25, $0x3;
	s12 =	rddreg [dreg:$0x2];
	s6 =	sadd.s32 s8, s6  }
0x1b: {  	s25 =	sadd.s32 s29, s2;
	[dreg:$0xd] =	wrdreg s6;
	s6 =	sadd.s32 s8, s28  }
0x1c: {  	s11 =	sadd.s32 s11, s14;
	s24 =	sadd.s32 s26, s29;
	[dreg:$0xe] =	wrdreg s6  }
0x1d: {  	s26 =	sadd.s32 $0x82000, s2;
	_ =	strace $0x80000047;
	[dreg:$0xf] =	wrdreg s24  }
0x1e: {  	s18 =	sadd.s32 s18, s14;
	s28 =	sadd.s32 $0x82600, s2;
	[dreg:$0x10] =	wrdreg s26  }
0x1f: {  	s8 =	sadd.s32 s5, s2;
	s2 =	sadd.s32 $0x82400, s2;
	[dreg:$0x11] =	wrdreg s28  }
0x20: {  	s20 =	sadd.s32 s10, s12;
	s29 =	sadd.s32 $0x1800, s25;
	[dreg:$0x12] =	wrdreg s2  }
0x21: {  	s21 =	sadd.s32 s13, s12;
	s22 =	sadd.s32 s15, s12;
	[dreg:$0x13] =	wrdreg s29  }
0x22: {  	s23 =	sadd.s32 s16, s12;
	s10 =	simm.s32 $0x2;
	[dreg:$0x1b] =	wrdreg s0  }
0x23: {  	s13 =	simm.s32 $0x5;
	s15 =	simm.s32 $0x3;
	[dreg:$0x14] =	wrdreg s22  }
0x24: {  	s16 =	simm.s32 $0x4;
	s25 =	sadd.s32 s7, s14;
	[dreg:$0x15] =	wrdreg s23  }
0x25: {  	s19 =	sadd.s32 s9, s12;
	s9 =	simm.s32 $0x10000;
	[dreg:$0x17] =	wrdreg s25  }
0x26: {  	s7 =	simm.s32 $0xE000;
	s5 =	simm.s32 $0x80;
	[dreg:$0x18] =	wrdreg s11  }
0x27: {  	s31 =	sadd.s32 $0x5A800, s8;
	s6 =	simm.s32 $0xC000;
	[dreg:$0x19] =	wrdreg s18  }
0x28: {  	s8 =	simm.s32 $0x1;
	s24 =	sadd.s32 s17, s14;
	[dreg:$0x1c] =	wrdreg s21  }
0x29: {  	s26 =	sadd.s32 s4, s14;
	s0 =	simm.s32 $0x6;
	[dreg:$0x16] =	wrdreg s24  }
0x2a: {  	s4 =	simm.s32 $0x1BE00;
	s17 =	simm.s32 $0x0;
	[dreg:$0x1a] =	wrdreg s26  }
.LBB2_1:
0x2b: {  	s2 =	rddreg [dreg:$0xf]  }
0x2c: {  	[tilespmem:s1], [sflag:$0x6] =	stream.linear.gather [hbm4b:s2+s1], $0x5000, $0x38;
	[tilespmem:$0x1ED80] =	vst v63  }
0x2d: {  	_ =	swait.ge [sflag:s0], $0x5000  }
0x2e: {  	[sflag:s0] =	ssyncset.done $0x0  }
0x2f: {  	s2 =	rddreg [dreg:$0x13];
	[sflag:s0] =	ssyncadd.s32 $0xFFFFB000  }
0x30: {  	[tilespmem:s30], [sflag:$0x6] =	stream.linear.gather [hbm4b:s2+s1], $0x5000, $0x38;
	[tilespmem:$0x1ED80] =	vst v63  }
0x31: {  	_ =	swait.ge [sflag:s0], $0x5000  }
0x32: {  	[sflag:s0] =	ssyncset.done $0x0  }
0x33: {  	s2 =	rddreg [dreg:$0x10];
	[sflag:s0] =	ssyncadd.s32 $0xFFFFB000  }
0x34: {  	[tilespmem:s3], [sflag:$0x6] =	stream.linear.gather [hbm4b:s2+s1], $0x2000, $0x38;
	[tilespmem:$0x1ED80] =	vst v63  }
0x35: {  	_ =	swait.ge [sflag:s0], $0x2000  }
0x36: {  	[sflag:s0] =	ssyncset.done $0x0  }
0x37: {  	[sflag:s0] =	ssyncadd.s32 $0xFFFFE000  }
0x38: {  	[spmem:s19] =	stream.linear.scatter [tilespmem:s3], [sflag:$0x6], $0x2000, $0x38;
	[tilespmem:$0x1ED80] =	vst v63  }
0x39: {  	_ =	swait.ge [sflag:s0], $0x2000  }
0x3a: {  	[sflag:s0] =	ssyncset.done $0x0  }
0x3b: {  	[sflag:s0] =	ssyncadd.s32 $0xFFFFE000  }
0x3c: {  	[spmem:s20] =	stream.linear.scatter [tilespmem:s3], [sflag:$0x6], $0x2000, $0x38;
	[tilespmem:$0x1ED80] =	vst v63  }
0x3d: {  	_ =	swait.ge [sflag:s0], $0x2000  }
0x3e: {  	[sflag:s0] =	ssyncset.done $0x0  }
0x3f: {  	[sflag:s0] =	ssyncadd.s32 $0xFFFFE000  }
0x40: {  	[spmem:s21] =	stream.linear.scatter [tilespmem:s3], [sflag:$0x6], $0x2000, $0x38;
	[tilespmem:$0x1ED80] =	vst v63  }
0x41: {  	_ =	swait.ge [sflag:s0], $0x2000  }
0x42: {  	[sflag:s0] =	ssyncset.done $0x0  }
0x43: {  	[sflag:s0] =	ssyncadd.s32 $0xFFFFE000  }
0x44: {  	[spmem:s22] =	stream.linear.scatter [tilespmem:s3], [sflag:$0x6], $0x2000, $0x38;
	[tilespmem:$0x1ED80] =	vst v63  }
0x45: {  	_ =	swait.ge [sflag:s0], $0x2000  }
0x46: {  	[sflag:s0] =	ssyncset.done $0x0  }
0x47: {  	[sflag:s0] =	ssyncadd.s32 $0xFFFFE000  }
0x48: {  	[spmem:s23] =	stream.linear.scatter [tilespmem:s3], [sflag:$0x6], $0x1E00, $0x38;
	[tilespmem:$0x1ED80] =	vst v63  }
0x49: {  	_ =	swait.ge [sflag:s0], $0x1E00  }
0x4a: {  	[sflag:s0] =	ssyncset.done $0x0  }
0x4b: {  	s23 =	rddreg [dreg:$0x11];
	[sflag:s0] =	ssyncadd.s32 $0xFFFFE200  }
0x4c: {  	[tilespmem:s4], [sflag:$0x6] =	stream.linear.gather [hbm4b:s23+s1], $0x800, $0x38;
	[tilespmem:$0x1ED80] =	vst v63  }
0x4d: {  	_ =	swait.ge [sflag:s0], $0x800  }
0x4e: {  	[sflag:s0] =	ssyncset.done $0x0  }
0x4f: {  	[sflag:s0] =	ssyncadd.s32 $0xFFFFF800  }
0x50: {  	[spmem:s24] =	stream.linear.scatter [tilespmem:s4], [sflag:$0x6], $0x800, $0x38;
	[tilespmem:$0x1ED80] =	vst v63  }
0x51: {  	_ =	swait.ge [sflag:s0], $0x800  }
0x52: {  	[sflag:s0] =	ssyncset.done $0x0  }
0x53: {  	[sflag:s0] =	ssyncadd.s32 $0xFFFFF800  }
0x54: {  	[spmem:s25] =	stream.linear.scatter [tilespmem:s4], [sflag:$0x6], $0x800, $0x38;
	[tilespmem:$0x1ED80] =	vst v63  }
0x55: {  	_ =	swait.ge [sflag:s0], $0x800  }
0x56: {  	[sflag:s0] =	ssyncset.done $0x0  }
0x57: {  	[sflag:s0] =	ssyncadd.s32 $0xFFFFF800  }
0x58: {  	[spmem:s11] =	stream.linear.scatter [tilespmem:s4], [sflag:$0x6], $0x800, $0x38;
	[tilespmem:$0x1ED80] =	vst v63  }
0x59: {  	_ =	swait.ge [sflag:s0], $0x800  }
0x5a: {  	[sflag:s0] =	ssyncset.done $0x0  }
0x5b: {  	[sflag:s0] =	ssyncadd.s32 $0xFFFFF800  }
0x5c: {  	[spmem:s18] =	stream.linear.scatter [tilespmem:s4], [sflag:$0x6], $0x800, $0x38;
	[tilespmem:$0x1ED80] =	vst v63  }
0x5d: {  	_ =	swait.ge [sflag:s0], $0x800  }
0x5e: {  	[sflag:s0] =	ssyncset.done $0x0  }
0x5f: {  	[sflag:s0] =	ssyncadd.s32 $0xFFFFF800  }
0x60: {  	[spmem:s26] =	stream.linear.scatter [tilespmem:s4], [sflag:$0x6], $0x780, $0x38;
	[tilespmem:$0x1ED80] =	vst v63  }
0x61: {  	_ =	swait.ge [sflag:s0], $0x780  }
0x62: {  	[sflag:s0] =	ssyncset.done $0x0  }
0x63: {  	s11 =	rddreg [dreg:$0x12];
	[sflag:s0] =	ssyncadd.s32 $0xFFFFF880  }
0x64: {  	[tilespmem:s4], [sflag:$0x6] =	stream.linear.gather [hbm4b:s11+s1], $0x800, $0x38;
	[tilespmem:$0x1ED80] =	vst v63  }
0x65: {  	_ =	swait.ge [sflag:s0], $0x800  }
0x66: {  	[sflag:s0] =	ssyncset.done $0x0  }
0x67: {  	[sflag:s0] =	ssyncadd.s32 $0xFFFFF800  }
0x68: {  	[bflag:$0x0] =	sbarrier.arrive $0xFFFF  }
0x69: {  	[tilespmem:s3], [sflag:$0x1] =	stream.indirect.gather [hbm4b:s31+s5], $0x40, s1, s5, $0xb8;
	[tilespmem:$0x1ED80] =	vst v63  }
0x6a: {  	_ = 	snop  }
0x6b: {  	[tilespmem:s6], [sflag:$0x2] =	stream.indirect.gather [hbm4b:s31+s5], $0x40, s5, s5, $0xb8;
	[tilespmem:$0x1ED80] =	vst v63  }
0x6c: {  	s18 =	simm.s32 $0x100  }
0x6d: {  	[tilespmem:s7], [sflag:$0x3] =	stream.indirect.gather [hbm4b:s31+s5], $0x40, s18, s5, $0xb8;
	[tilespmem:$0x1ED80] =	vst v63  }
0x6e: {  	_ =	swait.ge [sflag:s8], $0x2000  }
0x6f: {  	s2 =	simm.s32 @!p0 $0x80;
	[sflag:s8] =	ssyncset.done $0x0  }
0x70: {  	s11 =	simm.s32 @!p0 $0x5000;
	s18 =	simm.s32 @!p0 $0x1BE00;
	[sflag:s8] =	ssyncadd.s32 $0xFFFFE000  }
0x71: {  	[spmem:s14] =	stream.indirect.scatter.add.f32 @!p0 [tilespmem:s18], [sflag:$0x6], $0x10, s11, s2, $0xb8;
	[tilespmem:$0x1ED80] =	vst v63  }
0x72: {  	s2 =	simm.s32 @!p0 $0x6  }
0x73: {  	_ =	swait.ge @!p0 [sflag:s2], $0x800  }
0x74: {  	[sflag:s2] =	ssyncset.done @!p0 $0x0  }
0x75: {  	[sflag:s2] =	ssyncadd.s32 @!p0 $0xFFFFF800  }
0x76: {  	[spmem:s12] =	stream.indirect.scatter.add.f32 [tilespmem:s3], [sflag:$0x5], $0x40, s30, s5, $0xb8;
	[tilespmem:$0x1ED80] =	vst v63  }
0x77: {  	s28 =	smov.u32 s19;
	s19 =	simm.s32 $0x180  }
0x78: {  	[tilespmem:s9], [sflag:$0x4] =	stream.indirect.gather [hbm4b:s31+s5], $0x40, s19, s5, $0xb8;
	[tilespmem:$0x1ED80] =	vst v63  }
0x79: {  	p3 =	por $0x0, $0x0;
	_ =	swait.ge [sflag:s10], $0x2000  }
0x7a: {  	s18 =	simm.s32 $0x1;
	s2 =	simm.s32 $0x1;
	[sflag:s10] =	ssyncset.done $0x0  }
0x7b: {  	s18 =	simm.s32 @!p1 $0x0;
	s2 =	simm.s32 @!p3 $0x0;
	[sflag:s10] =	ssyncadd.s32 $0xFFFFE000  }
0x7c: {  	s29 =	smov.u32 s20;
	p2 =	seq.s32 s18, s2;
	_ =	swait.ge [sflag:s13], $0x2000  }
0x7d: {  	s2 =	simm.s32 @!p2 $0x80;
	s11 =	simm.s32 @!p2 $0x6;
	[sflag:s13] =	ssyncset.done $0x0  }
0x7e: {  	s19 =	simm.s32 @!p2 $0x5080;
	s20 =	simm.s32 @!p2 $0x1BE00;
	[sflag:s13] =	ssyncadd.s32 $0xFFFFE000  }
0x7f: {  	[spmem:s14] =	stream.indirect.scatter.add.f32 @!p2 [tilespmem:s20], [sflag:$0x6], $0x10, s19, s2, $0xb8;
	[tilespmem:$0x1ED80] =	vst v63  }
0x80: {  	_ =	swait.ge @!p2 [sflag:s11], $0x800  }
0x81: {  	[sflag:s11] =	ssyncset.done @!p2 $0x0  }
0x82: {  	s20 =	simm.s32 $0x5080;
	[sflag:s11] =	ssyncadd.s32 @!p2 $0xFFFFF800  }
0x83: {  	[spmem:s12] =	stream.indirect.scatter.add.f32 [tilespmem:s6], [sflag:$0x5], $0x40, s20, s5, $0xb8;
	[tilespmem:$0x1ED80] =	vst v63  }
0x84: {  	s21 =	simm.s32 $0x200  }
0x85: {  	[tilespmem:s3], [sflag:$0x1] =	stream.indirect.gather [hbm4b:s31+s5], $0x40, s21, s5, $0xb8;
	[tilespmem:$0x1ED80] =	vst v63  }
0x86: {  	_ =	swait.ge [sflag:s15], $0x2000  }
0x87: {  	[sflag:s15] =	ssyncset.done $0x0  }
0x88: {  	p2 =	por !p3, !p3;
	[sflag:s15] =	ssyncadd.s32 $0xFFFFE000  }
0x89: {  	p2 =	por @!p1 p3, p3;
	_ =	swait.ge [sflag:s13], $0x2000  }
0x8a: {  	s2 =	simm.s32 @p2 $0x1BE00;
	s11 =	simm.s32 @p2 $0x5100;
	[sflag:s13] =	ssyncset.done $0x0  }
0x8b: {  	s19 =	simm.s32 @p2 $0x80;
	s20 =	simm.s32 @p2 $0x6;
	[sflag:s13] =	ssyncadd.s32 $0xFFFFE000  }
0x8c: {  	[spmem:s14] =	stream.indirect.scatter.add.f32 @p2 [tilespmem:s2], [sflag:$0x6], $0x10, s11, s19, $0xb8;
	[tilespmem:$0x1ED80] =	vst v63  }
0x8d: {  	_ =	swait.ge @p2 [sflag:s20], $0x800  }
0x8e: {  	[sflag:s20] =	ssyncset.done @p2 $0x0  }
0x8f: {  	s22 =	simm.s32 $0x5100;
	[sflag:s20] =	ssyncadd.s32 @p2 $0xFFFFF800  }
0x90: {  	[spmem:s12] =	stream.indirect.scatter.add.f32 [tilespmem:s7], [sflag:$0x5], $0x40, s22, s5, $0xb8;
	[tilespmem:$0x1ED80] =	vst v63  }
0x91: {  	s23 =	simm.s32 $0x280  }
0x92: {  	[tilespmem:s6], [sflag:$0x2] =	stream.indirect.gather [hbm4b:s31+s5], $0x40, s23, s5, $0xb8;
	[tilespmem:$0x1ED80] =	vst v63  }
0x93: {  	_ =	swait.ge [sflag:s16], $0x2000  }
0x94: {  	[sflag:s16] =	ssyncset.done $0x0  }
0x95: {  	[sflag:s16] =	ssyncadd.s32 $0xFFFFE000  }
0x96: {  	_ =	swait.ge [sflag:s13], $0x2000  }
0x97: {  	[sflag:s13] =	ssyncset.done $0x0  }
0x98: {  	s11 =	simm.s32 @p2 $0x5180;
	[sflag:s13] =	ssyncadd.s32 $0xFFFFE000  }
0x99: {  	[spmem:s14] =	stream.indirect.scatter.add.f32 @p2 [tilespmem:s2], [sflag:$0x6], $0x10, s11, s19, $0xb8;
	[tilespmem:$0x1ED80] =	vst v63  }
0x9a: {  	_ =	swait.ge @p2 [sflag:s20], $0x800  }
0x9b: {  	[sflag:s20] =	ssyncset.done @p2 $0x0  }
0x9c: {  	s24 =	simm.s32 $0x5180;
	[sflag:s20] =	ssyncadd.s32 @p2 $0xFFFFF800  }
0x9d: {  	[spmem:s12] =	stream.indirect.scatter.add.f32 [tilespmem:s9], [sflag:$0x5], $0x40, s24, s5, $0xb8;
	[tilespmem:$0x1ED80] =	vst v63  }
0x9e: {  	s25 =	simm.s32 $0x300  }
0x9f: {  	[tilespmem:s7], [sflag:$0x3] =	stream.indirect.gather [hbm4b:s31+s5], $0x40, s25, s5, $0xb8;
	[tilespmem:$0x1ED80] =	vst v63  }
0xa0: {  	_ =	swait.ge [sflag:s8], $0x2000  }
0xa1: {  	s2 =	simm.s32 $0x1;
	p2 =	por $0x0, $0x0;
	[sflag:s8] =	ssyncset.done $0x0  }
0xa2: {  	s2 =	simm.s32 @!p2 $0x0;
	[sflag:s8] =	ssyncadd.s32 $0xFFFFE000  }
0xa3: {  	p2 =	seq.s32 s18, s2;
	_ =	swait.ge [sflag:s13], $0x2000  }
0xa4: {  	s2 =	simm.s32 @!p2 $0x1BE00;
	[sflag:s13] =	ssyncset.done $0x0  }
0xa5: {  	s11 =	simm.s32 @!p2 $0x5200;
	s19 =	simm.s32 @!p2 $0x80;
	[sflag:s13] =	ssyncadd.s32 $0xFFFFE000  }
0xa6: {  	[spmem:s14] =	stream.indirect.scatter.add.f32 @!p2 [tilespmem:s2], [sflag:$0x6], $0x10, s11, s19, $0xb8;
	[tilespmem:$0x1ED80] =	vst v63  }
0xa7: {  	s2 =	simm.s32 @!p2 $0x6  }
0xa8: {  	_ =	swait.ge @!p2 [sflag:s2], $0x800  }
0xa9: {  	s26 =	simm.s32 $0x5200;
	s20 =	simm.s32 $0x380;
	[sflag:s2] =	ssyncset.done @!p2 $0x0  }
0xaa: {  	s19 =	simm.s32 $0x800;
	[sflag:s2] =	ssyncadd.s32 @!p2 $0xFFFFF800;
	s2 =	simm.s32 $0x0  }
0xab: {  	[spmem:s12] =	stream.indirect.scatter.add.f32 [tilespmem:s3], [sflag:$0x5], $0x40, s26, s5, $0xb8;
	[tilespmem:$0x1ED80] =	vst v63  }
.LBB2_2:
0xac: {  	s2 =	sadd.s32 $0x1, s2;
	s11 =	smov.u32 s19;
	s19 =	sadd.s32 $0x800, s19  }
0xad: {  	[tilespmem:s9], [sflag:$0x4] =	stream.indirect.gather [hbm4b:s31+s5], $0x40, s20, s5, $0xb8;
	[tilespmem:$0x1ED80] =	vst v63  }
0xae: {  	p2 =	sne.s32 s19, $0x13800;
	_ =	swait.ge [sflag:s10], $0x2000  }
0xaf: {  	p5 =	sgt.u32 s2, $0x13;
	s20 =	simm.s32 $0x1;
	[sflag:s10] =	ssyncset.done $0x0  }
0xb0: {  	s20 =	simm.s32 @!p5 $0x0;
	[sflag:s10] =	ssyncadd.s32 $0xFFFFE000  }
0xb1: {  	p3 =	por !p5, !p5;
	p4 =	seq.s32 s18, s20;
	_ =	swait.ge [sflag:s13], $0x2000  }
0xb2: {  	p3 =	por @!p1 p5, p5;
	s20 =	sshra.s32 @!p4 s11, $0x2;
	[sflag:s13] =	ssyncset.done $0x0  }
0xb3: {  	s21 =	simm.s32 @!p4 $0x80;
	s22 =	simm.s32 @!p4 $0x6;
	[sflag:s13] =	ssyncadd.s32 $0xFFFFE000  }
0xb4: {  	s23 =	simm.s32 @!p4 $0x1BE00;
	s24 =	sshra.s32 @p3 s11, $0x2;
	s20 =	sadd.s32 @!p4 $0x5080, s20  }
0xb5: {  	[spmem:s14] =	stream.indirect.scatter.add.f32 @!p4 [tilespmem:s23], [sflag:$0x6], $0x10, s20, s21, $0xb8;
	[tilespmem:$0x1ED80] =	vst v63  }
0xb6: {  	s20 =	sshra.s32 s11, $0x2;
	s21 =	sadd.s32 @p3 $0x5180, s24;
	_ =	swait.ge @!p4 [sflag:s22], $0x800  }
0xb7: {  	s23 =	sadd.s32 $0x5080, s20;
	[sflag:s22] =	ssyncset.done @!p4 $0x0  }
0xb8: {  	[sflag:s22] =	ssyncadd.s32 @!p4 $0xFFFFF800;
	s22 =	sadd.s32 $0x200, s20  }
0xb9: {  	[spmem:s12] =	stream.indirect.scatter.add.f32 [tilespmem:s6], [sflag:$0x5], $0x40, s23, s5, $0xb8;
	[tilespmem:$0x1ED80] =	vst v63  }
0xba: {  	_ = 	snop  }
0xbb: {  	[tilespmem:s3], [sflag:$0x1] =	stream.indirect.gather [hbm4b:s31+s5], $0x40, s22, s5, $0xb8;
	[tilespmem:$0x1ED80] =	vst v63  }
0xbc: {  	_ =	swait.ge [sflag:s15], $0x2000  }
0xbd: {  	[sflag:s15] =	ssyncset.done $0x0  }
0xbe: {  	[sflag:s15] =	ssyncadd.s32 $0xFFFFE000  }
0xbf: {  	s22 =	simm.s32 @p3 $0x1BE00;
	_ =	swait.ge [sflag:s13], $0x2000  }
0xc0: {  	s23 =	sadd.s32 @p3 $0x5100, s24;
	s24 =	simm.s32 @p3 $0x80;
	[sflag:s13] =	ssyncset.done $0x0  }
0xc1: {  	s25 =	simm.s32 @p3 $0x6;
	[sflag:s13] =	ssyncadd.s32 $0xFFFFE000  }
0xc2: {  	[spmem:s14] =	stream.indirect.scatter.add.f32 @p3 [tilespmem:s22], [sflag:$0x6], $0x10, s23, s24, $0xb8;
	[tilespmem:$0x1ED80] =	vst v63  }
0xc3: {  	_ =	swait.ge @p3 [sflag:s25], $0x800  }
0xc4: {  	s23 =	sadd.s32 $0x5100, s20;
	[sflag:s25] =	ssyncset.done @p3 $0x0  }
0xc5: {  	s26 =	sadd.s32 $0x280, s20;
	[sflag:s25] =	ssyncadd.s32 @p3 $0xFFFFF800  }
0xc6: {  	[spmem:s12] =	stream.indirect.scatter.add.f32 [tilespmem:s7], [sflag:$0x5], $0x40, s23, s5, $0xb8;
	[tilespmem:$0x1ED80] =	vst v63  }
0xc7: {  	_ = 	snop  }
0xc8: {  	[tilespmem:s6], [sflag:$0x2] =	stream.indirect.gather [hbm4b:s31+s5], $0x40, s26, s5, $0xb8;
	[tilespmem:$0x1ED80] =	vst v63  }
0xc9: {  	_ =	swait.ge [sflag:s16], $0x2000  }
0xca: {  	[sflag:s16] =	ssyncset.done $0x0  }
0xcb: {  	[sflag:s16] =	ssyncadd.s32 $0xFFFFE000  }
0xcc: {  	_ =	swait.ge [sflag:s13], $0x2000  }
0xcd: {  	[sflag:s13] =	ssyncset.done $0x0  }
0xce: {  	[sflag:s13] =	ssyncadd.s32 $0xFFFFE000  }
0xcf: {  	[spmem:s14] =	stream.indirect.scatter.add.f32 @p3 [tilespmem:s22], [sflag:$0x6], $0x10, s21, s24, $0xb8;
	[tilespmem:$0x1ED80] =	vst v63  }
0xd0: {  	_ =	swait.ge @p3 [sflag:s25], $0x800  }
0xd1: {  	s21 =	sadd.s32 $0x5180, s20;
	[sflag:s25] =	ssyncset.done @p3 $0x0  }
0xd2: {  	s22 =	sadd.s32 $0x300, s20;
	[sflag:s25] =	ssyncadd.s32 @p3 $0xFFFFF800  }
0xd3: {  	[spmem:s12] =	stream.indirect.scatter.add.f32 [tilespmem:s9], [sflag:$0x5], $0x40, s21, s5, $0xb8;
	[tilespmem:$0x1ED80] =	vst v63  }
0xd4: {  	_ = 	snop  }
0xd5: {  	[tilespmem:s7], [sflag:$0x3] =	stream.indirect.gather [hbm4b:s31+s5], $0x40, s22, s5, $0xb8;
	[tilespmem:$0x1ED80] =	vst v63  }
0xd6: {  	p3 =	sgt.u32 s2, $0x12;
	s21 =	simm.s32 $0x1;
	_ =	swait.ge [sflag:s8], $0x2000  }
0xd7: {  	s21 =	simm.s32 @!p3 $0x0;
	[sflag:s8] =	ssyncset.done $0x0  }
0xd8: {  	p3 =	seq.s32 s18, s21;
	[sflag:s8] =	ssyncadd.s32 $0xFFFFE000  }
0xd9: {  	s11 =	sshra.s32 @!p3 s11, $0x2;
	s21 =	simm.s32 @!p3 $0x1BE00;
	_ =	swait.ge [sflag:s13], $0x2000  }
0xda: {  	s22 =	simm.s32 @!p3 $0x80;
	s11 =	sadd.s32 @!p3 $0x5200, s11;
	[sflag:s13] =	ssyncset.done $0x0  }
0xdb: {  	s23 =	simm.s32 @!p3 $0x6;
	[sflag:s13] =	ssyncadd.s32 $0xFFFFE000  }
0xdc: {  	[spmem:s14] =	stream.indirect.scatter.add.f32 @!p3 [tilespmem:s21], [sflag:$0x6], $0x10, s11, s22, $0xb8;
	[tilespmem:$0x1ED80] =	vst v63  }
.Ltmp0:
0xdd: {  	_ = 	snop;
	(pc) =	sbr.rel @p2 .LBB2_2-.Ltmp0, $4  }
0xde: {  	_ =	swait.ge @!p3 [sflag:s23], $0x800  }
0xdf: {  	s11 =	sadd.s32 $0x5200, s20;
	[sflag:s23] =	ssyncset.done @!p3 $0x0  }
0xe0: {  	s20 =	sadd.s32 $0x380, s20;
	[sflag:s23] =	ssyncadd.s32 @!p3 $0xFFFFF800  }
0xe1: {  	[spmem:s12] =	stream.indirect.scatter.add.f32 [tilespmem:s3], [sflag:$0x5], $0x40, s11, s5, $0xb8;
	[tilespmem:$0x1ED80] =	vst v63  }
0xe2: {  	[tilespmem:s9], [sflag:$0x4] =	stream.indirect.gather [hbm4b:s31+s5], $0x40, s20, s5, $0xb8;
	[tilespmem:$0x1ED80] =	vst v63  }
0xe3: {  	_ =	swait.ge [sflag:s10], $0x2000  }
0xe4: {  	[sflag:s10] =	ssyncset.done $0x0  }
0xe5: {  	[sflag:s10] =	ssyncadd.s32 $0xFFFFE000  }
0xe6: {  	_ =	swait.ge [sflag:s13], $0x2000  }
0xe7: {  	s2 =	simm.s32 @p1 $0x80;
	[sflag:s13] =	ssyncset.done $0x0  }
0xe8: {  	s11 =	simm.s32 @p1 $0x9E80;
	s18 =	simm.s32 @p1 $0xC000;
	[sflag:s13] =	ssyncadd.s32 $0xFFFFE000  }
0xe9: {  	[spmem:s12] =	stream.indirect.scatter.add.f32 @p1 [tilespmem:s18], [sflag:$0x5], $0x40, s11, s2, $0xb8;
	[tilespmem:$0x1ED80] =	vst v63  }
0xea: {  	s2 =	simm.s32 @p1 $0x3  }
0xeb: {  	_ =	swait.ge @p1 [sflag:s2], $0x2000  }
0xec: {  	[sflag:s2] =	ssyncset.done @p1 $0x0  }
0xed: {  	[sflag:s2] =	ssyncadd.s32 @p1 $0xFFFFE000;
	s2 =	simm.s32 @p1 $0x5  }
0xee: {  	_ =	swait.ge @p1 [sflag:s2], $0x2000  }
0xef: {  	s19 =	simm.s32 @!p1 $0x6;
	s11 =	simm.s32 @!p1 $0x9E80;
	[sflag:s2] =	ssyncset.done @p1 $0x0  }
0xf0: {  	s18 =	simm.s32 @!p1 $0x1BE00;
	[sflag:s2] =	ssyncadd.s32 @p1 $0xFFFFE000;
	s2 =	simm.s32 @!p1 $0x80  }
0xf1: {  	[spmem:s14] =	stream.indirect.scatter.add.f32 @!p1 [tilespmem:s18], [sflag:$0x6], $0x10, s11, s2, $0xb8;
	[tilespmem:$0x1ED80] =	vst v63  }
0xf2: {  	_ =	swait.ge @!p1 [sflag:s19], $0x800  }
0xf3: {  	[sflag:s19] =	ssyncset.done @!p1 $0x0  }
0xf4: {  	s20 =	simm.s32 @!p1 $0xC000;
	[sflag:s19] =	ssyncadd.s32 @!p1 $0xFFFFF800  }
0xf5: {  	[spmem:s12] =	stream.indirect.scatter.add.f32 @!p1 [tilespmem:s20], [sflag:$0x5], $0x40, s11, s2, $0xb8;
	[tilespmem:$0x1ED80] =	vst v63  }
0xf6: {  	s11 =	simm.s32 @!p1 $0x3  }
0xf7: {  	_ =	swait.ge @!p1 [sflag:s11], $0x2000  }
0xf8: {  	[sflag:s11] =	ssyncset.done @!p1 $0x0  }
0xf9: {  	[sflag:s11] =	ssyncadd.s32 @!p1 $0xFFFFE000;
	s11 =	simm.s32 @!p1 $0x5  }
0xfa: {  	_ =	swait.ge @!p1 [sflag:s11], $0x2000  }
0xfb: {  	[sflag:s11] =	ssyncset.done @!p1 $0x0  }
0xfc: {  	[sflag:s11] =	ssyncadd.s32 @!p1 $0xFFFFE000;
	s11 =	simm.s32 @!p1 $0x9F00  }
0xfd: {  	[spmem:s14] =	stream.indirect.scatter.add.f32 @!p1 [tilespmem:s18], [sflag:$0x6], $0x10, s11, s2, $0xb8;
	[tilespmem:$0x1ED80] =	vst v63  }
0xfe: {  	_ =	swait.ge @!p1 [sflag:s19], $0x800  }
0xff: {  	[sflag:s19] =	ssyncset.done @!p1 $0x0  }
0x100: {  	s21 =	simm.s32 $0x9F00;
	[sflag:s19] =	ssyncadd.s32 @!p1 $0xFFFFF800  }
0x101: {  	[spmem:s12] =	stream.indirect.scatter.add.f32 [tilespmem:s7], [sflag:$0x5], $0x40, s21, s5, $0xb8;
	[tilespmem:$0x1ED80] =	vst v63  }
0x102: {  	_ =	swait.ge [sflag:s16], $0x2000  }
0x103: {  	[sflag:s16] =	ssyncset.done $0x0  }
0x104: {  	[sflag:s16] =	ssyncadd.s32 $0xFFFFE000  }
0x105: {  	_ =	swait.ge [sflag:s13], $0x2000  }
0x106: {  	[sflag:s13] =	ssyncset.done $0x0  }
0x107: {  	s11 =	simm.s32 @!p1 $0x9F80;
	[sflag:s13] =	ssyncadd.s32 $0xFFFFE000  }
0x108: {  	[spmem:s14] =	stream.indirect.scatter.add.f32 @!p1 [tilespmem:s18], [sflag:$0x6], $0x10, s11, s2, $0xb8;
	[tilespmem:$0x1ED80] =	vst v63  }
0x109: {  	_ =	swait.ge @!p1 [sflag:s19], $0x800  }
0x10a: {  	[sflag:s19] =	ssyncset.done @!p1 $0x0  }
0x10b: {  	s22 =	simm.s32 $0x9F80;
	[sflag:s19] =	ssyncadd.s32 @!p1 $0xFFFFF800  }
0x10c: {  	[spmem:s12] =	stream.indirect.scatter.add.f32 [tilespmem:s9], [sflag:$0x5], $0x40, s22, s5, $0xb8;
	[tilespmem:$0x1ED80] =	vst v63  }
0x10d: {  	_ =	swait.ge [sflag:s13], $0x2000  }
0x10e: {  	[sflag:s13] =	ssyncset.done $0x0  }
0x10f: {  	[sflag:s13] =	ssyncadd.s32 $0xFFFFE000  }
0x110: {  	[bflag:$0x0] =	sbarrier.arrive $0xFFFF  }
0x111: {  	[tilespmem:s3], [sflag:$0x6] =	stream.linear.gather [spmem:s28], $0x2000, $0x38;
	[tilespmem:$0x1ED80] =	vst v63  }
0x112: {  	_ =	swait.ge [sflag:s0], $0x2000  }
0x113: {  	[sflag:s0] =	ssyncset.done $0x0  }
0x114: {  	s23 =	rddreg [dreg:$0x5];
	[sflag:s0] =	ssyncadd.s32 $0xFFFFE000  }
0x115: {  	[hbm4b:s23+s1] =	stream.linear.scatter [tilespmem:s3], [sflag:$0x6], $0x2000, $0x38;
	[tilespmem:$0x1ED80] =	vst v63  }
0x116: {  	_ =	swait.ge [sflag:s0], $0x2000  }
0x117: {  	[sflag:s0] =	ssyncset.done $0x0  }
0x118: {  	[sflag:s0] =	ssyncadd.s32 $0xFFFFE000  }
0x119: {  	[tilespmem:s3], [sflag:$0x6] =	stream.linear.gather [spmem:s29], $0x2000, $0x38;
	[tilespmem:$0x1ED80] =	vst v63  }
0x11a: {  	_ =	swait.ge [sflag:s0], $0x2000  }
0x11b: {  	[sflag:s0] =	ssyncset.done $0x0  }
0x11c: {  	s24 =	rddreg [dreg:$0x6];
	[sflag:s0] =	ssyncadd.s32 $0xFFFFE000  }
0x11d: {  	[hbm4b:s24+s1] =	stream.linear.scatter [tilespmem:s3], [sflag:$0x6], $0x2000, $0x38;
	[tilespmem:$0x1ED80] =	vst v63  }
0x11e: {  	_ =	swait.ge [sflag:s0], $0x2000  }
0x11f: {  	[sflag:s0] =	ssyncset.done $0x0  }
0x120: {  	s21 =	rddreg [dreg:$0x1c];
	[sflag:s0] =	ssyncadd.s32 $0xFFFFE000  }
0x121: {  	[tilespmem:s3], [sflag:$0x6] =	stream.linear.gather [spmem:s21], $0x2000, $0x38;
	[tilespmem:$0x1ED80] =	vst v63  }
0x122: {  	_ =	swait.ge [sflag:s0], $0x2000  }
0x123: {  	[sflag:s0] =	ssyncset.done $0x0  }
0x124: {  	s25 =	rddreg [dreg:$0x7];
	[sflag:s0] =	ssyncadd.s32 $0xFFFFE000  }
0x125: {  	[hbm4b:s25+s1] =	stream.linear.scatter [tilespmem:s3], [sflag:$0x6], $0x2000, $0x38;
	[tilespmem:$0x1ED80] =	vst v63  }
0x126: {  	_ =	swait.ge [sflag:s0], $0x2000  }
0x127: {  	[sflag:s0] =	ssyncset.done $0x0  }
0x128: {  	s22 =	rddreg [dreg:$0x14];
	[sflag:s0] =	ssyncadd.s32 $0xFFFFE000  }
0x129: {  	[tilespmem:s3], [sflag:$0x6] =	stream.linear.gather [spmem:s22], $0x2000, $0x38;
	[tilespmem:$0x1ED80] =	vst v63  }
0x12a: {  	_ =	swait.ge [sflag:s0], $0x2000  }
0x12b: {  	[sflag:s0] =	ssyncset.done $0x0  }
0x12c: {  	s26 =	rddreg [dreg:$0x8];
	[sflag:s0] =	ssyncadd.s32 $0xFFFFE000  }
0x12d: {  	[hbm4b:s26+s1] =	stream.linear.scatter [tilespmem:s3], [sflag:$0x6], $0x2000, $0x38;
	[tilespmem:$0x1ED80] =	vst v63  }
0x12e: {  	_ =	swait.ge [sflag:s0], $0x2000  }
0x12f: {  	[sflag:s0] =	ssyncset.done $0x0  }
0x130: {  	s23 =	rddreg [dreg:$0x15];
	[sflag:s0] =	ssyncadd.s32 $0xFFFFE000  }
0x131: {  	[tilespmem:s3], [sflag:$0x6] =	stream.linear.gather [spmem:s23], $0x1E00, $0x38;
	[tilespmem:$0x1ED80] =	vst v63  }
0x132: {  	_ =	swait.ge [sflag:s0], $0x1E00  }
0x133: {  	[sflag:s0] =	ssyncset.done $0x0  }
0x134: {  	s19 =	smov.u32 s28;
	s28 =	rddreg [dreg:$0x9];
	[sflag:s0] =	ssyncadd.s32 $0xFFFFE200  }
0x135: {  	[hbm4b:s28+s1] =	stream.linear.scatter [tilespmem:s3], [sflag:$0x6], $0x1E00, $0x38;
	[tilespmem:$0x1ED80] =	vst v63  }
0x136: {  	_ =	swait.ge [sflag:s0], $0x1E00  }
0x137: {  	[sflag:s0] =	ssyncset.done $0x0  }
0x138: {  	s24 =	rddreg [dreg:$0x16];
	[sflag:s0] =	ssyncadd.s32 $0xFFFFE200  }
0x139: {  	[tilespmem:s4], [sflag:$0x6] =	stream.linear.gather [spmem:s24], $0x800, $0x38;
	[tilespmem:$0x1ED80] =	vst v63  }
0x13a: {  	_ =	swait.ge [sflag:s0], $0x800  }
0x13b: {  	[sflag:s0] =	ssyncset.done $0x0  }
0x13c: {  	s20 =	smov.u32 s29;
	s29 =	rddreg [dreg:$0xa];
	[sflag:s0] =	ssyncadd.s32 $0xFFFFF800  }
0x13d: {  	[hbm4b:s29+s1] =	stream.linear.scatter [tilespmem:s4], [sflag:$0x6], $0x800, $0x38;
	[tilespmem:$0x1ED80] =	vst v63  }
0x13e: {  	_ =	swait.ge [sflag:s0], $0x800  }
0x13f: {  	[sflag:s0] =	ssyncset.done $0x0  }
0x140: {  	s25 =	rddreg [dreg:$0x17];
	[sflag:s0] =	ssyncadd.s32 $0xFFFFF800  }
0x141: {  	[tilespmem:s4], [sflag:$0x6] =	stream.linear.gather [spmem:s25], $0x800, $0x38;
	[tilespmem:$0x1ED80] =	vst v63  }
0x142: {  	_ =	swait.ge [sflag:s0], $0x800  }
0x143: {  	[sflag:s0] =	ssyncset.done $0x0  }
0x144: {  	s11 =	rddreg [dreg:$0xb];
	[sflag:s0] =	ssyncadd.s32 $0xFFFFF800  }
0x145: {  	[hbm4b:s11+s1] =	stream.linear.scatter [tilespmem:s4], [sflag:$0x6], $0x800, $0x38;
	[tilespmem:$0x1ED80] =	vst v63  }
0x146: {  	_ =	swait.ge [sflag:s0], $0x800  }
0x147: {  	[sflag:s0] =	ssyncset.done $0x0  }
0x148: {  	s11 =	rddreg [dreg:$0x18];
	[sflag:s0] =	ssyncadd.s32 $0xFFFFF800  }
0x149: {  	[tilespmem:s4], [sflag:$0x6] =	stream.linear.gather [spmem:s11], $0x800, $0x38;
	[tilespmem:$0x1ED80] =	vst v63  }
0x14a: {  	_ =	swait.ge [sflag:s0], $0x800  }
0x14b: {  	[sflag:s0] =	ssyncset.done $0x0  }
0x14c: {  	s18 =	rddreg [dreg:$0xc];
	[sflag:s0] =	ssyncadd.s32 $0xFFFFF800  }
0x14d: {  	[hbm4b:s18+s1] =	stream.linear.scatter [tilespmem:s4], [sflag:$0x6], $0x800, $0x38;
	[tilespmem:$0x1ED80] =	vst v63  }
0x14e: {  	_ =	swait.ge [sflag:s0], $0x800  }
0x14f: {  	[sflag:s0] =	ssyncset.done $0x0  }
0x150: {  	s18 =	rddreg [dreg:$0x19];
	[sflag:s0] =	ssyncadd.s32 $0xFFFFF800  }
0x151: {  	[tilespmem:s4], [sflag:$0x6] =	stream.linear.gather [spmem:s18], $0x800, $0x38;
	[tilespmem:$0x1ED80] =	vst v63  }
0x152: {  	_ =	swait.ge [sflag:s0], $0x800  }
0x153: {  	[sflag:s0] =	ssyncset.done $0x0  }
0x154: {  	s26 =	rddreg [dreg:$0xd];
	[sflag:s0] =	ssyncadd.s32 $0xFFFFF800  }
0x155: {  	[hbm4b:s26+s1] =	stream.linear.scatter [tilespmem:s4], [sflag:$0x6], $0x800, $0x38;
	[tilespmem:$0x1ED80] =	vst v63  }
0x156: {  	_ =	swait.ge [sflag:s0], $0x800  }
0x157: {  	[sflag:s0] =	ssyncset.done $0x0  }
0x158: {  	s26 =	rddreg [dreg:$0x1a];
	[sflag:s0] =	ssyncadd.s32 $0xFFFFF800  }
0x159: {  	[tilespmem:s4], [sflag:$0x6] =	stream.linear.gather [spmem:s26], $0x780, $0x38;
	[tilespmem:$0x1ED80] =	vst v63  }
0x15a: {  	_ =	swait.ge [sflag:s0], $0x780  }
0x15b: {  	[sflag:s0] =	ssyncset.done $0x0  }
0x15c: {  	s28 =	rddreg [dreg:$0xe];
	[sflag:s0] =	ssyncadd.s32 $0xFFFFF880  }
0x15d: {  	[hbm4b:s28+s1] =	stream.linear.scatter [tilespmem:s4], [sflag:$0x6], $0x780, $0x38;
	[tilespmem:$0x1ED80] =	vst v63  }
0x15e: {  	_ =	swait.ge [sflag:s0], $0x780  }
0x15f: {  	s17 =	sadd.s32 $0x1, s17;
	s29 =	rddreg [dreg:$0x1b]  }
0x160: {  	p2 =	sne.s32 s17, s29  }
.Ltmp1:
0x161: {  	_ = 	snop;
	(pc) =	sbr.rel @p2 .LBB2_1-.Ltmp1, $3  }
0x162: {  	_ =	sdelay $0x1  }
0x163: {  	[sflag:s0] =	ssyncset.done $0x0  }
0x164: {  	[sflag:s0] =	ssyncadd.s32 $0xFFFFF880  }
0x165: {  	_ =	sfence.sel $0x180000  }
0x166: {  	[bflag:$0x0] =	sbarrier.arrive $0xFFFF  }
0x167: {  	_ =	strace $0x90000047  }
0x168: {  	s0 =	stileid.u32;
	[bflag:$0x2] =	sbarrier.arrive $0xFFFF  }
0x169: {  	p0 =	sne.s32 s0, $0x0;
	s0 =	rddreg [dreg:$0x4]  }
0x16a: {  	s0 =	sadd.s32 @!p0 $0x100000, s0  }
0x16b: {  	[sflag:s0] =	ssyncadd.tile.s32 @!p0 $0x1;
	_ =	shalt  }
.Lfunc_end2:
_tile_overlayer_lowered:
.L_overlay_start_2:
0x16c: {  	(tag) =	ssettag $0x2  }
0x16d: {  	s0 =	rddreg [dreg:$0x0];
	s2 =	stileid.u32  }
0x16e: {  	s1 =	rddreg [dreg:$0x1];
	p0 =	sne.s32 s2, $0x0  }
0x16f: {  	s3 =	rddreg [dreg:$0x2];
	[bflag:$0x3] =	sbarrier.arrive $0xFFFF;
	s2 =	simm.s32 @!p0 $0x1C06  }
0x170: {  	[timem:s3], [sflag:s2] =	dma.local @!p0 [hbm:s0], s1  }
0x171: {  	s0 =	simm.s32 @!p0 $0x6  }
0x172: {  	_ =	swait.ge @!p0 [sflag:s0], s1  }
0x173: {  	s1 =	ssub.s32 @!p0 $0x0, s1;
	[sflag:s0] =	ssyncset.done @!p0 $0x0  }
0x174: {  	[sflag:s0] =	ssyncadd.s32 @!p0 s1  }
0x175: {  	[bflag:$0x3] =	sbarrier.arrive $0xFFFF  }
0x176: {  	_ =	shalt  }

// kernel: kernel.9.cloned.1.call-start
scs
__scs_entry_jumppad:
0x0: {  	(pc) =	sbr.rel $0x88, $3  }
0x1: {  	(tag) =	ssettag $0x0;
	lr =	simm.s32 $0x1  }
0x2: {  	[smem:$0x3F99] =	sst lr;
	_ =	strace $0xD0000000  }
0x3: {  	_ = 	snop  }
0x4: {  	_ = 	snop  }
0x5: {  	_ = 	snop  }
0x6: {  	_ = 	snop  }
0x7: {  	_ = 	snop  }
__scs_overlays_trampoline_lowered:
0x8: {  	[smem:$0x3FA8] =	sst s0  }
0x9: {  	[smem:$0x3FA9] =	sst s1  }
0xa: {  	[smem:$0x3FAA] =	sst s2  }
0xb: {  	[smem:$0x3FAB] =	sst s3  }
0xc: {  	[smem:$0x3FAC] =	sst s4  }
0xd: {  	[smem:$0x3FAD] =	sst s5  }
0xe: {  	[smem:$0x3FAE] =	sst s6  }
0xf: {  	[smem:$0x3FAF] =	sst s7  }
0x10: {  	[smem:$0x3FB0] =	sst s8  }
0x11: {  	[smem:$0x3FB1] =	sst s9;
	s0 =	simm.s32 @!p0 $0x0  }
0x12: {  	s1 =	sld [smem:$0x3F97];
	s0 =	simm.s32 @p0 $0x1  }
0x13: {  	[smem:$0x3FB2] =	sst s0;
	s0 =	simm.s32 @!p1 $0x0  }
0x14: {  	s2 =	sld [smem:$0x3F96];
	s0 =	simm.s32 @p1 $0x1  }
0x15: {  	[smem:$0x3FB3] =	sst s0;
	s0 =	simm.s32 @!p2 $0x0  }
0x16: {  	s3 =	sld [smem:$0x3FDB];
	s0 =	simm.s32 @p2 $0x1  }
0x17: {  	s4 =	simm.s32 $0x1BF5;
	[smem:$0x3FB5] =	sst s0  }
0x18: {  	s0 =	sld [smem:$0x3F98];
	_ =	swait.ge [sflag:s4], $0x0  }
0x19: {  	s7 =	sld [smem:$0x3F99]  }
0x1a: {  	s8 =	sadd.s32 $0xFFFFE003, lr  }
0x1b: {  	s9 =	sadd.s32 $0xFFFFFEF7, lr;
	s5 =	simm.s32 $0xFFFFFFFF;
	p2 =	slt.u32 s8, $0xFFFFF086  }
0x1c: {  	p1 =	slt.u32 s9, $0xF7A;
	s5 =	simm.s32 @!p2 $0x0  }
0x1d: {  	s5 =	simm.s32 @p1 $0x1;
	p0 =	seq.s32 s7, s2  }
0x1e: {  	s7 =	smul.u32 @!p0 $0xF7A, s2;
	p2 =	seq.s32 @!p0 s5, $0x0  }
0x1f: {  	s9 =	smul.u32 $0xF7A, s1;
	s8 =	simm.s32 @!p0 $0x1BF5;
	p2 =	por !p2, p0  }
0x20: {  	[sflag:s8] =	ssyncset.s32 @!p0 $0xFFFFF086;
	s6 =	sadd.s32 @!p0 s3, s7;
	s7 =	simm.s32 @!p0 $0x108  }
0x21: {  	s3 =	sadd.s32 s3, s9;
	s6 =	sadd.s32 @!p0 $0x88, s6;
	s7 =	simm.s32 @p2 $0x1082  }
0x22: {  	[simem:s7], [sflag:s8] =	dma.local @!p0 [hbm:s6], $0xF7A  }
0x23: {  	s9 =	sor.u32 $0xD0000000, s2;
	s6 =	simm.s32 $0x108;
	_ =	swait.ge @!p0 [sflag:s8], $0x0  }
0x24: {  	s3 =	sadd.s32 $0x88, s3;
	s6 =	simm.s32 @!p1 $0x1082;
	[sflag:s4] =	ssyncset.s32 $0xFFFFF086  }
0x25: {  	[simem:s6], [sflag:s4] =	dma.local [hbm:s3], $0xF7A  }
0x26: {  	[smem:$0x3F99] =	sst s1;
	(tag) =	ssettag s2;
	_ =	strace s9  }
0x27: {  	s1 =	sld [smem:$0x3FA9]  }
0x28: {  	s2 =	sld [smem:$0x3FAA]  }
0x29: {  	s4 =	sld [smem:$0x3FAC]  }
0x2a: {  	p0 =	seq.s32 s5, $0x0;
	s5 =	sld [smem:$0x3FAD]  }
0x2b: {  	s6 =	sld [smem:$0x3FAE]  }
0x2c: {  	s7 =	sld [smem:$0x3FAF]  }
0x2d: {  	s3 =	simm.s32 $0x108;
	s8 =	sld [smem:$0x3FB0]  }
0x2e: {  	s3 =	simm.s32 @!p0 $0x1082;
	s9 =	sld [smem:$0x3FB1]  }
0x2f: {  	lr =	sadd.s32 s0, s3;
	s0 =	sld [smem:$0x3FA8]  }
0x30: {  	s3 =	sld [smem:$0x3FAB]  }
0x31: {  	[smem:$0x3FB4] =	sst s10  }
0x32: {  	s10 =	sld [smem:$0x3FB2];
	_ =	sdelay $0x3  }
0x33: {  	p0 =	seq.s32 s10, $0x1;
	s10 =	sld [smem:$0x3FB4];
	_ =	sdelay $0x3  }
0x34: {  	[smem:$0x3FB4] =	sst s10  }
0x35: {  	s10 =	sld [smem:$0x3FB3];
	_ =	sdelay $0x3  }
0x36: {  	p1 =	seq.s32 s10, $0x1;
	s10 =	sld [smem:$0x3FB4];
	_ =	sdelay $0x3  }
0x37: {  	[smem:$0x3FB4] =	sst s10  }
0x38: {  	s10 =	sld [smem:$0x3FB5]  }
0x39: {  	_ = 	snop;
	(pc) =	sbr.ind lr, $3  }
0x3a: {  	_ = 	snop  }
0x3b: {  	_ = 	snop  }
0x3c: {  	p2 =	seq.s32 s10, $0x1;
	s10 =	sld [smem:$0x3FB4]  }
0x3d: {  	_ =	shalt  }
0x3e: {  	_ =	shalt  }
0x3f: {  	_ =	shalt  }
0x40: {  	_ =	shalt  }
0x41: {  	_ =	shalt  }
0x42: {  	_ =	shalt  }
0x43: {  	_ =	shalt  }
0x44: {  	_ =	shalt  }
0x45: {  	_ =	shalt  }
0x46: {  	_ =	shalt  }
0x47: {  	_ =	shalt  }
0x48: {  	_ =	shalt  }
0x49: {  	_ =	shalt  }
0x4a: {  	_ =	shalt  }
0x4b: {  	_ =	shalt  }
0x4c: {  	_ =	shalt  }
0x4d: {  	_ =	shalt  }
0x4e: {  	_ =	shalt  }
0x4f: {  	_ =	shalt  }
0x50: {  	_ =	shalt  }
0x51: {  	_ =	shalt  }
0x52: {  	_ =	shalt  }
0x53: {  	_ =	shalt  }
0x54: {  	_ =	shalt  }
0x55: {  	_ =	shalt  }
0x56: {  	_ =	shalt  }
0x57: {  	_ =	shalt  }
0x58: {  	_ =	shalt  }
0x59: {  	_ =	shalt  }
0x5a: {  	_ =	shalt  }
0x5b: {  	_ =	shalt  }
0x5c: {  	_ =	shalt  }
0x5d: {  	_ =	shalt  }
0x5e: {  	_ =	shalt  }
0x5f: {  	_ =	shalt  }
0x60: {  	_ =	shalt  }
0x61: {  	_ =	shalt  }
0x62: {  	_ =	shalt  }
0x63: {  	_ =	shalt  }
0x64: {  	_ =	shalt  }
0x65: {  	_ =	shalt  }
0x66: {  	_ =	shalt  }
0x67: {  	_ =	shalt  }
0x68: {  	_ =	shalt  }
0x69: {  	_ =	shalt  }
0x6a: {  	_ =	shalt  }
0x6b: {  	_ =	shalt  }
0x6c: {  	_ =	shalt  }
0x6d: {  	_ =	shalt  }
0x6e: {  	_ =	shalt  }
0x6f: {  	_ =	shalt  }
0x70: {  	_ =	shalt  }
0x71: {  	_ =	shalt  }
0x72: {  	_ =	shalt  }
0x73: {  	_ =	shalt  }
0x74: {  	_ =	shalt  }
0x75: {  	_ =	shalt  }
0x76: {  	_ =	shalt  }
0x77: {  	_ =	shalt  }
0x78: {  	_ =	shalt  }
0x79: {  	_ =	shalt  }
0x7a: {  	_ =	shalt  }
0x7b: {  	_ =	shalt  }
0x7c: {  	_ =	shalt  }
0x7d: {  	_ =	shalt  }
0x7e: {  	_ =	shalt  }
0x7f: {  	_ =	shalt  }
0x80: {  	_ =	shalt  }
0x81: {  	_ =	shalt  }
0x82: {  	_ =	shalt  }
0x83: {  	_ =	shalt  }
0x84: {  	_ =	shalt  }
0x85: {  	_ =	shalt  }
0x86: {  	_ =	shalt  }
0x87: {  	_ =	shalt  }
.Lfunc_end0:
.L_simem_size_0:
called_computation.1_lowered:
.L_overlay_start_0:
0x88: {  	s2 =	sld [smem:$0x3FD9]  }
0x89: {  	s3 =	sld [smem:$0x3FFE];
	_ =	sdelay $0x1  }
0x8a: {  	s1 =	srdreg.scid  }
0x8b: {  	s0 =	sand.u32 $0x1, s1  }
0x8c: {  	s17 =	sshll.u32 s0, $0xA;
	s2 =	sadd.s32 s3, s2  }
0x8d: {  	s2 =	sadd.s32 s2, s17  }
0x8e: {  	[smem:$0x3FC0] =	sst s2  }
0x8f: {  	_ = 	snop  }
0x90: {  	s2 =	sld [smem:$0x3FD0];
	(tm) =	ssettm $0x1  }
0x91: {  	s18 =	sld [smem:$0x3FFB];
	_ =	sdelay $0x3  }
0x92: {  	_ =	strace s18  }
0x93: {  	s3 =	sld [smem:$0x3FFC];
	_ =	sdelay $0x3  }
0x94: {  	_ =	strace s3  }
0x95: {  	s3 =	sld [smem:$0x3FFD];
	_ =	sdelay $0x3  }
0x96: {  	_ =	strace s3  }
0x97: {  	_ =	strace $0x8FFFFFFF  }
0x98: {  	s19 =	sld [smem:$0x3FDB];
	_ =	sdelay $0x1  }
0x99: {  	s4 =	simm.s32 $_scs_section_size  }
0x9a: {  	s5 =	simm.s32 $_size__tile_overlayer_lowered;
	s6 =	simm.s32 $_tile_overlayer_lowered  }
0x9b: {  	s22 =	simm.s32 $0x1BFF;
	s21 =	sshll.u32 s6, $0x1;
	s3 =	sadd.s32 s4, s19  }
0x9c: {  	s7 =	simm.s32 $0x0;
	s20 =	sshll.u32 s5, $0x1;
	s5 =	sadd.s32 s21, s3  }
0x9d: {  	[timem:s7], [sflag:s22] =	dma.local [hbm:s5], s20  }
0x9e: {  	_ =	swait.ge [sflag:s22], s20  }
0x9f: {  	s4 =	ssub.s32 $0x0, s20;
	[sflag:s22] =	ssyncset.done $0x0  }
0xa0: {  	[sflag:s22] =	ssyncadd.s32 s4;
	_ =	sdelay $0x1  }
0xa1: {  	s23 =	simm.s32 $0x1B8B  }
0xa2: {  	_ =	swait.ge [sflag:s23], $0x1  }
0xa3: {  	[sflag:s23] =	ssyncset.done $0x0  }
0xa4: {  	s25 =	simm.s32 $0x1B8E;
	s24 =	sld [smem:$0x3FFE];
	[sflag:s23] =	ssyncadd.s32 $0xFFFFFFFF  }
0xa5: {  	s26 =	simm.s32 $execute0_lowered;
	[smem:$0x3FD2] =	sst s25  }
0xa6: {  	s5 =	sshll.u32 s26, $0x1;
	_ =	strace $0x80000049;
	[dreg:$0x1] =	wrdreg $0xFFFFFFFF  }
0xa7: {  	s28 =	simm.s32 $_size_execute0_lowered;
	s3 =	sadd.s32 s3, s5;
	[dreg:$0x0] =	wrdreg $0x0  }
0xa8: {  	s5 =	sshll.u32 s28, $0x1;
	[dreg:$0x2] =	wrdreg s3  }
0xa9: {  	[dreg:$0x3] =	wrdreg s5  }
0xaa: {  	[dreg:$0x4] =	wrdreg $0xC0  }
0xab: {  	_ =	task [dreg:s7], $0x5FFFF  }
0xac: {  	[dreg:$0x1] =	wrdreg $0xFFFFFFFF  }
0xad: {  	[dreg:$0x0] =	wrdreg $0x60  }
0xae: {  	[dreg:$0x2] =	wrdreg s24  }
0xaf: {  	[dreg:$0x3] =	wrdreg s2  }
0xb0: {  	[dreg:$0x4] =	wrdreg $0x120000  }
0xb1: {  	[dreg:$0x5] =	wrdreg $0x9  }
0xb2: {  	_ =	task.clear_ibuf [dreg:s7], $0x6FFFF;
	_ =	strace $0x90000049  }
0xb3: {  	s29 =	simm.s32 $0x9;
	_ =	strace $0x8000004B  }
0xb4: {  	_ =	swait.ge [sflag:s29], $0x1  }
0xb5: {  	[sflag:s29] =	ssyncadd.s32 $0xFFFFFFFF  }
0xb6: {  	_ =	strace $0x9000004B  }
0xb7: {  	_ =	sfence  }
0xb8: {  	s30 =	sld [smem:$0x0];
	_ =	sdelay $0x2  }
0xb9: {  	s31 =	sshll.u32 s1, $0xD;
	s1 =	sshrl.u32 s1, $0x2  }
0xba: {  	s3 =	sand.u32 $0x4000, s31;
	s1 =	sadd.s32 s1, s30  }
0xbb: {  	s0 =	sor.u32 s3, s0;
	s1 =	sshll.u32 s1, $0x11  }
0xbc: {  	s0 =	sor.u32 s1, s0  }
0xbd: {  	s0 =	sadd.s32 $0x8F2B, s0  }
0xbe: {  	[sflag:s0] =	ssyncadd.remote.s32 $0x1  }
0xbf: {  	_ =	sfence.sel $0xFFFF  }
0xc0: {  	[dreg:$0x0] =	wrdreg $0xFFFFFFFF;
	(pc) =	sbr.abs _section_cstart, $3  }
0xc1: {  	[dreg:$0x1] =	wrdreg $0xFFFFFFFF  }
0xc2: {  	_ =	task.clear_ibuf [dreg:s7], $0x2FFFF;
	_ =	strace $0x9FFFFFFF  }
0xc3: {  	(tm) =	ssettm $0x7FFFFFFF  }
tec
execute0_lowered:
.L_overlay_start_1:
0x0: {  	(tag) =	ssettag $0x1  }
0x1: {  	s0 =	rddreg [dreg:$0x0]  }
0x2: {  	s2 =	rddreg [dreg:$0x1]  }
0x3: {  	s1 =	rddreg [dreg:$0x2]  }
0x4: {  	s3 =	srdreg.scid;
	s8 =	stileid.u32;
	s19 =	simm.s32 $0x6  }
0x5: {  	s29 =	simm.s32 $0x10000;
	s30 =	simm.s32 $0x2;
	s31 =	simm.s32 $0x5  }
0x6: {  	s28 =	simm.s32 $0x0;
	s4 =	sand.u32 $0x1, s3;
	s5 =	smul.u32 $0xA00, s8  }
0x7: {  	s3 =	simm.s32 $0x0;
	s7 =	sadd.s32 $0x82000, s0;
	s13 =	smul.u32 $0x9E00, s8  }
0x8: {  	s15 =	smul.u32 $0x9E000, s4;
	[smem:$0x7FF] =	sst s3;
	s4 =	ssub.s32 $0x2, s4  }
0x9: {  	_ =	strace $0x8000004A;
	s20 =	sadd.s32 s5, s0;
	[dreg:$0x4] =	wrdreg s7  }
0xa: {  	s21 =	sshrl.u32 s4, $0x1;
	s2 =	sadd.s32 s2, s5;
	s7 =	sadd.s32 s13, s1  }
0xb: {  	s22 =	sadd.s32 $0x2000, s13;
	s16 =	sadd.s32 $0x4000, s13;
	s17 =	sadd.s32 $0x6000, s13  }
0xc: {  	s18 =	sadd.s32 $0x8000, s13;
	s6 =	sshrl.u32 s15, $0x3;
	s4 =	ssub.s32 s4, s21  }
0xd: {  	[dreg:$0x5] =	wrdreg s2;
	s8 =	sadd.s32 s22, s1;
	s9 =	sadd.s32 s16, s1  }
0xe: {  	s10 =	sadd.s32 s17, s1;
	s11 =	sadd.s32 s18, s1;
	s13 =	sadd.s32 s13, s15  }
0xf: {  	s2 =	sadd.s32 s15, s22;
	s23 =	sadd.s32 s15, s16;
	s24 =	sadd.s32 s15, s17  }
0x10: {  	s25 =	sadd.s32 s15, s18;
	s21 =	simm.s32 $0xA000;
	s22 =	simm.s32 $0x80  }
0x11: {  	s12 =	sadd.s32 s6, s0;
	s0 =	sadd.s32 $0x82400, s0;
	s6 =	sadd.s32 $0x1800, s20  }
0x12: {  	s13 =	sshrl.u32 s13, $0x3;
	s2 =	sshrl.u32 s2, $0x3;
	s26 =	sshrl.u32 s24, $0x3  }
0x13: {  	s17 =	sshrl.u32 s25, $0x3;
	s18 =	smax.u32 s4, $0x1;
	s20 =	simm.s32 $0x5000  }
0x14: {  	s25 =	simm.s32 $0xE000;
	s12 =	sadd.s32 $0x5A800, s12;
	s13 =	sadd.s32 s0, s13  }
0x15: {  	s14 =	sadd.s32 s0, s2;
	s2 =	sshrl.u32 s23, $0x3;
	s16 =	sadd.s32 s0, s26  }
0x16: {  	s17 =	sadd.s32 s0, s17;
	s23 =	simm.s32 $0xC000;
	s26 =	simm.s32 $0x1  }
0x17: {  	s15 =	sadd.s32 s0, s2;
	s0 =	simm.s32 $0x3;
	s2 =	simm.s32 $0x4  }
.LBB2_1:
0x18: {  	s4 =	rddreg [dreg:$0x5]  }
0x19: {  	[tilespmem:s3], [sflag:$0x6] =	stream.linear.gather [hbm4b:s4+s3], $0x5000, $0x38;
	[tilespmem:$0x1BE00] =	vst v63  }
0x1a: {  	_ =	swait.ge [sflag:s19], $0x5000  }
0x1b: {  	[sflag:s19] =	ssyncset.done $0x0  }
0x1c: {  	[sflag:s19] =	ssyncadd.s32 $0xFFFFB000  }
0x1d: {  	[tilespmem:s20], [sflag:$0x6] =	stream.linear.gather [hbm4b:s6+s3], $0x5000, $0x38;
	[tilespmem:$0x1BE00] =	vst v63  }
0x1e: {  	_ =	swait.ge [sflag:s19], $0x5000  }
0x1f: {  	[sflag:s19] =	ssyncset.done $0x0  }
0x20: {  	s5 =	rddreg [dreg:$0x4];
	[sflag:s19] =	ssyncadd.s32 $0xFFFFB000  }
0x21: {  	[tilespmem:s21], [sflag:$0x6] =	stream.linear.gather [hbm4b:s5+s3], $0x2000, $0x38;
	[tilespmem:$0x1BE00] =	vst v63  }
0x22: {  	_ =	swait.ge [sflag:s19], $0x2000  }
0x23: {  	[sflag:s19] =	ssyncset.done $0x0  }
0x24: {  	[sflag:s19] =	ssyncadd.s32 $0xFFFFE000  }
0x25: {  	[spmem:s7] =	stream.linear.scatter [tilespmem:s21], [sflag:$0x6], $0x2000, $0x38;
	[tilespmem:$0x1BE00] =	vst v63  }
0x26: {  	_ =	swait.ge [sflag:s19], $0x2000  }
0x27: {  	[sflag:s19] =	ssyncset.done $0x0  }
0x28: {  	[sflag:s19] =	ssyncadd.s32 $0xFFFFE000  }
0x29: {  	[spmem:s8] =	stream.linear.scatter [tilespmem:s21], [sflag:$0x6], $0x2000, $0x38;
	[tilespmem:$0x1BE00] =	vst v63  }
0x2a: {  	_ =	swait.ge [sflag:s19], $0x2000  }
0x2b: {  	[sflag:s19] =	ssyncset.done $0x0  }
0x2c: {  	[sflag:s19] =	ssyncadd.s32 $0xFFFFE000  }
0x2d: {  	[spmem:s9] =	stream.linear.scatter [tilespmem:s21], [sflag:$0x6], $0x2000, $0x38;
	[tilespmem:$0x1BE00] =	vst v63  }
0x2e: {  	_ =	swait.ge [sflag:s19], $0x2000  }
0x2f: {  	[sflag:s19] =	ssyncset.done $0x0  }
0x30: {  	[sflag:s19] =	ssyncadd.s32 $0xFFFFE000  }
0x31: {  	[spmem:s10] =	stream.linear.scatter [tilespmem:s21], [sflag:$0x6], $0x2000, $0x38;
	[tilespmem:$0x1BE00] =	vst v63  }
0x32: {  	_ =	swait.ge [sflag:s19], $0x2000  }
0x33: {  	[sflag:s19] =	ssyncset.done $0x0  }
0x34: {  	[sflag:s19] =	ssyncadd.s32 $0xFFFFE000  }
0x35: {  	[spmem:s11] =	stream.linear.scatter [tilespmem:s21], [sflag:$0x6], $0x1E00, $0x38;
	[tilespmem:$0x1BE00] =	vst v63  }
0x36: {  	_ =	swait.ge [sflag:s19], $0x1E00  }
0x37: {  	[sflag:s19] =	ssyncset.done $0x0  }
0x38: {  	[sflag:s19] =	ssyncadd.s32 $0xFFFFE200  }
0x39: {  	[bflag:$0x0] =	sbarrier.arrive $0xFFFF  }
0x3a: {  	[tilespmem:s21], [sflag:$0x1] =	stream.indirect.gather [hbm4b:s12+s22], $0x40, s3, s22, $0xb8;
	[tilespmem:$0x1BE00] =	vst v63  }
0x3b: {  	_ = 	snop  }
0x3c: {  	[tilespmem:s23], [sflag:$0x2] =	stream.indirect.gather [hbm4b:s12+s22], $0x40, s22, s22, $0xb8;
	[tilespmem:$0x1BE00] =	vst v63  }
0x3d: {  	s24 =	simm.s32 $0x100  }
0x3e: {  	[tilespmem:s25], [sflag:$0x3] =	stream.indirect.gather [hbm4b:s12+s22], $0x40, s24, s22, $0xb8;
	[tilespmem:$0x1BE00] =	vst v63  }
0x3f: {  	_ =	swait.ge [sflag:s26], $0x2000  }
0x40: {  	[sflag:s26] =	ssyncset.done $0x0  }
0x41: {  	[sflag:s26] =	ssyncadd.s32 $0xFFFFE000  }
0x42: {  	[spmem:s1] =	stream.indirect.scatter.add.f32 [tilespmem:s21], [sflag:$0x5], $0x40, s20, s22, $0xb8;
	[tilespmem:$0x1BE00] =	vst v63  }
0x43: {  	s5 =	simm.s32 $0x180  }
0x44: {  	[tilespmem:s29], [sflag:$0x4] =	stream.indirect.gather [hbm4b:s12+s22], $0x40, s5, s22, $0xb8;
	[tilespmem:$0x1BE00] =	vst v63  }
0x45: {  	_ =	swait.ge [sflag:s30], $0x2000  }
0x46: {  	[sflag:s30] =	ssyncset.done $0x0  }
0x47: {  	[sflag:s30] =	ssyncadd.s32 $0xFFFFE000  }
0x48: {  	_ =	swait.ge [sflag:s31], $0x2000  }
0x49: {  	[sflag:s31] =	ssyncset.done $0x0  }
0x4a: {  	s24 =	simm.s32 $0x5080;
	[sflag:s31] =	ssyncadd.s32 $0xFFFFE000  }
0x4b: {  	[spmem:s1] =	stream.indirect.scatter.add.f32 [tilespmem:s23], [sflag:$0x5], $0x40, s24, s22, $0xb8;
	[tilespmem:$0x1BE00] =	vst v63  }
0x4c: {  	s5 =	simm.s32 $0x200  }
0x4d: {  	[tilespmem:s21], [sflag:$0x1] =	stream.indirect.gather [hbm4b:s12+s22], $0x40, s5, s22, $0xb8;
	[tilespmem:$0x1BE00] =	vst v63  }
0x4e: {  	_ =	swait.ge [sflag:s0], $0x2000  }
0x4f: {  	[sflag:s0] =	ssyncset.done $0x0  }
0x50: {  	[sflag:s0] =	ssyncadd.s32 $0xFFFFE000  }
0x51: {  	_ =	swait.ge [sflag:s31], $0x2000  }
0x52: {  	[sflag:s31] =	ssyncset.done $0x0  }
0x53: {  	s24 =	simm.s32 $0x5100;
	[sflag:s31] =	ssyncadd.s32 $0xFFFFE000  }
0x54: {  	[spmem:s1] =	stream.indirect.scatter.add.f32 [tilespmem:s25], [sflag:$0x5], $0x40, s24, s22, $0xb8;
	[tilespmem:$0x1BE00] =	vst v63  }
0x55: {  	s5 =	simm.s32 $0x280  }
0x56: {  	[tilespmem:s23], [sflag:$0x2] =	stream.indirect.gather [hbm4b:s12+s22], $0x40, s5, s22, $0xb8;
	[tilespmem:$0x1BE00] =	vst v63  }
0x57: {  	_ =	swait.ge [sflag:s2], $0x2000  }
0x58: {  	[sflag:s2] =	ssyncset.done $0x0  }
0x59: {  	[sflag:s2] =	ssyncadd.s32 $0xFFFFE000  }
0x5a: {  	_ =	swait.ge [sflag:s31], $0x2000  }
0x5b: {  	[sflag:s31] =	ssyncset.done $0x0  }
0x5c: {  	s24 =	simm.s32 $0x5180;
	[sflag:s31] =	ssyncadd.s32 $0xFFFFE000  }
0x5d: {  	[spmem:s1] =	stream.indirect.scatter.add.f32 [tilespmem:s29], [sflag:$0x5], $0x40, s24, s22, $0xb8;
	[tilespmem:$0x1BE00] =	vst v63  }
0x5e: {  	s5 =	simm.s32 $0x300  }
0x5f: {  	[tilespmem:s25], [sflag:$0x3] =	stream.indirect.gather [hbm4b:s12+s22], $0x40, s5, s22, $0xb8;
	[tilespmem:$0x1BE00] =	vst v63  }
0x60: {  	_ =	swait.ge [sflag:s26], $0x2000  }
0x61: {  	[sflag:s26] =	ssyncset.done $0x0  }
0x62: {  	[sflag:s26] =	ssyncadd.s32 $0xFFFFE000  }
0x63: {  	_ =	swait.ge [sflag:s31], $0x2000  }
0x64: {  	[sflag:s31] =	ssyncset.done $0x0  }
0x65: {  	s24 =	simm.s32 $0x5200;
	[sflag:s31] =	ssyncadd.s32 $0xFFFFE000  }
0x66: {  	[spmem:s1] =	stream.indirect.scatter.add.f32 [tilespmem:s21], [sflag:$0x5], $0x40, s24, s22, $0xb8;
	[tilespmem:$0x1BE00] =	vst v63  }
0x67: {  	s4 =	simm.s32 $0x380;
	s24 =	simm.s32 $0x800  }
.LBB2_2:
0x68: {  	[tilespmem:s29], [sflag:$0x4] =	stream.indirect.gather [hbm4b:s12+s22], $0x40, s4, s22, $0xb8;
	[tilespmem:$0x1BE00] =	vst v63  }
0x69: {  	s4 =	smov.u32 s24  }
0x6a: {  	p0 =	sne.s32 s24, $0x13000;
	s24 =	sadd.s32 $0x800, s24;
	_ =	swait.ge [sflag:s30], $0x2000  }
0x6b: {  	[sflag:s30] =	ssyncset.done $0x0  }
0x6c: {  	[sflag:s30] =	ssyncadd.s32 $0xFFFFE000  }
0x6d: {  	_ =	swait.ge [sflag:s31], $0x2000  }
0x6e: {  	s4 =	sshra.s32 s4, $0x2;
	[sflag:s31] =	ssyncset.done $0x0  }
0x6f: {  	s5 =	sadd.s32 $0x5080, s4;
	[sflag:s31] =	ssyncadd.s32 $0xFFFFE000  }
0x70: {  	[spmem:s1] =	stream.indirect.scatter.add.f32 [tilespmem:s23], [sflag:$0x5], $0x40, s5, s22, $0xb8;
	[tilespmem:$0x1BE00] =	vst v63  }
0x71: {  	s5 =	sadd.s32 $0x200, s4  }
0x72: {  	[tilespmem:s21], [sflag:$0x1] =	stream.indirect.gather [hbm4b:s12+s22], $0x40, s5, s22, $0xb8;
	[tilespmem:$0x1BE00] =	vst v63  }
0x73: {  	_ =	swait.ge [sflag:s0], $0x2000  }
0x74: {  	[sflag:s0] =	ssyncset.done $0x0  }
0x75: {  	[sflag:s0] =	ssyncadd.s32 $0xFFFFE000  }
0x76: {  	_ =	swait.ge [sflag:s31], $0x2000  }
0x77: {  	[sflag:s31] =	ssyncset.done $0x0  }
0x78: {  	s5 =	sadd.s32 $0x5100, s4;
	[sflag:s31] =	ssyncadd.s32 $0xFFFFE000  }
0x79: {  	[spmem:s1] =	stream.indirect.scatter.add.f32 [tilespmem:s25], [sflag:$0x5], $0x40, s5, s22, $0xb8;
	[tilespmem:$0x1BE00] =	vst v63  }
0x7a: {  	s5 =	sadd.s32 $0x280, s4  }
0x7b: {  	[tilespmem:s23], [sflag:$0x2] =	stream.indirect.gather [hbm4b:s12+s22], $0x40, s5, s22, $0xb8;
	[tilespmem:$0x1BE00] =	vst v63  }
0x7c: {  	_ =	swait.ge [sflag:s2], $0x2000  }
0x7d: {  	[sflag:s2] =	ssyncset.done $0x0  }
0x7e: {  	[sflag:s2] =	ssyncadd.s32 $0xFFFFE000  }
0x7f: {  	_ =	swait.ge [sflag:s31], $0x2000  }
0x80: {  	[sflag:s31] =	ssyncset.done $0x0  }
0x81: {  	s5 =	sadd.s32 $0x5180, s4;
	[sflag:s31] =	ssyncadd.s32 $0xFFFFE000  }
0x82: {  	[spmem:s1] =	stream.indirect.scatter.add.f32 [tilespmem:s29], [sflag:$0x5], $0x40, s5, s22, $0xb8;
	[tilespmem:$0x1BE00] =	vst v63  }
0x83: {  	s5 =	sadd.s32 $0x300, s4  }
0x84: {  	[tilespmem:s25], [sflag:$0x3] =	stream.indirect.gather [hbm4b:s12+s22], $0x40, s5, s22, $0xb8;
	[tilespmem:$0x1BE00] =	vst v63  }
0x85: {  	_ =	swait.ge [sflag:s26], $0x2000  }
0x86: {  	[sflag:s26] =	ssyncset.done $0x0  }
0x87: {  	[sflag:s26] =	ssyncadd.s32 $0xFFFFE000  }
.Ltmp0:
0x88: {  	_ =	swait.ge [sflag:s31], $0x2000;
	(pc) =	sbr.rel @p0 .LBB2_2-.Ltmp0, $4  }
0x89: {  	[sflag:s31] =	ssyncset.done $0x0  }
0x8a: {  	s5 =	sadd.s32 $0x5200, s4;
	[sflag:s31] =	ssyncadd.s32 $0xFFFFE000  }
0x8b: {  	[spmem:s1] =	stream.indirect.scatter.add.f32 [tilespmem:s21], [sflag:$0x5], $0x40, s5, s22, $0xb8;
	[tilespmem:$0x1BE00] =	vst v63  }
0x8c: {  	s4 =	sadd.s32 $0x380, s4  }
0x8d: {  	[tilespmem:s29], [sflag:$0x4] =	stream.indirect.gather [hbm4b:s12+s22], $0x40, s4, s22, $0xb8;
	[tilespmem:$0x1BE00] =	vst v63  }
0x8e: {  	_ =	swait.ge [sflag:s30], $0x2000  }
0x8f: {  	[sflag:s30] =	ssyncset.done $0x0  }
0x90: {  	[sflag:s30] =	ssyncadd.s32 $0xFFFFE000  }
0x91: {  	_ =	swait.ge [sflag:s31], $0x2000  }
0x92: {  	[sflag:s31] =	ssyncset.done $0x0  }
0x93: {  	s24 =	simm.s32 $0x9E80;
	[sflag:s31] =	ssyncadd.s32 $0xFFFFE000  }
0x94: {  	[spmem:s1] =	stream.indirect.scatter.add.f32 [tilespmem:s23], [sflag:$0x5], $0x40, s24, s22, $0xb8;
	[tilespmem:$0x1BE00] =	vst v63  }
0x95: {  	_ =	swait.ge [sflag:s0], $0x2000  }
0x96: {  	[sflag:s0] =	ssyncset.done $0x0  }
0x97: {  	[sflag:s0] =	ssyncadd.s32 $0xFFFFE000  }
0x98: {  	_ =	swait.ge [sflag:s31], $0x2000  }
0x99: {  	[sflag:s31] =	ssyncset.done $0x0  }
0x9a: {  	s5 =	simm.s32 $0x9F00;
	[sflag:s31] =	ssyncadd.s32 $0xFFFFE000  }
0x9b: {  	[spmem:s1] =	stream.indirect.scatter.add.f32 [tilespmem:s25], [sflag:$0x5], $0x40, s5, s22, $0xb8;
	[tilespmem:$0x1BE00] =	vst v63  }
0x9c: {  	_ =	swait.ge [sflag:s2], $0x2000  }
0x9d: {  	[sflag:s2] =	ssyncset.done $0x0  }
0x9e: {  	[sflag:s2] =	ssyncadd.s32 $0xFFFFE000  }
0x9f: {  	_ =	swait.ge [sflag:s31], $0x2000  }
0xa0: {  	[sflag:s31] =	ssyncset.done $0x0  }
0xa1: {  	s24 =	simm.s32 $0x9F80;
	[sflag:s31] =	ssyncadd.s32 $0xFFFFE000  }
0xa2: {  	[spmem:s1] =	stream.indirect.scatter.add.f32 [tilespmem:s29], [sflag:$0x5], $0x40, s24, s22, $0xb8;
	[tilespmem:$0x1BE00] =	vst v63  }
0xa3: {  	_ =	swait.ge [sflag:s31], $0x2000  }
0xa4: {  	[sflag:s31] =	ssyncset.done $0x0  }
0xa5: {  	[sflag:s31] =	ssyncadd.s32 $0xFFFFE000  }
0xa6: {  	[bflag:$0x0] =	sbarrier.arrive $0xFFFF  }
0xa7: {  	[tilespmem:s21], [sflag:$0x6] =	stream.linear.gather [spmem:s7], $0x2000, $0x38;
	[tilespmem:$0x1BE00] =	vst v63  }
0xa8: {  	_ =	swait.ge [sflag:s19], $0x2000  }
0xa9: {  	[sflag:s19] =	ssyncset.done $0x0  }
0xaa: {  	[sflag:s19] =	ssyncadd.s32 $0xFFFFE000  }
0xab: {  	[hbm4b:s13+s3] =	stream.linear.scatter [tilespmem:s21], [sflag:$0x6], $0x2000, $0x38;
	[tilespmem:$0x1BE00] =	vst v63  }
0xac: {  	_ =	swait.ge [sflag:s19], $0x2000  }
0xad: {  	[sflag:s19] =	ssyncset.done $0x0  }
0xae: {  	[sflag:s19] =	ssyncadd.s32 $0xFFFFE000  }
0xaf: {  	[tilespmem:s21], [sflag:$0x6] =	stream.linear.gather [spmem:s8], $0x2000, $0x38;
	[tilespmem:$0x1BE00] =	vst v63  }
0xb0: {  	_ =	swait.ge [sflag:s19], $0x2000  }
0xb1: {  	[sflag:s19] =	ssyncset.done $0x0  }
0xb2: {  	[sflag:s19] =	ssyncadd.s32 $0xFFFFE000  }
0xb3: {  	[hbm4b:s14+s3] =	stream.linear.scatter [tilespmem:s21], [sflag:$0x6], $0x2000, $0x38;
	[tilespmem:$0x1BE00] =	vst v63  }
0xb4: {  	_ =	swait.ge [sflag:s19], $0x2000  }
0xb5: {  	[sflag:s19] =	ssyncset.done $0x0  }
0xb6: {  	[sflag:s19] =	ssyncadd.s32 $0xFFFFE000  }
0xb7: {  	[tilespmem:s21], [sflag:$0x6] =	stream.linear.gather [spmem:s9], $0x2000, $0x38;
	[tilespmem:$0x1BE00] =	vst v63  }
0xb8: {  	_ =	swait.ge [sflag:s19], $0x2000  }
0xb9: {  	[sflag:s19] =	ssyncset.done $0x0  }
0xba: {  	[sflag:s19] =	ssyncadd.s32 $0xFFFFE000  }
0xbb: {  	[hbm4b:s15+s3] =	stream.linear.scatter [tilespmem:s21], [sflag:$0x6], $0x2000, $0x38;
	[tilespmem:$0x1BE00] =	vst v63  }
0xbc: {  	_ =	swait.ge [sflag:s19], $0x2000  }
0xbd: {  	[sflag:s19] =	ssyncset.done $0x0  }
0xbe: {  	[sflag:s19] =	ssyncadd.s32 $0xFFFFE000  }
0xbf: {  	[tilespmem:s21], [sflag:$0x6] =	stream.linear.gather [spmem:s10], $0x2000, $0x38;
	[tilespmem:$0x1BE00] =	vst v63  }
0xc0: {  	_ =	swait.ge [sflag:s19], $0x2000  }
0xc1: {  	[sflag:s19] =	ssyncset.done $0x0  }
0xc2: {  	[sflag:s19] =	ssyncadd.s32 $0xFFFFE000  }
0xc3: {  	[hbm4b:s16+s3] =	stream.linear.scatter [tilespmem:s21], [sflag:$0x6], $0x2000, $0x38;
	[tilespmem:$0x1BE00] =	vst v63  }
0xc4: {  	_ =	swait.ge [sflag:s19], $0x2000  }
0xc5: {  	[sflag:s19] =	ssyncset.done $0x0  }
0xc6: {  	[sflag:s19] =	ssyncadd.s32 $0xFFFFE000  }
0xc7: {  	[tilespmem:s21], [sflag:$0x6] =	stream.linear.gather [spmem:s11], $0x1E00, $0x38;
	[tilespmem:$0x1BE00] =	vst v63  }
0xc8: {  	s28 =	sadd.s32 $0x1, s28;
	_ =	swait.ge [sflag:s19], $0x1E00  }
0xc9: {  	p0 =	sne.s32 s28, s18;
	[sflag:s19] =	ssyncset.done $0x0  }
.Ltmp1:
0xca: {  	[sflag:s19] =	ssyncadd.s32 $0xFFFFE200;
	(pc) =	sbr.rel @p0 .LBB2_1-.Ltmp1, $4  }
0xcb: {  	[hbm4b:s17+s3] =	stream.linear.scatter [tilespmem:s21], [sflag:$0x6], $0x1E00, $0x38;
	[tilespmem:$0x1BE00] =	vst v63  }
0xcc: {  	_ =	swait.ge [sflag:s19], $0x1E00  }
0xcd: {  	[sflag:s19] =	ssyncset.done $0x0  }
0xce: {  	[sflag:s19] =	ssyncadd.s32 $0xFFFFE200  }
0xcf: {  	_ =	sfence.sel $0x180000  }
0xd0: {  	[bflag:$0x0] =	sbarrier.arrive $0xFFFF  }
0xd1: {  	_ =	strace $0x9000004A  }
0xd2: {  	s0 =	stileid.u32;
	[bflag:$0x2] =	sbarrier.arrive $0xFFFF  }
0xd3: {  	p0 =	sne.s32 s0, $0x0;
	s0 =	rddreg [dreg:$0x3]  }
0xd4: {  	s0 =	sadd.s32 @!p0 $0x100000, s0  }
0xd5: {  	[sflag:s0] =	ssyncadd.tile.s32 @!p0 $0x1;
	_ =	shalt  }
.Lfunc_end2:
_tile_overlayer_lowered:
.L_overlay_start_2:
0xd6: {  	(tag) =	ssettag $0x2  }
0xd7: {  	s0 =	rddreg [dreg:$0x0];
	s2 =	stileid.u32  }
0xd8: {  	s1 =	rddreg [dreg:$0x1];
	p0 =	sne.s32 s2, $0x0  }
0xd9: {  	s3 =	rddreg [dreg:$0x2];
	[bflag:$0x3] =	sbarrier.arrive $0xFFFF;
	s2 =	simm.s32 @!p0 $0x1C06  }
0xda: {  	[timem:s3], [sflag:s2] =	dma.local @!p0 [hbm:s0], s1  }
0xdb: {  	s0 =	simm.s32 @!p0 $0x6  }
0xdc: {  	_ =	swait.ge @!p0 [sflag:s0], s1  }
0xdd: {  	s1 =	ssub.s32 @!p0 $0x0, s1;
	[sflag:s0] =	ssyncset.done @!p0 $0x0  }
0xde: {  	[sflag:s0] =	ssyncadd.s32 @!p0 s1  }
0xdf: {  	[bflag:$0x3] =	sbarrier.arrive $0xFFFF  }
0xe0: {  	_ =	shalt  }

</sc_bundles>
